<compile_context>
chip_gen: v7x
topology: tpu7x:2x2x1
jax: 0.10.2.dev20260603
libtpu: 0.0.44.dev20260713+nightly
codegen_flags: <defaults>
</compile_context>

<pallas_src>
import functools
import numpy as np
import jax
import jax.numpy as jnp
from jax import lax
from jax.experimental import pallas as pl
from jax.experimental.pallas import tpu as pltpu
from jax.experimental.pallas import tpu_sc as plsc

N_NODES = 10000
N_GRAPHS = 512
NUM_ITEMS = 100000
D = 128
NUM_TREES = 16
TREE_DEPTH = 5
NUM_LEAVES = 32
MAX_DEG = 8
EPS = 1e-5
PI_ROWS = NUM_TREES * NUM_LEAVES


def _bn(x, g, b):
    m = x.mean(axis=0)
    v = x.var(axis=0)
    return g * (x - m) / jnp.sqrt(v + EPS) + b


def _prelu(x, a):
    return jnp.where(x > 0, x, a * x)


def _seg_softmax(e, seg, n):
    mx = jax.ops.segment_max(e, seg, num_segments=n)
    mx = jnp.where(jnp.isfinite(mx), mx, 0.0)
    ex = jnp.exp(e - mx[seg])
    s = jax.ops.segment_sum(ex, seg, num_segments=n)
    return ex / jnp.maximum(s[seg], 1e-12)



NW = 32


GATHER_NB = 4


def _sc_gather_rows(table, idx2, n_rows):
    nch = n_rows // 128
    assert nch % (NW * GATHER_NB) == 0
    nc_w = nch // NW
    mesh = plsc.VectorSubcoreMesh(core_axis_name="c", subcore_axis_name="s")

    @functools.partial(
        pl.kernel, mesh=mesh,
        out_type=jax.ShapeDtypeStruct((n_rows, 128), jnp.float32),
        scratch_types=(
            [pltpu.VMEM((128,), jnp.int32) for _ in range(GATHER_NB)]
            + [pltpu.VMEM((128, 128), jnp.float32) for _ in range(GATHER_NB)]
            + [pltpu.SemaphoreType.DMA]
        ),
    )
    def gk(table_hbm, idx_hbm, out_hbm, *rest):
        idxb = rest[:GATHER_NB]
        bufs = rest[GATHER_NB:2 * GATHER_NB]
        sem = rest[2 * GATHER_NB]
        wid = lax.axis_index("s") * 2 + lax.axis_index("c")
        c0 = wid * nc_w
        for g in range(0, nc_w, GATHER_NB):
            for b in range(GATHER_NB):
                pltpu.sync_copy(
                    idx_hbm.at[pl.ds((c0 + g + b) * 128, 128)], idxb[b])
            descs = [
                pltpu.async_copy(table_hbm.at[idxb[b]], bufs[b], sem)
                for b in range(GATHER_NB)
            ]
            for b in range(GATHER_NB):
                descs[b].wait()
                pltpu.sync_copy(
                    bufs[b], out_hbm.at[pl.ds((c0 + g + b) * 128, 128)])

    return gk(table, idx2)


def _pad_idx(idx, mult):
    n = idx.shape[0]
    npad = ((n + mult - 1) // mult) * mult
    return jnp.pad(idx, (0, npad - n)), npad



GRU_NT = 2000


def _gru_body(x_ref, mask_ref, wih_ref, whh_ref, bih_ref, bhh_ref, h_ref):
    k = pl.program_id(1)

    @pl.when(k == 0)
    def _():
        h_ref[...] = jnp.zeros_like(h_ref)

    x = x_ref[0].astype(jnp.float32)
    h = h_ref[...]
    gi = lax.dot_general(x, wih_ref[...], (((1,), (1,)), ((), ())),
                         preferred_element_type=jnp.float32) + bih_ref[...]
    gh = lax.dot_general(h, whh_ref[...], (((1,), (1,)), ((), ())),
                         preferred_element_type=jnp.float32) + bhh_ref[...]
    ir, iz, inn = gi[:, 0:D], gi[:, D:2 * D], gi[:, 2 * D:3 * D]
    hr, hz, hn = gh[:, 0:D], gh[:, D:2 * D], gh[:, 2 * D:3 * D]
    r = jax.nn.sigmoid(ir + hr)
    z = jax.nn.sigmoid(iz + hz)
    ncand = jnp.tanh(inn + r * hn)
    hnew = (1.0 - z) * ncand + z * h
    msel = jax.lax.broadcasted_iota(jnp.int32, mask_ref.shape, 1) == k
    mm = jnp.sum(jnp.where(msel, mask_ref[...], 0.0), axis=1, keepdims=True)
    h_ref[...] = mm * hnew + (1.0 - mm) * h


def _gru_pallas(x_steps, mask_nt, wih, whh, bih, bhh):
    grid = (N_NODES // GRU_NT, MAX_DEG)
    return pl.pallas_call(
        _gru_body,
        grid=grid,
        in_specs=[
            pl.BlockSpec((1, GRU_NT, D), lambda i, k: (k, i, 0)),
            pl.BlockSpec((GRU_NT, MAX_DEG), lambda i, k: (i, 0)),
            pl.BlockSpec((3 * D, D), lambda i, k: (0, 0)),
            pl.BlockSpec((3 * D, D), lambda i, k: (0, 0)),
            pl.BlockSpec((1, 3 * D), lambda i, k: (0, 0)),
            pl.BlockSpec((1, 3 * D), lambda i, k: (0, 0)),
        ],
        out_specs=pl.BlockSpec((GRU_NT, D), lambda i, k: (i, 0)),
        out_shape=jax.ShapeDtypeStruct((N_NODES, D), jnp.float32),
    )(x_steps, mask_nt, wih, whh, bih[None, :], bhh[None, :])


def _gru_neigh(h, src, dst, p):
    E = src.shape[0]
    order = jnp.argsort(dst)
    dst_s = dst[order]
    src_s = src[order]
    starts = jnp.searchsorted(dst_s, jnp.arange(N_NODES))
    rank = jnp.arange(E) - starts[dst_s]
    idx_steps = jnp.zeros((MAX_DEG, N_NODES), jnp.int32).at[rank, dst_s].set(
        src_s.astype(jnp.int32))
    mask_nt = jnp.zeros((N_NODES, MAX_DEG), jnp.float32).at[dst_s, rank].set(1.0)
    x_steps = h.astype(jnp.bfloat16)[idx_steps.reshape(-1)].reshape(
        MAX_DEG, N_NODES, D)
    return _gru_pallas(x_steps, mask_nt, p['W_ih'], p['W_hh'], p['b_ih'], p['b_hh'])



def _build_tree_consts():
    cks, cbs = [], []
    for k in range(TREE_DEPTH):
        C = np.zeros((NUM_LEAVES, NUM_LEAVES), np.float32)
        bvec = np.zeros((NUM_LEAVES,), np.float32)
        for l in range(NUM_LEAVES):
            prefix = l >> (TREE_DEPTH - k)
            n = (1 << k) + prefix
            jk = (l >> (TREE_DEPTH - 1 - k)) & 1
            C[n, l] = 1.0 if jk == 0 else -1.0
            bvec[l] = 0.0 if jk == 0 else 1.0
        cks.append(np.kron(np.eye(NUM_TREES, dtype=np.float32), C))
        cbs.append(np.tile(bvec, NUM_TREES))
    return np.stack(cks), np.stack(cbs)


_C_BD_NP, _C_BIAS_NP = _build_tree_consts()


def _mu_body(sr_ref, wde_ref, cbd_ref, cb_ref, srow_ref, w_ref):
    d = jax.nn.sigmoid(jnp.dot(sr_ref[...], wde_ref[...],
                               preferred_element_type=jnp.float32))
    mu = jnp.dot(d, cbd_ref[0], preferred_element_type=jnp.float32) + cb_ref[0:1, :]
    for k in range(1, TREE_DEPTH):
        mu = mu * (jnp.dot(d, cbd_ref[k], preferred_element_type=jnp.float32)
                   + cb_ref[k:k + 1, :])
    w_ref[...] = mu * (0.5 / NUM_TREES) / srow_ref[...]


def _ndf_w(sr, wd_eff, s_row):
    sr_dim = sr.shape[1]
    return pl.pallas_call(
        _mu_body,
        in_specs=[
            pl.BlockSpec((N_GRAPHS, sr_dim), lambda: (0, 0)),
            pl.BlockSpec((sr_dim, PI_ROWS), lambda: (0, 0)),
            pl.BlockSpec((TREE_DEPTH, PI_ROWS, PI_ROWS), lambda: (0, 0, 0)),
            pl.BlockSpec((TREE_DEPTH, PI_ROWS), lambda: (0, 0)),
            pl.BlockSpec((1, PI_ROWS), lambda: (0, 0)),
        ],
        out_specs=pl.BlockSpec((N_GRAPHS, PI_ROWS), lambda: (0, 0)),
        out_shape=jax.ShapeDtypeStruct((N_GRAPHS, PI_ROWS), jnp.float32),
    )(sr, wd_eff, jnp.asarray(_C_BD_NP), jnp.asarray(_C_BIAS_NP), s_row)



STATS_T = 4096
OUT_T = 2048


def _stats_body(pi_ref, m_ref, s_ref):
    j = pl.program_id(0)
    col0 = j * STATS_T
    idx = jax.lax.broadcasted_iota(jnp.int32, pi_ref.shape, 1) + col0
    x = jnp.where(idx < NUM_ITEMS, pi_ref[...], -jnp.inf)
    tile_m = jnp.max(x, axis=1, keepdims=True)

    @pl.when(j == 0)
    def _():
        m_ref[...] = jnp.full_like(m_ref, -jnp.inf)
        s_ref[...] = jnp.zeros_like(s_ref)

    m_old = m_ref[...]
    m_new = jnp.maximum(m_old, tile_m)
    t_s = jnp.sum(jnp.exp(x - m_new), axis=1, keepdims=True)
    s_ref[...] = s_ref[...] * jnp.exp(m_old - m_new) + t_s
    m_ref[...] = m_new


def _pi_stats(pi_r):
    grid = (pl.cdiv(NUM_ITEMS, STATS_T),)
    return pl.pallas_call(
        _stats_body,
        grid=grid,
        in_specs=[pl.BlockSpec((PI_ROWS, STATS_T), lambda j: (0, j))],
        out_specs=[
            pl.BlockSpec((PI_ROWS, 1), lambda j: (0, 0)),
            pl.BlockSpec((PI_ROWS, 1), lambda j: (0, 0)),
        ],
        out_shape=[
            jax.ShapeDtypeStruct((PI_ROWS, 1), jnp.float32),
            jax.ShapeDtypeStruct((PI_ROWS, 1), jnp.float32),
        ],
    )(pi_r)


def _logits_body(w_ref, sr2_ref, m_ref, pi_ref, emb_ref, out_ref):
    e = emb_ref[...]
    nrm = jnp.sqrt(jnp.sum(e * e, axis=1, keepdims=True))
    scale = jnp.minimum(1.0, 1.0 / jnp.maximum(nrm, 1e-12))
    en = e * scale
    expp = jnp.exp(pi_ref[...] - m_ref[...])
    acc = jax.lax.dot_general(
        sr2_ref[...], en, (((1,), (1,)), ((), ())),
        preferred_element_type=jnp.float32)
    acc = acc + jax.lax.dot(w_ref[...], expp, preferred_element_type=jnp.float32)
    out_ref[...] = acc


def _fused_logits(w, sr2h, m, pi_r, emb):
    grid = (pl.cdiv(NUM_ITEMS, OUT_T),)
    return pl.pallas_call(
        _logits_body,
        grid=grid,
        in_specs=[
            pl.BlockSpec((PI_ROWS, PI_ROWS), lambda j: (0, 0)),
            pl.BlockSpec((N_GRAPHS, D), lambda j: (0, 0)),
            pl.BlockSpec((PI_ROWS, 1), lambda j: (0, 0)),
            pl.BlockSpec((PI_ROWS, OUT_T), lambda j: (0, j)),
            pl.BlockSpec((OUT_T, D), lambda j: (j, 0)),
        ],
        out_specs=pl.BlockSpec((N_GRAPHS, OUT_T), lambda j: (0, j)),
        out_shape=jax.ShapeDtypeStruct((N_GRAPHS, NUM_ITEMS), jnp.float32),
    )(w, sr2h, m, pi_r, emb)


def kernel(params, iid, edge_index_mg, edge_index_sg, segment_ids, last_nodes, rf_feat_idx):
    p = params
    emb = p['emb']
    fe = emb[iid]
    fn = jnp.linalg.norm(fe, axis=-1, keepdims=True)
    feat = fe * jnp.minimum(1.0, 1.0 / jnp.maximum(fn, 1e-12))

    h = _bn(feat, p['bn0_g'], p['bn0_b'])
    neigh = _gru_neigh(h, edge_index_mg[0], edge_index_mg[1], p)
    out = h @ p['fc_self'].T + neigh @ p['fc_neigh'].T
    out = _prelu(out, p['prelu0'])
    feat = jnp.concatenate([out, feat], axis=1)

    h = _bn(feat, p['bn1_g'], p['bn1_b'])
    q = h @ p['Wq'].T + p['bq']
    k = h @ p['Wk'].T
    v = h @ p['Wv'].T
    src, dst = edge_index_sg[0], edge_index_sg[1]
    qv = jnp.concatenate([q, v], axis=1)
    g_src = qv[src]
    e = jax.nn.sigmoid(g_src[:, :D] + k[dst]) @ p['We_sg'].T
    M = jnp.abs(p['We_sg']).sum()
    ex = jnp.exp(e[:, 0] - M)
    num = jax.ops.segment_sum(g_src[:, D:] * ex[:, None], dst, num_segments=N_NODES)
    den = jax.ops.segment_sum(ex, dst, num_segments=N_NODES)
    out = num / jnp.maximum(den, 1e-12)[:, None]
    out = _prelu(out, p['prelu1'])
    feat = jnp.concatenate([out, feat], axis=1)

    feat = jnp.concatenate([feat, jnp.zeros((feat.shape[0], D), jnp.float32)], axis=1)

    hr = _bn(feat, p['bnr_g'], p['bnr_b'])
    fu = hr @ p['Wu'].T
    fv = (hr[last_nodes] @ p['Wv_r'].T + p['bv_r'])[segment_ids]
    er = jax.nn.sigmoid(fu + fv) @ p['We_r'].T
    Mr = jnp.abs(p['We_r']).sum()
    exr = jnp.exp(er[:, 0] - Mr)
    num_r = jax.ops.segment_sum(hr * exr[:, None], segment_ids, num_segments=N_GRAPHS)
    den_r = jax.ops.segment_sum(exr, segment_ids, num_segments=N_GRAPHS)
    rst = num_r / jnp.maximum(den_r, 1e-12)[:, None]
    sr_g = _prelu(rst @ p['Wout_r'].T, p['prelu_r'])
    sr_l = feat[last_nodes]
    sr = jnp.concatenate([sr_l, sr_g], axis=1)

    srn = _bn(sr, p['bnf_g'], p['bnf_b'])
    sr2h = 0.5 * (srn @ p['fc_sr'].T)

    pi_r = p['rf_pi'].reshape(PI_ROWS, NUM_ITEMS)
    m, s = _pi_stats(pi_r)
    sr_dim = sr.shape[1]
    wd_eff = jnp.zeros((NUM_TREES, sr_dim, NUM_LEAVES), jnp.float32).at[
        jnp.arange(NUM_TREES)[:, None], rf_feat_idx].add(p['rf_Wd'])
    wd_eff = jnp.transpose(wd_eff, (1, 0, 2)).reshape(sr_dim, PI_ROWS)
    w = _ndf_w(sr, wd_eff, s[:, 0][None, :])
    return _fused_logits(w, sr2h, m, pi_r, emb)

# --- scband reference (transcript-rebuilt; emitter-appended) ---
"""Pipeline reference for scband-lessr-90091234001300 (READ-ONLY COPY).

The authoritative reference and input builder live on the scoring server;
editing this copy changes nothing except your own understanding.
"""

import jax, jax.numpy as jnp
import numpy as np

N_NODES = 10000
N_GRAPHS = 512
E_MG = 10000
E_SG = 40000
NUM_ITEMS = 100000
D = 128
SEM_IN = 768
SEM_D = 128
NUM_LAYERS = 2
NUM_TREES = 16
TREE_DEPTH = 5
NUM_LEAVES = 32
SR_DIM = D * (NUM_LAYERS + 2) + SEM_D
USED_FEATS = int(0.6 * SR_DIM)
MAX_DEG = 8
EPS = 1e-5


def _dense(key, out_dim, in_dim):
    return (jax.random.normal(key, (out_dim, in_dim), dtype=jnp.float32) / np.sqrt(in_dim)).astype(jnp.float32)


def _make_params(key):
    ks = iter(jax.random.split(key, 40))
    p = {}
    p['emb'] = jax.random.normal(next(ks), (NUM_ITEMS, D), dtype=jnp.float32)
    p['sem_W'] = _dense(next(ks), SEM_D, SEM_IN)
    p['bn0_g'] = jnp.ones((D,), jnp.float32); p['bn0_b'] = jnp.zeros((D,), jnp.float32)
    p['W_ih'] = _dense(next(ks), 3 * D, D); p['W_hh'] = _dense(next(ks), 3 * D, D)
    p['b_ih'] = jnp.zeros((3 * D,), jnp.float32); p['b_hh'] = jnp.zeros((3 * D,), jnp.float32)
    p['fc_self'] = _dense(next(ks), D, D); p['fc_neigh'] = _dense(next(ks), D, D)
    p['prelu0'] = jnp.full((D,), 0.25, jnp.float32)
    d1 = 2 * D
    p['bn1_g'] = jnp.ones((d1,), jnp.float32); p['bn1_b'] = jnp.zeros((d1,), jnp.float32)
    p['Wq'] = _dense(next(ks), D, d1); p['bq'] = jnp.zeros((D,), jnp.float32)
    p['Wk'] = _dense(next(ks), D, d1); p['Wv'] = _dense(next(ks), D, d1)
    p['We_sg'] = _dense(next(ks), 1, D)
    p['prelu1'] = jnp.full((D,), 0.25, jnp.float32)
    dr = D * (NUM_LAYERS + 1) + SEM_D
    p['bnr_g'] = jnp.ones((dr,), jnp.float32); p['bnr_b'] = jnp.zeros((dr,), jnp.float32)
    p['Wu'] = _dense(next(ks), D, dr)
    p['Wv_r'] = _dense(next(ks), D, dr); p['bv_r'] = jnp.zeros((D,), jnp.float32)
    p['We_r'] = _dense(next(ks), 1, D)
    p['Wout_r'] = _dense(next(ks), D, dr)
    p['prelu_r'] = jnp.full((D,), 0.25, jnp.float32)
    p['bnf_g'] = jnp.ones((SR_DIM,), jnp.float32); p['bnf_b'] = jnp.zeros((SR_DIM,), jnp.float32)
    p['fc_sr'] = _dense(next(ks), D, SR_DIM)
    p['rf_Wd'] = (jax.random.normal(next(ks), (NUM_TREES, USED_FEATS, NUM_LEAVES), dtype=jnp.float32) / np.sqrt(USED_FEATS)).astype(jnp.float32)
    p['rf_pi'] = jax.random.normal(next(ks), (NUM_TREES, NUM_LEAVES, NUM_ITEMS), dtype=jnp.float32) * 0.01
    return p


def setup_inputs(seed: int = 0):
    key = jax.random.key(seed)
    k1, k2, k3, k4, k5, kp = jax.random.split(key, 6)
    iid = jax.random.randint(k1, (N_NODES,), 0, NUM_ITEMS)
    edge_index_mg = jax.random.randint(k2, (2, E_MG), 0, N_NODES)
    edge_index_sg = jax.random.randint(k3, (2, E_SG), 0, N_NODES)
    seg_extra = jax.random.randint(k4, (N_NODES - N_GRAPHS,), 0, N_GRAPHS)
    segment_ids = jnp.sort(jnp.concatenate([jnp.arange(N_GRAPHS), seg_extra]))
    last_nodes = jnp.searchsorted(segment_ids, jnp.arange(N_GRAPHS), side='right') - 1
    rf_feat_idx = jax.random.randint(k5, (NUM_TREES, USED_FEATS), 0, SR_DIM)
    params = _make_params(kp)
    return {"params": params, "iid": iid, "edge_index_mg": edge_index_mg, "edge_index_sg": edge_index_sg, "segment_ids": segment_ids, "last_nodes": last_nodes, "rf_feat_idx": rf_feat_idx}


def _bn(x, g, b):
    m = x.mean(axis=0)
    v = x.var(axis=0)
    return g * (x - m) / jnp.sqrt(v + EPS) + b


def _prelu(x, a):
    return jnp.where(x > 0, x, a * x)


def _renorm(table):
    n = jnp.linalg.norm(table, axis=-1, keepdims=True)
    return table * jnp.minimum(1.0, 1.0 / jnp.maximum(n, 1e-12))


def _seg_softmax(e, seg, n):
    mx = jax.ops.segment_max(e, seg, num_segments=n)
    mx = jnp.where(jnp.isfinite(mx), mx, 0.0)
    ex = jnp.exp(e - mx[seg])
    s = jax.ops.segment_sum(ex, seg, num_segments=n)
    return ex / jnp.maximum(s[seg], 1e-12)


def _gru_mailbox(feat, src, dst, p):
    E = src.shape[0]
    order = jnp.argsort(dst)
    dst_s = dst[order]
    src_s = src[order]
    starts = jnp.searchsorted(dst_s, jnp.arange(N_NODES))
    rank = jnp.arange(E) - starts[dst_s]
    mailbox = jnp.zeros((N_NODES, MAX_DEG, D), dtype=jnp.float32).at[dst_s, rank].set(feat[src_s])
    mask = jnp.zeros((N_NODES, MAX_DEG), dtype=jnp.float32).at[dst_s, rank].set(1.0)

    def cell(h, xm):
        x, m = xm
        gi = x @ p['W_ih'].T + p['b_ih']
        gh = h @ p['W_hh'].T + p['b_hh']
        ir, iz, inn = jnp.split(gi, 3, axis=1)
        hr, hz, hn = jnp.split(gh, 3, axis=1)
        r = jax.nn.sigmoid(ir + hr)
        z = jax.nn.sigmoid(iz + hz)
        ncand = jnp.tanh(inn + r * hn)
        hnew = (1.0 - z) * ncand + z * h
        mm = m[:, None]
        return mm * hnew + (1.0 - mm) * h, None

    h0 = jnp.zeros((N_NODES, D), dtype=jnp.float32)
    hT, _ = jax.lax.scan(cell, h0, (jnp.transpose(mailbox, (1, 0, 2)), mask.T))
    return hT


def _ndf(x, feat_idx, Wd, pi):
    B = x.shape[0]
    acc = jnp.zeros((B, NUM_ITEMS), dtype=jnp.float32)
    for t in range(NUM_TREES):
        xs = x[:, feat_idx[t]]
        d = jax.nn.sigmoid(xs @ Wd[t])
        dec = jnp.stack([d, 1.0 - d], axis=2)
        mu = jnp.ones((B, 1, 1), dtype=jnp.float32)
        begin, end = 1, 2
        for level in range(TREE_DEPTH):
            mu = jnp.reshape(mu, (B, -1, 1))
            mu = jnp.tile(mu, (1, 1, 2))
            mu = mu * dec[:, begin:end, :]
            begin = end
            end = begin + 2 ** (level + 1)
        mu = mu.reshape(B, NUM_LEAVES)
        probs = jax.nn.softmax(pi[t], axis=-1)
        acc = acc + mu @ probs
    return acc / NUM_TREES


def _forward(p, iid, edge_index_mg, edge_index_sg, segment_ids, last_nodes, rf_feat_idx):
    emb_all = _renorm(p['emb'])
    feat = emb_all[iid]
    # EOPA layer (mg)
    h = _bn(feat, p['bn0_g'], p['bn0_b'])
    neigh = _gru_mailbox(h, edge_index_mg[0], edge_index_mg[1], p)
    out = h @ p['fc_self'].T + neigh @ p['fc_neigh'].T
    out = _prelu(out, p['prelu0'])
    feat = jnp.concatenate([out, feat], axis=1)
    # SGAT layer (sg)
    h = _bn(feat, p['bn1_g'], p['bn1_b'])
    q = h @ p['Wq'].T + p['bq']
    k = h @ p['Wk'].T
    v = h @ p['Wv'].T
    src, dst = edge_index_sg[0], edge_index_sg[1]
    e = jax.nn.sigmoid(q[src] + k[dst]) @ p['We_sg'].T
    a = _seg_softmax(e[:, 0], dst, N_NODES)[:, None]
    out = jax.ops.segment_sum(v[src] * a, dst, num_segments=N_NODES)
    out = _prelu(out, p['prelu1'])
    feat = jnp.concatenate([out, feat], axis=1)
    # semantic branch (original code overwrites sem with zeros)
    sem = jnp.zeros((feat.shape[0], SEM_IN), dtype=jnp.float32) @ p['sem_W'].T
    feat = jnp.concatenate([feat, sem], axis=1)
    # AttnReadout
    hr = _bn(feat, p['bnr_g'], p['bnr_b'])
    fu = hr @ p['Wu'].T
    fv = (hr[last_nodes] @ p['Wv_r'].T + p['bv_r'])[segment_ids]
    er = jax.nn.sigmoid(fu + fv) @ p['We_r'].T
    alpha = _seg_softmax(er[:, 0], segment_ids, N_GRAPHS)[:, None]
    rst = jax.ops.segment_sum(hr * alpha, segment_ids, num_segments=N_GRAPHS)
    sr_g = _prelu(rst @ p['Wout_r'].T, p['prelu_r'])
    sr_l = feat[last_nodes]
    sr = jnp.concatenate([sr_l, sr_g], axis=1)
    rf_out = _ndf(sr, rf_feat_idx, p['rf_Wd'], p['rf_pi'])
    srn = _bn(sr, p['bnf_g'], p['bnf_b'])
    sr2 = srn @ p['fc_sr'].T
    logits = (sr2 @ emb_all.T + rf_out) / 2.0
    return logits


def reference(params, iid, edge_index_mg, edge_index_sg, segment_ids, last_nodes, rf_feat_idx):
    return _forward(params, iid, edge_index_mg, edge_index_sg, segment_ids, last_nodes, rf_feat_idx)

if __name__ == "__main__":
    import jax
    _d = setup_inputs()
    print(jax.jit(kernel)(*tuple(_d.values())))

</pallas_src>

<mosaic_0001>
module attributes {stable_mosaic.version = 14 : i64} {
  func.func @_gru_body(%arg0: i32, %arg1: i32, %arg2: memref<1x2000x128xbf16, #tpu.memory_space<vmem>>, %arg3: memref<2000x8xf32, #tpu.memory_space<vmem>>, %arg4: memref<384x128xf32, #tpu.memory_space<vmem>>, %arg5: memref<384x128xf32, #tpu.memory_space<vmem>>, %arg6: memref<1x384xf32, #tpu.memory_space<vmem>>, %arg7: memref<1x384xf32, #tpu.memory_space<vmem>>, %arg8: memref<2000x128xf32, #tpu.memory_space<vmem>>) attributes {dimension_semantics = [#tpu.dimension_semantics<arbitrary>, #tpu.dimension_semantics<arbitrary>], iteration_bounds = array<i64: 5, 8>, scalar_prefetch = 0 : i64, scratch_operands = 0 : i64, tpu.core_type = #tpu.core_type<tc>, window_params = [{transform_indices = @transform_0, window_bounds = array<i64: 1, 2000, 128>}, {transform_indices = @transform_1, window_bounds = array<i64: 2000, 8>}, {pipeline_mode = #tpu.pipeline_mode<synchronous>, transform_indices = @transform_2, window_bounds = array<i64: 384, 128>}, {pipeline_mode = #tpu.pipeline_mode<synchronous>, transform_indices = @transform_3, window_bounds = array<i64: 384, 128>}, {pipeline_mode = #tpu.pipeline_mode<synchronous>, transform_indices = @transform_4, window_bounds = array<i64: 1, 384>}, {pipeline_mode = #tpu.pipeline_mode<synchronous>, transform_indices = @transform_5, window_bounds = array<i64: 1, 384>}, {transform_indices = @transform_6, window_bounds = array<i64: 2000, 128>}]} {
    %eq3A = arith.constant 0 : i32
    %eq3A_0 = arith.cmpi eq, %arg1, %eq3A : i32
    %convert_element_type3A = arith.extui %eq3A_0 : i1 to i32
    %cond3A = arith.constant 0 : i32
    %cond3A_1 = arith.cmpi ne, %convert_element_type3A, %cond3A : i32
    scf.if %cond3A_1 {
      %broadcast_in_dim3A_69 = arith.constant 0.000000e+00 : f32
      %broadcast_in_dim3A_70 = vector.broadcast %broadcast_in_dim3A_69 : f32 to vector<2000x128xf32>
      %swap3A_71 = arith.constant 0 : index
      %swap3A_72 = arith.constant 0 : index
      %swap3A_73 = vector.load %arg8[%swap3A_71, %swap3A_72] : memref<2000x128xf32, #tpu.memory_space<vmem>>, vector<2000x128xf32>
      tpu.vector_store %arg8[%swap3A_71, %swap3A_72], %broadcast_in_dim3A_70 {strides = array<i32>} : memref<2000x128xf32, #tpu.memory_space<vmem>>, vector<2000x128xf32>,
    } else {
    }
    %get3A = arith.constant 0 : index
    %get3A_2 = arith.constant 0 : index
    %get3A_3 = arith.constant 0 : index
    %get3A_4 = vector.load %arg2[%get3A, %get3A_2, %get3A_3] : memref<1x2000x128xbf16, #tpu.memory_space<vmem>>, vector<1x2000x128xbf16>
    %get3A_5 = vector.shape_cast %get3A_4 : vector<1x2000x128xbf16> to vector<2000x128xbf16>
    %convert_element_type3A_6 = arith.extf %get3A_5 : vector<2000x128xbf16> to vector<2000x128xf32>
    %get3A_7 = arith.constant 0 : index
    %get3A_8 = arith.constant 0 : index
    %get3A_9 = vector.load %arg8[%get3A_7, %get3A_8] : memref<2000x128xf32, #tpu.memory_space<vmem>>, vector<2000x128xf32>
    %get3A_10 = arith.constant 0 : index
    %get3A_11 = arith.constant 0 : index
    %get3A_12 = vector.load %arg4[%get3A_10, %get3A_11] : memref<384x128xf32, #tpu.memory_space<vmem>>, vector<384x128xf32>
    %dot_general3A = arith.constant dense<0.000000e+00> : vector<2000x384xf32>
    %dot_general3A_13 = tpu.matmul %convert_element_type3A_6, %get3A_12, %dot_general3A {dimension_numbers = #tpu.dot_dimension_numbers<[1], [1], [0], [0], [0, 0, 1, 0], [], []>, transpose_lhs_hint = false} : vector<2000x128xf32>, vector<384x128xf32>, vector<2000x384xf32> -> vector<2000x384xf32>
    %get3A_14 = arith.constant 0 : index
    %get3A_15 = arith.constant 0 : index
    %get3A_16 = vector.load %arg6[%get3A_14, %get3A_15] : memref<1x384xf32, #tpu.memory_space<vmem>>, vector<1x384xf32>
    %add3A = vector.broadcast %get3A_16 : vector<1x384xf32> to vector<2000x384xf32>
    %add3A_17 = arith.addf %dot_general3A_13, %add3A : vector<2000x384xf32>
    %get3A_18 = arith.constant 0 : index
    %get3A_19 = arith.constant 0 : index
    %get3A_20 = vector.load %arg5[%get3A_18, %get3A_19] : memref<384x128xf32, #tpu.memory_space<vmem>>, vector<384x128xf32>
    %dot_general3A_21 = arith.constant dense<0.000000e+00> : vector<2000x384xf32>
    %dot_general3A_22 = tpu.matmul %get3A_9, %get3A_20, %dot_general3A_21 {dimension_numbers = #tpu.dot_dimension_numbers<[1], [1], [0], [0], [0, 0, 1, 0], [], []>, transpose_lhs_hint = false} : vector<2000x128xf32>, vector<384x128xf32>, vector<2000x384xf32> -> vector<2000x384xf32>
    %get3A_23 = arith.constant 0 : index
    %get3A_24 = arith.constant 0 : index
    %get3A_25 = vector.load %arg7[%get3A_23, %get3A_24] : memref<1x384xf32, #tpu.memory_space<vmem>>, vector<1x384xf32>
    %add3A_26 = vector.broadcast %get3A_25 : vector<1x384xf32> to vector<2000x384xf32>
    %add3A_27 = arith.addf %dot_general3A_22, %add3A_26 : vector<2000x384xf32>
    %slice3A = vector.extract_strided_slice %add3A_17 {offsets = [0, 0], sizes = [2000, 128], strides = [1, 1]} : vector<2000x384xf32> to vector<2000x128xf32>
    %slice3A_28 = vector.extract_strided_slice %add3A_17 {offsets = [0, 128], sizes = [2000, 128], strides = [1, 1]} : vector<2000x384xf32> to vector<2000x128xf32>
    %slice3A_29 = vector.extract_strided_slice %add3A_17 {offsets = [0, 256], sizes = [2000, 128], strides = [1, 1]} : vector<2000x384xf32> to vector<2000x128xf32>
    %slice3A_30 = vector.extract_strided_slice %add3A_27 {offsets = [0, 0], sizes = [2000, 128], strides = [1, 1]} : vector<2000x384xf32> to vector<2000x128xf32>
    %slice3A_31 = vector.extract_strided_slice %add3A_27 {offsets = [0, 128], sizes = [2000, 128], strides = [1, 1]} : vector<2000x384xf32> to vector<2000x128xf32>
    %slice3A_32 = vector.extract_strided_slice %add3A_27 {offsets = [0, 256], sizes = [2000, 128], strides = [1, 1]} : vector<2000x384xf32> to vector<2000x128xf32>
    %add3A_33 = arith.addf %slice3A, %slice3A_30 : vector<2000x128xf32>
    %logistic3A = arith.negf %add3A_33 : vector<2000x128xf32>
    %logistic3A_34 = math.exp %logistic3A : vector<2000x128xf32>
    %logistic3A_35 = arith.constant 1.000000e+00 : f32
    %logistic3A_36 = vector.broadcast %logistic3A_35 : f32 to vector<2000x128xf32>
    %logistic3A_37 = arith.addf %logistic3A_36, %logistic3A_34 : vector<2000x128xf32>
    %logistic3A_38 = arith.divf %logistic3A_36, %logistic3A_37 : vector<2000x128xf32>
    %add3A_39 = arith.addf %slice3A_28, %slice3A_31 : vector<2000x128xf32>
    %logistic3A_40 = arith.negf %add3A_39 : vector<2000x128xf32>
    %logistic3A_41 = math.exp %logistic3A_40 : vector<2000x128xf32>
    %logistic3A_42 = arith.constant 1.000000e+00 : f32
    %logistic3A_43 = vector.broadcast %logistic3A_42 : f32 to vector<2000x128xf32>
    %logistic3A_44 = arith.addf %logistic3A_43, %logistic3A_41 : vector<2000x128xf32>
    %logistic3A_45 = arith.divf %logistic3A_43, %logistic3A_44 : vector<2000x128xf32>
    %mul3A = arith.mulf %logistic3A_38, %slice3A_32 : vector<2000x128xf32>
    %add3A_46 = arith.addf %slice3A_29, %mul3A : vector<2000x128xf32>
    %tanh3A = math.tanh %add3A_46 : vector<2000x128xf32>
    %sub3A = arith.constant 1.000000e+00 : f32
    %sub3A_47 = vector.broadcast %sub3A : f32 to vector<2000x128xf32>
    %sub3A_48 = arith.subf %sub3A_47, %logistic3A_45 : vector<2000x128xf32>
    %mul3A_49 = arith.mulf %sub3A_48, %tanh3A : vector<2000x128xf32>
    %mul3A_50 = arith.mulf %logistic3A_45, %get3A_9 : vector<2000x128xf32>
    %add3A_51 = arith.addf %mul3A_49, %mul3A_50 : vector<2000x128xf32>
    %iota3A = tpu.iota {dimensions = array<i32: 1>} : vector<2000x8xi32>
    %eq3A_52 = vector.broadcast %arg1 : i32 to vector<2000x8xi32>
    %eq3A_53 = arith.cmpi eq, %iota3A, %eq3A_52 : vector<2000x8xi32>
    %get3A_54 = arith.constant 0 : index
    %get3A_55 = arith.constant 0 : index
    %get3A_56 = vector.load %arg3[%get3A_54, %get3A_55] : memref<2000x8xf32, #tpu.memory_space<vmem>>, vector<2000x8xf32>
    %jit3A = arith.constant 0.000000e+00 : f32
    %broadcast_in_dim3A = vector.broadcast %jit3A : f32 to vector<2000x8xf32>
    %select_n3A = arith.select %eq3A_53, %get3A_56, %broadcast_in_dim3A : vector<2000x8xi1>, vector<2000x8xf32>
    %reduce_sum3A = arith.constant dense<0.000000e+00> : vector<2000xf32>
    %reduce_sum3A_57 = vector.multi_reduction <add>, %select_n3A, %reduce_sum3A [1] : vector<2000x8xf32> to vector<2000xf32>
    %broadcast_in_dim3A_58 = vector.shape_cast %reduce_sum3A_57 : vector<2000xf32> to vector<2000x1xf32>
    %mul3A_59 = vector.broadcast %broadcast_in_dim3A_58 : vector<2000x1xf32> to vector<2000x128xf32>
    %mul3A_60 = arith.mulf %mul3A_59, %add3A_51 : vector<2000x128xf32>
    %sub3A_61 = arith.constant 1.000000e+00 : f32
    %sub3A_62 = vector.broadcast %sub3A_61 : f32 to vector<2000x1xf32>
    %sub3A_63 = arith.subf %sub3A_62, %broadcast_in_dim3A_58 : vector<2000x1xf32>
    %mul3A_64 = vector.broadcast %sub3A_63 : vector<2000x1xf32> to vector<2000x128xf32>
    %mul3A_65 = arith.mulf %mul3A_64, %get3A_9 : vector<2000x128xf32>
    %add3A_66 = arith.addf %mul3A_60, %mul3A_65 : vector<2000x128xf32>
    %swap3A = arith.constant 0 : index
    %swap3A_67 = arith.constant 0 : index
    %swap3A_68 = vector.load %arg8[%swap3A, %swap3A_67] : memref<2000x128xf32, #tpu.memory_space<vmem>>, vector<2000x128xf32>
    tpu.vector_store %arg8[%swap3A, %swap3A_67], %add3A_66 {strides = array<i32>} : memref<2000x128xf32, #tpu.memory_space<vmem>>, vector<2000x128xf32>,
    return
  }
  func.func @transform_0(%arg0: i32, %arg1: i32) -> (i32, i32, i32) {
    %c0_i32 = arith.constant 0 : i32
    %c0_i32_0 = arith.constant 0 : i32
    return %arg1, %arg0, %c0_i32 : i32, i32, i32
  }
  func.func @transform_1(%arg0: i32, %arg1: i32) -> (i32, i32) {
    %c0_i32 = arith.constant 0 : i32
    %c0_i32_0 = arith.constant 0 : i32
    return %arg0, %c0_i32 : i32, i32
  }
  func.func @transform_2(%arg0: i32, %arg1: i32) -> (i32, i32) {
    %c0_i32 = arith.constant 0 : i32
    %c0_i32_0 = arith.constant 0 : i32
    %c0_i32_1 = arith.constant 0 : i32
    return %c0_i32, %c0_i32_0 : i32, i32
  }
  func.func @transform_3(%arg0: i32, %arg1: i32) -> (i32, i32) {
    %c0_i32 = arith.constant 0 : i32
    %c0_i32_0 = arith.constant 0 : i32
    %c0_i32_1 = arith.constant 0 : i32
    return %c0_i32, %c0_i32_0 : i32, i32
  }
  func.func @transform_4(%arg0: i32, %arg1: i32) -> (i32, i32) {
    %c0_i32 = arith.constant 0 : i32
    %c0_i32_0 = arith.constant 0 : i32
    %c0_i32_1 = arith.constant 0 : i32
    return %c0_i32, %c0_i32_0 : i32, i32
  }
  func.func @transform_5(%arg0: i32, %arg1: i32) -> (i32, i32) {
    %c0_i32 = arith.constant 0 : i32
    %c0_i32_0 = arith.constant 0 : i32
    %c0_i32_1 = arith.constant 0 : i32
    return %c0_i32, %c0_i32_0 : i32, i32
  }
  func.func @transform_6(%arg0: i32, %arg1: i32) -> (i32, i32) {
    %c0_i32 = arith.constant 0 : i32
    %c0_i32_0 = arith.constant 0 : i32
    return %arg0, %c0_i32 : i32, i32
  }
}

module attributes {stable_mosaic.version = 14 : i64} {
  func.func @_stats_body(%arg0: i32, %arg1: memref<512x4096xf32, #tpu.memory_space<vmem>>, %arg2: memref<512x1xf32, #tpu.memory_space<vmem>>, %arg3: memref<512x1xf32, #tpu.memory_space<vmem>>) attributes {dimension_semantics = [#tpu.dimension_semantics<arbitrary>], iteration_bounds = array<i64: 25>, scalar_prefetch = 0 : i64, scratch_operands = 0 : i64, tpu.core_type = #tpu.core_type<tc>, window_params = [{transform_indices = @transform_0, window_bounds = array<i64: 512, 4096>}, {pipeline_mode = #tpu.pipeline_mode<synchronous>, transform_indices = @transform_1, window_bounds = array<i64: 512, 1>}, {pipeline_mode = #tpu.pipeline_mode<synchronous>, transform_indices = @transform_2, window_bounds = array<i64: 512, 1>}]} {
    %mul3A = arith.constant 4096 : i32
    %mul3A_0 = arith.muli %arg0, %mul3A : i32
    %iota3A = tpu.iota {dimensions = array<i32: 1>} : vector<512x4096xi32>
    %add3A = vector.broadcast %mul3A_0 : i32 to vector<512x4096xi32>
    %add3A_1 = arith.addi %iota3A, %add3A : vector<512x4096xi32>
    %lt3A = arith.constant 100000 : i32
    %lt3A_2 = vector.broadcast %lt3A : i32 to vector<512x4096xi32>
    %lt3A_3 = arith.cmpi slt, %add3A_1, %lt3A_2 : vector<512x4096xi32>
    %get3A = arith.constant 0 : index
    %get3A_4 = arith.constant 0 : index
    %get3A_5 = vector.load %arg1[%get3A, %get3A_4] : memref<512x4096xf32, #tpu.memory_space<vmem>>, vector<512x4096xf32>
    %jit3A = arith.constant 0xFF800000 : f32
    %broadcast_in_dim3A = vector.broadcast %jit3A : f32 to vector<512x4096xf32>
    %select_n3A = arith.select %lt3A_3, %get3A_5, %broadcast_in_dim3A : vector<512x4096xi1>, vector<512x4096xf32>
    %reduce_max3A = arith.constant dense<0xFF800000> : vector<512xf32>
    %reduce_max3A_6 = vector.multi_reduction <maximumf>, %select_n3A, %reduce_max3A [1] : vector<512x4096xf32> to vector<512xf32>
    %broadcast_in_dim3A_7 = vector.shape_cast %reduce_max3A_6 : vector<512xf32> to vector<512x1xf32>
    %eq3A = arith.constant 0 : i32
    %eq3A_8 = arith.cmpi eq, %arg0, %eq3A : i32
    %convert_element_type3A = arith.extui %eq3A_8 : i1 to i32
    %cond3A = arith.constant 0 : i32
    %cond3A_9 = arith.cmpi ne, %convert_element_type3A, %cond3A : i32
    scf.if %cond3A_9 {
      %broadcast_in_dim3A_28 = arith.constant 0xFF800000 : f32
      %broadcast_in_dim3A_29 = vector.broadcast %broadcast_in_dim3A_28 : f32 to vector<512x1xf32>
      %swap3A_30 = arith.constant 0 : index
      %swap3A_31 = arith.constant 0 : index
      %swap3A_32 = vector.load %arg2[%swap3A_30, %swap3A_31] : memref<512x1xf32, #tpu.memory_space<vmem>>, vector<512x1xf32>
      tpu.vector_store %arg2[%swap3A_30, %swap3A_31], %broadcast_in_dim3A_29 {strides = array<i32>} : memref<512x1xf32, #tpu.memory_space<vmem>>, vector<512x1xf32>,
      %broadcast_in_dim3A_33 = arith.constant 0.000000e+00 : f32
      %broadcast_in_dim3A_34 = vector.broadcast %broadcast_in_dim3A_33 : f32 to vector<512x1xf32>
      %swap3A_35 = arith.constant 0 : index
      %swap3A_36 = arith.constant 0 : index
      %swap3A_37 = vector.load %arg3[%swap3A_35, %swap3A_36] : memref<512x1xf32, #tpu.memory_space<vmem>>, vector<512x1xf32>
      tpu.vector_store %arg3[%swap3A_35, %swap3A_36], %broadcast_in_dim3A_34 {strides = array<i32>} : memref<512x1xf32, #tpu.memory_space<vmem>>, vector<512x1xf32>,
    } else {
    }
    %get3A_10 = arith.constant 0 : index
    %get3A_11 = arith.constant 0 : index
    %get3A_12 = vector.load %arg2[%get3A_10, %get3A_11] : memref<512x1xf32, #tpu.memory_space<vmem>>, vector<512x1xf32>
    %max3A = arith.maximumf %get3A_12, %broadcast_in_dim3A_7 : vector<512x1xf32>
    %sub3A = vector.broadcast %max3A : vector<512x1xf32> to vector<512x4096xf32>
    %sub3A_13 = arith.subf %select_n3A, %sub3A : vector<512x4096xf32>
    %exp3A = math.exp %sub3A_13 : vector<512x4096xf32>
    %reduce_sum3A = arith.constant dense<0.000000e+00> : vector<512xf32>
    %reduce_sum3A_14 = vector.multi_reduction <add>, %exp3A, %reduce_sum3A [1] : vector<512x4096xf32> to vector<512xf32>
    %broadcast_in_dim3A_15 = vector.shape_cast %reduce_sum3A_14 : vector<512xf32> to vector<512x1xf32>
    %get3A_16 = arith.constant 0 : index
    %get3A_17 = arith.constant 0 : index
    %get3A_18 = vector.load %arg3[%get3A_16, %get3A_17] : memref<512x1xf32, #tpu.memory_space<vmem>>, vector<512x1xf32>
    %sub3A_19 = arith.subf %get3A_12, %max3A : vector<512x1xf32>
    %exp3A_20 = math.exp %sub3A_19 : vector<512x1xf32>
    %mul3A_21 = arith.mulf %get3A_18, %exp3A_20 : vector<512x1xf32>
    %add3A_22 = arith.addf %mul3A_21, %broadcast_in_dim3A_15 : vector<512x1xf32>
    %swap3A = arith.constant 0 : index
    %swap3A_23 = arith.constant 0 : index
    %swap3A_24 = vector.load %arg3[%swap3A, %swap3A_23] : memref<512x1xf32, #tpu.memory_space<vmem>>, vector<512x1xf32>
    tpu.vector_store %arg3[%swap3A, %swap3A_23], %add3A_22 {strides = array<i32>} : memref<512x1xf32, #tpu.memory_space<vmem>>, vector<512x1xf32>,
    %swap3A_25 = arith.constant 0 : index
    %swap3A_26 = arith.constant 0 : index
    %swap3A_27 = vector.load %arg2[%swap3A_25, %swap3A_26] : memref<512x1xf32, #tpu.memory_space<vmem>>, vector<512x1xf32>
    tpu.vector_store %arg2[%swap3A_25, %swap3A_26], %max3A {strides = array<i32>} : memref<512x1xf32, #tpu.memory_space<vmem>>, vector<512x1xf32>,
    return
  }
  func.func @transform_0(%arg0: i32) -> (i32, i32) {
    %c0_i32 = arith.constant 0 : i32
    %c0_i32_0 = arith.constant 0 : i32
    return %c0_i32, %arg0 : i32, i32
  }
  func.func @transform_1(%arg0: i32) -> (i32, i32) {
    %c0_i32 = arith.constant 0 : i32
    %c0_i32_0 = arith.constant 0 : i32
    %c0_i32_1 = arith.constant 0 : i32
    return %c0_i32, %c0_i32_0 : i32, i32
  }
  func.func @transform_2(%arg0: i32) -> (i32, i32) {
    %c0_i32 = arith.constant 0 : i32
    %c0_i32_0 = arith.constant 0 : i32
    %c0_i32_1 = arith.constant 0 : i32
    return %c0_i32, %c0_i32_0 : i32, i32
  }
}

module attributes {stable_mosaic.version = 14 : i64} {
  func.func @_mu_body(%arg0: memref<512x640xf32, #tpu.memory_space<vmem>>, %arg1: memref<640x512xf32, #tpu.memory_space<vmem>>, %arg2: memref<5x512x512xf32, #tpu.memory_space<vmem>>, %arg3: memref<5x512xf32, #tpu.memory_space<vmem>>, %arg4: memref<1x512xf32, #tpu.memory_space<vmem>>, %arg5: memref<512x512xf32, #tpu.memory_space<vmem>>) attributes {dimension_semantics = [], scalar_prefetch = 0 : i64, scratch_operands = 0 : i64, tpu.core_type = #tpu.core_type<tc>} {
    %get3A = arith.constant 0 : index
    %get3A_0 = arith.constant 0 : index
    %get3A_1 = vector.load %arg0[%get3A, %get3A_0] : memref<512x640xf32, #tpu.memory_space<vmem>>, vector<512x640xf32>
    %get3A_2 = arith.constant 0 : index
    %get3A_3 = arith.constant 0 : index
    %get3A_4 = vector.load %arg1[%get3A_2, %get3A_3] : memref<640x512xf32, #tpu.memory_space<vmem>>, vector<640x512xf32>
    %dot_general3A = arith.constant dense<0.000000e+00> : vector<512x512xf32>
    %dot_general3A_5 = tpu.matmul %get3A_1, %get3A_4, %dot_general3A {dimension_numbers = #tpu.dot_dimension_numbers<[1], [0], [0], [1], [0, 0, 1, 1], [], []>, transpose_lhs_hint = false} : vector<512x640xf32>, vector<640x512xf32>, vector<512x512xf32> -> vector<512x512xf32>
    %logistic3A = arith.negf %dot_general3A_5 : vector<512x512xf32>
    %logistic3A_6 = math.exp %logistic3A : vector<512x512xf32>
    %logistic3A_7 = arith.constant 1.000000e+00 : f32
    %logistic3A_8 = vector.broadcast %logistic3A_7 : f32 to vector<512x512xf32>
    %logistic3A_9 = arith.addf %logistic3A_8, %logistic3A_6 : vector<512x512xf32>
    %logistic3A_10 = arith.divf %logistic3A_8, %logistic3A_9 : vector<512x512xf32>
    %get3A_11 = arith.constant 0 : index
    %get3A_12 = arith.constant 0 : index
    %get3A_13 = arith.constant 0 : index
    %get3A_14 = vector.load %arg2[%get3A_11, %get3A_12, %get3A_13] : memref<5x512x512xf32, #tpu.memory_space<vmem>>, vector<1x512x512xf32>
    %get3A_15 = vector.shape_cast %get3A_14 : vector<1x512x512xf32> to vector<512x512xf32>
    %dot_general3A_16 = arith.constant dense<0.000000e+00> : vector<512x512xf32>
    %dot_general3A_17 = tpu.matmul %logistic3A_10, %get3A_15, %dot_general3A_16 {dimension_numbers = #tpu.dot_dimension_numbers<[1], [0], [0], [1], [0, 0, 1, 1], [], []>, transpose_lhs_hint = false} : vector<512x512xf32>, vector<512x512xf32>, vector<512x512xf32> -> vector<512x512xf32>
    %get3A_18 = arith.constant 0 : index
    %get3A_19 = arith.constant 0 : index
    %get3A_20 = vector.load %arg3[%get3A_18, %get3A_19] : memref<5x512xf32, #tpu.memory_space<vmem>>, vector<1x512xf32>
    %add3A = vector.broadcast %get3A_20 : vector<1x512xf32> to vector<512x512xf32>
    %add3A_21 = arith.addf %dot_general3A_17, %add3A : vector<512x512xf32>
    %get3A_22 = arith.constant 1 : index
    %get3A_23 = arith.constant 0 : index
    %get3A_24 = arith.constant 0 : index
    %get3A_25 = vector.load %arg2[%get3A_22, %get3A_23, %get3A_24] : memref<5x512x512xf32, #tpu.memory_space<vmem>>, vector<1x512x512xf32>
    %get3A_26 = vector.shape_cast %get3A_25 : vector<1x512x512xf32> to vector<512x512xf32>
    %dot_general3A_27 = arith.constant dense<0.000000e+00> : vector<512x512xf32>
    %dot_general3A_28 = tpu.matmul %logistic3A_10, %get3A_26, %dot_general3A_27 {dimension_numbers = #tpu.dot_dimension_numbers<[1], [0], [0], [1], [0, 0, 1, 1], [], []>, transpose_lhs_hint = false} : vector<512x512xf32>, vector<512x512xf32>, vector<512x512xf32> -> vector<512x512xf32>
    %get3A_29 = arith.constant 1 : index
    %get3A_30 = arith.constant 0 : index
    %get3A_31 = vector.load %arg3[%get3A_29, %get3A_30] : memref<5x512xf32, #tpu.memory_space<vmem>>, vector<1x512xf32>
    %add3A_32 = vector.broadcast %get3A_31 : vector<1x512xf32> to vector<512x512xf32>
    %add3A_33 = arith.addf %dot_general3A_28, %add3A_32 : vector<512x512xf32>
    %mul3A = arith.mulf %add3A_21, %add3A_33 : vector<512x512xf32>
    %get3A_34 = arith.constant 2 : index
    %get3A_35 = arith.constant 0 : index
    %get3A_36 = arith.constant 0 : index
    %get3A_37 = vector.load %arg2[%get3A_34, %get3A_35, %get3A_36] : memref<5x512x512xf32, #tpu.memory_space<vmem>>, vector<1x512x512xf32>
    %get3A_38 = vector.shape_cast %get3A_37 : vector<1x512x512xf32> to vector<512x512xf32>
    %dot_general3A_39 = arith.constant dense<0.000000e+00> : vector<512x512xf32>
    %dot_general3A_40 = tpu.matmul %logistic3A_10, %get3A_38, %dot_general3A_39 {dimension_numbers = #tpu.dot_dimension_numbers<[1], [0], [0], [1], [0, 0, 1, 1], [], []>, transpose_lhs_hint = false} : vector<512x512xf32>, vector<512x512xf32>, vector<512x512xf32> -> vector<512x512xf32>
    %get3A_41 = arith.constant 2 : index
    %get3A_42 = arith.constant 0 : index
    %get3A_43 = vector.load %arg3[%get3A_41, %get3A_42] : memref<5x512xf32, #tpu.memory_space<vmem>>, vector<1x512xf32>
    %add3A_44 = vector.broadcast %get3A_43 : vector<1x512xf32> to vector<512x512xf32>
    %add3A_45 = arith.addf %dot_general3A_40, %add3A_44 : vector<512x512xf32>
    %mul3A_46 = arith.mulf %mul3A, %add3A_45 : vector<512x512xf32>
    %get3A_47 = arith.constant 3 : index
    %get3A_48 = arith.constant 0 : index
    %get3A_49 = arith.constant 0 : index
    %get3A_50 = vector.load %arg2[%get3A_47, %get3A_48, %get3A_49] : memref<5x512x512xf32, #tpu.memory_space<vmem>>, vector<1x512x512xf32>
    %get3A_51 = vector.shape_cast %get3A_50 : vector<1x512x512xf32> to vector<512x512xf32>
    %dot_general3A_52 = arith.constant dense<0.000000e+00> : vector<512x512xf32>
    %dot_general3A_53 = tpu.matmul %logistic3A_10, %get3A_51, %dot_general3A_52 {dimension_numbers = #tpu.dot_dimension_numbers<[1], [0], [0], [1], [0, 0, 1, 1], [], []>, transpose_lhs_hint = false} : vector<512x512xf32>, vector<512x512xf32>, vector<512x512xf32> -> vector<512x512xf32>
    %get3A_54 = arith.constant 3 : index
    %get3A_55 = arith.constant 0 : index
    %get3A_56 = vector.load %arg3[%get3A_54, %get3A_55] : memref<5x512xf32, #tpu.memory_space<vmem>>, vector<1x512xf32>
    %add3A_57 = vector.broadcast %get3A_56 : vector<1x512xf32> to vector<512x512xf32>
    %add3A_58 = arith.addf %dot_general3A_53, %add3A_57 : vector<512x512xf32>
    %mul3A_59 = arith.mulf %mul3A_46, %add3A_58 : vector<512x512xf32>
    %get3A_60 = arith.constant 4 : index
    %get3A_61 = arith.constant 0 : index
    %get3A_62 = arith.constant 0 : index
    %get3A_63 = vector.load %arg2[%get3A_60, %get3A_61, %get3A_62] : memref<5x512x512xf32, #tpu.memory_space<vmem>>, vector<1x512x512xf32>
    %get3A_64 = vector.shape_cast %get3A_63 : vector<1x512x512xf32> to vector<512x512xf32>
    %dot_general3A_65 = arith.constant dense<0.000000e+00> : vector<512x512xf32>
    %dot_general3A_66 = tpu.matmul %logistic3A_10, %get3A_64, %dot_general3A_65 {dimension_numbers = #tpu.dot_dimension_numbers<[1], [0], [0], [1], [0, 0, 1, 1], [], []>, transpose_lhs_hint = false} : vector<512x512xf32>, vector<512x512xf32>, vector<512x512xf32> -> vector<512x512xf32>
    %get3A_67 = arith.constant 4 : index
    %get3A_68 = arith.constant 0 : index
    %get3A_69 = vector.load %arg3[%get3A_67, %get3A_68] : memref<5x512xf32, #tpu.memory_space<vmem>>, vector<1x512xf32>
    %add3A_70 = vector.broadcast %get3A_69 : vector<1x512xf32> to vector<512x512xf32>
    %add3A_71 = arith.addf %dot_general3A_66, %add3A_70 : vector<512x512xf32>
    %mul3A_72 = arith.mulf %mul3A_59, %add3A_71 : vector<512x512xf32>
    %mul3A_73 = arith.constant 3.125000e-02 : f32
    %mul3A_74 = vector.broadcast %mul3A_73 : f32 to vector<512x512xf32>
    %mul3A_75 = arith.mulf %mul3A_72, %mul3A_74 : vector<512x512xf32>
    %get3A_76 = arith.constant 0 : index
    %get3A_77 = arith.constant 0 : index
    %get3A_78 = vector.load %arg4[%get3A_76, %get3A_77] : memref<1x512xf32, #tpu.memory_space<vmem>>, vector<1x512xf32>
    %div3A = vector.broadcast %get3A_78 : vector<1x512xf32> to vector<512x512xf32>
    %div3A_79 = arith.divf %mul3A_75, %div3A : vector<512x512xf32>
    %swap3A = arith.constant 0 : index
    %swap3A_80 = arith.constant 0 : index
    %swap3A_81 = vector.load %arg5[%swap3A, %swap3A_80] : memref<512x512xf32, #tpu.memory_space<vmem>>, vector<512x512xf32>
    tpu.vector_store %arg5[%swap3A, %swap3A_80], %div3A_79 {strides = array<i32>} : memref<512x512xf32, #tpu.memory_space<vmem>>, vector<512x512xf32>,
    return
  }
}

module attributes {stable_mosaic.version = 14 : i64} {
  func.func @_logits_body(%arg0: i32, %arg1: memref<512x512xf32, #tpu.memory_space<vmem>>, %arg2: memref<512x128xf32, #tpu.memory_space<vmem>>, %arg3: memref<512x1xf32, #tpu.memory_space<vmem>>, %arg4: memref<512x2048xf32, #tpu.memory_space<vmem>>, %arg5: memref<2048x128xf32, #tpu.memory_space<vmem>>, %arg6: memref<512x2048xf32, #tpu.memory_space<vmem>>) attributes {dimension_semantics = [#tpu.dimension_semantics<arbitrary>], iteration_bounds = array<i64: 49>, scalar_prefetch = 0 : i64, scratch_operands = 0 : i64, tpu.core_type = #tpu.core_type<tc>, window_params = [{pipeline_mode = #tpu.pipeline_mode<synchronous>, transform_indices = @transform_0, window_bounds = array<i64: 512, 512>}, {pipeline_mode = #tpu.pipeline_mode<synchronous>, transform_indices = @transform_1, window_bounds = array<i64: 512, 128>}, {pipeline_mode = #tpu.pipeline_mode<synchronous>, transform_indices = @transform_2, window_bounds = array<i64: 512, 1>}, {transform_indices = @transform_3, window_bounds = array<i64: 512, 2048>}, {transform_indices = @transform_4, window_bounds = array<i64: 2048, 128>}, {transform_indices = @transform_5, window_bounds = array<i64: 512, 2048>}]} {
    %get3A = arith.constant 0 : index
    %get3A_0 = arith.constant 0 : index
    %get3A_1 = vector.load %arg5[%get3A, %get3A_0] : memref<2048x128xf32, #tpu.memory_space<vmem>>, vector<2048x128xf32>
    %mul3A = arith.mulf %get3A_1, %get3A_1 : vector<2048x128xf32>
    %reduce_sum3A = arith.constant dense<0.000000e+00> : vector<2048xf32>
    %reduce_sum3A_2 = vector.multi_reduction <add>, %mul3A, %reduce_sum3A [1] : vector<2048x128xf32> to vector<2048xf32>
    %broadcast_in_dim3A = vector.shape_cast %reduce_sum3A_2 : vector<2048xf32> to vector<2048x1xf32>
    %sqrt3A = math.sqrt %broadcast_in_dim3A : vector<2048x1xf32>
    %max3A = arith.constant 9.99999996E-13 : f32
    %max3A_3 = vector.broadcast %max3A : f32 to vector<2048x1xf32>
    %max3A_4 = arith.maximumf %sqrt3A, %max3A_3 : vector<2048x1xf32>
    %div3A = arith.constant 1.000000e+00 : f32
    %div3A_5 = vector.broadcast %div3A : f32 to vector<2048x1xf32>
    %div3A_6 = arith.divf %div3A_5, %max3A_4 : vector<2048x1xf32>
    %min3A = arith.constant 1.000000e+00 : f32
    %min3A_7 = vector.broadcast %min3A : f32 to vector<2048x1xf32>
    %min3A_8 = arith.minimumf %min3A_7, %div3A_6 : vector<2048x1xf32>
    %mul3A_9 = vector.broadcast %min3A_8 : vector<2048x1xf32> to vector<2048x128xf32>
    %mul3A_10 = arith.mulf %get3A_1, %mul3A_9 : vector<2048x128xf32>
    %get3A_11 = arith.constant 0 : index
    %get3A_12 = arith.constant 0 : index
    %get3A_13 = vector.load %arg4[%get3A_11, %get3A_12] : memref<512x2048xf32, #tpu.memory_space<vmem>>, vector<512x2048xf32>
    %get3A_14 = arith.constant 0 : index
    %get3A_15 = arith.constant 0 : index
    %get3A_16 = vector.load %arg3[%get3A_14, %get3A_15] : memref<512x1xf32, #tpu.memory_space<vmem>>, vector<512x1xf32>
    %sub3A = vector.broadcast %get3A_16 : vector<512x1xf32> to vector<512x2048xf32>
    %sub3A_17 = arith.subf %get3A_13, %sub3A : vector<512x2048xf32>
    %exp3A = math.exp %sub3A_17 : vector<512x2048xf32>
    %get3A_18 = arith.constant 0 : index
    %get3A_19 = arith.constant 0 : index
    %get3A_20 = vector.load %arg2[%get3A_18, %get3A_19] : memref<512x128xf32, #tpu.memory_space<vmem>>, vector<512x128xf32>
    %dot_general3A = arith.constant dense<0.000000e+00> : vector<512x2048xf32>
    %dot_general3A_21 = tpu.matmul %get3A_20, %mul3A_10, %dot_general3A {dimension_numbers = #tpu.dot_dimension_numbers<[1], [1], [0], [0], [0, 0, 1, 0], [], []>, transpose_lhs_hint = false} : vector<512x128xf32>, vector<2048x128xf32>, vector<512x2048xf32> -> vector<512x2048xf32>
    %get3A_22 = arith.constant 0 : index
    %get3A_23 = arith.constant 0 : index
    %get3A_24 = vector.load %arg1[%get3A_22, %get3A_23] : memref<512x512xf32, #tpu.memory_space<vmem>>, vector<512x512xf32>
    %dot_general3A_25 = arith.constant dense<0.000000e+00> : vector<512x2048xf32>
    %dot_general3A_26 = tpu.matmul %get3A_24, %exp3A, %dot_general3A_25 {dimension_numbers = #tpu.dot_dimension_numbers<[1], [0], [0], [1], [0, 0, 1, 1], [], []>, transpose_lhs_hint = false} : vector<512x512xf32>, vector<512x2048xf32>, vector<512x2048xf32> -> vector<512x2048xf32>
    %add3A = arith.addf %dot_general3A_21, %dot_general3A_26 : vector<512x2048xf32>
    %swap3A = arith.constant 0 : index
    %swap3A_27 = arith.constant 0 : index
    %swap3A_28 = vector.load %arg6[%swap3A, %swap3A_27] : memref<512x2048xf32, #tpu.memory_space<vmem>>, vector<512x2048xf32>
    tpu.vector_store %arg6[%swap3A, %swap3A_27], %add3A {strides = array<i32>} : memref<512x2048xf32, #tpu.memory_space<vmem>>, vector<512x2048xf32>,
    return
  }
  func.func @transform_0(%arg0: i32) -> (i32, i32) {
    %c0_i32 = arith.constant 0 : i32
    %c0_i32_0 = arith.constant 0 : i32
    %c0_i32_1 = arith.constant 0 : i32
    return %c0_i32, %c0_i32_0 : i32, i32
  }
  func.func @transform_1(%arg0: i32) -> (i32, i32) {
    %c0_i32 = arith.constant 0 : i32
    %c0_i32_0 = arith.constant 0 : i32
    %c0_i32_1 = arith.constant 0 : i32
    return %c0_i32, %c0_i32_0 : i32, i32
  }
  func.func @transform_2(%arg0: i32) -> (i32, i32) {
    %c0_i32 = arith.constant 0 : i32
    %c0_i32_0 = arith.constant 0 : i32
    %c0_i32_1 = arith.constant 0 : i32
    return %c0_i32, %c0_i32_0 : i32, i32
  }
  func.func @transform_3(%arg0: i32) -> (i32, i32) {
    %c0_i32 = arith.constant 0 : i32
    %c0_i32_0 = arith.constant 0 : i32
    return %c0_i32, %arg0 : i32, i32
  }
  func.func @transform_4(%arg0: i32) -> (i32, i32) {
    %c0_i32 = arith.constant 0 : i32
    %c0_i32_0 = arith.constant 0 : i32
    return %arg0, %c0_i32 : i32, i32
  }
  func.func @transform_5(%arg0: i32) -> (i32, i32) {
    %c0_i32 = arith.constant 0 : i32
    %c0_i32_0 = arith.constant 0 : i32
    return %c0_i32, %arg0 : i32, i32
  }
}

</mosaic_0001>

<sc_bundles>
// kernel: gather_offload_async_start.1
scs
__scs_entry_jumppad:
0x0: {  	(pc) =	sbr.rel $0x88, $3  }
0x1: {  	(tag) =	ssettag $0x0;
	lr =	simm.s32 $0x1  }
0x2: {  	[smem:$0x3F7C] =	sst lr;
	_ =	strace $0xD0000000  }
0x3: {  	_ = 	snop  }
0x4: {  	_ = 	snop  }
0x5: {  	_ = 	snop  }
0x6: {  	_ = 	snop  }
0x7: {  	_ = 	snop  }
__scs_overlays_trampoline_lowered:
0x8: {  	[smem:$0x3F8B] =	sst s0  }
0x9: {  	[smem:$0x3F8C] =	sst s1  }
0xa: {  	[smem:$0x3F8D] =	sst s2  }
0xb: {  	[smem:$0x3F8E] =	sst s3  }
0xc: {  	[smem:$0x3F8F] =	sst s4  }
0xd: {  	[smem:$0x3F90] =	sst s5  }
0xe: {  	[smem:$0x3F91] =	sst s6  }
0xf: {  	[smem:$0x3F92] =	sst s7  }
0x10: {  	[smem:$0x3F93] =	sst s8  }
0x11: {  	[smem:$0x3F94] =	sst s9;
	s0 =	simm.s32 @!p0 $0x0  }
0x12: {  	s1 =	sld [smem:$0x3F7A];
	s0 =	simm.s32 @p0 $0x1  }
0x13: {  	[smem:$0x3F95] =	sst s0;
	s0 =	simm.s32 @!p1 $0x0  }
0x14: {  	s2 =	sld [smem:$0x3F79];
	s0 =	simm.s32 @p1 $0x1  }
0x15: {  	[smem:$0x3F96] =	sst s0;
	s0 =	simm.s32 @!p2 $0x0  }
0x16: {  	s3 =	sld [smem:$0x3FDB];
	s0 =	simm.s32 @p2 $0x1  }
0x17: {  	s4 =	simm.s32 $0x1BF5;
	[smem:$0x3F98] =	sst s0  }
0x18: {  	s0 =	sld [smem:$0x3F7B];
	_ =	swait.ge [sflag:s4], $0x0  }
0x19: {  	s7 =	sld [smem:$0x3F7C]  }
0x1a: {  	s8 =	sadd.s32 $0xFFFFE003, lr  }
0x1b: {  	s9 =	sadd.s32 $0xFFFFFEF7, lr;
	s5 =	simm.s32 $0xFFFFFFFF;
	p2 =	slt.u32 s8, $0xFFFFF086  }
0x1c: {  	p1 =	slt.u32 s9, $0xF7A;
	s5 =	simm.s32 @!p2 $0x0  }
0x1d: {  	s5 =	simm.s32 @p1 $0x1;
	p0 =	seq.s32 s7, s2  }
0x1e: {  	s7 =	smul.u32 @!p0 $0xF7A, s2;
	p2 =	seq.s32 @!p0 s5, $0x0  }
0x1f: {  	s9 =	smul.u32 $0xF7A, s1;
	s8 =	simm.s32 @!p0 $0x1BF5;
	p2 =	por !p2, p0  }
0x20: {  	[sflag:s8] =	ssyncset.s32 @!p0 $0xFFFFF086;
	s6 =	sadd.s32 @!p0 s3, s7;
	s7 =	simm.s32 @!p0 $0x108  }
0x21: {  	s3 =	sadd.s32 s3, s9;
	s6 =	sadd.s32 @!p0 $0x88, s6;
	s7 =	simm.s32 @p2 $0x1082  }
0x22: {  	[simem:s7], [sflag:s8] =	dma.local @!p0 [hbm:s6], $0xF7A  }
0x23: {  	s9 =	sor.u32 $0xD0000000, s2;
	s6 =	simm.s32 $0x108;
	_ =	swait.ge @!p0 [sflag:s8], $0x0  }
0x24: {  	s3 =	sadd.s32 $0x88, s3;
	s6 =	simm.s32 @!p1 $0x1082;
	[sflag:s4] =	ssyncset.s32 $0xFFFFF086  }
0x25: {  	[simem:s6], [sflag:s4] =	dma.local [hbm:s3], $0xF7A  }
0x26: {  	[smem:$0x3F7C] =	sst s1;
	(tag) =	ssettag s2;
	_ =	strace s9  }
0x27: {  	s1 =	sld [smem:$0x3F8C]  }
0x28: {  	s2 =	sld [smem:$0x3F8D]  }
0x29: {  	s4 =	sld [smem:$0x3F8F]  }
0x2a: {  	p0 =	seq.s32 s5, $0x0;
	s5 =	sld [smem:$0x3F90]  }
0x2b: {  	s6 =	sld [smem:$0x3F91]  }
0x2c: {  	s7 =	sld [smem:$0x3F92]  }
0x2d: {  	s3 =	simm.s32 $0x108;
	s8 =	sld [smem:$0x3F93]  }
0x2e: {  	s3 =	simm.s32 @!p0 $0x1082;
	s9 =	sld [smem:$0x3F94]  }
0x2f: {  	lr =	sadd.s32 s0, s3;
	s0 =	sld [smem:$0x3F8B]  }
0x30: {  	s3 =	sld [smem:$0x3F8E]  }
0x31: {  	[smem:$0x3F97] =	sst s10  }
0x32: {  	s10 =	sld [smem:$0x3F95];
	_ =	sdelay $0x3  }
0x33: {  	p0 =	seq.s32 s10, $0x1;
	s10 =	sld [smem:$0x3F97];
	_ =	sdelay $0x3  }
0x34: {  	[smem:$0x3F97] =	sst s10  }
0x35: {  	s10 =	sld [smem:$0x3F96];
	_ =	sdelay $0x3  }
0x36: {  	p1 =	seq.s32 s10, $0x1;
	s10 =	sld [smem:$0x3F97];
	_ =	sdelay $0x3  }
0x37: {  	[smem:$0x3F97] =	sst s10  }
0x38: {  	s10 =	sld [smem:$0x3F98]  }
0x39: {  	_ = 	snop;
	(pc) =	sbr.ind lr, $3  }
0x3a: {  	_ = 	snop  }
0x3b: {  	_ = 	snop  }
0x3c: {  	p2 =	seq.s32 s10, $0x1;
	s10 =	sld [smem:$0x3F97]  }
0x3d: {  	_ =	shalt  }
0x3e: {  	_ =	shalt  }
0x3f: {  	_ =	shalt  }
0x40: {  	_ =	shalt  }
0x41: {  	_ =	shalt  }
0x42: {  	_ =	shalt  }
0x43: {  	_ =	shalt  }
0x44: {  	_ =	shalt  }
0x45: {  	_ =	shalt  }
0x46: {  	_ =	shalt  }
0x47: {  	_ =	shalt  }
0x48: {  	_ =	shalt  }
0x49: {  	_ =	shalt  }
0x4a: {  	_ =	shalt  }
0x4b: {  	_ =	shalt  }
0x4c: {  	_ =	shalt  }
0x4d: {  	_ =	shalt  }
0x4e: {  	_ =	shalt  }
0x4f: {  	_ =	shalt  }
0x50: {  	_ =	shalt  }
0x51: {  	_ =	shalt  }
0x52: {  	_ =	shalt  }
0x53: {  	_ =	shalt  }
0x54: {  	_ =	shalt  }
0x55: {  	_ =	shalt  }
0x56: {  	_ =	shalt  }
0x57: {  	_ =	shalt  }
0x58: {  	_ =	shalt  }
0x59: {  	_ =	shalt  }
0x5a: {  	_ =	shalt  }
0x5b: {  	_ =	shalt  }
0x5c: {  	_ =	shalt  }
0x5d: {  	_ =	shalt  }
0x5e: {  	_ =	shalt  }
0x5f: {  	_ =	shalt  }
0x60: {  	_ =	shalt  }
0x61: {  	_ =	shalt  }
0x62: {  	_ =	shalt  }
0x63: {  	_ =	shalt  }
0x64: {  	_ =	shalt  }
0x65: {  	_ =	shalt  }
0x66: {  	_ =	shalt  }
0x67: {  	_ =	shalt  }
0x68: {  	_ =	shalt  }
0x69: {  	_ =	shalt  }
0x6a: {  	_ =	shalt  }
0x6b: {  	_ =	shalt  }
0x6c: {  	_ =	shalt  }
0x6d: {  	_ =	shalt  }
0x6e: {  	_ =	shalt  }
0x6f: {  	_ =	shalt  }
0x70: {  	_ =	shalt  }
0x71: {  	_ =	shalt  }
0x72: {  	_ =	shalt  }
0x73: {  	_ =	shalt  }
0x74: {  	_ =	shalt  }
0x75: {  	_ =	shalt  }
0x76: {  	_ =	shalt  }
0x77: {  	_ =	shalt  }
0x78: {  	_ =	shalt  }
0x79: {  	_ =	shalt  }
0x7a: {  	_ =	shalt  }
0x7b: {  	_ =	shalt  }
0x7c: {  	_ =	shalt  }
0x7d: {  	_ =	shalt  }
0x7e: {  	_ =	shalt  }
0x7f: {  	_ =	shalt  }
0x80: {  	_ =	shalt  }
0x81: {  	_ =	shalt  }
0x82: {  	_ =	shalt  }
0x83: {  	_ =	shalt  }
0x84: {  	_ =	shalt  }
0x85: {  	_ =	shalt  }
0x86: {  	_ =	shalt  }
0x87: {  	_ =	shalt  }
.Lfunc_end0:
.L_simem_size_0:
called_computation.6_lowered:
.L_overlay_start_0:
0x88: {  	s0 =	sld [smem:$0x3FD9]  }
0x89: {  	s1 =	sld [smem:$0x3FFE];
	_ =	sdelay $0x3  }
0x8a: {  	s0 =	sadd.s32 s1, s0  }
0x8b: {  	[smem:$0x3FA3] =	sst s0  }
0x8c: {  	_ = 	snop  }
0x8d: {  	s0 =	sld [smem:$0x3FB3]  }
0x8e: {  	s16 =	sld [smem:$0x3FD0];
	(tm) =	ssettm $0x1  }
0x8f: {  	s2 =	sld [smem:$0x3FFB];
	_ =	sdelay $0x3  }
0x90: {  	_ =	strace s2  }
0x91: {  	s2 =	sld [smem:$0x3FFC];
	_ =	sdelay $0x3  }
0x92: {  	_ =	strace s2  }
0x93: {  	s2 =	sld [smem:$0x3FFD];
	_ =	sdelay $0x3  }
0x94: {  	_ =	strace s2  }
0x95: {  	_ =	strace $0x8FFFFFFF  }
0x96: {  	s17 =	sld [smem:$0x3FDB];
	_ =	sdelay $0x1  }
0x97: {  	s3 =	simm.s32 $_scs_section_size  }
0x98: {  	s4 =	simm.s32 $_size__tile_overlayer_lowered;
	s5 =	simm.s32 $_tile_overlayer_lowered  }
0x99: {  	s20 =	simm.s32 $0x1BFF;
	s19 =	sshll.u32 s5, $0x1;
	s2 =	sadd.s32 s3, s17  }
0x9a: {  	s6 =	simm.s32 $0x0;
	s18 =	sshll.u32 s4, $0x1;
	s4 =	sadd.s32 s19, s2  }
0x9b: {  	[timem:s6], [sflag:s20] =	dma.local [hbm:s4], s18  }
0x9c: {  	_ =	swait.ge [sflag:s20], s18  }
0x9d: {  	s3 =	ssub.s32 $0x0, s18;
	[sflag:s20] =	ssyncset.done $0x0  }
0x9e: {  	[sflag:s20] =	ssyncadd.s32 s3;
	_ =	sdelay $0x1  }
0x9f: {  	s21 =	simm.s32 $0x1B8B  }
0xa0: {  	_ =	swait.ge [sflag:s21], $0x1  }
0xa1: {  	[sflag:s21] =	ssyncset.done $0x0  }
0xa2: {  	s23 =	simm.s32 $0x1B8E;
	s22 =	sld [smem:$0x3FFE];
	[sflag:s21] =	ssyncadd.s32 $0xFFFFFFFF  }
0xa3: {  	s24 =	simm.s32 $execute0_lowered;
	[smem:$0x3FD2] =	sst s23  }
0xa4: {  	s4 =	sshll.u32 s24, $0x1;
	_ =	strace $0x8000004F;
	[dreg:$0x1] =	wrdreg $0xFFFFFFFF  }
0xa5: {  	s25 =	simm.s32 $_size_execute0_lowered;
	s2 =	sadd.s32 s2, s4;
	[dreg:$0x0] =	wrdreg $0x0  }
0xa6: {  	s4 =	sshll.u32 s25, $0x1;
	[dreg:$0x2] =	wrdreg s2  }
0xa7: {  	[dreg:$0x3] =	wrdreg s4  }
0xa8: {  	[dreg:$0x4] =	wrdreg $0xC0  }
0xa9: {  	_ =	task [dreg:s6], $0x5FFFF  }
0xaa: {  	[dreg:$0x1] =	wrdreg $0xFFFFFFFF  }
0xab: {  	[dreg:$0x0] =	wrdreg $0x60  }
0xac: {  	[dreg:$0x2] =	wrdreg s0  }
0xad: {  	[dreg:$0x3] =	wrdreg s22  }
0xae: {  	[dreg:$0x4] =	wrdreg s16  }
0xaf: {  	[dreg:$0x5] =	wrdreg $0x9  }
0xb0: {  	_ =	task.clear_ibuf [dreg:s6], $0x6FFFF;
	_ =	strace $0x9000004F  }
0xb1: {  	s26 =	simm.s32 $0x9;
	_ =	strace $0x80000051  }
0xb2: {  	_ =	swait.ge [sflag:s26], $0x1  }
0xb3: {  	[sflag:s26] =	ssyncadd.s32 $0xFFFFFFFF  }
0xb4: {  	_ =	strace $0x90000051  }
0xb5: {  	_ =	sfence  }
0xb6: {  	s28 =	sld [smem:$0x0];
	_ =	sdelay $0x1  }
0xb7: {  	s29 =	srdreg.scid  }
0xb8: {  	s30 =	sshll.u32 s29, $0xD;
	s31 =	sshrl.u32 s29, $0x2  }
0xb9: {  	s1 =	sand.u32 $0x1, s29;
	s2 =	sand.u32 $0x4000, s30;
	s0 =	sadd.s32 s31, s28  }
0xba: {  	s1 =	sor.u32 s2, s1;
	s0 =	sshll.u32 s0, $0x11  }
0xbb: {  	s0 =	sor.u32 s0, s1  }
0xbc: {  	s0 =	sadd.s32 $0x8F2B, s0  }
0xbd: {  	[sflag:s0] =	ssyncadd.remote.s32 $0x1  }
0xbe: {  	_ =	sfence.sel $0xFFFF  }
0xbf: {  	[dreg:$0x0] =	wrdreg $0xFFFFFFFF;
	(pc) =	sbr.abs _section_cstart, $3  }
0xc0: {  	[dreg:$0x1] =	wrdreg $0xFFFFFFFF  }
0xc1: {  	_ =	task.clear_ibuf [dreg:s6], $0x2FFFF;
	_ =	strace $0x9FFFFFFF  }
0xc2: {  	(tm) =	ssettm $0x7FFFFFFF  }
0xc3: {  	_ =	shalt  }
tec
execute0_lowered:
.L_overlay_start_1:
0x0: {  	(tag) =	ssettag $0x1  }
0x1: {  	s0 =	stileid.u32  }
0x2: {  	s1 =	smin.u32 s0, $0x9  }
0x3: {  	s1 =	sadd.s32 s0, s1  }
0x4: {  	s2 =	simm.s32 $0x320;
	p0 =	slt.u32 s0, $0x9;
	s1 =	smul.u32 $0x190, s1  }
0x5: {  	s2 =	simm.s32 @!p0 $0x190  }
0x6: {  	s2 =	sadd.s32 s2, s1  }
0x7: {  	s3 =	smin.u32 s2, $0x2710  }
0x8: {  	s7 =	ssub.s32 s3, s1  }
0x9: {  	p0 =	sgt.s32 s7, $0x0  }
0xa: {  	s7 =	simm.s32 @!p0 $0x0  }
0xb: {  	s31 =	sand.u32 $0xFFF0, s7  }
0xc: {  	s4 =	rddreg [dreg:$0x0];
	s2 =	sshrl.u32 s31, $0x4  }
0xd: {  	s9 =	rddreg [dreg:$0x1];
	s2 =	smul.u32 $0xA3E, s2  }
0xe: {  	s5 =	rddreg [dreg:$0x2]  }
0xf: {  	s6 =	simm.s32 $0x1;
	s11 =	simm.s32 $0x3;
	s8 =	sshrl.u32 s2, $0x10  }
0x10: {  	s13 =	simm.s32 $0x0;
	s12 =	simm.s32 $0x0;
	s10 =	smul.u32 $0x190, s8  }
.Ltmp0:
0x11: {  	s9 =	sadd.s32 $0x1C00, s9;
	s2 =	rddreg [dreg:$0x3];
	(pc) =	sbr.rel .LBB2_1-.Ltmp0, $4  }
0x12: {  	_ =	strace $0x80000050;
	p0 =	sne.s32 s7, s10;
	s10 =	simm.s32 $0x1  }
0x13: {  	[sflag:s6] =	ssyncpa.u1 $0x0;
	s7 =	simm.s32 $0x2;
	s10 =	simm.s32 @!p0 $0x0  }
0x14: {  	[sflag:s7] =	ssyncpa.u1 $0x0;
	p0 =	por $0x0, $0x0;
	s8 =	sadd.s32 s8, s10  }
0x15: {  	vm0 =	vmmov $0xff;
	vm1 =	vcmask $0x3F20;
	[sflag:s11] =	ssyncpa.u1 $0x0;
	s11 =	smov.u32 s1;
	s10 =	sadd.s32 $0x1, s8  }
.LBB2_6:
0x16: {  	[hbm:s17] =	stream.linear.scatter [tilespmem:s14], [sflag:$0x3], $0x400, $0x38;
	[tilespmem:$0x19320] =	vst v63  }
.LBB2_7:
0x17: {  	s13 =	sadd.s32 $0x190, s11  }
0x18: {  	s15 =	smov.u32 s1;
	p2 =	slt.s32 s13, s3  }
0x19: {  	s15 =	smov.u32 @p2 s13;
	p2 =	sne.s32 s12, s10  }
.Ltmp1:
0x1a: {  	p1 =	slt.u32 s12, $0x2;
	(pc) =	sbr.rel @!p2 .LBB2_8-.Ltmp1, $4  }
0x1b: {  	s14 =	simm.s32 @!p1 $0x3  }
0x1c: {  	s16 =	sadd.s32 $0x1, s12;
	_ =	swait.ge @!p1 [sflag:s14], $0xC800  }
0x1d: {  	p0 =	por !p0, !p0;
	s13 =	smov.u32 s11;
	[sflag:s14] =	ssyncset.done @!p1 $0x0  }
0x1e: {  	s12 =	smov.u32 s16;
	s11 =	smov.u32 s15;
	[sflag:s14] =	ssyncadd.s32 @!p1 $0xFFFF3800  }
.LBB2_1:
0x1f: {  	p1 =	sge.u32 s12, s8  }
0x20: {  	s14 =	sxor.u32 @!p1 $0xFFFFFFFF, s12  }
0x21: {  	s14 =	sand.u32 @!p1 $0x1, s14  }
0x22: {  	s14 =	smul.u32 @!p1 $0x640, s14  }
0x23: {  	s31 =	sadd.s32 $0xFFFFFFFF, s12;
	s15 =	sshrl.u32 @!p1 s11, $0x3  }
0x24: {  	s16 =	sand.u32 @!p1 $0x7, s11;
	s15 =	sadd.s32 @!p1 s9, s15;
	s14 =	sshrl.u32 @!p1 s14, $0x2  }
0x25: {  	[tilespmem:s14], [sflag:$0x2] =	stream.linear.gather @!p1 [hbm4b:s15+s16], $0x190, $0x38;
	[tilespmem:$0x19320] =	vst v63  }
0x26: {  	p1 =	sge.u32 s31, s8  }
.Ltmp2:
0x27: {  	_ = 	snop;
	(pc) =	sbr.rel @p1 .LBB2_7-.Ltmp2, $1  }
0x28: {  	_ =	sdelay $0x3  }
0x29: {  	s14 =	simm.s32 $0x1  }
0x2a: {  	s14 =	simm.s32 @!p0 $0x0  }
0x2b: {  	s15 =	smul.u32 $0x640, s14  }
0x2c: {  	_ =	swait.ge [sflag:s7], $0x190  }
0x2d: {  	[sflag:s7] =	ssyncset.done $0x0;
	s16 =	sshrl.u32 s15, $0x2  }
0x2e: {  	[sflag:s7] =	ssyncadd.s32 $0xFFFFFE70;
	s15 =	sadd.s32 $0x0, s16  }
0x2f: {  	v0 =	vld.msk [tilespmem:s15+$0x0 ss:$0x1], $0xffff;
	_ =	sdelay $0x4  }
0x30: {  	vm2 =	vgt.s32 v0, $0x0  }
0x31: {  	v0 =	vnsel vm2, $0x0, v0  }
0x32: {  	v0 =	vmin.u32 v0, $0x1869F  }
0x33: {  	v0 =	vshll.u32 v0, $0x4  }
0x34: {  	s14 =	smul.u32 $0x32000, s14;
	_ =	sdelay $0x1  }
0x35: {  	s14 =	sshrl.u32 s14, $0x2  }
0x36: {  	s14 =	sor.u32 $0x320, s14  }
0x37: {  	[tilespmem:s14], [sflag:$0x1] =	stream.indirect_vreg.gather [hbm:s4], $0x80, v0, vm0, $0x38;
	[tilespmem:$0x19320] =	vst v63  }
0x38: {  	s17 =	sadd.s32 $0x10, s16;
	s15 =	sadd.s32 $0x400, s14  }
0x39: {  	[tilespmem:s15], [sflag:$0x1] =	stream.indirect_vreg.gather [hbm:s4], $0x80, v0, vm1, $0x38;
	[tilespmem:$0x19320] =	vst v63  }
0x3a: {  	s18 =	simm.s32 $0x80;
	v0 =	vld.msk [tilespmem:s17+$0x0 ss:$0x1], $0xffff;
	s17 =	smov.u32 s14  }
.LBB2_3:
0x3b: {  	p1 =	sne.s32 s18, $0x600;
	_ =	sdelay $0x4  }
0x3c: {  	vm2 =	vgt.s32 v0, $0x0  }
0x3d: {  	v0 =	vnsel vm2, $0x0, v0  }
0x3e: {  	v0 =	vmin.u32 v0, $0x1869F  }
0x3f: {  	v0 =	vshll.u32 v0, $0x4;
	_ =	sdelay $0x3  }
.Ltmp3:
0x40: {  	s19 =	sshra.s32 s18, $0x2;
	s17 =	sadd.s32 $0x800, s17;
	(pc) =	sbr.rel @p1 .LBB2_3-.Ltmp3, $4  }
0x41: {  	[tilespmem:s17], [sflag:$0x1] =	stream.indirect_vreg.gather [hbm:s4], $0x80, v0, vm0, $0x38;
	[tilespmem:$0x19320] =	vst v63  }
0x42: {  	s19 =	sadd.s32 s19, s16;
	s20 =	sadd.s32 $0x400, s17  }
0x43: {  	[tilespmem:s20], [sflag:$0x1] =	stream.indirect_vreg.gather [hbm:s4], $0x80, v0, vm1, $0x38;
	[tilespmem:$0x19320] =	vst v63  }
0x44: {  	s18 =	sadd.s32 $0x40, s18;
	v0 =	vld.msk [tilespmem:s19+$0x0 ss:$0x1], $0xffff  }
0x45: {  	_ =	sdelay $0x3  }
0x46: {  	vm2 =	vgt.s32 v0, $0x0  }
0x47: {  	v0 =	vnsel vm2, $0x0, v0  }
0x48: {  	v0 =	vmin.u32 v0, $0x1869F  }
0x49: {  	v0 =	vshll.u32 v0, $0x4;
	_ =	sdelay $0x3  }
0x4a: {  	s16 =	sadd.s32 $0x800, s17  }
0x4b: {  	[tilespmem:s16], [sflag:$0x1] =	stream.indirect_vreg.gather [hbm:s4], $0x80, v0, vm0, $0x38;
	[tilespmem:$0x19320] =	vst v63  }
0x4c: {  	s16 =	sadd.s32 $0x400, s16  }
0x4d: {  	[tilespmem:s16], [sflag:$0x1] =	stream.indirect_vreg.gather [hbm:s4], $0x80, v0, vm1, $0x38;
	[tilespmem:$0x19320] =	vst v63  }
0x4e: {  	s13 =	sshll.u32 s13, $0x4;
	_ =	swait.ge [sflag:s6], $0xC800  }
0x4f: {  	s13 =	sadd.s32 s13, s5;
	[sflag:s6] =	ssyncset.done $0x0  }
0x50: {  	s17 =	sadd.s32 $0x0, s13;
	s16 =	simm.s32 $0x80;
	[sflag:s6] =	ssyncadd.s32 $0xFFFF3800  }
.LBB2_5:
0x51: {  	[hbm:s17] =	stream.linear.scatter [tilespmem:s14], [sflag:$0x3], $0x400, $0x38;
	[tilespmem:$0x19320] =	vst v63  }
0x52: {  	s17 =	smov.u32 s16;
	s14 =	smov.u32 s15;
	p1 =	sne.s32 s16, $0x1880  }
.Ltmp4:
0x53: {  	s16 =	sadd.s32 $0x80, s16;
	(pc) =	sbr.rel @p1 .LBB2_5-.Ltmp4, $2  }
0x54: {  	_ =	sdelay $0x2  }
0x55: {  	s15 =	sadd.s32 $0x400, s15;
	s17 =	sadd.s32 s17, s13  }
.Ltmp5:
0x56: {  	_ = 	snop;
	(pc) =	sbr.rel .LBB2_6-.Ltmp5, $1  }
0x57: {  	_ =	sdelay $0x3  }
.LBB2_8:
0x58: {  	_ =	sfence.sel $0x180000  }
0x59: {  	s1 =	simm.s32 $0x2;
	[bflag:$0x0] =	sbarrier.arrive $0xFFFF  }
0x5a: {  	s30 =	simm.s32 $0x3;
	[sflag:s1] =	ssyncpa.u1 $0x1  }
0x5b: {  	s31 =	simm.s32 $0x1;
	[sflag:s30] =	ssyncpa.u1 $0x1  }
0x5c: {  	[sflag:s31] =	ssyncpa.u1 $0x1  }
0x5d: {  	p0 =	sne.s32 s0, $0x0;
	_ =	strace $0x90000050  }
0x5e: {  	s0 =	sadd.s32 @!p0 $0x100000, s2;
	[bflag:$0x2] =	sbarrier.arrive $0xFFFF  }
0x5f: {  	[sflag:s0] =	ssyncadd.tile.s32 @!p0 $0x1;
	_ =	shalt  }
.Lfunc_end2:
_tile_overlayer_lowered:
.L_overlay_start_2:
0x60: {  	(tag) =	ssettag $0x2  }
0x61: {  	s0 =	rddreg [dreg:$0x0];
	s2 =	stileid.u32  }
0x62: {  	s1 =	rddreg [dreg:$0x1];
	p0 =	sne.s32 s2, $0x0  }
0x63: {  	s3 =	rddreg [dreg:$0x2];
	[bflag:$0x3] =	sbarrier.arrive $0xFFFF;
	s2 =	simm.s32 @!p0 $0x1C01  }
0x64: {  	[timem:s3], [sflag:s2] =	dma.local @!p0 [hbm:s0], s1  }
0x65: {  	s0 =	simm.s32 @!p0 $0x1  }
0x66: {  	_ =	swait.ge @!p0 [sflag:s0], s1  }
0x67: {  	s1 =	ssub.s32 @!p0 $0x0, s1;
	[sflag:s0] =	ssyncset.done @!p0 $0x0  }
0x68: {  	[sflag:s0] =	ssyncadd.s32 @!p0 s1  }
0x69: {  	[bflag:$0x3] =	sbarrier.arrive $0xFFFF  }
0x6a: {  	_ =	shalt  }

// kernel: gather_offload_async_start.2
scs
__scs_entry_jumppad:
0x0: {  	(pc) =	sbr.rel $0x88, $3  }
0x1: {  	(tag) =	ssettag $0x0;
	lr =	simm.s32 $0x1  }
0x2: {  	[smem:$0x3F7C] =	sst lr;
	_ =	strace $0xD0000000  }
0x3: {  	_ = 	snop  }
0x4: {  	_ = 	snop  }
0x5: {  	_ = 	snop  }
0x6: {  	_ = 	snop  }
0x7: {  	_ = 	snop  }
__scs_overlays_trampoline_lowered:
0x8: {  	[smem:$0x3F8B] =	sst s0  }
0x9: {  	[smem:$0x3F8C] =	sst s1  }
0xa: {  	[smem:$0x3F8D] =	sst s2  }
0xb: {  	[smem:$0x3F8E] =	sst s3  }
0xc: {  	[smem:$0x3F8F] =	sst s4  }
0xd: {  	[smem:$0x3F90] =	sst s5  }
0xe: {  	[smem:$0x3F91] =	sst s6  }
0xf: {  	[smem:$0x3F92] =	sst s7  }
0x10: {  	[smem:$0x3F93] =	sst s8  }
0x11: {  	[smem:$0x3F94] =	sst s9;
	s0 =	simm.s32 @!p0 $0x0  }
0x12: {  	s1 =	sld [smem:$0x3F7A];
	s0 =	simm.s32 @p0 $0x1  }
0x13: {  	[smem:$0x3F95] =	sst s0;
	s0 =	simm.s32 @!p1 $0x0  }
0x14: {  	s2 =	sld [smem:$0x3F79];
	s0 =	simm.s32 @p1 $0x1  }
0x15: {  	[smem:$0x3F96] =	sst s0;
	s0 =	simm.s32 @!p2 $0x0  }
0x16: {  	s3 =	sld [smem:$0x3FDB];
	s0 =	simm.s32 @p2 $0x1  }
0x17: {  	s4 =	simm.s32 $0x1BF5;
	[smem:$0x3F98] =	sst s0  }
0x18: {  	s0 =	sld [smem:$0x3F7B];
	_ =	swait.ge [sflag:s4], $0x0  }
0x19: {  	s7 =	sld [smem:$0x3F7C]  }
0x1a: {  	s8 =	sadd.s32 $0xFFFFE003, lr  }
0x1b: {  	s9 =	sadd.s32 $0xFFFFFEF7, lr;
	s5 =	simm.s32 $0xFFFFFFFF;
	p2 =	slt.u32 s8, $0xFFFFF086  }
0x1c: {  	p1 =	slt.u32 s9, $0xF7A;
	s5 =	simm.s32 @!p2 $0x0  }
0x1d: {  	s5 =	simm.s32 @p1 $0x1;
	p0 =	seq.s32 s7, s2  }
0x1e: {  	s7 =	smul.u32 @!p0 $0xF7A, s2;
	p2 =	seq.s32 @!p0 s5, $0x0  }
0x1f: {  	s9 =	smul.u32 $0xF7A, s1;
	s8 =	simm.s32 @!p0 $0x1BF5;
	p2 =	por !p2, p0  }
0x20: {  	[sflag:s8] =	ssyncset.s32 @!p0 $0xFFFFF086;
	s6 =	sadd.s32 @!p0 s3, s7;
	s7 =	simm.s32 @!p0 $0x108  }
0x21: {  	s3 =	sadd.s32 s3, s9;
	s6 =	sadd.s32 @!p0 $0x88, s6;
	s7 =	simm.s32 @p2 $0x1082  }
0x22: {  	[simem:s7], [sflag:s8] =	dma.local @!p0 [hbm:s6], $0xF7A  }
0x23: {  	s9 =	sor.u32 $0xD0000000, s2;
	s6 =	simm.s32 $0x108;
	_ =	swait.ge @!p0 [sflag:s8], $0x0  }
0x24: {  	s3 =	sadd.s32 $0x88, s3;
	s6 =	simm.s32 @!p1 $0x1082;
	[sflag:s4] =	ssyncset.s32 $0xFFFFF086  }
0x25: {  	[simem:s6], [sflag:s4] =	dma.local [hbm:s3], $0xF7A  }
0x26: {  	[smem:$0x3F7C] =	sst s1;
	(tag) =	ssettag s2;
	_ =	strace s9  }
0x27: {  	s1 =	sld [smem:$0x3F8C]  }
0x28: {  	s2 =	sld [smem:$0x3F8D]  }
0x29: {  	s4 =	sld [smem:$0x3F8F]  }
0x2a: {  	p0 =	seq.s32 s5, $0x0;
	s5 =	sld [smem:$0x3F90]  }
0x2b: {  	s6 =	sld [smem:$0x3F91]  }
0x2c: {  	s7 =	sld [smem:$0x3F92]  }
0x2d: {  	s3 =	simm.s32 $0x108;
	s8 =	sld [smem:$0x3F93]  }
0x2e: {  	s3 =	simm.s32 @!p0 $0x1082;
	s9 =	sld [smem:$0x3F94]  }
0x2f: {  	lr =	sadd.s32 s0, s3;
	s0 =	sld [smem:$0x3F8B]  }
0x30: {  	s3 =	sld [smem:$0x3F8E]  }
0x31: {  	[smem:$0x3F97] =	sst s10  }
0x32: {  	s10 =	sld [smem:$0x3F95];
	_ =	sdelay $0x3  }
0x33: {  	p0 =	seq.s32 s10, $0x1;
	s10 =	sld [smem:$0x3F97];
	_ =	sdelay $0x3  }
0x34: {  	[smem:$0x3F97] =	sst s10  }
0x35: {  	s10 =	sld [smem:$0x3F96];
	_ =	sdelay $0x3  }
0x36: {  	p1 =	seq.s32 s10, $0x1;
	s10 =	sld [smem:$0x3F97];
	_ =	sdelay $0x3  }
0x37: {  	[smem:$0x3F97] =	sst s10  }
0x38: {  	s10 =	sld [smem:$0x3F98]  }
0x39: {  	_ = 	snop;
	(pc) =	sbr.ind lr, $3  }
0x3a: {  	_ = 	snop  }
0x3b: {  	_ = 	snop  }
0x3c: {  	p2 =	seq.s32 s10, $0x1;
	s10 =	sld [smem:$0x3F97]  }
0x3d: {  	_ =	shalt  }
0x3e: {  	_ =	shalt  }
0x3f: {  	_ =	shalt  }
0x40: {  	_ =	shalt  }
0x41: {  	_ =	shalt  }
0x42: {  	_ =	shalt  }
0x43: {  	_ =	shalt  }
0x44: {  	_ =	shalt  }
0x45: {  	_ =	shalt  }
0x46: {  	_ =	shalt  }
0x47: {  	_ =	shalt  }
0x48: {  	_ =	shalt  }
0x49: {  	_ =	shalt  }
0x4a: {  	_ =	shalt  }
0x4b: {  	_ =	shalt  }
0x4c: {  	_ =	shalt  }
0x4d: {  	_ =	shalt  }
0x4e: {  	_ =	shalt  }
0x4f: {  	_ =	shalt  }
0x50: {  	_ =	shalt  }
0x51: {  	_ =	shalt  }
0x52: {  	_ =	shalt  }
0x53: {  	_ =	shalt  }
0x54: {  	_ =	shalt  }
0x55: {  	_ =	shalt  }
0x56: {  	_ =	shalt  }
0x57: {  	_ =	shalt  }
0x58: {  	_ =	shalt  }
0x59: {  	_ =	shalt  }
0x5a: {  	_ =	shalt  }
0x5b: {  	_ =	shalt  }
0x5c: {  	_ =	shalt  }
0x5d: {  	_ =	shalt  }
0x5e: {  	_ =	shalt  }
0x5f: {  	_ =	shalt  }
0x60: {  	_ =	shalt  }
0x61: {  	_ =	shalt  }
0x62: {  	_ =	shalt  }
0x63: {  	_ =	shalt  }
0x64: {  	_ =	shalt  }
0x65: {  	_ =	shalt  }
0x66: {  	_ =	shalt  }
0x67: {  	_ =	shalt  }
0x68: {  	_ =	shalt  }
0x69: {  	_ =	shalt  }
0x6a: {  	_ =	shalt  }
0x6b: {  	_ =	shalt  }
0x6c: {  	_ =	shalt  }
0x6d: {  	_ =	shalt  }
0x6e: {  	_ =	shalt  }
0x6f: {  	_ =	shalt  }
0x70: {  	_ =	shalt  }
0x71: {  	_ =	shalt  }
0x72: {  	_ =	shalt  }
0x73: {  	_ =	shalt  }
0x74: {  	_ =	shalt  }
0x75: {  	_ =	shalt  }
0x76: {  	_ =	shalt  }
0x77: {  	_ =	shalt  }
0x78: {  	_ =	shalt  }
0x79: {  	_ =	shalt  }
0x7a: {  	_ =	shalt  }
0x7b: {  	_ =	shalt  }
0x7c: {  	_ =	shalt  }
0x7d: {  	_ =	shalt  }
0x7e: {  	_ =	shalt  }
0x7f: {  	_ =	shalt  }
0x80: {  	_ =	shalt  }
0x81: {  	_ =	shalt  }
0x82: {  	_ =	shalt  }
0x83: {  	_ =	shalt  }
0x84: {  	_ =	shalt  }
0x85: {  	_ =	shalt  }
0x86: {  	_ =	shalt  }
0x87: {  	_ =	shalt  }
.Lfunc_end0:
.L_simem_size_0:
called_computation.7_lowered:
.L_overlay_start_0:
0x88: {  	s0 =	sld [smem:$0x3FD9]  }
0x89: {  	s1 =	sld [smem:$0x3FFE];
	_ =	sdelay $0x3  }
0x8a: {  	s0 =	sadd.s32 s1, s0  }
0x8b: {  	[smem:$0x3FA3] =	sst s0  }
0x8c: {  	_ = 	snop  }
0x8d: {  	s0 =	sld [smem:$0x3FD0];
	(tm) =	ssettm $0x1  }
0x8e: {  	s16 =	sld [smem:$0x3FFB];
	_ =	sdelay $0x3  }
0x8f: {  	_ =	strace s16  }
0x90: {  	s1 =	sld [smem:$0x3FFC];
	_ =	sdelay $0x3  }
0x91: {  	_ =	strace s1  }
0x92: {  	s1 =	sld [smem:$0x3FFD];
	_ =	sdelay $0x3  }
0x93: {  	_ =	strace s1  }
0x94: {  	_ =	strace $0x8FFFFFFF  }
0x95: {  	s17 =	sld [smem:$0x3FDB];
	_ =	sdelay $0x1  }
0x96: {  	s2 =	simm.s32 $_scs_section_size  }
0x97: {  	s3 =	simm.s32 $_size__tile_overlayer_lowered;
	s4 =	simm.s32 $_tile_overlayer_lowered  }
0x98: {  	s20 =	simm.s32 $0x1BFF;
	s19 =	sshll.u32 s4, $0x1;
	s1 =	sadd.s32 s2, s17  }
0x99: {  	s5 =	simm.s32 $0x0;
	s18 =	sshll.u32 s3, $0x1;
	s3 =	sadd.s32 s19, s1  }
0x9a: {  	[timem:s5], [sflag:s20] =	dma.local [hbm:s3], s18  }
0x9b: {  	_ =	swait.ge [sflag:s20], s18  }
0x9c: {  	s2 =	ssub.s32 $0x0, s18;
	[sflag:s20] =	ssyncset.done $0x0  }
0x9d: {  	[sflag:s20] =	ssyncadd.s32 s2;
	_ =	sdelay $0x1  }
0x9e: {  	s21 =	simm.s32 $0x1B8B  }
0x9f: {  	_ =	swait.ge [sflag:s21], $0x1  }
0xa0: {  	[sflag:s21] =	ssyncset.done $0x0  }
0xa1: {  	s23 =	simm.s32 $0x1B8E;
	s22 =	sld [smem:$0x3FFE];
	[sflag:s21] =	ssyncadd.s32 $0xFFFFFFFF  }
0xa2: {  	s24 =	simm.s32 $execute0_lowered;
	[smem:$0x3FD2] =	sst s23  }
0xa3: {  	s3 =	sshll.u32 s24, $0x1;
	_ =	strace $0x80000046;
	[dreg:$0x1] =	wrdreg $0xFFFFFFFF  }
0xa4: {  	s25 =	simm.s32 $_size_execute0_lowered;
	s1 =	sadd.s32 s1, s3;
	[dreg:$0x0] =	wrdreg $0x0  }
0xa5: {  	s3 =	sshll.u32 s25, $0x1;
	[dreg:$0x2] =	wrdreg s1  }
0xa6: {  	[dreg:$0x3] =	wrdreg s3  }
0xa7: {  	[dreg:$0x4] =	wrdreg $0xC0  }
0xa8: {  	_ =	task [dreg:s5], $0x5FFFF  }
0xa9: {  	[dreg:$0x1] =	wrdreg $0xFFFFFFFF  }
0xaa: {  	[dreg:$0x0] =	wrdreg $0x60  }
0xab: {  	[dreg:$0x2] =	wrdreg s0  }
0xac: {  	[dreg:$0x3] =	wrdreg s22  }
0xad: {  	[dreg:$0x4] =	wrdreg $0x9  }
0xae: {  	_ =	task.clear_ibuf [dreg:s5], $0x5FFFF;
	_ =	strace $0x90000046  }
0xaf: {  	s26 =	simm.s32 $0x9;
	_ =	strace $0x80000048  }
0xb0: {  	_ =	swait.ge [sflag:s26], $0x1  }
0xb1: {  	[sflag:s26] =	ssyncadd.s32 $0xFFFFFFFF  }
0xb2: {  	_ =	strace $0x90000048  }
0xb3: {  	_ =	sfence  }
0xb4: {  	s28 =	sld [smem:$0x0];
	_ =	sdelay $0x1  }
0xb5: {  	s29 =	srdreg.scid  }
0xb6: {  	s30 =	sshll.u32 s29, $0xD;
	s31 =	sshrl.u32 s29, $0x2  }
0xb7: {  	s2 =	sand.u32 $0x4000, s30;
	s1 =	sand.u32 $0x1, s29;
	s0 =	sadd.s32 s31, s28  }
0xb8: {  	s1 =	sor.u32 s2, s1;
	s0 =	sshll.u32 s0, $0x11  }
0xb9: {  	s0 =	sor.u32 s0, s1  }
0xba: {  	s0 =	sadd.s32 $0x8F2B, s0  }
0xbb: {  	[sflag:s0] =	ssyncadd.remote.s32 $0x1  }
0xbc: {  	_ =	sfence.sel $0xFFFF  }
0xbd: {  	[dreg:$0x0] =	wrdreg $0xFFFFFFFF;
	(pc) =	sbr.abs _section_cstart, $3  }
0xbe: {  	[dreg:$0x1] =	wrdreg $0xFFFFFFFF  }
0xbf: {  	_ =	task.clear_ibuf [dreg:s5], $0x2FFFF;
	_ =	strace $0x9FFFFFFF  }
0xc0: {  	(tm) =	ssettm $0x7FFFFFFF  }
0xc1: {  	_ =	shalt  }
tec
execute0_lowered:
.L_overlay_start_1:
0x0: {  	(tag) =	ssettag $0x1  }
0x1: {  	s2 =	rddreg [dreg:$0x0]  }
0x2: {  	s8 =	rddreg [dreg:$0x1]  }
0x3: {  	s0 =	rddreg [dreg:$0x2]  }
0x4: {  	_ =	strace $0x80000047;
	s4 =	simm.s32 $0x1;
	s1 =	stileid.u32  }
0x5: {  	s7 =	simm.s32 $0x1;
	s9 =	simm.s32 $0x1;
	s6 =	simm.s32 $0x2  }
0x6: {  	s10 =	simm.s32 $0x3;
	s13 =	simm.s32 $0x0;
	s12 =	simm.s32 $0x0  }
.Ltmp0:
0x7: {  	s3 =	sadd.s32 $0x2800, s8;
	p0 =	slt.u32 s1, $0xA;
	(pc) =	sbr.rel .LBB2_1-.Ltmp0, $4  }
0x8: {  	[sflag:s4] =	ssyncpa.u1 $0x0;
	s7 =	simm.s32 @!p0 $0x0;
	p0 =	sne.s32 s1, $0x9  }
0x9: {  	s5 =	smul.u32 $0x190, s1;
	[sflag:s6] =	ssyncpa.u1 $0x0;
	s9 =	simm.s32 @!p0 $0x0  }
0xa: {  	s8 =	sadd.s32 $0x5600, s8;
	[sflag:s10] =	ssyncpa.u1 $0x0;
	s7 =	sadd.s32 s9, s7  }
0xb: {  	vm0 =	vmmov $0xffff;
	s10 =	simm.s32 $0x0;
	s11 =	smov.u32 s5;
	s9 =	sadd.s32 $0x1, s7  }
.LBB2_4:
0xc: {  	v2 =	vnsel vm1, $0x0, v2  }
0xd: {  	vm1 =	vgt.s32 v0, $0x0;
	v2 =	vmin.u32 v2, $0x270F  }
0xe: {  	v0 =	vnsel vm1, $0x0, v0  }
0xf: {  	v0 =	vmin.u32 v0, $0x270F  }
0x10: {  	[tilespmem:s18], [sflag:$0x1] =	stream.indirect_vreg.gather [hbm4b:s2+s10], $0x1, v1, vm0, $0x4038;
	[tilespmem:$0x640] =	vst v63  }
0x11: {  	(ifvalue) =	ssetifvalue $0x7FFFFFFF  }
0x12: {  	[tilespmem:s15], [sflag:$0x1] =	stream.indirect_vreg.gather [hbm4b:s2+s10], $0x1, v2, vm0, $0x4038;
	[tilespmem:$0x640] =	vst v63  }
0x13: {  	s29 =	sadd.s32 $0x10, s15;
	(ifvalue) =	ssetifvalue $0x7FFFFFFF  }
0x14: {  	[tilespmem:s29], [sflag:$0x1] =	stream.indirect_vreg.gather [hbm4b:s2+s10], $0x1, v0, vm0, $0x4038;
	[tilespmem:$0x640] =	vst v63  }
0x15: {  	_ =	swait.ge [sflag:s4], $0x190  }
0x16: {  	s30 =	sshrl.u32 s13, $0x3;
	[sflag:s4] =	ssyncset.done $0x0  }
0x17: {  	s31 =	sand.u32 $0x7, s13;
	s15 =	sadd.s32 s8, s30;
	[sflag:s4] =	ssyncadd.s32 $0xFFFFFE70  }
0x18: {  	[hbm4b:s15+s31] =	stream.linear.scatter [tilespmem:s14], [sflag:$0x3], $0x190, $0x38;
	[tilespmem:$0x640] =	vst v63  }
.LBB2_5:
0x19: {  	s15 =	sadd.s32 $0x1900, s11  }
0x1a: {  	p1 =	sgt.s32 s15, $0x270F  }
0x1b: {  	s15 =	smov.u32 @p1 s5;
	p1 =	sne.s32 s12, s9  }
.Ltmp1:
0x1c: {  	p0 =	slt.u32 s12, $0x2;
	(pc) =	sbr.rel @!p1 .LBB2_6-.Ltmp1, $4  }
0x1d: {  	s14 =	simm.s32 @!p0 $0x3  }
0x1e: {  	_ =	swait.ge @!p0 [sflag:s14], $0x190  }
0x1f: {  	s16 =	sadd.s32 $0x1, s12;
	s13 =	smov.u32 s11;
	[sflag:s14] =	ssyncset.done @!p0 $0x0  }
0x20: {  	s12 =	smov.u32 s16;
	s11 =	smov.u32 s15;
	[sflag:s14] =	ssyncadd.s32 @!p0 $0xFFFFFE70  }
.LBB2_1:
0x21: {  	p0 =	sge.u32 s12, s7  }
0x22: {  	s14 =	sxor.u32 @!p0 $0x1, s12  }
0x23: {  	s14 =	smul.u32 @!p0 $0x640, s14  }
0x24: {  	s31 =	sadd.s32 $0xFFFFFFFF, s12;
	s15 =	sshrl.u32 @!p0 s11, $0x3  }
0x25: {  	s16 =	sand.u32 @!p0 $0x7, s11;
	s15 =	sadd.s32 @!p0 s3, s15;
	s14 =	sshra.s32 @!p0 s14, $0x2  }
0x26: {  	[tilespmem:s14], [sflag:$0x2] =	stream.linear.gather @!p0 [hbm4b:s15+s16], $0x190, $0x38;
	[tilespmem:$0x640] =	vst v63  }
0x27: {  	p0 =	sge.u32 s31, s7  }
.Ltmp2:
0x28: {  	_ = 	snop;
	(pc) =	sbr.rel @p0 .LBB2_5-.Ltmp2, $1  }
0x29: {  	_ =	sdelay $0x3  }
0x2a: {  	s14 =	sand.u32 $0x1, s12  }
0x2b: {  	_ =	swait.ge [sflag:s6], $0x190;
	p0 =	seq.s32 s14, $0x1;
	s14 =	simm.s32 $0x190  }
0x2c: {  	[sflag:s6] =	ssyncset.done $0x0;
	s14 =	simm.s32 @!p0 $0x0  }
0x2d: {  	[sflag:s6] =	ssyncadd.s32 $0xFFFFFE70;
	(ifvalue) =	ssetifvalue $0x7FFFFFFF;
	v0 =	vld.msk [tilespmem:s14+$0x0 ss:$0x1], $0xffff;
	_ =	sdelay $0x4  }
0x2e: {  	s15 =	sadd.s32 $0x10, s14;
	vm1 =	vgt.s32 v0, $0x0  }
0x2f: {  	v2 =	vld.msk [tilespmem:s15+$0x0 ss:$0x1], $0xffff;
	v1 =	vnsel vm1, $0x0, v0  }
0x30: {  	v1 =	vmin.u32 v1, $0x270F;
	_ =	sdelay $0x2  }
0x31: {  	s17 =	simm.s32 $0x20;
	s14 =	sadd.s32 $0x320, s14;
	s16 =	sadd.s32 $0x10, s15  }
0x32: {  	s15 =	sadd.s32 $0x10, s14;
	s18 =	smov.u32 s14;
	v0 =	vld.msk [tilespmem:s16+$0x0 ss:$0x1], $0xffff;
	vm1 =	vgt.s32 v2, $0x0;
	(ifvalue) =	ssetifvalue $0x7FFFFFFF  }
.LBB2_3:
0x33: {  	[tilespmem:s18], [sflag:$0x1] =	stream.indirect_vreg.gather [hbm4b:s2+s10], $0x1, v1, vm0, $0x4038;
	[tilespmem:$0x640] =	vst v63  }
0x34: {  	s17 =	sadd.s32 $0x10, s17  }
0x35: {  	v2 =	vnsel vm1, $0x0, v2;
	p0 =	slt.u32 s17, $0x180  }
.Ltmp3:
0x36: {  	s18 =	smov.u32 s15;
	v1 =	vmin.u32 v2, $0x270F;
	(pc) =	sbr.rel @p0 .LBB2_3-.Ltmp3, $3  }
0x37: {  	_ =	sdelay $0x1  }
0x38: {  	s16 =	sadd.s32 $0x10, s16  }
0x39: {  	vm1 =	vgt.s32 v0, $0x0;
	s15 =	sadd.s32 $0x10, s15;
	v2 =	vmov v0;
	(ifvalue) =	ssetifvalue $0x7FFFFFFF;
	v0 =	vld.msk [tilespmem:s16+$0x0 ss:$0x1], $0xffff  }
.Ltmp4:
0x3a: {  	_ = 	snop;
	(pc) =	sbr.rel .LBB2_4-.Ltmp4, $1  }
0x3b: {  	_ =	sdelay $0x3  }
.LBB2_6:
0x3c: {  	_ =	sfence.sel $0x180000  }
0x3d: {  	s2 =	simm.s32 $0x2;
	[bflag:$0x0] =	sbarrier.arrive $0xFFFF  }
0x3e: {  	s30 =	simm.s32 $0x3;
	[sflag:s2] =	ssyncpa.u1 $0x1  }
0x3f: {  	s31 =	simm.s32 $0x1;
	[sflag:s30] =	ssyncpa.u1 $0x1  }
0x40: {  	[sflag:s31] =	ssyncpa.u1 $0x1  }
0x41: {  	p0 =	sne.s32 s1, $0x0;
	_ =	strace $0x90000047  }
0x42: {  	s0 =	sadd.s32 @!p0 $0x100000, s0;
	[bflag:$0x2] =	sbarrier.arrive $0xFFFF  }
0x43: {  	[sflag:s0] =	ssyncadd.tile.s32 @!p0 $0x1;
	_ =	shalt  }
.Lfunc_end2:
_tile_overlayer_lowered:
.L_overlay_start_2:
0x44: {  	(tag) =	ssettag $0x2  }
0x45: {  	s0 =	rddreg [dreg:$0x0];
	s2 =	stileid.u32  }
0x46: {  	s1 =	rddreg [dreg:$0x1];
	p0 =	sne.s32 s2, $0x0  }
0x47: {  	s3 =	rddreg [dreg:$0x2];
	[bflag:$0x3] =	sbarrier.arrive $0xFFFF;
	s2 =	simm.s32 @!p0 $0x1C01  }
0x48: {  	[timem:s3], [sflag:s2] =	dma.local @!p0 [hbm:s0], s1  }
0x49: {  	s0 =	simm.s32 @!p0 $0x1  }
0x4a: {  	_ =	swait.ge @!p0 [sflag:s0], s1  }
0x4b: {  	s1 =	ssub.s32 @!p0 $0x0, s1;
	[sflag:s0] =	ssyncset.done @!p0 $0x0  }
0x4c: {  	[sflag:s0] =	ssyncadd.s32 @!p0 s1  }
0x4d: {  	[bflag:$0x3] =	sbarrier.arrive $0xFFFF  }
0x4e: {  	_ =	shalt  }

// kernel: gather_offload_async_start.3
scs
__scs_entry_jumppad:
0x0: {  	(pc) =	sbr.rel $0x88, $3  }
0x1: {  	(tag) =	ssettag $0x0;
	lr =	simm.s32 $0x1  }
0x2: {  	[smem:$0x3F7C] =	sst lr;
	_ =	strace $0xD0000000  }
0x3: {  	_ = 	snop  }
0x4: {  	_ = 	snop  }
0x5: {  	_ = 	snop  }
0x6: {  	_ = 	snop  }
0x7: {  	_ = 	snop  }
__scs_overlays_trampoline_lowered:
0x8: {  	[smem:$0x3F8B] =	sst s0  }
0x9: {  	[smem:$0x3F8C] =	sst s1  }
0xa: {  	[smem:$0x3F8D] =	sst s2  }
0xb: {  	[smem:$0x3F8E] =	sst s3  }
0xc: {  	[smem:$0x3F8F] =	sst s4  }
0xd: {  	[smem:$0x3F90] =	sst s5  }
0xe: {  	[smem:$0x3F91] =	sst s6  }
0xf: {  	[smem:$0x3F92] =	sst s7  }
0x10: {  	[smem:$0x3F93] =	sst s8  }
0x11: {  	[smem:$0x3F94] =	sst s9;
	s0 =	simm.s32 @!p0 $0x0  }
0x12: {  	s1 =	sld [smem:$0x3F7A];
	s0 =	simm.s32 @p0 $0x1  }
0x13: {  	[smem:$0x3F95] =	sst s0;
	s0 =	simm.s32 @!p1 $0x0  }
0x14: {  	s2 =	sld [smem:$0x3F79];
	s0 =	simm.s32 @p1 $0x1  }
0x15: {  	[smem:$0x3F96] =	sst s0;
	s0 =	simm.s32 @!p2 $0x0  }
0x16: {  	s3 =	sld [smem:$0x3FDB];
	s0 =	simm.s32 @p2 $0x1  }
0x17: {  	s4 =	simm.s32 $0x1BF5;
	[smem:$0x3F98] =	sst s0  }
0x18: {  	s0 =	sld [smem:$0x3F7B];
	_ =	swait.ge [sflag:s4], $0x0  }
0x19: {  	s7 =	sld [smem:$0x3F7C]  }
0x1a: {  	s8 =	sadd.s32 $0xFFFFE003, lr  }
0x1b: {  	s9 =	sadd.s32 $0xFFFFFEF7, lr;
	s5 =	simm.s32 $0xFFFFFFFF;
	p2 =	slt.u32 s8, $0xFFFFF086  }
0x1c: {  	p1 =	slt.u32 s9, $0xF7A;
	s5 =	simm.s32 @!p2 $0x0  }
0x1d: {  	s5 =	simm.s32 @p1 $0x1;
	p0 =	seq.s32 s7, s2  }
0x1e: {  	s7 =	smul.u32 @!p0 $0xF7A, s2;
	p2 =	seq.s32 @!p0 s5, $0x0  }
0x1f: {  	s9 =	smul.u32 $0xF7A, s1;
	s8 =	simm.s32 @!p0 $0x1BF5;
	p2 =	por !p2, p0  }
0x20: {  	[sflag:s8] =	ssyncset.s32 @!p0 $0xFFFFF086;
	s6 =	sadd.s32 @!p0 s3, s7;
	s7 =	simm.s32 @!p0 $0x108  }
0x21: {  	s3 =	sadd.s32 s3, s9;
	s6 =	sadd.s32 @!p0 $0x88, s6;
	s7 =	simm.s32 @p2 $0x1082  }
0x22: {  	[simem:s7], [sflag:s8] =	dma.local @!p0 [hbm:s6], $0xF7A  }
0x23: {  	s9 =	sor.u32 $0xD0000000, s2;
	s6 =	simm.s32 $0x108;
	_ =	swait.ge @!p0 [sflag:s8], $0x0  }
0x24: {  	s3 =	sadd.s32 $0x88, s3;
	s6 =	simm.s32 @!p1 $0x1082;
	[sflag:s4] =	ssyncset.s32 $0xFFFFF086  }
0x25: {  	[simem:s6], [sflag:s4] =	dma.local [hbm:s3], $0xF7A  }
0x26: {  	[smem:$0x3F7C] =	sst s1;
	(tag) =	ssettag s2;
	_ =	strace s9  }
0x27: {  	s1 =	sld [smem:$0x3F8C]  }
0x28: {  	s2 =	sld [smem:$0x3F8D]  }
0x29: {  	s4 =	sld [smem:$0x3F8F]  }
0x2a: {  	p0 =	seq.s32 s5, $0x0;
	s5 =	sld [smem:$0x3F90]  }
0x2b: {  	s6 =	sld [smem:$0x3F91]  }
0x2c: {  	s7 =	sld [smem:$0x3F92]  }
0x2d: {  	s3 =	simm.s32 $0x108;
	s8 =	sld [smem:$0x3F93]  }
0x2e: {  	s3 =	simm.s32 @!p0 $0x1082;
	s9 =	sld [smem:$0x3F94]  }
0x2f: {  	lr =	sadd.s32 s0, s3;
	s0 =	sld [smem:$0x3F8B]  }
0x30: {  	s3 =	sld [smem:$0x3F8E]  }
0x31: {  	[smem:$0x3F97] =	sst s10  }
0x32: {  	s10 =	sld [smem:$0x3F95];
	_ =	sdelay $0x3  }
0x33: {  	p0 =	seq.s32 s10, $0x1;
	s10 =	sld [smem:$0x3F97];
	_ =	sdelay $0x3  }
0x34: {  	[smem:$0x3F97] =	sst s10  }
0x35: {  	s10 =	sld [smem:$0x3F96];
	_ =	sdelay $0x3  }
0x36: {  	p1 =	seq.s32 s10, $0x1;
	s10 =	sld [smem:$0x3F97];
	_ =	sdelay $0x3  }
0x37: {  	[smem:$0x3F97] =	sst s10  }
0x38: {  	s10 =	sld [smem:$0x3F98]  }
0x39: {  	_ = 	snop;
	(pc) =	sbr.ind lr, $3  }
0x3a: {  	_ = 	snop  }
0x3b: {  	_ = 	snop  }
0x3c: {  	p2 =	seq.s32 s10, $0x1;
	s10 =	sld [smem:$0x3F97]  }
0x3d: {  	_ =	shalt  }
0x3e: {  	_ =	shalt  }
0x3f: {  	_ =	shalt  }
0x40: {  	_ =	shalt  }
0x41: {  	_ =	shalt  }
0x42: {  	_ =	shalt  }
0x43: {  	_ =	shalt  }
0x44: {  	_ =	shalt  }
0x45: {  	_ =	shalt  }
0x46: {  	_ =	shalt  }
0x47: {  	_ =	shalt  }
0x48: {  	_ =	shalt  }
0x49: {  	_ =	shalt  }
0x4a: {  	_ =	shalt  }
0x4b: {  	_ =	shalt  }
0x4c: {  	_ =	shalt  }
0x4d: {  	_ =	shalt  }
0x4e: {  	_ =	shalt  }
0x4f: {  	_ =	shalt  }
0x50: {  	_ =	shalt  }
0x51: {  	_ =	shalt  }
0x52: {  	_ =	shalt  }
0x53: {  	_ =	shalt  }
0x54: {  	_ =	shalt  }
0x55: {  	_ =	shalt  }
0x56: {  	_ =	shalt  }
0x57: {  	_ =	shalt  }
0x58: {  	_ =	shalt  }
0x59: {  	_ =	shalt  }
0x5a: {  	_ =	shalt  }
0x5b: {  	_ =	shalt  }
0x5c: {  	_ =	shalt  }
0x5d: {  	_ =	shalt  }
0x5e: {  	_ =	shalt  }
0x5f: {  	_ =	shalt  }
0x60: {  	_ =	shalt  }
0x61: {  	_ =	shalt  }
0x62: {  	_ =	shalt  }
0x63: {  	_ =	shalt  }
0x64: {  	_ =	shalt  }
0x65: {  	_ =	shalt  }
0x66: {  	_ =	shalt  }
0x67: {  	_ =	shalt  }
0x68: {  	_ =	shalt  }
0x69: {  	_ =	shalt  }
0x6a: {  	_ =	shalt  }
0x6b: {  	_ =	shalt  }
0x6c: {  	_ =	shalt  }
0x6d: {  	_ =	shalt  }
0x6e: {  	_ =	shalt  }
0x6f: {  	_ =	shalt  }
0x70: {  	_ =	shalt  }
0x71: {  	_ =	shalt  }
0x72: {  	_ =	shalt  }
0x73: {  	_ =	shalt  }
0x74: {  	_ =	shalt  }
0x75: {  	_ =	shalt  }
0x76: {  	_ =	shalt  }
0x77: {  	_ =	shalt  }
0x78: {  	_ =	shalt  }
0x79: {  	_ =	shalt  }
0x7a: {  	_ =	shalt  }
0x7b: {  	_ =	shalt  }
0x7c: {  	_ =	shalt  }
0x7d: {  	_ =	shalt  }
0x7e: {  	_ =	shalt  }
0x7f: {  	_ =	shalt  }
0x80: {  	_ =	shalt  }
0x81: {  	_ =	shalt  }
0x82: {  	_ =	shalt  }
0x83: {  	_ =	shalt  }
0x84: {  	_ =	shalt  }
0x85: {  	_ =	shalt  }
0x86: {  	_ =	shalt  }
0x87: {  	_ =	shalt  }
.Lfunc_end0:
.L_simem_size_0:
called_computation.8_lowered:
.L_overlay_start_0:
0x88: {  	s0 =	sld [smem:$0x3FD9]  }
0x89: {  	s1 =	sld [smem:$0x3FFE];
	_ =	sdelay $0x3  }
0x8a: {  	s0 =	sadd.s32 s1, s0  }
0x8b: {  	[smem:$0x3FA3] =	sst s0  }
0x8c: {  	_ = 	snop  }
0x8d: {  	(tm) =	ssettm $0x1  }
0x8e: {  	s15 =	sld [smem:$0x3FFB];
	_ =	sdelay $0x3  }
0x8f: {  	_ =	strace s15  }
0x90: {  	s0 =	sld [smem:$0x3FFC];
	_ =	sdelay $0x3  }
0x91: {  	_ =	strace s0  }
0x92: {  	s0 =	sld [smem:$0x3FFD];
	_ =	sdelay $0x3  }
0x93: {  	_ =	strace s0  }
0x94: {  	_ =	strace $0x8FFFFFFF  }
0x95: {  	s16 =	sld [smem:$0x3FDB];
	_ =	sdelay $0x1  }
0x96: {  	s17 =	simm.s32 $_scs_section_size  }
0x97: {  	s2 =	simm.s32 $_size__tile_overlayer_lowered;
	s3 =	simm.s32 $_tile_overlayer_lowered  }
0x98: {  	s20 =	simm.s32 $0x1BFF;
	s19 =	sshll.u32 s3, $0x1;
	s0 =	sadd.s32 s17, s16  }
0x99: {  	s4 =	simm.s32 $0x0;
	s18 =	sshll.u32 s2, $0x1;
	s2 =	sadd.s32 s19, s0  }
0x9a: {  	[timem:s4], [sflag:s20] =	dma.local [hbm:s2], s18  }
0x9b: {  	_ =	swait.ge [sflag:s20], s18  }
0x9c: {  	s1 =	ssub.s32 $0x0, s18;
	[sflag:s20] =	ssyncset.done $0x0  }
0x9d: {  	[sflag:s20] =	ssyncadd.s32 s1;
	_ =	sdelay $0x1  }
0x9e: {  	s21 =	simm.s32 $0x1B8B  }
0x9f: {  	_ =	swait.ge [sflag:s21], $0x1  }
0xa0: {  	[sflag:s21] =	ssyncset.done $0x0  }
0xa1: {  	s23 =	simm.s32 $0x1B8E;
	s22 =	sld [smem:$0x3FFE];
	[sflag:s21] =	ssyncadd.s32 $0xFFFFFFFF  }
0xa2: {  	s24 =	simm.s32 $execute0_lowered;
	[smem:$0x3FD2] =	sst s23  }
0xa3: {  	s2 =	sshll.u32 s24, $0x1;
	_ =	strace $0x8000004C;
	[dreg:$0x1] =	wrdreg $0xFFFFFFFF  }
0xa4: {  	s25 =	simm.s32 $_size_execute0_lowered;
	s0 =	sadd.s32 s0, s2;
	[dreg:$0x0] =	wrdreg $0x0  }
0xa5: {  	s2 =	sshll.u32 s25, $0x1;
	[dreg:$0x2] =	wrdreg s0  }
0xa6: {  	[dreg:$0x3] =	wrdreg s2  }
0xa7: {  	[dreg:$0x4] =	wrdreg $0xC0  }
0xa8: {  	_ =	task [dreg:s4], $0x5FFFF  }
0xa9: {  	[dreg:$0x1] =	wrdreg $0xFFFFFFFF  }
0xaa: {  	[dreg:$0x0] =	wrdreg $0x60  }
0xab: {  	[dreg:$0x2] =	wrdreg s22  }
0xac: {  	[dreg:$0x3] =	wrdreg $0xA  }
0xad: {  	_ =	task.clear_ibuf [dreg:s4], $0x4FFFF;
	_ =	strace $0x9000004C  }
0xae: {  	s26 =	simm.s32 $0xA;
	_ =	strace $0x8000004E  }
0xaf: {  	_ =	swait.ge [sflag:s26], $0x1  }
0xb0: {  	[sflag:s26] =	ssyncadd.s32 $0xFFFFFFFF  }
0xb1: {  	_ =	strace $0x9000004E  }
0xb2: {  	_ =	sfence  }
0xb3: {  	s28 =	sld [smem:$0x0];
	_ =	sdelay $0x1  }
0xb4: {  	s29 =	srdreg.scid  }
0xb5: {  	s30 =	sshll.u32 s29, $0xD;
	s31 =	sshrl.u32 s29, $0x2  }
0xb6: {  	s1 =	sand.u32 $0x1, s29;
	s2 =	sand.u32 $0x4000, s30;
	s0 =	sadd.s32 s31, s28  }
0xb7: {  	s1 =	sor.u32 s2, s1;
	s0 =	sshll.u32 s0, $0x11  }
0xb8: {  	s0 =	sor.u32 s0, s1  }
0xb9: {  	s0 =	sadd.s32 $0x8F2B, s0  }
0xba: {  	[sflag:s0] =	ssyncadd.remote.s32 $0x1  }
0xbb: {  	_ =	sfence.sel $0xFFFF  }
0xbc: {  	[dreg:$0x0] =	wrdreg $0xFFFFFFFF;
	(pc) =	sbr.abs _section_cstart, $3  }
0xbd: {  	[dreg:$0x1] =	wrdreg $0xFFFFFFFF  }
0xbe: {  	_ =	task.clear_ibuf [dreg:s4], $0x2FFFF;
	_ =	strace $0x9FFFFFFF  }
0xbf: {  	(tm) =	ssettm $0x7FFFFFFF  }
tec
execute0_lowered:
.L_overlay_start_1:
0x0: {  	(tag) =	ssettag $0x1  }
0x1: {  	s8 =	rddreg [dreg:$0x0]  }
0x2: {  	s0 =	rddreg [dreg:$0x1];
	_ =	strace $0x8000004D  }
0x3: {  	s4 =	simm.s32 $0x1;
	s1 =	stileid.u32;
	s7 =	simm.s32 $0x1  }
0x4: {  	s9 =	simm.s32 $0x1;
	s6 =	simm.s32 $0x2;
	s10 =	simm.s32 $0x3  }
0x5: {  	s13 =	simm.s32 $0x0;
	s12 =	simm.s32 $0x0;
	s2 =	sadd.s32 $0x2200, s8  }
.Ltmp0:
0x6: {  	s3 =	sadd.s32 $0x2800, s8;
	p0 =	slt.u32 s1, $0xA;
	(pc) =	sbr.rel .LBB2_1-.Ltmp0, $4  }
0x7: {  	[sflag:s4] =	ssyncpa.u1 $0x0;
	s7 =	simm.s32 @!p0 $0x0;
	p0 =	sne.s32 s1, $0x9  }
0x8: {  	s5 =	smul.u32 $0x190, s1;
	[sflag:s6] =	ssyncpa.u1 $0x0;
	s9 =	simm.s32 @!p0 $0x0  }
0x9: {  	s8 =	sadd.s32 $0x5600, s8;
	[sflag:s10] =	ssyncpa.u1 $0x0;
	s7 =	sadd.s32 s9, s7  }
0xa: {  	vm0 =	vmmov $0xffff;
	s10 =	simm.s32 $0x0;
	s11 =	smov.u32 s5;
	s9 =	sadd.s32 $0x1, s7  }
.LBB2_4:
0xb: {  	v2 =	vnsel vm1, $0x0, v2  }
0xc: {  	vm1 =	vgt.s32 v0, $0x0;
	v2 =	vmin.u32 v2, $0x270F  }
0xd: {  	v0 =	vnsel vm1, $0x0, v0  }
0xe: {  	v0 =	vmin.u32 v0, $0x270F  }
0xf: {  	[tilespmem:s18], [sflag:$0x1] =	stream.indirect_vreg.gather [hbm4b:s2+s10], $0x1, v1, vm0, $0x4038;
	[tilespmem:$0x640] =	vst v63  }
0x10: {  	(ifvalue) =	ssetifvalue $0x7FFFFFFF  }
0x11: {  	[tilespmem:s15], [sflag:$0x1] =	stream.indirect_vreg.gather [hbm4b:s2+s10], $0x1, v2, vm0, $0x4038;
	[tilespmem:$0x640] =	vst v63  }
0x12: {  	s29 =	sadd.s32 $0x10, s15;
	(ifvalue) =	ssetifvalue $0x7FFFFFFF  }
0x13: {  	[tilespmem:s29], [sflag:$0x1] =	stream.indirect_vreg.gather [hbm4b:s2+s10], $0x1, v0, vm0, $0x4038;
	[tilespmem:$0x640] =	vst v63  }
0x14: {  	_ =	swait.ge [sflag:s4], $0x190  }
0x15: {  	s30 =	sshrl.u32 s13, $0x3;
	[sflag:s4] =	ssyncset.done $0x0  }
0x16: {  	s31 =	sand.u32 $0x7, s13;
	s15 =	sadd.s32 s8, s30;
	[sflag:s4] =	ssyncadd.s32 $0xFFFFFE70  }
0x17: {  	[hbm4b:s15+s31] =	stream.linear.scatter [tilespmem:s14], [sflag:$0x3], $0x190, $0x38;
	[tilespmem:$0x640] =	vst v63  }
.LBB2_5:
0x18: {  	s15 =	sadd.s32 $0x1900, s11  }
0x19: {  	p1 =	sgt.s32 s15, $0x270F  }
0x1a: {  	s15 =	smov.u32 @p1 s5;
	p1 =	sne.s32 s12, s9  }
.Ltmp1:
0x1b: {  	p0 =	slt.u32 s12, $0x2;
	(pc) =	sbr.rel @!p1 .LBB2_6-.Ltmp1, $4  }
0x1c: {  	s14 =	simm.s32 @!p0 $0x3  }
0x1d: {  	_ =	swait.ge @!p0 [sflag:s14], $0x190  }
0x1e: {  	s16 =	sadd.s32 $0x1, s12;
	s13 =	smov.u32 s11;
	[sflag:s14] =	ssyncset.done @!p0 $0x0  }
0x1f: {  	s12 =	smov.u32 s16;
	s11 =	smov.u32 s15;
	[sflag:s14] =	ssyncadd.s32 @!p0 $0xFFFFFE70  }
.LBB2_1:
0x20: {  	p0 =	sge.u32 s12, s7  }
0x21: {  	s14 =	sxor.u32 @!p0 $0x1, s12  }
0x22: {  	s14 =	smul.u32 @!p0 $0x640, s14  }
0x23: {  	s31 =	sadd.s32 $0xFFFFFFFF, s12;
	s15 =	sshrl.u32 @!p0 s11, $0x3  }
0x24: {  	s16 =	sand.u32 @!p0 $0x7, s11;
	s15 =	sadd.s32 @!p0 s3, s15;
	s14 =	sshra.s32 @!p0 s14, $0x2  }
0x25: {  	[tilespmem:s14], [sflag:$0x2] =	stream.linear.gather @!p0 [hbm4b:s15+s16], $0x190, $0x38;
	[tilespmem:$0x640] =	vst v63  }
0x26: {  	p0 =	sge.u32 s31, s7  }
.Ltmp2:
0x27: {  	_ = 	snop;
	(pc) =	sbr.rel @p0 .LBB2_5-.Ltmp2, $1  }
0x28: {  	_ =	sdelay $0x3  }
0x29: {  	s14 =	sand.u32 $0x1, s12  }
0x2a: {  	_ =	swait.ge [sflag:s6], $0x190;
	p0 =	seq.s32 s14, $0x1;
	s14 =	simm.s32 $0x190  }
0x2b: {  	[sflag:s6] =	ssyncset.done $0x0;
	s14 =	simm.s32 @!p0 $0x0  }
0x2c: {  	[sflag:s6] =	ssyncadd.s32 $0xFFFFFE70;
	(ifvalue) =	ssetifvalue $0x7FFFFFFF;
	v0 =	vld.msk [tilespmem:s14+$0x0 ss:$0x1], $0xffff;
	_ =	sdelay $0x4  }
0x2d: {  	s15 =	sadd.s32 $0x10, s14;
	vm1 =	vgt.s32 v0, $0x0  }
0x2e: {  	v2 =	vld.msk [tilespmem:s15+$0x0 ss:$0x1], $0xffff;
	v1 =	vnsel vm1, $0x0, v0  }
0x2f: {  	v1 =	vmin.u32 v1, $0x270F;
	_ =	sdelay $0x2  }
0x30: {  	s17 =	simm.s32 $0x20;
	s14 =	sadd.s32 $0x320, s14;
	s16 =	sadd.s32 $0x10, s15  }
0x31: {  	s15 =	sadd.s32 $0x10, s14;
	s18 =	smov.u32 s14;
	v0 =	vld.msk [tilespmem:s16+$0x0 ss:$0x1], $0xffff;
	vm1 =	vgt.s32 v2, $0x0;
	(ifvalue) =	ssetifvalue $0x7FFFFFFF  }
.LBB2_3:
0x32: {  	[tilespmem:s18], [sflag:$0x1] =	stream.indirect_vreg.gather [hbm4b:s2+s10], $0x1, v1, vm0, $0x4038;
	[tilespmem:$0x640] =	vst v63  }
0x33: {  	s17 =	sadd.s32 $0x10, s17  }
0x34: {  	v2 =	vnsel vm1, $0x0, v2;
	p0 =	slt.u32 s17, $0x180  }
.Ltmp3:
0x35: {  	s18 =	smov.u32 s15;
	v1 =	vmin.u32 v2, $0x270F;
	(pc) =	sbr.rel @p0 .LBB2_3-.Ltmp3, $3  }
0x36: {  	_ =	sdelay $0x1  }
0x37: {  	s16 =	sadd.s32 $0x10, s16  }
0x38: {  	vm1 =	vgt.s32 v0, $0x0;
	s15 =	sadd.s32 $0x10, s15;
	v2 =	vmov v0;
	(ifvalue) =	ssetifvalue $0x7FFFFFFF;
	v0 =	vld.msk [tilespmem:s16+$0x0 ss:$0x1], $0xffff  }
.Ltmp4:
0x39: {  	_ = 	snop;
	(pc) =	sbr.rel .LBB2_4-.Ltmp4, $1  }
0x3a: {  	_ =	sdelay $0x3  }
.LBB2_6:
0x3b: {  	_ =	sfence.sel $0x180000  }
0x3c: {  	s2 =	simm.s32 $0x2;
	[bflag:$0x0] =	sbarrier.arrive $0xFFFF  }
0x3d: {  	s30 =	simm.s32 $0x3;
	[sflag:s2] =	ssyncpa.u1 $0x1  }
0x3e: {  	s31 =	simm.s32 $0x1;
	[sflag:s30] =	ssyncpa.u1 $0x1  }
0x3f: {  	[sflag:s31] =	ssyncpa.u1 $0x1  }
0x40: {  	p0 =	sne.s32 s1, $0x0;
	_ =	strace $0x9000004D  }
0x41: {  	s0 =	sadd.s32 @!p0 $0x100000, s0;
	[bflag:$0x2] =	sbarrier.arrive $0xFFFF  }
0x42: {  	[sflag:s0] =	ssyncadd.tile.s32 @!p0 $0x1;
	_ =	shalt  }
.Lfunc_end2:
_tile_overlayer_lowered:
.L_overlay_start_2:
0x43: {  	(tag) =	ssettag $0x2  }
0x44: {  	s0 =	rddreg [dreg:$0x0];
	s2 =	stileid.u32  }
0x45: {  	s1 =	rddreg [dreg:$0x1];
	p0 =	sne.s32 s2, $0x0  }
0x46: {  	s3 =	rddreg [dreg:$0x2];
	[bflag:$0x3] =	sbarrier.arrive $0xFFFF;
	s2 =	simm.s32 @!p0 $0x1C01  }
0x47: {  	[timem:s3], [sflag:s2] =	dma.local @!p0 [hbm:s0], s1  }
0x48: {  	s0 =	simm.s32 @!p0 $0x1  }
0x49: {  	_ =	swait.ge @!p0 [sflag:s0], s1  }
0x4a: {  	s1 =	ssub.s32 @!p0 $0x0, s1;
	[sflag:s0] =	ssyncset.done @!p0 $0x0  }
0x4b: {  	[sflag:s0] =	ssyncadd.s32 @!p0 s1  }
0x4c: {  	[bflag:$0x3] =	sbarrier.arrive $0xFFFF  }
0x4d: {  	_ =	shalt  }

// kernel: gather_offload_async_start.4
scs
__scs_entry_jumppad:
0x0: {  	(pc) =	sbr.rel $0x88, $3  }
0x1: {  	(tag) =	ssettag $0x0;
	lr =	simm.s32 $0x1  }
0x2: {  	[smem:$0x3F7C] =	sst lr;
	_ =	strace $0xD0000000  }
0x3: {  	_ = 	snop  }
0x4: {  	_ = 	snop  }
0x5: {  	_ = 	snop  }
0x6: {  	_ = 	snop  }
0x7: {  	_ = 	snop  }
__scs_overlays_trampoline_lowered:
0x8: {  	[smem:$0x3F8B] =	sst s0  }
0x9: {  	[smem:$0x3F8C] =	sst s1  }
0xa: {  	[smem:$0x3F8D] =	sst s2  }
0xb: {  	[smem:$0x3F8E] =	sst s3  }
0xc: {  	[smem:$0x3F8F] =	sst s4  }
0xd: {  	[smem:$0x3F90] =	sst s5  }
0xe: {  	[smem:$0x3F91] =	sst s6  }
0xf: {  	[smem:$0x3F92] =	sst s7  }
0x10: {  	[smem:$0x3F93] =	sst s8  }
0x11: {  	[smem:$0x3F94] =	sst s9;
	s0 =	simm.s32 @!p0 $0x0  }
0x12: {  	s1 =	sld [smem:$0x3F7A];
	s0 =	simm.s32 @p0 $0x1  }
0x13: {  	[smem:$0x3F95] =	sst s0;
	s0 =	simm.s32 @!p1 $0x0  }
0x14: {  	s2 =	sld [smem:$0x3F79];
	s0 =	simm.s32 @p1 $0x1  }
0x15: {  	[smem:$0x3F96] =	sst s0;
	s0 =	simm.s32 @!p2 $0x0  }
0x16: {  	s3 =	sld [smem:$0x3FDB];
	s0 =	simm.s32 @p2 $0x1  }
0x17: {  	s4 =	simm.s32 $0x1BF5;
	[smem:$0x3F98] =	sst s0  }
0x18: {  	s0 =	sld [smem:$0x3F7B];
	_ =	swait.ge [sflag:s4], $0x0  }
0x19: {  	s7 =	sld [smem:$0x3F7C]  }
0x1a: {  	s8 =	sadd.s32 $0xFFFFE003, lr  }
0x1b: {  	s9 =	sadd.s32 $0xFFFFFEF7, lr;
	s5 =	simm.s32 $0xFFFFFFFF;
	p2 =	slt.u32 s8, $0xFFFFF086  }
0x1c: {  	p1 =	slt.u32 s9, $0xF7A;
	s5 =	simm.s32 @!p2 $0x0  }
0x1d: {  	s5 =	simm.s32 @p1 $0x1;
	p0 =	seq.s32 s7, s2  }
0x1e: {  	s7 =	smul.u32 @!p0 $0xF7A, s2;
	p2 =	seq.s32 @!p0 s5, $0x0  }
0x1f: {  	s9 =	smul.u32 $0xF7A, s1;
	s8 =	simm.s32 @!p0 $0x1BF5;
	p2 =	por !p2, p0  }
0x20: {  	[sflag:s8] =	ssyncset.s32 @!p0 $0xFFFFF086;
	s6 =	sadd.s32 @!p0 s3, s7;
	s7 =	simm.s32 @!p0 $0x108  }
0x21: {  	s3 =	sadd.s32 s3, s9;
	s6 =	sadd.s32 @!p0 $0x88, s6;
	s7 =	simm.s32 @p2 $0x1082  }
0x22: {  	[simem:s7], [sflag:s8] =	dma.local @!p0 [hbm:s6], $0xF7A  }
0x23: {  	s9 =	sor.u32 $0xD0000000, s2;
	s6 =	simm.s32 $0x108;
	_ =	swait.ge @!p0 [sflag:s8], $0x0  }
0x24: {  	s3 =	sadd.s32 $0x88, s3;
	s6 =	simm.s32 @!p1 $0x1082;
	[sflag:s4] =	ssyncset.s32 $0xFFFFF086  }
0x25: {  	[simem:s6], [sflag:s4] =	dma.local [hbm:s3], $0xF7A  }
0x26: {  	[smem:$0x3F7C] =	sst s1;
	(tag) =	ssettag s2;
	_ =	strace s9  }
0x27: {  	s1 =	sld [smem:$0x3F8C]  }
0x28: {  	s2 =	sld [smem:$0x3F8D]  }
0x29: {  	s4 =	sld [smem:$0x3F8F]  }
0x2a: {  	p0 =	seq.s32 s5, $0x0;
	s5 =	sld [smem:$0x3F90]  }
0x2b: {  	s6 =	sld [smem:$0x3F91]  }
0x2c: {  	s7 =	sld [smem:$0x3F92]  }
0x2d: {  	s3 =	simm.s32 $0x108;
	s8 =	sld [smem:$0x3F93]  }
0x2e: {  	s3 =	simm.s32 @!p0 $0x1082;
	s9 =	sld [smem:$0x3F94]  }
0x2f: {  	lr =	sadd.s32 s0, s3;
	s0 =	sld [smem:$0x3F8B]  }
0x30: {  	s3 =	sld [smem:$0x3F8E]  }
0x31: {  	[smem:$0x3F97] =	sst s10  }
0x32: {  	s10 =	sld [smem:$0x3F95];
	_ =	sdelay $0x3  }
0x33: {  	p0 =	seq.s32 s10, $0x1;
	s10 =	sld [smem:$0x3F97];
	_ =	sdelay $0x3  }
0x34: {  	[smem:$0x3F97] =	sst s10  }
0x35: {  	s10 =	sld [smem:$0x3F96];
	_ =	sdelay $0x3  }
0x36: {  	p1 =	seq.s32 s10, $0x1;
	s10 =	sld [smem:$0x3F97];
	_ =	sdelay $0x3  }
0x37: {  	[smem:$0x3F97] =	sst s10  }
0x38: {  	s10 =	sld [smem:$0x3F98]  }
0x39: {  	_ = 	snop;
	(pc) =	sbr.ind lr, $3  }
0x3a: {  	_ = 	snop  }
0x3b: {  	_ = 	snop  }
0x3c: {  	p2 =	seq.s32 s10, $0x1;
	s10 =	sld [smem:$0x3F97]  }
0x3d: {  	_ =	shalt  }
0x3e: {  	_ =	shalt  }
0x3f: {  	_ =	shalt  }
0x40: {  	_ =	shalt  }
0x41: {  	_ =	shalt  }
0x42: {  	_ =	shalt  }
0x43: {  	_ =	shalt  }
0x44: {  	_ =	shalt  }
0x45: {  	_ =	shalt  }
0x46: {  	_ =	shalt  }
0x47: {  	_ =	shalt  }
0x48: {  	_ =	shalt  }
0x49: {  	_ =	shalt  }
0x4a: {  	_ =	shalt  }
0x4b: {  	_ =	shalt  }
0x4c: {  	_ =	shalt  }
0x4d: {  	_ =	shalt  }
0x4e: {  	_ =	shalt  }
0x4f: {  	_ =	shalt  }
0x50: {  	_ =	shalt  }
0x51: {  	_ =	shalt  }
0x52: {  	_ =	shalt  }
0x53: {  	_ =	shalt  }
0x54: {  	_ =	shalt  }
0x55: {  	_ =	shalt  }
0x56: {  	_ =	shalt  }
0x57: {  	_ =	shalt  }
0x58: {  	_ =	shalt  }
0x59: {  	_ =	shalt  }
0x5a: {  	_ =	shalt  }
0x5b: {  	_ =	shalt  }
0x5c: {  	_ =	shalt  }
0x5d: {  	_ =	shalt  }
0x5e: {  	_ =	shalt  }
0x5f: {  	_ =	shalt  }
0x60: {  	_ =	shalt  }
0x61: {  	_ =	shalt  }
0x62: {  	_ =	shalt  }
0x63: {  	_ =	shalt  }
0x64: {  	_ =	shalt  }
0x65: {  	_ =	shalt  }
0x66: {  	_ =	shalt  }
0x67: {  	_ =	shalt  }
0x68: {  	_ =	shalt  }
0x69: {  	_ =	shalt  }
0x6a: {  	_ =	shalt  }
0x6b: {  	_ =	shalt  }
0x6c: {  	_ =	shalt  }
0x6d: {  	_ =	shalt  }
0x6e: {  	_ =	shalt  }
0x6f: {  	_ =	shalt  }
0x70: {  	_ =	shalt  }
0x71: {  	_ =	shalt  }
0x72: {  	_ =	shalt  }
0x73: {  	_ =	shalt  }
0x74: {  	_ =	shalt  }
0x75: {  	_ =	shalt  }
0x76: {  	_ =	shalt  }
0x77: {  	_ =	shalt  }
0x78: {  	_ =	shalt  }
0x79: {  	_ =	shalt  }
0x7a: {  	_ =	shalt  }
0x7b: {  	_ =	shalt  }
0x7c: {  	_ =	shalt  }
0x7d: {  	_ =	shalt  }
0x7e: {  	_ =	shalt  }
0x7f: {  	_ =	shalt  }
0x80: {  	_ =	shalt  }
0x81: {  	_ =	shalt  }
0x82: {  	_ =	shalt  }
0x83: {  	_ =	shalt  }
0x84: {  	_ =	shalt  }
0x85: {  	_ =	shalt  }
0x86: {  	_ =	shalt  }
0x87: {  	_ =	shalt  }
.Lfunc_end0:
.L_simem_size_0:
called_computation.9_lowered:
.L_overlay_start_0:
0x88: {  	s0 =	sld [smem:$0x3FD9]  }
0x89: {  	s1 =	sld [smem:$0x3FFE];
	_ =	sdelay $0x3  }
0x8a: {  	s0 =	sadd.s32 s1, s0  }
0x8b: {  	[smem:$0x3FA3] =	sst s0  }
0x8c: {  	_ = 	snop  }
0x8d: {  	s0 =	sld [smem:$0x3FD0];
	(tm) =	ssettm $0x1  }
0x8e: {  	s16 =	sld [smem:$0x3FFB];
	_ =	sdelay $0x3  }
0x8f: {  	_ =	strace s16  }
0x90: {  	s1 =	sld [smem:$0x3FFC];
	_ =	sdelay $0x3  }
0x91: {  	_ =	strace s1  }
0x92: {  	s1 =	sld [smem:$0x3FFD];
	_ =	sdelay $0x3  }
0x93: {  	_ =	strace s1  }
0x94: {  	_ =	strace $0x8FFFFFFF  }
0x95: {  	s17 =	sld [smem:$0x3FDB];
	_ =	sdelay $0x1  }
0x96: {  	s2 =	simm.s32 $_scs_section_size  }
0x97: {  	s3 =	simm.s32 $_size__tile_overlayer_lowered;
	s4 =	simm.s32 $_tile_overlayer_lowered  }
0x98: {  	s20 =	simm.s32 $0x1BFF;
	s19 =	sshll.u32 s4, $0x1;
	s1 =	sadd.s32 s2, s17  }
0x99: {  	s5 =	simm.s32 $0x0;
	s18 =	sshll.u32 s3, $0x1;
	s3 =	sadd.s32 s19, s1  }
0x9a: {  	[timem:s5], [sflag:s20] =	dma.local [hbm:s3], s18  }
0x9b: {  	_ =	swait.ge [sflag:s20], s18  }
0x9c: {  	s2 =	ssub.s32 $0x0, s18;
	[sflag:s20] =	ssyncset.done $0x0  }
0x9d: {  	[sflag:s20] =	ssyncadd.s32 s2;
	_ =	sdelay $0x1  }
0x9e: {  	s21 =	simm.s32 $0x1B8B  }
0x9f: {  	_ =	swait.ge [sflag:s21], $0x1  }
0xa0: {  	[sflag:s21] =	ssyncset.done $0x0  }
0xa1: {  	s23 =	simm.s32 $0x1B8E;
	s22 =	sld [smem:$0x3FFE];
	[sflag:s21] =	ssyncadd.s32 $0xFFFFFFFF  }
0xa2: {  	s24 =	simm.s32 $execute0_lowered;
	[smem:$0x3FD2] =	sst s23  }
0xa3: {  	s3 =	sshll.u32 s24, $0x1;
	_ =	strace $0x80000049;
	[dreg:$0x1] =	wrdreg $0xFFFFFFFF  }
0xa4: {  	s25 =	simm.s32 $_size_execute0_lowered;
	s1 =	sadd.s32 s1, s3;
	[dreg:$0x0] =	wrdreg $0x0  }
0xa5: {  	s3 =	sshll.u32 s25, $0x1;
	[dreg:$0x2] =	wrdreg s1  }
0xa6: {  	[dreg:$0x3] =	wrdreg s3  }
0xa7: {  	[dreg:$0x4] =	wrdreg $0xC0  }
0xa8: {  	_ =	task [dreg:s5], $0x5FFFF  }
0xa9: {  	[dreg:$0x1] =	wrdreg $0xFFFFFFFF  }
0xaa: {  	[dreg:$0x0] =	wrdreg $0x60  }
0xab: {  	[dreg:$0x2] =	wrdreg s0  }
0xac: {  	[dreg:$0x3] =	wrdreg s22  }
0xad: {  	[dreg:$0x4] =	wrdreg $0x9  }
0xae: {  	_ =	task.clear_ibuf [dreg:s5], $0x5FFFF;
	_ =	strace $0x90000049  }
0xaf: {  	s26 =	simm.s32 $0x9;
	_ =	strace $0x8000004B  }
0xb0: {  	_ =	swait.ge [sflag:s26], $0x1  }
0xb1: {  	[sflag:s26] =	ssyncadd.s32 $0xFFFFFFFF  }
0xb2: {  	_ =	strace $0x9000004B  }
0xb3: {  	_ =	sfence  }
0xb4: {  	s28 =	sld [smem:$0x0];
	_ =	sdelay $0x1  }
0xb5: {  	s29 =	srdreg.scid  }
0xb6: {  	s30 =	sshll.u32 s29, $0xD;
	s31 =	sshrl.u32 s29, $0x2  }
0xb7: {  	s2 =	sand.u32 $0x4000, s30;
	s1 =	sand.u32 $0x1, s29;
	s0 =	sadd.s32 s31, s28  }
0xb8: {  	s1 =	sor.u32 s2, s1;
	s0 =	sshll.u32 s0, $0x11  }
0xb9: {  	s0 =	sor.u32 s0, s1  }
0xba: {  	s0 =	sadd.s32 $0x8F2B, s0  }
0xbb: {  	[sflag:s0] =	ssyncadd.remote.s32 $0x1  }
0xbc: {  	_ =	sfence.sel $0xFFFF  }
0xbd: {  	[dreg:$0x0] =	wrdreg $0xFFFFFFFF;
	(pc) =	sbr.abs _section_cstart, $3  }
0xbe: {  	[dreg:$0x1] =	wrdreg $0xFFFFFFFF  }
0xbf: {  	_ =	task.clear_ibuf [dreg:s5], $0x2FFFF;
	_ =	strace $0x9FFFFFFF  }
0xc0: {  	(tm) =	ssettm $0x7FFFFFFF  }
0xc1: {  	_ =	shalt  }
tec
execute0_lowered:
.L_overlay_start_1:
0x0: {  	(tag) =	ssettag $0x1  }
0x1: {  	s2 =	rddreg [dreg:$0x0]  }
0x2: {  	s8 =	rddreg [dreg:$0x1]  }
0x3: {  	s0 =	rddreg [dreg:$0x2]  }
0x4: {  	_ =	strace $0x8000004A;
	s4 =	simm.s32 $0x1;
	s1 =	stileid.u32  }
0x5: {  	s7 =	simm.s32 $0x1;
	s9 =	simm.s32 $0x1;
	s6 =	simm.s32 $0x2  }
0x6: {  	s10 =	simm.s32 $0x3;
	s13 =	simm.s32 $0x0;
	s12 =	simm.s32 $0x0  }
.Ltmp0:
0x7: {  	s3 =	sadd.s32 $0x5600, s8;
	p0 =	slt.u32 s1, $0xA;
	(pc) =	sbr.rel .LBB2_1-.Ltmp0, $4  }
0x8: {  	[sflag:s4] =	ssyncpa.u1 $0x0;
	s7 =	simm.s32 @!p0 $0x0;
	p0 =	sne.s32 s1, $0x9  }
0x9: {  	s5 =	smul.u32 $0x190, s1;
	[sflag:s6] =	ssyncpa.u1 $0x0;
	s9 =	simm.s32 @!p0 $0x0  }
0xa: {  	s8 =	sadd.s32 $0x8400, s8;
	[sflag:s10] =	ssyncpa.u1 $0x0;
	s7 =	sadd.s32 s9, s7  }
0xb: {  	vm0 =	vmmov $0xffff;
	s10 =	simm.s32 $0x0;
	s11 =	smov.u32 s5;
	s9 =	sadd.s32 $0x1, s7  }
.LBB2_4:
0xc: {  	v2 =	vnsel vm1, $0x0, v2  }
0xd: {  	vm1 =	vgt.s32 v0, $0x0;
	v2 =	vmin.u32 v2, $0x270F  }
0xe: {  	v0 =	vnsel vm1, $0x0, v0  }
0xf: {  	v0 =	vmin.u32 v0, $0x270F  }
0x10: {  	[tilespmem:s18], [sflag:$0x1] =	stream.indirect_vreg.gather [hbm4b:s2+s10], $0x1, v1, vm0, $0x4038;
	[tilespmem:$0x640] =	vst v63  }
0x11: {  	(ifvalue) =	ssetifvalue $0x7FFFFFFF  }
0x12: {  	[tilespmem:s15], [sflag:$0x1] =	stream.indirect_vreg.gather [hbm4b:s2+s10], $0x1, v2, vm0, $0x4038;
	[tilespmem:$0x640] =	vst v63  }
0x13: {  	s29 =	sadd.s32 $0x10, s15;
	(ifvalue) =	ssetifvalue $0x7FFFFFFF  }
0x14: {  	[tilespmem:s29], [sflag:$0x1] =	stream.indirect_vreg.gather [hbm4b:s2+s10], $0x1, v0, vm0, $0x4038;
	[tilespmem:$0x640] =	vst v63  }
0x15: {  	_ =	swait.ge [sflag:s4], $0x190  }
0x16: {  	s30 =	sshrl.u32 s13, $0x3;
	[sflag:s4] =	ssyncset.done $0x0  }
0x17: {  	s31 =	sand.u32 $0x7, s13;
	s15 =	sadd.s32 s8, s30;
	[sflag:s4] =	ssyncadd.s32 $0xFFFFFE70  }
0x18: {  	[hbm4b:s15+s31] =	stream.linear.scatter [tilespmem:s14], [sflag:$0x3], $0x190, $0x38;
	[tilespmem:$0x640] =	vst v63  }
.LBB2_5:
0x19: {  	s15 =	sadd.s32 $0x1900, s11  }
0x1a: {  	p1 =	sgt.s32 s15, $0x270F  }
0x1b: {  	s15 =	smov.u32 @p1 s5;
	p1 =	sne.s32 s12, s9  }
.Ltmp1:
0x1c: {  	p0 =	slt.u32 s12, $0x2;
	(pc) =	sbr.rel @!p1 .LBB2_6-.Ltmp1, $4  }
0x1d: {  	s14 =	simm.s32 @!p0 $0x3  }
0x1e: {  	_ =	swait.ge @!p0 [sflag:s14], $0x190  }
0x1f: {  	s16 =	sadd.s32 $0x1, s12;
	s13 =	smov.u32 s11;
	[sflag:s14] =	ssyncset.done @!p0 $0x0  }
0x20: {  	s12 =	smov.u32 s16;
	s11 =	smov.u32 s15;
	[sflag:s14] =	ssyncadd.s32 @!p0 $0xFFFFFE70  }
.LBB2_1:
0x21: {  	p0 =	sge.u32 s12, s7  }
0x22: {  	s14 =	sxor.u32 @!p0 $0x1, s12  }
0x23: {  	s14 =	smul.u32 @!p0 $0x640, s14  }
0x24: {  	s31 =	sadd.s32 $0xFFFFFFFF, s12;
	s15 =	sshrl.u32 @!p0 s11, $0x3  }
0x25: {  	s16 =	sand.u32 @!p0 $0x7, s11;
	s15 =	sadd.s32 @!p0 s3, s15;
	s14 =	sshra.s32 @!p0 s14, $0x2  }
0x26: {  	[tilespmem:s14], [sflag:$0x2] =	stream.linear.gather @!p0 [hbm4b:s15+s16], $0x190, $0x38;
	[tilespmem:$0x640] =	vst v63  }
0x27: {  	p0 =	sge.u32 s31, s7  }
.Ltmp2:
0x28: {  	_ = 	snop;
	(pc) =	sbr.rel @p0 .LBB2_5-.Ltmp2, $1  }
0x29: {  	_ =	sdelay $0x3  }
0x2a: {  	s14 =	sand.u32 $0x1, s12  }
0x2b: {  	_ =	swait.ge [sflag:s6], $0x190;
	p0 =	seq.s32 s14, $0x1;
	s14 =	simm.s32 $0x190  }
0x2c: {  	[sflag:s6] =	ssyncset.done $0x0;
	s14 =	simm.s32 @!p0 $0x0  }
0x2d: {  	[sflag:s6] =	ssyncadd.s32 $0xFFFFFE70;
	(ifvalue) =	ssetifvalue $0x7FFFFFFF;
	v0 =	vld.msk [tilespmem:s14+$0x0 ss:$0x1], $0xffff;
	_ =	sdelay $0x4  }
0x2e: {  	s15 =	sadd.s32 $0x10, s14;
	vm1 =	vgt.s32 v0, $0x0  }
0x2f: {  	v2 =	vld.msk [tilespmem:s15+$0x0 ss:$0x1], $0xffff;
	v1 =	vnsel vm1, $0x0, v0  }
0x30: {  	v1 =	vmin.u32 v1, $0x270F;
	_ =	sdelay $0x2  }
0x31: {  	s17 =	simm.s32 $0x20;
	s14 =	sadd.s32 $0x320, s14;
	s16 =	sadd.s32 $0x10, s15  }
0x32: {  	s15 =	sadd.s32 $0x10, s14;
	s18 =	smov.u32 s14;
	v0 =	vld.msk [tilespmem:s16+$0x0 ss:$0x1], $0xffff;
	vm1 =	vgt.s32 v2, $0x0;
	(ifvalue) =	ssetifvalue $0x7FFFFFFF  }
.LBB2_3:
0x33: {  	[tilespmem:s18], [sflag:$0x1] =	stream.indirect_vreg.gather [hbm4b:s2+s10], $0x1, v1, vm0, $0x4038;
	[tilespmem:$0x640] =	vst v63  }
0x34: {  	s17 =	sadd.s32 $0x10, s17  }
0x35: {  	v2 =	vnsel vm1, $0x0, v2;
	p0 =	slt.u32 s17, $0x180  }
.Ltmp3:
0x36: {  	s18 =	smov.u32 s15;
	v1 =	vmin.u32 v2, $0x270F;
	(pc) =	sbr.rel @p0 .LBB2_3-.Ltmp3, $3  }
0x37: {  	_ =	sdelay $0x1  }
0x38: {  	s16 =	sadd.s32 $0x10, s16  }
0x39: {  	vm1 =	vgt.s32 v0, $0x0;
	s15 =	sadd.s32 $0x10, s15;
	v2 =	vmov v0;
	(ifvalue) =	ssetifvalue $0x7FFFFFFF;
	v0 =	vld.msk [tilespmem:s16+$0x0 ss:$0x1], $0xffff  }
.Ltmp4:
0x3a: {  	_ = 	snop;
	(pc) =	sbr.rel .LBB2_4-.Ltmp4, $1  }
0x3b: {  	_ =	sdelay $0x3  }
.LBB2_6:
0x3c: {  	_ =	sfence.sel $0x180000  }
0x3d: {  	s2 =	simm.s32 $0x2;
	[bflag:$0x0] =	sbarrier.arrive $0xFFFF  }
0x3e: {  	s30 =	simm.s32 $0x3;
	[sflag:s2] =	ssyncpa.u1 $0x1  }
0x3f: {  	s31 =	simm.s32 $0x1;
	[sflag:s30] =	ssyncpa.u1 $0x1  }
0x40: {  	[sflag:s31] =	ssyncpa.u1 $0x1  }
0x41: {  	p0 =	sne.s32 s1, $0x0;
	_ =	strace $0x9000004A  }
0x42: {  	s0 =	sadd.s32 @!p0 $0x100000, s0;
	[bflag:$0x2] =	sbarrier.arrive $0xFFFF  }
0x43: {  	[sflag:s0] =	ssyncadd.tile.s32 @!p0 $0x1;
	_ =	shalt  }
.Lfunc_end2:
_tile_overlayer_lowered:
.L_overlay_start_2:
0x44: {  	(tag) =	ssettag $0x2  }
0x45: {  	s0 =	rddreg [dreg:$0x0];
	s2 =	stileid.u32  }
0x46: {  	s1 =	rddreg [dreg:$0x1];
	p0 =	sne.s32 s2, $0x0  }
0x47: {  	s3 =	rddreg [dreg:$0x2];
	[bflag:$0x3] =	sbarrier.arrive $0xFFFF;
	s2 =	simm.s32 @!p0 $0x1C01  }
0x48: {  	[timem:s3], [sflag:s2] =	dma.local @!p0 [hbm:s0], s1  }
0x49: {  	s0 =	simm.s32 @!p0 $0x1  }
0x4a: {  	_ =	swait.ge @!p0 [sflag:s0], s1  }
0x4b: {  	s1 =	ssub.s32 @!p0 $0x0, s1;
	[sflag:s0] =	ssyncset.done @!p0 $0x0  }
0x4c: {  	[sflag:s0] =	ssyncadd.s32 @!p0 s1  }
0x4d: {  	[bflag:$0x3] =	sbarrier.arrive $0xFFFF  }
0x4e: {  	_ =	shalt  }

// kernel: gather_offload_async_start
scs
__scs_entry_jumppad:
0x0: {  	(pc) =	sbr.rel $0x88, $3  }
0x1: {  	(tag) =	ssettag $0x0;
	lr =	simm.s32 $0x1  }
0x2: {  	[smem:$0x3F7C] =	sst lr;
	_ =	strace $0xD0000000  }
0x3: {  	_ = 	snop  }
0x4: {  	_ = 	snop  }
0x5: {  	_ = 	snop  }
0x6: {  	_ = 	snop  }
0x7: {  	_ = 	snop  }
__scs_overlays_trampoline_lowered:
0x8: {  	[smem:$0x3F8B] =	sst s0  }
0x9: {  	[smem:$0x3F8C] =	sst s1  }
0xa: {  	[smem:$0x3F8D] =	sst s2  }
0xb: {  	[smem:$0x3F8E] =	sst s3  }
0xc: {  	[smem:$0x3F8F] =	sst s4  }
0xd: {  	[smem:$0x3F90] =	sst s5  }
0xe: {  	[smem:$0x3F91] =	sst s6  }
0xf: {  	[smem:$0x3F92] =	sst s7  }
0x10: {  	[smem:$0x3F93] =	sst s8  }
0x11: {  	[smem:$0x3F94] =	sst s9;
	s0 =	simm.s32 @!p0 $0x0  }
0x12: {  	s1 =	sld [smem:$0x3F7A];
	s0 =	simm.s32 @p0 $0x1  }
0x13: {  	[smem:$0x3F95] =	sst s0;
	s0 =	simm.s32 @!p1 $0x0  }
0x14: {  	s2 =	sld [smem:$0x3F79];
	s0 =	simm.s32 @p1 $0x1  }
0x15: {  	[smem:$0x3F96] =	sst s0;
	s0 =	simm.s32 @!p2 $0x0  }
0x16: {  	s3 =	sld [smem:$0x3FDB];
	s0 =	simm.s32 @p2 $0x1  }
0x17: {  	s4 =	simm.s32 $0x1BF5;
	[smem:$0x3F98] =	sst s0  }
0x18: {  	s0 =	sld [smem:$0x3F7B];
	_ =	swait.ge [sflag:s4], $0x0  }
0x19: {  	s7 =	sld [smem:$0x3F7C]  }
0x1a: {  	s8 =	sadd.s32 $0xFFFFE003, lr  }
0x1b: {  	s9 =	sadd.s32 $0xFFFFFEF7, lr;
	s5 =	simm.s32 $0xFFFFFFFF;
	p2 =	slt.u32 s8, $0xFFFFF086  }
0x1c: {  	p1 =	slt.u32 s9, $0xF7A;
	s5 =	simm.s32 @!p2 $0x0  }
0x1d: {  	s5 =	simm.s32 @p1 $0x1;
	p0 =	seq.s32 s7, s2  }
0x1e: {  	s7 =	smul.u32 @!p0 $0xF7A, s2;
	p2 =	seq.s32 @!p0 s5, $0x0  }
0x1f: {  	s9 =	smul.u32 $0xF7A, s1;
	s8 =	simm.s32 @!p0 $0x1BF5;
	p2 =	por !p2, p0  }
0x20: {  	[sflag:s8] =	ssyncset.s32 @!p0 $0xFFFFF086;
	s6 =	sadd.s32 @!p0 s3, s7;
	s7 =	simm.s32 @!p0 $0x108  }
0x21: {  	s3 =	sadd.s32 s3, s9;
	s6 =	sadd.s32 @!p0 $0x88, s6;
	s7 =	simm.s32 @p2 $0x1082  }
0x22: {  	[simem:s7], [sflag:s8] =	dma.local @!p0 [hbm:s6], $0xF7A  }
0x23: {  	s9 =	sor.u32 $0xD0000000, s2;
	s6 =	simm.s32 $0x108;
	_ =	swait.ge @!p0 [sflag:s8], $0x0  }
0x24: {  	s3 =	sadd.s32 $0x88, s3;
	s6 =	simm.s32 @!p1 $0x1082;
	[sflag:s4] =	ssyncset.s32 $0xFFFFF086  }
0x25: {  	[simem:s6], [sflag:s4] =	dma.local [hbm:s3], $0xF7A  }
0x26: {  	[smem:$0x3F7C] =	sst s1;
	(tag) =	ssettag s2;
	_ =	strace s9  }
0x27: {  	s1 =	sld [smem:$0x3F8C]  }
0x28: {  	s2 =	sld [smem:$0x3F8D]  }
0x29: {  	s4 =	sld [smem:$0x3F8F]  }
0x2a: {  	p0 =	seq.s32 s5, $0x0;
	s5 =	sld [smem:$0x3F90]  }
0x2b: {  	s6 =	sld [smem:$0x3F91]  }
0x2c: {  	s7 =	sld [smem:$0x3F92]  }
0x2d: {  	s3 =	simm.s32 $0x108;
	s8 =	sld [smem:$0x3F93]  }
0x2e: {  	s3 =	simm.s32 @!p0 $0x1082;
	s9 =	sld [smem:$0x3F94]  }
0x2f: {  	lr =	sadd.s32 s0, s3;
	s0 =	sld [smem:$0x3F8B]  }
0x30: {  	s3 =	sld [smem:$0x3F8E]  }
0x31: {  	[smem:$0x3F97] =	sst s10  }
0x32: {  	s10 =	sld [smem:$0x3F95];
	_ =	sdelay $0x3  }
0x33: {  	p0 =	seq.s32 s10, $0x1;
	s10 =	sld [smem:$0x3F97];
	_ =	sdelay $0x3  }
0x34: {  	[smem:$0x3F97] =	sst s10  }
0x35: {  	s10 =	sld [smem:$0x3F96];
	_ =	sdelay $0x3  }
0x36: {  	p1 =	seq.s32 s10, $0x1;
	s10 =	sld [smem:$0x3F97];
	_ =	sdelay $0x3  }
0x37: {  	[smem:$0x3F97] =	sst s10  }
0x38: {  	s10 =	sld [smem:$0x3F98]  }
0x39: {  	_ = 	snop;
	(pc) =	sbr.ind lr, $3  }
0x3a: {  	_ = 	snop  }
0x3b: {  	_ = 	snop  }
0x3c: {  	p2 =	seq.s32 s10, $0x1;
	s10 =	sld [smem:$0x3F97]  }
0x3d: {  	_ =	shalt  }
0x3e: {  	_ =	shalt  }
0x3f: {  	_ =	shalt  }
0x40: {  	_ =	shalt  }
0x41: {  	_ =	shalt  }
0x42: {  	_ =	shalt  }
0x43: {  	_ =	shalt  }
0x44: {  	_ =	shalt  }
0x45: {  	_ =	shalt  }
0x46: {  	_ =	shalt  }
0x47: {  	_ =	shalt  }
0x48: {  	_ =	shalt  }
0x49: {  	_ =	shalt  }
0x4a: {  	_ =	shalt  }
0x4b: {  	_ =	shalt  }
0x4c: {  	_ =	shalt  }
0x4d: {  	_ =	shalt  }
0x4e: {  	_ =	shalt  }
0x4f: {  	_ =	shalt  }
0x50: {  	_ =	shalt  }
0x51: {  	_ =	shalt  }
0x52: {  	_ =	shalt  }
0x53: {  	_ =	shalt  }
0x54: {  	_ =	shalt  }
0x55: {  	_ =	shalt  }
0x56: {  	_ =	shalt  }
0x57: {  	_ =	shalt  }
0x58: {  	_ =	shalt  }
0x59: {  	_ =	shalt  }
0x5a: {  	_ =	shalt  }
0x5b: {  	_ =	shalt  }
0x5c: {  	_ =	shalt  }
0x5d: {  	_ =	shalt  }
0x5e: {  	_ =	shalt  }
0x5f: {  	_ =	shalt  }
0x60: {  	_ =	shalt  }
0x61: {  	_ =	shalt  }
0x62: {  	_ =	shalt  }
0x63: {  	_ =	shalt  }
0x64: {  	_ =	shalt  }
0x65: {  	_ =	shalt  }
0x66: {  	_ =	shalt  }
0x67: {  	_ =	shalt  }
0x68: {  	_ =	shalt  }
0x69: {  	_ =	shalt  }
0x6a: {  	_ =	shalt  }
0x6b: {  	_ =	shalt  }
0x6c: {  	_ =	shalt  }
0x6d: {  	_ =	shalt  }
0x6e: {  	_ =	shalt  }
0x6f: {  	_ =	shalt  }
0x70: {  	_ =	shalt  }
0x71: {  	_ =	shalt  }
0x72: {  	_ =	shalt  }
0x73: {  	_ =	shalt  }
0x74: {  	_ =	shalt  }
0x75: {  	_ =	shalt  }
0x76: {  	_ =	shalt  }
0x77: {  	_ =	shalt  }
0x78: {  	_ =	shalt  }
0x79: {  	_ =	shalt  }
0x7a: {  	_ =	shalt  }
0x7b: {  	_ =	shalt  }
0x7c: {  	_ =	shalt  }
0x7d: {  	_ =	shalt  }
0x7e: {  	_ =	shalt  }
0x7f: {  	_ =	shalt  }
0x80: {  	_ =	shalt  }
0x81: {  	_ =	shalt  }
0x82: {  	_ =	shalt  }
0x83: {  	_ =	shalt  }
0x84: {  	_ =	shalt  }
0x85: {  	_ =	shalt  }
0x86: {  	_ =	shalt  }
0x87: {  	_ =	shalt  }
.Lfunc_end0:
.L_simem_size_0:
called_computation.5_lowered:
.L_overlay_start_0:
0x88: {  	s0 =	sld [smem:$0x3FD9]  }
0x89: {  	s1 =	sld [smem:$0x3FFE];
	_ =	sdelay $0x3  }
0x8a: {  	s0 =	sadd.s32 s1, s0  }
0x8b: {  	[smem:$0x3FA3] =	sst s0  }
0x8c: {  	_ = 	snop  }
0x8d: {  	s0 =	sld [smem:$0x3FD0];
	(tm) =	ssettm $0x1  }
0x8e: {  	s16 =	sld [smem:$0x3FFB];
	_ =	sdelay $0x3  }
0x8f: {  	_ =	strace s16  }
0x90: {  	s1 =	sld [smem:$0x3FFC];
	_ =	sdelay $0x3  }
0x91: {  	_ =	strace s1  }
0x92: {  	s1 =	sld [smem:$0x3FFD];
	_ =	sdelay $0x3  }
0x93: {  	_ =	strace s1  }
0x94: {  	_ =	strace $0x8FFFFFFF  }
0x95: {  	s17 =	sld [smem:$0x3FDB];
	_ =	sdelay $0x1  }
0x96: {  	s2 =	simm.s32 $_scs_section_size  }
0x97: {  	s3 =	simm.s32 $_size__tile_overlayer_lowered;
	s4 =	simm.s32 $_tile_overlayer_lowered  }
0x98: {  	s20 =	simm.s32 $0x1BFF;
	s19 =	sshll.u32 s4, $0x1;
	s1 =	sadd.s32 s2, s17  }
0x99: {  	s5 =	simm.s32 $0x0;
	s18 =	sshll.u32 s3, $0x1;
	s3 =	sadd.s32 s19, s1  }
0x9a: {  	[timem:s5], [sflag:s20] =	dma.local [hbm:s3], s18  }
0x9b: {  	_ =	swait.ge [sflag:s20], s18  }
0x9c: {  	s2 =	ssub.s32 $0x0, s18;
	[sflag:s20] =	ssyncset.done $0x0  }
0x9d: {  	[sflag:s20] =	ssyncadd.s32 s2;
	_ =	sdelay $0x1  }
0x9e: {  	s21 =	simm.s32 $0x1B8B  }
0x9f: {  	_ =	swait.ge [sflag:s21], $0x1  }
0xa0: {  	[sflag:s21] =	ssyncset.done $0x0  }
0xa1: {  	s23 =	simm.s32 $0x1B8E;
	s22 =	sld [smem:$0x3FFE];
	[sflag:s21] =	ssyncadd.s32 $0xFFFFFFFF  }
0xa2: {  	s24 =	simm.s32 $execute0_lowered;
	[smem:$0x3FD2] =	sst s23  }
0xa3: {  	s3 =	sshll.u32 s24, $0x1;
	_ =	strace $0x80000064;
	[dreg:$0x1] =	wrdreg $0xFFFFFFFF  }
0xa4: {  	s25 =	simm.s32 $_size_execute0_lowered;
	s1 =	sadd.s32 s1, s3;
	[dreg:$0x0] =	wrdreg $0x0  }
0xa5: {  	s3 =	sshll.u32 s25, $0x1;
	[dreg:$0x2] =	wrdreg s1  }
0xa6: {  	[dreg:$0x3] =	wrdreg s3  }
0xa7: {  	[dreg:$0x4] =	wrdreg $0xC0  }
0xa8: {  	_ =	task [dreg:s5], $0x5FFFF  }
0xa9: {  	[dreg:$0x1] =	wrdreg $0xFFFFFFFF  }
0xaa: {  	[dreg:$0x0] =	wrdreg $0x60  }
0xab: {  	[dreg:$0x2] =	wrdreg s22  }
0xac: {  	[dreg:$0x3] =	wrdreg s0  }
0xad: {  	[dreg:$0x4] =	wrdreg $0x9  }
0xae: {  	_ =	task.clear_ibuf [dreg:s5], $0x5FFFF;
	_ =	strace $0x90000064  }
0xaf: {  	s26 =	simm.s32 $0x9;
	_ =	strace $0x80000066  }
0xb0: {  	_ =	swait.ge [sflag:s26], $0x1  }
0xb1: {  	[sflag:s26] =	ssyncadd.s32 $0xFFFFFFFF  }
0xb2: {  	_ =	strace $0x90000066  }
0xb3: {  	_ =	sfence  }
0xb4: {  	s28 =	sld [smem:$0x0];
	_ =	sdelay $0x1  }
0xb5: {  	s29 =	srdreg.scid  }
0xb6: {  	s30 =	sshll.u32 s29, $0xD;
	s31 =	sshrl.u32 s29, $0x2  }
0xb7: {  	s2 =	sand.u32 $0x4000, s30;
	s1 =	sand.u32 $0x1, s29;
	s0 =	sadd.s32 s31, s28  }
0xb8: {  	s1 =	sor.u32 s2, s1;
	s0 =	sshll.u32 s0, $0x11  }
0xb9: {  	s0 =	sor.u32 s0, s1  }
0xba: {  	s0 =	sadd.s32 $0x8F2B, s0  }
0xbb: {  	[sflag:s0] =	ssyncadd.remote.s32 $0x1  }
0xbc: {  	_ =	sfence.sel $0xFFFF  }
0xbd: {  	[dreg:$0x0] =	wrdreg $0xFFFFFFFF;
	(pc) =	sbr.abs _section_cstart, $3  }
0xbe: {  	[dreg:$0x1] =	wrdreg $0xFFFFFFFF  }
0xbf: {  	_ =	task.clear_ibuf [dreg:s5], $0x2FFFF;
	_ =	strace $0x9FFFFFFF  }
0xc0: {  	(tm) =	ssettm $0x7FFFFFFF  }
0xc1: {  	_ =	shalt  }
tec
execute0_lowered:
.L_overlay_start_1:
0x0: {  	(tag) =	ssettag $0x1  }
0x1: {  	s8 =	rddreg [dreg:$0x0]  }
0x2: {  	s2 =	rddreg [dreg:$0x1]  }
0x3: {  	s0 =	rddreg [dreg:$0x2]  }
0x4: {  	_ =	strace $0x80000065;
	s4 =	simm.s32 $0x1;
	s1 =	stileid.u32  }
0x5: {  	s7 =	simm.s32 $0x1;
	s9 =	simm.s32 $0x1;
	s6 =	simm.s32 $0x2  }
0x6: {  	s10 =	simm.s32 $0x3;
	s13 =	simm.s32 $0x0;
	s12 =	simm.s32 $0x0  }
.Ltmp0:
0x7: {  	s3 =	sadd.s32 $0x5600, s8;
	p0 =	slt.u32 s1, $0xA;
	(pc) =	sbr.rel .LBB2_1-.Ltmp0, $4  }
0x8: {  	[sflag:s4] =	ssyncpa.u1 $0x0;
	s7 =	simm.s32 @!p0 $0x0;
	p0 =	sne.s32 s1, $0x9  }
0x9: {  	s5 =	smul.u32 $0x190, s1;
	[sflag:s6] =	ssyncpa.u1 $0x0;
	s9 =	simm.s32 @!p0 $0x0  }
0xa: {  	s8 =	sadd.s32 $0x8400, s8;
	[sflag:s10] =	ssyncpa.u1 $0x0;
	s7 =	sadd.s32 s9, s7  }
0xb: {  	vm0 =	vmmov $0xffff;
	s10 =	simm.s32 $0x0;
	s11 =	smov.u32 s5;
	s9 =	sadd.s32 $0x1, s7  }
.LBB2_4:
0xc: {  	v2 =	vnsel vm1, $0x0, v2  }
0xd: {  	vm1 =	vgt.s32 v0, $0x0;
	v2 =	vmin.u32 v2, $0x270F  }
0xe: {  	v0 =	vnsel vm1, $0x0, v0  }
0xf: {  	v0 =	vmin.u32 v0, $0x270F  }
0x10: {  	[tilespmem:s18], [sflag:$0x1] =	stream.indirect_vreg.gather [hbm4b:s3+s10], $0x1, v1, vm0, $0x4038;
	[tilespmem:$0x640] =	vst v63  }
0x11: {  	(ifvalue) =	ssetifvalue $0x7FFFFFFF  }
0x12: {  	[tilespmem:s15], [sflag:$0x1] =	stream.indirect_vreg.gather [hbm4b:s3+s10], $0x1, v2, vm0, $0x4038;
	[tilespmem:$0x640] =	vst v63  }
0x13: {  	s29 =	sadd.s32 $0x10, s15;
	(ifvalue) =	ssetifvalue $0x7FFFFFFF  }
0x14: {  	[tilespmem:s29], [sflag:$0x1] =	stream.indirect_vreg.gather [hbm4b:s3+s10], $0x1, v0, vm0, $0x4038;
	[tilespmem:$0x640] =	vst v63  }
0x15: {  	_ =	swait.ge [sflag:s4], $0x190  }
0x16: {  	s30 =	sshrl.u32 s13, $0x3;
	[sflag:s4] =	ssyncset.done $0x0  }
0x17: {  	s31 =	sand.u32 $0x7, s13;
	s15 =	sadd.s32 s8, s30;
	[sflag:s4] =	ssyncadd.s32 $0xFFFFFE70  }
0x18: {  	[hbm4b:s15+s31] =	stream.linear.scatter [tilespmem:s14], [sflag:$0x3], $0x190, $0x38;
	[tilespmem:$0x640] =	vst v63  }
.LBB2_5:
0x19: {  	s15 =	sadd.s32 $0x1900, s11  }
0x1a: {  	p1 =	sgt.s32 s15, $0x270F  }
0x1b: {  	s15 =	smov.u32 @p1 s5;
	p1 =	sne.s32 s12, s9  }
.Ltmp1:
0x1c: {  	p0 =	slt.u32 s12, $0x2;
	(pc) =	sbr.rel @!p1 .LBB2_6-.Ltmp1, $4  }
0x1d: {  	s14 =	simm.s32 @!p0 $0x3  }
0x1e: {  	_ =	swait.ge @!p0 [sflag:s14], $0x190  }
0x1f: {  	s16 =	sadd.s32 $0x1, s12;
	s13 =	smov.u32 s11;
	[sflag:s14] =	ssyncset.done @!p0 $0x0  }
0x20: {  	s12 =	smov.u32 s16;
	s11 =	smov.u32 s15;
	[sflag:s14] =	ssyncadd.s32 @!p0 $0xFFFFFE70  }
.LBB2_1:
0x21: {  	p0 =	sge.u32 s12, s7  }
0x22: {  	s14 =	sxor.u32 @!p0 $0x1, s12  }
0x23: {  	s14 =	smul.u32 @!p0 $0x640, s14  }
0x24: {  	s31 =	sadd.s32 $0xFFFFFFFF, s12;
	s15 =	sshrl.u32 @!p0 s11, $0x3  }
0x25: {  	s16 =	sand.u32 @!p0 $0x7, s11;
	s15 =	sadd.s32 @!p0 s2, s15;
	s14 =	sshra.s32 @!p0 s14, $0x2  }
0x26: {  	[tilespmem:s14], [sflag:$0x2] =	stream.linear.gather @!p0 [hbm4b:s15+s16], $0x190, $0x38;
	[tilespmem:$0x640] =	vst v63  }
0x27: {  	p0 =	sge.u32 s31, s7  }
.Ltmp2:
0x28: {  	_ = 	snop;
	(pc) =	sbr.rel @p0 .LBB2_5-.Ltmp2, $1  }
0x29: {  	_ =	sdelay $0x3  }
0x2a: {  	s14 =	sand.u32 $0x1, s12  }
0x2b: {  	_ =	swait.ge [sflag:s6], $0x190;
	p0 =	seq.s32 s14, $0x1;
	s14 =	simm.s32 $0x190  }
0x2c: {  	[sflag:s6] =	ssyncset.done $0x0;
	s14 =	simm.s32 @!p0 $0x0  }
0x2d: {  	[sflag:s6] =	ssyncadd.s32 $0xFFFFFE70;
	(ifvalue) =	ssetifvalue $0x7FFFFFFF;
	v0 =	vld.msk [tilespmem:s14+$0x0 ss:$0x1], $0xffff;
	_ =	sdelay $0x4  }
0x2e: {  	s15 =	sadd.s32 $0x10, s14;
	vm1 =	vgt.s32 v0, $0x0  }
0x2f: {  	v2 =	vld.msk [tilespmem:s15+$0x0 ss:$0x1], $0xffff;
	v1 =	vnsel vm1, $0x0, v0  }
0x30: {  	v1 =	vmin.u32 v1, $0x270F;
	_ =	sdelay $0x2  }
0x31: {  	s17 =	simm.s32 $0x20;
	s14 =	sadd.s32 $0x320, s14;
	s16 =	sadd.s32 $0x10, s15  }
0x32: {  	s15 =	sadd.s32 $0x10, s14;
	s18 =	smov.u32 s14;
	v0 =	vld.msk [tilespmem:s16+$0x0 ss:$0x1], $0xffff;
	vm1 =	vgt.s32 v2, $0x0;
	(ifvalue) =	ssetifvalue $0x7FFFFFFF  }
.LBB2_3:
0x33: {  	[tilespmem:s18], [sflag:$0x1] =	stream.indirect_vreg.gather [hbm4b:s3+s10], $0x1, v1, vm0, $0x4038;
	[tilespmem:$0x640] =	vst v63  }
0x34: {  	s17 =	sadd.s32 $0x10, s17  }
0x35: {  	v2 =	vnsel vm1, $0x0, v2;
	p0 =	slt.u32 s17, $0x180  }
.Ltmp3:
0x36: {  	s18 =	smov.u32 s15;
	v1 =	vmin.u32 v2, $0x270F;
	(pc) =	sbr.rel @p0 .LBB2_3-.Ltmp3, $3  }
0x37: {  	_ =	sdelay $0x1  }
0x38: {  	s16 =	sadd.s32 $0x10, s16  }
0x39: {  	vm1 =	vgt.s32 v0, $0x0;
	s15 =	sadd.s32 $0x10, s15;
	v2 =	vmov v0;
	(ifvalue) =	ssetifvalue $0x7FFFFFFF;
	v0 =	vld.msk [tilespmem:s16+$0x0 ss:$0x1], $0xffff  }
.Ltmp4:
0x3a: {  	_ = 	snop;
	(pc) =	sbr.rel .LBB2_4-.Ltmp4, $1  }
0x3b: {  	_ =	sdelay $0x3  }
.LBB2_6:
0x3c: {  	_ =	sfence.sel $0x180000  }
0x3d: {  	s2 =	simm.s32 $0x2;
	[bflag:$0x0] =	sbarrier.arrive $0xFFFF  }
0x3e: {  	s30 =	simm.s32 $0x3;
	[sflag:s2] =	ssyncpa.u1 $0x1  }
0x3f: {  	s31 =	simm.s32 $0x1;
	[sflag:s30] =	ssyncpa.u1 $0x1  }
0x40: {  	[sflag:s31] =	ssyncpa.u1 $0x1  }
0x41: {  	p0 =	sne.s32 s1, $0x0;
	_ =	strace $0x90000065  }
0x42: {  	s0 =	sadd.s32 @!p0 $0x100000, s0;
	[bflag:$0x2] =	sbarrier.arrive $0xFFFF  }
0x43: {  	[sflag:s0] =	ssyncadd.tile.s32 @!p0 $0x1;
	_ =	shalt  }
.Lfunc_end2:
_tile_overlayer_lowered:
.L_overlay_start_2:
0x44: {  	(tag) =	ssettag $0x2  }
0x45: {  	s0 =	rddreg [dreg:$0x0];
	s2 =	stileid.u32  }
0x46: {  	s1 =	rddreg [dreg:$0x1];
	p0 =	sne.s32 s2, $0x0  }
0x47: {  	s3 =	rddreg [dreg:$0x2];
	[bflag:$0x3] =	sbarrier.arrive $0xFFFF;
	s2 =	simm.s32 @!p0 $0x1C01  }
0x48: {  	[timem:s3], [sflag:s2] =	dma.local @!p0 [hbm:s0], s1  }
0x49: {  	s0 =	simm.s32 @!p0 $0x1  }
0x4a: {  	_ =	swait.ge @!p0 [sflag:s0], s1  }
0x4b: {  	s1 =	ssub.s32 @!p0 $0x0, s1;
	[sflag:s0] =	ssyncset.done @!p0 $0x0  }
0x4c: {  	[sflag:s0] =	ssyncadd.s32 @!p0 s1  }
0x4d: {  	[bflag:$0x3] =	sbarrier.arrive $0xFFFF  }
0x4e: {  	_ =	shalt  }

// kernel: scatter_offload_async_start.1
scs
__scs_entry_jumppad:
0x0: {  	(pc) =	sbr.rel $0x88, $3  }
0x1: {  	(tag) =	ssettag $0x0;
	lr =	simm.s32 $0x1  }
0x2: {  	[smem:$0x3F7C] =	sst lr;
	_ =	strace $0xD0000000  }
0x3: {  	_ = 	snop  }
0x4: {  	_ = 	snop  }
0x5: {  	_ = 	snop  }
0x6: {  	_ = 	snop  }
0x7: {  	_ = 	snop  }
__scs_overlays_trampoline_lowered:
0x8: {  	[smem:$0x3F8B] =	sst s0  }
0x9: {  	[smem:$0x3F8C] =	sst s1  }
0xa: {  	[smem:$0x3F8D] =	sst s2  }
0xb: {  	[smem:$0x3F8E] =	sst s3  }
0xc: {  	[smem:$0x3F8F] =	sst s4  }
0xd: {  	[smem:$0x3F90] =	sst s5  }
0xe: {  	[smem:$0x3F91] =	sst s6  }
0xf: {  	[smem:$0x3F92] =	sst s7  }
0x10: {  	[smem:$0x3F93] =	sst s8  }
0x11: {  	[smem:$0x3F94] =	sst s9;
	s0 =	simm.s32 @!p0 $0x0  }
0x12: {  	s1 =	sld [smem:$0x3F7A];
	s0 =	simm.s32 @p0 $0x1  }
0x13: {  	[smem:$0x3F95] =	sst s0;
	s0 =	simm.s32 @!p1 $0x0  }
0x14: {  	s2 =	sld [smem:$0x3F79];
	s0 =	simm.s32 @p1 $0x1  }
0x15: {  	[smem:$0x3F96] =	sst s0;
	s0 =	simm.s32 @!p2 $0x0  }
0x16: {  	s3 =	sld [smem:$0x3FDB];
	s0 =	simm.s32 @p2 $0x1  }
0x17: {  	s4 =	simm.s32 $0x1BF5;
	[smem:$0x3F98] =	sst s0  }
0x18: {  	s0 =	sld [smem:$0x3F7B];
	_ =	swait.ge [sflag:s4], $0x0  }
0x19: {  	s7 =	sld [smem:$0x3F7C]  }
0x1a: {  	s8 =	sadd.s32 $0xFFFFE003, lr  }
0x1b: {  	s9 =	sadd.s32 $0xFFFFFEF7, lr;
	s5 =	simm.s32 $0xFFFFFFFF;
	p2 =	slt.u32 s8, $0xFFFFF086  }
0x1c: {  	p1 =	slt.u32 s9, $0xF7A;
	s5 =	simm.s32 @!p2 $0x0  }
0x1d: {  	s5 =	simm.s32 @p1 $0x1;
	p0 =	seq.s32 s7, s2  }
0x1e: {  	s7 =	smul.u32 @!p0 $0xF7A, s2;
	p2 =	seq.s32 @!p0 s5, $0x0  }
0x1f: {  	s9 =	smul.u32 $0xF7A, s1;
	s8 =	simm.s32 @!p0 $0x1BF5;
	p2 =	por !p2, p0  }
0x20: {  	[sflag:s8] =	ssyncset.s32 @!p0 $0xFFFFF086;
	s6 =	sadd.s32 @!p0 s3, s7;
	s7 =	simm.s32 @!p0 $0x108  }
0x21: {  	s3 =	sadd.s32 s3, s9;
	s6 =	sadd.s32 @!p0 $0x88, s6;
	s7 =	simm.s32 @p2 $0x1082  }
0x22: {  	[simem:s7], [sflag:s8] =	dma.local @!p0 [hbm:s6], $0xF7A  }
0x23: {  	s9 =	sor.u32 $0xD0000000, s2;
	s6 =	simm.s32 $0x108;
	_ =	swait.ge @!p0 [sflag:s8], $0x0  }
0x24: {  	s3 =	sadd.s32 $0x88, s3;
	s6 =	simm.s32 @!p1 $0x1082;
	[sflag:s4] =	ssyncset.s32 $0xFFFFF086  }
0x25: {  	[simem:s6], [sflag:s4] =	dma.local [hbm:s3], $0xF7A  }
0x26: {  	[smem:$0x3F7C] =	sst s1;
	(tag) =	ssettag s2;
	_ =	strace s9  }
0x27: {  	s1 =	sld [smem:$0x3F8C]  }
0x28: {  	s2 =	sld [smem:$0x3F8D]  }
0x29: {  	s4 =	sld [smem:$0x3F8F]  }
0x2a: {  	p0 =	seq.s32 s5, $0x0;
	s5 =	sld [smem:$0x3F90]  }
0x2b: {  	s6 =	sld [smem:$0x3F91]  }
0x2c: {  	s7 =	sld [smem:$0x3F92]  }
0x2d: {  	s3 =	simm.s32 $0x108;
	s8 =	sld [smem:$0x3F93]  }
0x2e: {  	s3 =	simm.s32 @!p0 $0x1082;
	s9 =	sld [smem:$0x3F94]  }
0x2f: {  	lr =	sadd.s32 s0, s3;
	s0 =	sld [smem:$0x3F8B]  }
0x30: {  	s3 =	sld [smem:$0x3F8E]  }
0x31: {  	[smem:$0x3F97] =	sst s10  }
0x32: {  	s10 =	sld [smem:$0x3F95];
	_ =	sdelay $0x3  }
0x33: {  	p0 =	seq.s32 s10, $0x1;
	s10 =	sld [smem:$0x3F97];
	_ =	sdelay $0x3  }
0x34: {  	[smem:$0x3F97] =	sst s10  }
0x35: {  	s10 =	sld [smem:$0x3F96];
	_ =	sdelay $0x3  }
0x36: {  	p1 =	seq.s32 s10, $0x1;
	s10 =	sld [smem:$0x3F97];
	_ =	sdelay $0x3  }
0x37: {  	[smem:$0x3F97] =	sst s10  }
0x38: {  	s10 =	sld [smem:$0x3F98]  }
0x39: {  	_ = 	snop;
	(pc) =	sbr.ind lr, $3  }
0x3a: {  	_ = 	snop  }
0x3b: {  	_ = 	snop  }
0x3c: {  	p2 =	seq.s32 s10, $0x1;
	s10 =	sld [smem:$0x3F97]  }
0x3d: {  	_ =	shalt  }
0x3e: {  	_ =	shalt  }
0x3f: {  	_ =	shalt  }
0x40: {  	_ =	shalt  }
0x41: {  	_ =	shalt  }
0x42: {  	_ =	shalt  }
0x43: {  	_ =	shalt  }
0x44: {  	_ =	shalt  }
0x45: {  	_ =	shalt  }
0x46: {  	_ =	shalt  }
0x47: {  	_ =	shalt  }
0x48: {  	_ =	shalt  }
0x49: {  	_ =	shalt  }
0x4a: {  	_ =	shalt  }
0x4b: {  	_ =	shalt  }
0x4c: {  	_ =	shalt  }
0x4d: {  	_ =	shalt  }
0x4e: {  	_ =	shalt  }
0x4f: {  	_ =	shalt  }
0x50: {  	_ =	shalt  }
0x51: {  	_ =	shalt  }
0x52: {  	_ =	shalt  }
0x53: {  	_ =	shalt  }
0x54: {  	_ =	shalt  }
0x55: {  	_ =	shalt  }
0x56: {  	_ =	shalt  }
0x57: {  	_ =	shalt  }
0x58: {  	_ =	shalt  }
0x59: {  	_ =	shalt  }
0x5a: {  	_ =	shalt  }
0x5b: {  	_ =	shalt  }
0x5c: {  	_ =	shalt  }
0x5d: {  	_ =	shalt  }
0x5e: {  	_ =	shalt  }
0x5f: {  	_ =	shalt  }
0x60: {  	_ =	shalt  }
0x61: {  	_ =	shalt  }
0x62: {  	_ =	shalt  }
0x63: {  	_ =	shalt  }
0x64: {  	_ =	shalt  }
0x65: {  	_ =	shalt  }
0x66: {  	_ =	shalt  }
0x67: {  	_ =	shalt  }
0x68: {  	_ =	shalt  }
0x69: {  	_ =	shalt  }
0x6a: {  	_ =	shalt  }
0x6b: {  	_ =	shalt  }
0x6c: {  	_ =	shalt  }
0x6d: {  	_ =	shalt  }
0x6e: {  	_ =	shalt  }
0x6f: {  	_ =	shalt  }
0x70: {  	_ =	shalt  }
0x71: {  	_ =	shalt  }
0x72: {  	_ =	shalt  }
0x73: {  	_ =	shalt  }
0x74: {  	_ =	shalt  }
0x75: {  	_ =	shalt  }
0x76: {  	_ =	shalt  }
0x77: {  	_ =	shalt  }
0x78: {  	_ =	shalt  }
0x79: {  	_ =	shalt  }
0x7a: {  	_ =	shalt  }
0x7b: {  	_ =	shalt  }
0x7c: {  	_ =	shalt  }
0x7d: {  	_ =	shalt  }
0x7e: {  	_ =	shalt  }
0x7f: {  	_ =	shalt  }
0x80: {  	_ =	shalt  }
0x81: {  	_ =	shalt  }
0x82: {  	_ =	shalt  }
0x83: {  	_ =	shalt  }
0x84: {  	_ =	shalt  }
0x85: {  	_ =	shalt  }
0x86: {  	_ =	shalt  }
0x87: {  	_ =	shalt  }
.Lfunc_end0:
.L_simem_size_0:
called_computation.1_lowered:
.L_overlay_start_0:
0x88: {  	s0 =	sld [smem:$0x3FD9]  }
0x89: {  	s1 =	sld [smem:$0x3FFE];
	_ =	sdelay $0x3  }
0x8a: {  	s0 =	sadd.s32 s1, s0  }
0x8b: {  	[smem:$0x3FA3] =	sst s0  }
0x8c: {  	_ = 	snop  }
0x8d: {  	(tm) =	ssettm $0x1  }
0x8e: {  	s15 =	sld [smem:$0x3FFB];
	_ =	sdelay $0x3  }
0x8f: {  	_ =	strace s15  }
0x90: {  	s0 =	sld [smem:$0x3FFC];
	_ =	sdelay $0x3  }
0x91: {  	_ =	strace s0  }
0x92: {  	s0 =	sld [smem:$0x3FFD];
	_ =	sdelay $0x3  }
0x93: {  	_ =	strace s0  }
0x94: {  	_ =	strace $0x8FFFFFFF  }
0x95: {  	s16 =	sld [smem:$0x3FDB];
	_ =	sdelay $0x1  }
0x96: {  	s17 =	simm.s32 $_scs_section_size  }
0x97: {  	s2 =	simm.s32 $_size__tile_overlayer_lowered;
	s3 =	simm.s32 $_tile_overlayer_lowered  }
0x98: {  	s20 =	simm.s32 $0x1BFF;
	s19 =	sshll.u32 s3, $0x1;
	s0 =	sadd.s32 s17, s16  }
0x99: {  	s4 =	simm.s32 $0x0;
	s18 =	sshll.u32 s2, $0x1;
	s2 =	sadd.s32 s19, s0  }
0x9a: {  	[timem:s4], [sflag:s20] =	dma.local [hbm:s2], s18  }
0x9b: {  	_ =	swait.ge [sflag:s20], s18  }
0x9c: {  	s1 =	ssub.s32 $0x0, s18;
	[sflag:s20] =	ssyncset.done $0x0  }
0x9d: {  	[sflag:s20] =	ssyncadd.s32 s1;
	_ =	sdelay $0x1  }
0x9e: {  	s21 =	simm.s32 $0x1B8B  }
0x9f: {  	_ =	swait.ge [sflag:s21], $0x1  }
0xa0: {  	[sflag:s21] =	ssyncset.done $0x0  }
0xa1: {  	s23 =	simm.s32 $0x1B8E;
	s22 =	sld [smem:$0x3FFE];
	[sflag:s21] =	ssyncadd.s32 $0xFFFFFFFF  }
0xa2: {  	s24 =	simm.s32 $execute0_lowered;
	[smem:$0x3FD2] =	sst s23  }
0xa3: {  	s2 =	sshll.u32 s24, $0x1;
	_ =	strace $0x80000052;
	[dreg:$0x1] =	wrdreg $0xFFFFFFFF  }
0xa4: {  	s25 =	simm.s32 $_size_execute0_lowered;
	s0 =	sadd.s32 s0, s2;
	[dreg:$0x0] =	wrdreg $0x0  }
0xa5: {  	s2 =	sshll.u32 s25, $0x1;
	[dreg:$0x2] =	wrdreg s0  }
0xa6: {  	[dreg:$0x3] =	wrdreg s2  }
0xa7: {  	[dreg:$0x4] =	wrdreg $0xC0  }
0xa8: {  	_ =	task [dreg:s4], $0x5FFFF  }
0xa9: {  	[dreg:$0x1] =	wrdreg $0xFFFFFFFF  }
0xaa: {  	[dreg:$0x0] =	wrdreg $0x60  }
0xab: {  	[dreg:$0x2] =	wrdreg s22  }
0xac: {  	[dreg:$0x3] =	wrdreg $0xB  }
0xad: {  	_ =	task.clear_ibuf [dreg:s4], $0x4FFFF;
	_ =	strace $0x90000052  }
0xae: {  	s26 =	simm.s32 $0xB;
	_ =	strace $0x80000054  }
0xaf: {  	_ =	swait.ge [sflag:s26], $0x1  }
0xb0: {  	[sflag:s26] =	ssyncadd.s32 $0xFFFFFFFF  }
0xb1: {  	_ =	strace $0x90000054  }
0xb2: {  	_ =	sfence  }
0xb3: {  	s28 =	sld [smem:$0x0];
	_ =	sdelay $0x1  }
0xb4: {  	s29 =	srdreg.scid  }
0xb5: {  	s30 =	sshll.u32 s29, $0xD;
	s31 =	sshrl.u32 s29, $0x2  }
0xb6: {  	s1 =	sand.u32 $0x1, s29;
	s2 =	sand.u32 $0x4000, s30;
	s0 =	sadd.s32 s31, s28  }
0xb7: {  	s1 =	sor.u32 s2, s1;
	s0 =	sshll.u32 s0, $0x11  }
0xb8: {  	s0 =	sor.u32 s0, s1  }
0xb9: {  	s0 =	sadd.s32 $0x8F2B, s0  }
0xba: {  	[sflag:s0] =	ssyncadd.remote.s32 $0x1  }
0xbb: {  	_ =	sfence.sel $0xFFFF  }
0xbc: {  	[dreg:$0x0] =	wrdreg $0xFFFFFFFF;
	(pc) =	sbr.abs _section_cstart, $3  }
0xbd: {  	[dreg:$0x1] =	wrdreg $0xFFFFFFFF  }
0xbe: {  	_ =	task.clear_ibuf [dreg:s4], $0x2FFFF;
	_ =	strace $0x9FFFFFFF  }
0xbf: {  	(tm) =	ssettm $0x7FFFFFFF  }
tec
execute0_lowered:
.L_overlay_start_1:
0x0: {  	(tag) =	ssettag $0x1  }
0x1: {  	s3 =	stileid.u32  }
0x2: {  	s6 =	rddreg [dreg:$0x0];
	_ =	strace $0x80000053;
	s0 =	smin.u32 s3, $0x4  }
0x3: {  	s2 =	simm.s32 $0x1;
	p0 =	slt.u32 s3, $0x4;
	s0 =	sadd.s32 s3, s0  }
0x4: {  	v1 =	vimm.s32 $0xFFFFFFFF;
	[sflag:s2] =	ssyncpa.u1 $0x0;
	s4 =	smul.u32 $0x7D0, s0;
	s0 =	simm.s32 $0xFA0  }
0x5: {  	[tilespmem:$0x10] =	vst v1;
	s0 =	simm.s32 @!p0 $0x7D0  }
0x6: {  	v0 =	vimm.f32 $0.0e+00;
	[tilespmem:$0x20] =	vst v1;
	s0 =	sadd.s32 s0, s4  }
0x7: {  	[tilespmem:$0x30] =	vst v0;
	s5 =	smin.u32 s0, $0x9C40  }
0x8: {  	[tilespmem:$0x40] =	vst v0;
	s0 =	ssub.s32 s5, s4  }
0x9: {  	[tilespmem:$0x50] =	vst v0;
	p0 =	sgt.s32 s0, $0x0  }
0xa: {  	s7 =	simm.s32 $0x2;
	s8 =	simm.s32 $0x8;
	[tilespmem:$0x60] =	vst v1;
	s0 =	simm.s32 @!p0 $0x0  }
0xb: {  	s31 =	simm.s32 $0x9;
	s16 =	simm.s32 $0x0;
	[tilespmem:$0x70] =	vst v1;
	s1 =	sand.u32 $0xFFF0, s0  }
0xc: {  	s17 =	simm.s32 $0xF0;
	s18 =	simm.s32 $0xFFFFFFFF;
	[tilespmem:$0x80] =	vst v1;
	s1 =	sshrl.u32 s1, $0x4  }
0xd: {  	s19 =	simm.s32 $0xFFFFF160;
	s20 =	simm.s32 $0xFFFFFFFE;
	v1 =	vimm.s32 $0x0;
	[tilespmem:$0xB0] =	vst v0;
	s1 =	smul.u32 $0x1063, s1  }
0xe: {  	s21 =	simm.s32 $0xF;
	s25 =	simm.s32 $0x0;
	s24 =	simm.s32 $0x0;
	[tilespmem:$0x90] =	vst v1  }
0xf: {  	[tilespmem:$0xA0] =	vst v1;
	[sflag:s7] =	ssyncpa.u1 $0x0;
	s7 =	simm.s32 $0x7;
	s9 =	sshrl.u32 s1, $0x13  }
0x10: {  	s14 =	sshllo.u32 s3, $0x1;
	[sflag:s7] =	ssyncpa.u1 $0x0;
	s10 =	smul.u32 $0x7D0, s9  }
.Ltmp0:
0x11: {  	[sflag:s8] =	ssyncpa.u1 $0x0;
	s23 =	smov.u32 s4;
	(pc) =	sbr.rel .LBB2_1-.Ltmp0, $4  }
0x12: {  	[sflag:s31] =	ssyncpa.u1 $0x0;
	s1 =	sadd.s32 $0x2800, s6;
	p0 =	sne.s32 s0, s10  }
0x13: {  	s6 =	sadd.s32 $0x1400, s6;
	s10 =	sshll.u32 s3, $0x1;
	s2 =	simm.s32 @!p0 $0x0  }
0x14: {  	vm0 =	vmmov $0xffff;
	v2 =	vlaneseq.u32;
	s13 =	sor.u32 $0x81, s10;
	s15 =	sor.u32 $0x80, s10;
	s9 =	sadd.s32 s9, s2  }
0x15: {  	vm1 =	vmxor vm1, vm1;
	vm2 =	vmmov $0x1;
	vm3 =	vcmask $0x3F3C;
	p0 =	por $0x0, $0x0;
	s11 =	sadd.s32 $0x1, s9;
	s12 =	sadd.s32 $0x2, s9  }
.LBB2_9:
0x16: {  	p1 =	slt.u32 s24, $0x3  }
0x17: {  	s0 =	simm.s32 @!p1 $0x2  }
0x18: {  	_ =	swait.ge @!p1 [sflag:s0], $0x7D0  }
0x19: {  	[sflag:s0] =	ssyncset.done @!p1 $0x0  }
0x1a: {  	[sflag:s0] =	ssyncadd.s32 @!p1 $0xFFFFF830;
	s0 =	simm.s32 @!p1 $0x9  }
0x1b: {  	_ =	swait.ge @!p1 [sflag:s0], $0x10  }
0x1c: {  	[sflag:s0] =	ssyncset.done @!p1 $0x0  }
0x1d: {  	[sflag:s0] =	ssyncadd.s32 @!p1 $0xFFFFFFF0;
	p1 =	sne.s32 s24, s12  }
.Ltmp1:
0x1e: {  	s2 =	sadd.s32 $0x7D0, s23;
	(pc) =	sbr.rel @!p1 .LBB2_10-.Ltmp1, $4  }
0x1f: {  	s3 =	smov.u32 s4;
	s31 =	sadd.s32 $0x1, s24;
	s17 =	sadd.s32 $0x7D0, s17  }
0x20: {  	s18 =	sadd.s32 $0x1, s18;
	s25 =	smov.u32 s23;
	p2 =	slt.s32 s2, s5  }
0x21: {  	p0 =	por !p0, !p0;
	s19 =	sadd.s32 $0x7D0, s19;
	s3 =	smov.u32 @p2 s2  }
0x22: {  	s20 =	sadd.s32 $0x1, s20;
	s23 =	smov.u32 s3;
	s24 =	smov.u32 s31  }
.LBB2_1:
0x23: {  	p1 =	sge.u32 s24, s9  }
0x24: {  	s0 =	smulhi.u32 @!p1 $0xAAAAAAAB, s24;
	_ =	sdelay $0x1  }
0x25: {  	s0 =	sshrl.u32 @!p1 s0, $0x1  }
0x26: {  	s0 =	smul.u32 @!p1 $0x3, s0;
	_ =	sdelay $0x1  }
0x27: {  	s0 =	ssub.s32 @!p1 s24, s0  }
0x28: {  	s0 =	smul.u32 @!p1 $0x1F40, s0;
	_ =	sdelay $0x1  }
0x29: {  	s3 =	rddreg [dreg:$0x0];
	s2 =	sshrl.u32 @!p1 s23, $0x3;
	s0 =	sshrl.u32 @!p1 s0, $0x2  }
0x2a: {  	s22 =	sand.u32 @!p1 $0x7, s23;
	s2 =	sadd.s32 @!p1 s3, s2;
	s0 =	sadd.s32 @!p1 $0x100, s0  }
0x2b: {  	[tilespmem:s0], [sflag:$0x7] =	stream.linear.gather @!p1 [hbm4b:s2+s22], $0x7D0, $0x38;
	[tilespmem:$0x4770] =	vst v63  }
0x2c: {  	s0 =	sadd.s32 $0xFFFFFFFF, s24  }
0x2d: {  	p1 =	sge.u32 s0, s9  }
.Ltmp2:
0x2e: {  	_ = 	snop;
	(pc) =	sbr.rel @p1 .LBB2_5-.Ltmp2, $1  }
0x2f: {  	_ =	sdelay $0x3  }
0x30: {  	s2 =	smulhi.u32 $0xAAAAAAAB, s0;
	_ =	sdelay $0x1  }
0x31: {  	s2 =	sshrl.u32 s2, $0x1  }
0x32: {  	s2 =	smul.u32 $0x3, s2;
	_ =	sdelay $0x1  }
0x33: {  	s2 =	ssub.s32 s0, s2  }
0x34: {  	s2 =	smul.u32 $0x1F40, s2  }
0x35: {  	_ =	swait.ge [sflag:s7], $0x7D0  }
0x36: {  	[sflag:s7] =	ssyncset.done $0x0;
	s2 =	sshrl.u32 s2, $0x2  }
0x37: {  	[sflag:s7] =	ssyncadd.s32 $0xFFFFF830;
	(ifvalue) =	ssetifvalue $0xFFFFFFFF;
	v3 =	vld.msk [tilespmem:s2+$0x100 ss:$0x1], $0xffff;
	_ =	sdelay $0x2  }
0x38: {  	s30 =	smulhi.u32 $0xAAAAAAAB, s18;
	p1 =	sne.s32 s24, $0x1  }
0x39: {  	v4 =	vimm.s32 @!p1 $0x0  }
0x3a: {  	s2 =	sshrl.u32 s30, $0x1;
	v4 =	vperm.xlane @!p1 v3, v4  }
0x3b: {  	s22 =	sshll.u32 s24, $0x4;
	s2 =	smul.u32 $0xFFFFA240, s2;
	vm4 =	vlt.u32 v3, $0x2800  }
0x3c: {  	s22 =	sand.u32 $0x10, s22;
	v3 =	vnsel vm4, $0xFFFFFFFE, v3;
	vm4 =	vlt.u32 @!p1 v4, $0x2800  }
0x3d: {  	s2 =	sshra.s32 s2, $0x2;
	[tilespmem:s22+$0x60] =	vst v3;
	v3 =	vnsel @!p1 vm4, $0xFFFFFFFE, v4  }
0x3e: {  	s28 =	sadd.s32 s2, s17;
	[tilespmem:$0x80] =	vst @!p1 v3  }
0x3f: {  	v3 =	vld.msk [tilespmem:s28+$0x0 ss:$0x1], $0xffff;
	_ =	sdelay $0x4  }
0x40: {  	(xrf1) =	vunique.msk.u32 $0xffff, v3;
	_ =	sdelay $0xd  }
0x41: {  	v4 =	vimm.s32 $0xFFFFFFFF;
	v5, _, _ =	vpop (xrf1)  }
0x42: {  	vm5 =	vne.s32 v3, v4;
	vm4 =	veq.s32 v5, v2  }
0x43: {  	vm6 =	vlt.u32 v3, $0x2800;
	vm4 =	vmand vm5, vm4  }
0x44: {  	vm4 =	vmand vm6, vm4  }
0x45: {  	v4 =	vnsel vm4, $0xFFFFFFFF, v3  }
0x46: {  	s31 =	sand.u32 $0x1, s0  }
0x47: {  	s0 =	simm.s32 $0x7D0;
	p1 =	seq.s32 s31, $0x1  }
0x48: {  	s0 =	simm.s32 @!p1 $0x0  }
0x49: {  	s26 =	sadd.s32 $0x2030, s0;
	(ifvalue) =	ssetifvalue $0xFFFFFFFF  }
0x4a: {  	v3 =	vperm.xlane v3, v1;
	[tilespmem:s26], [sflag:$0x8] =	stream.indirect_vreg.gather [hbm4b:s1+s16], $0x1, v4, vm0, $0x4038;
	v4 =	vnsel vm6, $0xFFFFFFFE, v4;
	[tilespmem:$0x4770] =	vst v63  }
0x4b: {  	s2 =	simm.s32 $0x0;
	s22 =	sadd.s32 $0xFFFFFFF0, s28;
	[tilespmem:s28+$0x0] =	vst v4  }
.LBB2_3:
0x4c: {  	v4 =	vld.msk [tilespmem:s22+$0x0 ss:$0x1], $0xffff;
	s2 =	sadd.s32 $0x10, s2;
	v5 =	vmov v3;
	s28 =	smov.u32 s22  }
0x4d: {  	p1 =	slt.u32 s2, $0x7C0;
	_ =	sdelay $0x4  }
0x4e: {  	v3 =	vperm.xlane v4, v1;
	(xrf1) =	vunique.msk.u32 $0xffff, v4;
	_ =	sdelay $0xd  }
0x4f: {  	v6, _, _ =	vpop (xrf1)  }
0x50: {  	vm5 =	vne.s32 v4, v5;
	vm4 =	veq.s32 v6, v2  }
0x51: {  	vm6 =	vlt.u32 v4, $0x2800;
	vm4 =	vmand vm5, vm4  }
0x52: {  	vm4 =	vmand vm6, vm4  }
0x53: {  	v4 =	vnsel vm4, $0xFFFFFFFF, v4  }
.Ltmp3:
0x54: {  	v5 =	vnsel vm6, $0xFFFFFFFE, v4;
	(pc) =	sbr.rel @p1 .LBB2_3-.Ltmp3, $3  }
0x55: {  	_ =	sdelay $0x1  }
0x56: {  	s22 =	sadd.s32 $0xFFFFFFF0, s22;
	s26 =	sadd.s32 $0xFFFFFFF0, s26;
	(ifvalue) =	ssetifvalue $0xFFFFFFFF  }
0x57: {  	[tilespmem:s26], [sflag:$0x8] =	stream.indirect_vreg.gather [hbm4b:s1+s16], $0x1, v4, vm0, $0x4038;
	[tilespmem:s28+$0x0] =	vst v5  }
0x58: {  	s2 =	sshrl.u32 s25, $0x3  }
0x59: {  	s0 =	sadd.s32 $0x2810, s0;
	s2 =	sadd.s32 s6, s2  }
0x5a: {  	[tilespmem:s0], [sflag:$0x8] =	stream.linear.gather [hbm:s2], $0x7D0, $0x38;
	[tilespmem:$0x4770] =	vst v63  }
.LBB2_5:
0x5b: {  	p1 =	slt.u32 s24, $0x2  }
0x5c: {  	p2 =	sge.u32 @!p1 s24, s12  }
0x5d: {  	p1 =	por p1, p2  }
.Ltmp4:
0x5e: {  	_ = 	snop;
	(pc) =	sbr.rel @p1 .LBB2_9-.Ltmp4, $1  }
0x5f: {  	_ =	sdelay $0x3  }
0x60: {  	s0 =	sadd.s32 $0xFFFFFFFE, s24  }
0x61: {  	s2 =	smulhi.u32 $0xAAAAAAAB, s0;
	_ =	sdelay $0x1  }
0x62: {  	s2 =	sshrl.u32 s2, $0x1  }
0x63: {  	s2 =	smul.u32 $0x3, s2;
	_ =	sdelay $0x1  }
0x64: {  	s0 =	ssub.s32 s0, s2  }
0x65: {  	_ =	swait.ge [sflag:s8], $0xFA0;
	s0 =	smul.u32 $0x7D0, s0  }
0x66: {  	p1 =	sne.s32 s24, s11;
	[sflag:s8] =	ssyncset.done $0x0  }
0x67: {  	[sflag:s8] =	ssyncadd.s32 $0xFFFFF060;
	s2 =	sadd.s32 @!p1 $0x8CF, s0  }
0x68: {  	[spmem:s13] =	stream.linear.scatter @!p1 [tilespmem:s2], [sflag:$0x1], $0x1, $0x38;
	[tilespmem:$0x4770] =	vst v63  }
0x69: {  	s2 =	simm.s32 @!p1 $0x1  }
0x6a: {  	_ =	swait.ge @!p1 [sflag:s2], $0x1  }
0x6b: {  	s22 =	sshll.u32 s24, $0x4;
	[sflag:s2] =	ssyncset.done @!p1 $0x0  }
0x6c: {  	s25 =	sand.u32 $0x10, s22;
	[sflag:s2] =	ssyncadd.s32 @!p1 $0xFFFFFFFF  }
0x6d: {  	s2 =	sxor.u32 $0x10, s25;
	v4 =	vld [tilespmem:s25+$0x10]  }
0x6e: {  	v5 =	vld [tilespmem:s2+$0x60]  }
0x6f: {  	v3 =	vld [tilespmem:$0x80];
	_ =	sdelay $0x2  }
0x70: {  	(v2sf) =	vpush v4, $0x0  }
0x71: {  	(v2sf) =	vpush v5, $0x0  }
0x72: {  	(v2sf) =	vpush v3, $0x0;
	_ =	sdelay $0xc  }
0x73: {  	s3 =	spop (v2sf)  }
0x74: {  	s28 =	spop (v2sf)  }
0x75: {  	s26 =	spop (v2sf)  }
0x76: {  	p2 =	seq.s32 s3, s28;
	p3 =	seq.s32 s26, s3  }
0x77: {  	p3 =	por p2, p3  }
0x78: {  	s3 =	sand.u32 $0x1, s24;
	v4 =	vpsel p3, $0xFFFFFFFF, v4  }
0x79: {  	s28 =	smul.u32 $0x7D0, s3;
	[tilespmem:s25+$0x10] =	vst.msk $0x1, v4  }
0x7a: {  	v4 =	vld [tilespmem:$0x30]  }
0x7b: {  	v5 =	vld [tilespmem:s28+$0x2810]  }
0x7c: {  	v6 =	vld [tilespmem:s25+$0x40];
	_ =	sdelay $0x3  }
0x7d: {  	vm4 =	vmmov vm1;
	v5 =	vadd.f32 v5, v4  }
0x7e: {  	vm5 =	vmmov vm2;
	vm4 =	vmmov @p2 vm2;
	v4 =	vadd.f32 v6, v4  }
0x7f: {  	s22 =	sshll.u32 s3, $0x4;
	vm5 =	vmmov @p3 vm1;
	[tilespmem:s28+$0x2810] =	vst.msk vm4, v5  }
0x80: {  	[tilespmem:s22+$0x4750] =	vst.msk vm5, v4  }
0x81: {  	v4 =	vld [tilespmem:s28+$0x2030];
	_ =	sdelay $0x3  }
0x82: {  	v5 =	vimm.f32 $0.0e+00  }
0x83: {  	v4 =	vshift.insert v4, v5, s21  }
0x84: {  	s29 =	sor.u32 $0x40, s2  }
0x85: {  	[tilespmem:s29+$0x0] =	vst.msk $0x1, v4  }
0x86: {  	[tilespmem:s28+$0x203F] =	vst.msk $0x1, v5  }
0x87: {  	v4 =	vld [tilespmem:s0+$0x8C0];
	_ =	sdelay $0x1  }
0x88: {  	s29 =	smulhi.u32 $0xAAAAAAAB, s20;
	s0 =	simm.s32 $0x1  }
0x89: {  	s0 =	simm.s32 @!p0 $0x0  }
0x8a: {  	s29 =	sshrl.u32 s29, $0x1;
	s0 =	smul.u32 $0x1F40, s0  }
0x8b: {  	s29 =	smul.u32 $0xFFFFA240, s29;
	v4 =	vshift.insert v4, v1, s21  }
0x8c: {  	s0 =	sshrl.u32 s0, $0x2  }
0x8d: {  	s29 =	sshra.s32 s29, $0x2;
	s30 =	sadd.s32 $0x2810, s0;
	[tilespmem:s2+$0x10] =	vst.msk $0x1, v4  }
0x8e: {  	s3 =	sadd.s32 s29, s19;
	v6 =	vld [tilespmem:s30+$0x0]  }
0x8f: {  	v7 =	vld [tilespmem:s3+$0x0];
	_ =	sdelay $0x3  }
0x90: {  	v5 =	vadd.f32 v6, v5  }
0x91: {  	vm4 =	vne.s32 v7, $0xFFFFFFFF  }
0x92: {  	(xrf2) =	vadd.seg.scan.f32 vm4, v5;
	_ =	sdelay $0x3  }
0x93: {  	s31 =	sadd.s32 $0x1870, s0;
	v5 =	vperm.xlane v4, v1  }
0x94: {  	v6 =	vld [tilespmem:s31+$0x0]  }
0x95: {  	vm5 =	veq.s32 v7, v3;
	vm6 =	veq.s32 v7, v5  }
0x96: {  	vm7 =	vgt.u32 v7, $0xFFFFFFFD;
	vm6 =	vmor vm6, vm5  }
0x97: {  	vm6 =	vmor vm6, vm7  }
0x98: {  	v9 =	vld [tilespmem:$0xA0];
	v7 =	vsel vm6, $0xFFFFFFFF, v7  }
0x99: {  	v10 =	vld [tilespmem:$0x90];
	v6 =	vsel vm5, $0x0, v6;
	v8, _, _ =	vpop (xrf2)  }
0x9a: {  	v6 =	vadd.f32 v8, v6  }
0x9b: {  	s0 =	sadd.s32 $0x37B0, s0  }
0x9c: {  	vm4 =	vmand vm4, vm3;
	[tilespmem:s0+$0x0] =	vst v6;
	(ifvalue) =	ssetifvalue $0xFFFFFFFF  }
0x9d: {  	vm6 =	veq.s32 v9, $0x1;
	[hbm4b:s1+s16] =	stream.indirect_vreg.scatter [tilespmem:s0], [sflag:$0x2], $0x1, v7, vm0, $0x4038;
	v7 =	vsel vm4, $0x0, v8;
	[tilespmem:$0x4770] =	vst v63  }
0x9e: {  	s29 =	sadd.s32 $0x4750, s22;
	s22 =	sadd.s32 $0x10, s3;
	s2 =	simm.s32 $0x0;
	vm4 =	vmor vm6, vm5;
	v6 =	vsel vm5, v8, v10;
	v7 =	vshift.insert v7, v0, s21  }
.LBB2_7:
0x9f: {  	v8 =	vld [tilespmem:s22+$0x0];
	s30 =	sadd.s32 $0x10, s30  }
0xa0: {  	s31 =	sadd.s32 $0x10, s31;
	v9 =	vld [tilespmem:s30+$0x0]  }
0xa1: {  	s2 =	sadd.s32 $0x10, s2;
	v10 =	vld [tilespmem:s31+$0x0]  }
0xa2: {  	p2 =	slt.u32 s2, $0x7C0;
	_ =	sdelay $0x2  }
0xa3: {  	v7 =	vadd.f32 v9, v7  }
0xa4: {  	vm5 =	vne.s32 v8, $0xFFFFFFFF  }
0xa5: {  	vm6 =	vmand vm5, vm3;
	(xrf2) =	vadd.seg.scan.f32 vm5, v7;
	_ =	sdelay $0x5  }
0xa6: {  	vm7 =	veq.s32 v8, v5;
	vm5 =	veq.s32 v8, v3  }
0xa7: {  	vm8 =	vgt.u32 v8, $0xFFFFFFFD;
	vm4 =	vmor vm4, vm5;
	vm7 =	vmor vm7, vm5  }
0xa8: {  	vm7 =	vmor vm7, vm8  }
0xa9: {  	v8 =	vsel vm7, $0xFFFFFFFF, v8  }
.Ltmp5:
0xaa: {  	v7 =	vsel vm5, $0x0, v10;
	v9, _, _ =	vpop (xrf2);
	(pc) =	sbr.rel @p2 .LBB2_7-.Ltmp5, $4  }
0xab: {  	v6 =	vsel vm5, v9, v6;
	v10 =	vadd.f32 v9, v7;
	v7 =	vsel vm6, $0x0, v9  }
0xac: {  	s0 =	sadd.s32 $0x10, s0;
	v7 =	vshift.insert v7, v0, s21  }
0xad: {  	s22 =	sadd.s32 $0x10, s22;
	[tilespmem:s0+$0x0] =	vst v10;
	(ifvalue) =	ssetifvalue $0xFFFFFFFF  }
0xae: {  	[hbm4b:s1+s16] =	stream.indirect_vreg.scatter [tilespmem:s0], [sflag:$0x2], $0x1, v8, vm0, $0x4038;
	[tilespmem:$0x4770] =	vst v63  }
0xaf: {  	v3 =	vld [tilespmem:s28+$0x3F70];
	_ =	sdelay $0x4  }
0xb0: {  	v3 =	vshift.insert v3, v0, s21  }
0xb1: {  	s0 =	simm.s32 $0x30  }
0xb2: {  	[tilespmem:s0+$0x0] =	vst.msk $0x1, v3  }
0xb3: {  	v3 =	vsel vm4, $0x1, v1;
	[tilespmem:$0x90] =	vst v6  }
0xb4: {  	s0 =	sadd.s32 @!p1 $0x3F7F, s28;
	[tilespmem:$0xA0] =	vst v3  }
0xb5: {  	[spmem:s14] =	stream.linear.scatter @!p1 [tilespmem:s0], [sflag:$0x1], $0x1, $0x38;
	[tilespmem:$0x4770] =	vst v63  }
0xb6: {  	s0 =	simm.s32 @!p1 $0x1  }
0xb7: {  	v3 =	vmctz.xlane @!p1 vm4;
	_ =	swait.ge @!p1 [sflag:s0], $0x1  }
0xb8: {  	(v2sf) =	vpush @!p1 v4, $0x0  }
0xb9: {  	(v2sf) =	vpush @!p1 v3, $0x0;
	_ =	sdelay $0xd  }
0xba: {  	s2 =	spop @!p1 (v2sf)  }
0xbb: {  	s3 =	spop @!p1 (v2sf)  }
0xbc: {  	p2 =	sne.s32 @!p1 s26, s2;
	p3 =	slt.s32 @!p1 s3, $0xF  }
0xbd: {  	[sflag:s0] =	ssyncset.done @!p1 $0x0;
	p2 =	por p2, p1;
	p3 =	por !p3, p1  }
0xbe: {  	[sflag:s0] =	ssyncadd.s32 @!p1 $0xFFFFFFFF;
	v3 =	vimm.s32 @!p2 $0xFFFFFFFF;
	s3 =	simm.s32 @p3 $0xF  }
0xbf: {  	[tilespmem:$0x80] =	vst @!p2 v3;
	s2 =	sadd.s32 @!p1 $0x90, s3  }
0xc0: {  	[spmem:s10] =	stream.linear.scatter @!p1 [tilespmem:s2], [sflag:$0x1], $0x1, $0x38;
	[tilespmem:$0x4770] =	vst v63  }
0xc1: {  	_ =	swait.ge @!p1 [sflag:s0], $0x1  }
0xc2: {  	[sflag:s0] =	ssyncset.done @!p1 $0x0  }
0xc3: {  	s2 =	simm.s32 @!p1 $0x80;
	[sflag:s0] =	ssyncadd.s32 @!p1 $0xFFFFFFFF  }
0xc4: {  	[spmem:s15] =	stream.linear.scatter @!p1 [tilespmem:s2], [sflag:$0x1], $0x1, $0x38;
	[tilespmem:$0x4770] =	vst v63  }
0xc5: {  	_ =	swait.ge @!p1 [sflag:s0], $0x1  }
0xc6: {  	[sflag:s0] =	ssyncset.done @!p1 $0x0  }
0xc7: {  	[sflag:s0] =	ssyncadd.s32 @!p1 $0xFFFFFFFF;
	(ifvalue) =	ssetifvalue $0xFFFFFFFF;
	v3 =	vld [tilespmem:s25+$0x10];
	_ =	sdelay $0x3  }
.Ltmp6:
0xc8: {  	_ = 	snop;
	(pc) =	sbr.rel .LBB2_9-.Ltmp6, $3  }
0xc9: {  	_ =	sdelay $0x1  }
0xca: {  	(ifvalue) =	ssetifvalue $0xFFFFFFFF  }
0xcb: {  	[hbm4b:s1+s16] =	stream.indirect_vreg.scatter [tilespmem:s29], [sflag:$0x9], $0x1, v3, vm0, $0x4038;
	[tilespmem:$0x4770] =	vst v63  }
.LBB2_10:
0xcc: {  	_ =	sfence.sel $0x180000  }
0xcd: {  	s0 =	simm.s32 $0x7;
	[bflag:$0x0] =	sbarrier.arrive $0xFFFF  }
0xce: {  	s26 =	simm.s32 $0x8;
	[sflag:s0] =	ssyncpa.u1 $0x1  }
0xcf: {  	s28 =	simm.s32 $0x9;
	[sflag:s26] =	ssyncpa.u1 $0x1  }
0xd0: {  	[sflag:s28] =	ssyncpa.u1 $0x1  }
0xd1: {  	_ =	sfence.stream.spmem  }
0xd2: {  	s29 =	simm.s32 $0x3;
	[bflag:$0x0] =	sbarrier.arrive $0xFFFF  }
0xd3: {  	s30 =	simm.s32 $0x4;
	[sflag:s29] =	ssyncpa.u1 $0x1  }
0xd4: {  	s31 =	simm.s32 $0x3C;
	s2 =	stileid.u32;
	[sflag:s30] =	ssyncpa.u1 $0x1  }
0xd5: {  	p0 =	sne.s32 s2, $0x0;
	[sflag:s31] =	ssyncpa.u1 $0x1  }
0xd6: {  	s0 =	simm.s32 @p0 $0x1;
	_ =	sfence @p0  }
0xd7: {  	[sflag:s0] =	ssyncpa.u1 @p0 $0x1;
	s0 =	simm.s32 @p0 $0x2  }
0xd8: {  	[sflag:s0] =	ssyncpa.u1 @p0 $0x1  }
0xd9: {  	_ =	strace @p0 $0x90000053  }
0xda: {  	[bflag:$0x2] =	sbarrier.arrive @p0 $0xFFFF  }
0xdb: {  	_ =	shalt @p0  }
.LBB2_11:
0xdc: {  	_ =	sfence.stream.spmem;
	s0 =	simm.s32 $0x5  }
0xdd: {  	s2 =	simm.s32 $0x80;
	s3 =	simm.s32 $0xC0;
	[sflag:s0] =	ssyncpa.u1 $0x0  }
0xde: {  	[tilespmem:s3], [sflag:$0x5] =	stream.linear.gather [spmem:s2], $0x20, $0x38;
	[tilespmem:$0x4770] =	vst v63  }
0xdf: {  	s2 =	simm.s32 $0x0;
	s3 =	simm.s32 $0xE0  }
0xe0: {  	[tilespmem:s3], [sflag:$0x5] =	stream.linear.gather [spmem:s2], $0x20, $0x38;
	[tilespmem:$0x4770] =	vst v63  }
.Ltmp7:
0xe1: {  	_ = 	snop;
	(pc) =	sbr.rel .LBB2_12-.Ltmp7, $4  }
0xe2: {  	_ =	swait.ge [sflag:s0], $0x40  }
0xe3: {  	[sflag:s0] =	ssyncset.done $0x0  }
0xe4: {  	s31 =	simm.s32 $0x6;
	[sflag:s0] =	ssyncadd.s32 $0xFFFFFFC0  }
0xe5: {  	s4 =	simm.s32 $0x0;
	[sflag:s31] =	ssyncpa.u1 $0x0  }
.LBB2_17:
0xe6: {  	p0 =	sgt.u32 s5, $0x27FF  }
0xe7: {  	s0 =	sshrl.u32 @!p0 s5, $0x3  }
0xe8: {  	s5 =	sand.u32 @!p0 $0x7, s5;
	s6 =	simm.s32 @!p0 $0xB0;
	s0 =	sadd.s32 @!p0 s1, s0  }
0xe9: {  	[tilespmem:s6], [sflag:$0x6] =	stream.linear.gather @!p0 [hbm4b:s0+s5], $0x1, $0x38;
	[tilespmem:$0x4770] =	vst v63  }
0xea: {  	s0 =	simm.s32 @!p0 $0x6  }
0xeb: {  	_ =	swait.ge @!p0 [sflag:s0], $0x1  }
0xec: {  	[sflag:s0] =	ssyncset.done @!p0 $0x0  }
0xed: {  	[sflag:s0] =	ssyncadd.s32 @!p0 $0xFFFFFFFF  }
0xee: {  	v2 =	vmov @!p0 s4;
	v1 =	vld.msk @!p0 [tilespmem:$0xB0], $0x1;
	_ =	sdelay $0x3  }
0xef: {  	s0 =	simm.s32 @!p0 $0xE0  }
0xf0: {  	[tilespmem:v2+s0+$0x0], v1 =	vst.idx.ret.add.f32.msk @!p0 $0x1, v1  }
0xf1: {  	[tilespmem:s2+$0xC0] =	vst.msk $0x1, v0  }
0xf2: {  	v0 =	vld.msk [tilespmem:s4+$0xE0], $0x1;
	_ =	sdelay $0x4  }
0xf3: {  	[tilespmem:s2+$0xE0] =	vst.msk $0x1, v0;
	s2 =	sadd.s32 $0x1, s2  }
.LBB2_19:
0xf4: {  	s4 =	sadd.s32 $0x1, s4  }
0xf5: {  	p0 =	sne.s32 s4, $0x20  }
.Ltmp8:
0xf6: {  	_ = 	snop;
	(pc) =	sbr.rel @!p0 .LBB2_20-.Ltmp8, $1  }
0xf7: {  	_ =	sdelay $0x3  }
.LBB2_12:
0xf8: {  	v0 =	vld.msk [tilespmem:s4+$0xC0], $0x1;
	_ =	sdelay $0x4  }
0xf9: {  	(v2sf) =	vpush v0, $0x0;
	_ =	sdelay $0xe  }
0xfa: {  	s5 =	spop (v2sf)  }
0xfb: {  	p0 =	seq.s32 s5, $0xFFFFFFFF  }
.Ltmp9:
0xfc: {  	_ = 	snop;
	(pc) =	sbr.rel @p0 .LBB2_19-.Ltmp9, $1  }
0xfd: {  	_ =	sdelay $0x3  }
0xfe: {  	p0 =	slt.s32 s2, $0x1  }
.Ltmp10:
0xff: {  	_ = 	snop;
	(pc) =	sbr.rel @p0 .LBB2_17-.Ltmp10, $1  }
0x100: {  	_ =	sdelay $0x3  }
0x101: {  	s0 =	simm.s32 $0xC0;
	p0 =	por $0x0, $0x0  }
0x102: {  	v1 =	vld.msk @!p0 [tilespmem:s0+$0x0], $0x1;
	_ =	sdelay $0x4  }
0x103: {  	(v2sf) =	vpush @!p0 v1, $0x0;
	_ =	sdelay $0xd  }
0x104: {  	p2 =	sne.s32 s2, $0x1  }
.Ltmp11:
0x105: {  	s6 =	spop @!p0 (v2sf);
	(pc) =	sbr.rel @!p2 .LBB2_16-.Ltmp11, $4  }
0x106: {  	p1 =	seq.s32 @!p0 s5, s6  }
0x107: {  	s6 =	simm.s32 $0x0;
	p1 =	por !p1, p0  }
0x108: {  	s8 =	simm.s32 $0xFFFFFFFF;
	s6 =	simm.s32 @p1 $0xFFFFFFFF  }
0x109: {  	s7 =	simm.s32 $0x1;
	s6 =	smov.u32 @p0 s8  }
.LBB2_15:
0x10a: {  	s8 =	smov.u32 s6;
	p0 =	sne.s32 s6, $0xFFFFFFFF  }
0x10b: {  	s0 =	sadd.s32 $0x1, s0;
	s6 =	smov.u32 s7;
	s7 =	sadd.s32 $0x1, s7  }
0x10c: {  	p1 =	sne.s32 s2, s7;
	v1 =	vld.msk @!p0 [tilespmem:s0+$0x0], $0x1;
	_ =	sdelay $0x4  }
0x10d: {  	(v2sf) =	vpush @!p0 v1, $0x0;
	_ =	sdelay $0xe  }
.Ltmp12:
0x10e: {  	s9 =	spop @!p0 (v2sf);
	(pc) =	sbr.rel @p1 .LBB2_15-.Ltmp12, $4  }
0x10f: {  	p2 =	seq.s32 @!p0 s5, s9  }
0x110: {  	p2 =	por !p2, p0  }
0x111: {  	s6 =	simm.s32 @p2 $0xFFFFFFFF  }
0x112: {  	s6 =	smov.u32 @p0 s8  }
.LBB2_16:
0x113: {  	p0 =	sne.s32 s6, $0xFFFFFFFF  }
.Ltmp13:
0x114: {  	_ = 	snop;
	(pc) =	sbr.rel @!p0 .LBB2_17-.Ltmp13, $1  }
0x115: {  	_ =	sdelay $0x3  }
0x116: {  	v0 =	vld.msk [tilespmem:s4+$0xE0], $0x1;
	v1 =	vmov s6  }
.Ltmp14:
0x117: {  	_ = 	snop;
	(pc) =	sbr.rel .LBB2_19-.Ltmp14, $2  }
0x118: {  	_ =	sdelay $0x2  }
0x119: {  	[tilespmem:v1+s3+$0x0], v0 =	vst.idx.ret.add.f32.msk $0x1, v0  }
.LBB2_20:
0x11a: {  	p0 =	slt.s32 s2, $0x1  }
.Ltmp15:
0x11b: {  	_ = 	snop;
	(pc) =	sbr.rel @p0 .LBB2_24-.Ltmp15, $3  }
0x11c: {  	_ =	sdelay $0x1  }
0x11d: {  	s0 =	simm.s32 $0x6  }
0x11e: {  	s3 =	simm.s32 $0x0;
	[sflag:s0] =	ssyncpa.u1 $0x1  }
0x11f: {  	s0 =	simm.s32 $0xC0  }
0x120: {  	v0 =	vld.msk [tilespmem:s0+$0x0], $0x1;
	_ =	sdelay $0x4  }
0x121: {  	(v2sf) =	vpush v0, $0x0;
	_ =	sdelay $0xe  }
0x122: {  	s2 =	sadd.s32 $0xFFFFFFFF, s2;
	s4 =	spop (v2sf)  }
0x123: {  	p1 =	sne.s32 s2, $0x0;
	p0 =	sgt.u32 s4, $0x27FF  }
.Ltmp16:
0x124: {  	s5 =	sshrl.u32 @!p0 s4, $0x3;
	(pc) =	sbr.rel @!p1 .LBB2_23-.Ltmp16, $4  }
0x125: {  	s0 =	simm.s32 $0xE0;
	s4 =	sand.u32 @!p0 $0x7, s4;
	s5 =	sadd.s32 @!p0 s1, s5  }
0x126: {  	[hbm4b:s5+s4] =	stream.linear.scatter @!p0 [tilespmem:s0], [sflag:$0x5], $0x1, $0x38;
	[tilespmem:$0x4770] =	vst v63  }
0x127: {  	s5 =	simm.s32 $0x0  }
0x128: {  	s4 =	simm.s32 $0xC1;
	s5 =	simm.s32 @!p0 $0x4  }
.LBB2_22:
0x129: {  	v0 =	vld.msk [tilespmem:s4+$0x0], $0x1;
	s2 =	sadd.s32 $0xFFFFFFFF, s2;
	s3 =	sadd.s32 s3, s5  }
0x12a: {  	p0 =	sne.s32 s2, $0x0;
	_ =	sdelay $0x3  }
0x12b: {  	(v2sf) =	vpush v0, $0x0;
	_ =	sdelay $0xe  }
.Ltmp17:
0x12c: {  	s6 =	spop (v2sf);
	(pc) =	sbr.rel @p0 .LBB2_22-.Ltmp17, $4  }
0x12d: {  	s5 =	simm.s32 $0x0;
	p1 =	sgt.u32 s6, $0x27FF  }
0x12e: {  	s0 =	sadd.s32 $0x1, s0;
	s5 =	simm.s32 @!p1 $0x4;
	s7 =	sshrl.u32 @!p1 s6, $0x3  }
0x12f: {  	s4 =	sadd.s32 $0x1, s4;
	s6 =	sand.u32 @!p1 $0x7, s6;
	s7 =	sadd.s32 @!p1 s1, s7  }
0x130: {  	[hbm4b:s7+s6] =	stream.linear.scatter @!p1 [tilespmem:s0], [sflag:$0x5], $0x1, $0x38;
	[tilespmem:$0x4770] =	vst v63  }
.LBB2_23:
0x131: {  	s0 =	sadd.s32 s3, s5  }
0x132: {  	s3 =	sshrl.u32 s0, $0x2  }
.LBB2_24:
0x133: {  	s0 =	simm.s32 $0x5  }
0x134: {  	_ =	swait.ge [sflag:s0], s3  }
0x135: {  	s1 =	ssub.s32 $0x0, s3;
	[sflag:s0] =	ssyncset.done $0x0  }
0x136: {  	[sflag:s0] =	ssyncadd.s32 s1  }
0x137: {  	[sflag:s0] =	ssyncpa.u1 $0x1  }
0x138: {  	s29 =	simm.s32 $0x1;
	_ =	sfence  }
0x139: {  	s30 =	simm.s32 $0x2;
	[sflag:s29] =	ssyncpa.u1 $0x1  }
0x13a: {  	[sflag:s30] =	ssyncpa.u1 $0x1  }
0x13b: {  	_ =	strace $0x90000053  }
0x13c: {  	[bflag:$0x2] =	sbarrier.arrive $0xFFFF  }
0x13d: {  	s31 =	rddreg [dreg:$0x1]  }
0x13e: {  	s0 =	sadd.s32 $0x100000, s31  }
0x13f: {  	[sflag:s0] =	ssyncadd.tile.s32 $0x1;
	_ =	shalt  }
.Lfunc_end2:
_tile_overlayer_lowered:
.L_overlay_start_2:
0x140: {  	(tag) =	ssettag $0x2  }
0x141: {  	s0 =	rddreg [dreg:$0x0];
	s2 =	stileid.u32  }
0x142: {  	s1 =	rddreg [dreg:$0x1];
	p0 =	sne.s32 s2, $0x0  }
0x143: {  	s3 =	rddreg [dreg:$0x2];
	[bflag:$0x3] =	sbarrier.arrive $0xFFFF;
	s2 =	simm.s32 @!p0 $0x1C01  }
0x144: {  	[timem:s3], [sflag:s2] =	dma.local @!p0 [hbm:s0], s1  }
0x145: {  	s0 =	simm.s32 @!p0 $0x1  }
0x146: {  	_ =	swait.ge @!p0 [sflag:s0], s1  }
0x147: {  	s1 =	ssub.s32 @!p0 $0x0, s1;
	[sflag:s0] =	ssyncset.done @!p0 $0x0  }
0x148: {  	[sflag:s0] =	ssyncadd.s32 @!p0 s1  }
0x149: {  	[bflag:$0x3] =	sbarrier.arrive $0xFFFF  }
0x14a: {  	_ =	shalt  }

// kernel: scatter_offload_async_start.2
scs
__scs_entry_jumppad:
0x0: {  	(pc) =	sbr.rel $0x88, $3  }
0x1: {  	(tag) =	ssettag $0x0;
	lr =	simm.s32 $0x1  }
0x2: {  	[smem:$0x3F7C] =	sst lr;
	_ =	strace $0xD0000000  }
0x3: {  	_ = 	snop  }
0x4: {  	_ = 	snop  }
0x5: {  	_ = 	snop  }
0x6: {  	_ = 	snop  }
0x7: {  	_ = 	snop  }
__scs_overlays_trampoline_lowered:
0x8: {  	[smem:$0x3F8B] =	sst s0  }
0x9: {  	[smem:$0x3F8C] =	sst s1  }
0xa: {  	[smem:$0x3F8D] =	sst s2  }
0xb: {  	[smem:$0x3F8E] =	sst s3  }
0xc: {  	[smem:$0x3F8F] =	sst s4  }
0xd: {  	[smem:$0x3F90] =	sst s5  }
0xe: {  	[smem:$0x3F91] =	sst s6  }
0xf: {  	[smem:$0x3F92] =	sst s7  }
0x10: {  	[smem:$0x3F93] =	sst s8  }
0x11: {  	[smem:$0x3F94] =	sst s9;
	s0 =	simm.s32 @!p0 $0x0  }
0x12: {  	s1 =	sld [smem:$0x3F7A];
	s0 =	simm.s32 @p0 $0x1  }
0x13: {  	[smem:$0x3F95] =	sst s0;
	s0 =	simm.s32 @!p1 $0x0  }
0x14: {  	s2 =	sld [smem:$0x3F79];
	s0 =	simm.s32 @p1 $0x1  }
0x15: {  	[smem:$0x3F96] =	sst s0;
	s0 =	simm.s32 @!p2 $0x0  }
0x16: {  	s3 =	sld [smem:$0x3FDB];
	s0 =	simm.s32 @p2 $0x1  }
0x17: {  	s4 =	simm.s32 $0x1BF5;
	[smem:$0x3F98] =	sst s0  }
0x18: {  	s0 =	sld [smem:$0x3F7B];
	_ =	swait.ge [sflag:s4], $0x0  }
0x19: {  	s7 =	sld [smem:$0x3F7C]  }
0x1a: {  	s8 =	sadd.s32 $0xFFFFE003, lr  }
0x1b: {  	s9 =	sadd.s32 $0xFFFFFEF7, lr;
	s5 =	simm.s32 $0xFFFFFFFF;
	p2 =	slt.u32 s8, $0xFFFFF086  }
0x1c: {  	p1 =	slt.u32 s9, $0xF7A;
	s5 =	simm.s32 @!p2 $0x0  }
0x1d: {  	s5 =	simm.s32 @p1 $0x1;
	p0 =	seq.s32 s7, s2  }
0x1e: {  	s7 =	smul.u32 @!p0 $0xF7A, s2;
	p2 =	seq.s32 @!p0 s5, $0x0  }
0x1f: {  	s9 =	smul.u32 $0xF7A, s1;
	s8 =	simm.s32 @!p0 $0x1BF5;
	p2 =	por !p2, p0  }
0x20: {  	[sflag:s8] =	ssyncset.s32 @!p0 $0xFFFFF086;
	s6 =	sadd.s32 @!p0 s3, s7;
	s7 =	simm.s32 @!p0 $0x108  }
0x21: {  	s3 =	sadd.s32 s3, s9;
	s6 =	sadd.s32 @!p0 $0x88, s6;
	s7 =	simm.s32 @p2 $0x1082  }
0x22: {  	[simem:s7], [sflag:s8] =	dma.local @!p0 [hbm:s6], $0xF7A  }
0x23: {  	s9 =	sor.u32 $0xD0000000, s2;
	s6 =	simm.s32 $0x108;
	_ =	swait.ge @!p0 [sflag:s8], $0x0  }
0x24: {  	s3 =	sadd.s32 $0x88, s3;
	s6 =	simm.s32 @!p1 $0x1082;
	[sflag:s4] =	ssyncset.s32 $0xFFFFF086  }
0x25: {  	[simem:s6], [sflag:s4] =	dma.local [hbm:s3], $0xF7A  }
0x26: {  	[smem:$0x3F7C] =	sst s1;
	(tag) =	ssettag s2;
	_ =	strace s9  }
0x27: {  	s1 =	sld [smem:$0x3F8C]  }
0x28: {  	s2 =	sld [smem:$0x3F8D]  }
0x29: {  	s4 =	sld [smem:$0x3F8F]  }
0x2a: {  	p0 =	seq.s32 s5, $0x0;
	s5 =	sld [smem:$0x3F90]  }
0x2b: {  	s6 =	sld [smem:$0x3F91]  }
0x2c: {  	s7 =	sld [smem:$0x3F92]  }
0x2d: {  	s3 =	simm.s32 $0x108;
	s8 =	sld [smem:$0x3F93]  }
0x2e: {  	s3 =	simm.s32 @!p0 $0x1082;
	s9 =	sld [smem:$0x3F94]  }
0x2f: {  	lr =	sadd.s32 s0, s3;
	s0 =	sld [smem:$0x3F8B]  }
0x30: {  	s3 =	sld [smem:$0x3F8E]  }
0x31: {  	[smem:$0x3F97] =	sst s10  }
0x32: {  	s10 =	sld [smem:$0x3F95];
	_ =	sdelay $0x3  }
0x33: {  	p0 =	seq.s32 s10, $0x1;
	s10 =	sld [smem:$0x3F97];
	_ =	sdelay $0x3  }
0x34: {  	[smem:$0x3F97] =	sst s10  }
0x35: {  	s10 =	sld [smem:$0x3F96];
	_ =	sdelay $0x3  }
0x36: {  	p1 =	seq.s32 s10, $0x1;
	s10 =	sld [smem:$0x3F97];
	_ =	sdelay $0x3  }
0x37: {  	[smem:$0x3F97] =	sst s10  }
0x38: {  	s10 =	sld [smem:$0x3F98]  }
0x39: {  	_ = 	snop;
	(pc) =	sbr.ind lr, $3  }
0x3a: {  	_ = 	snop  }
0x3b: {  	_ = 	snop  }
0x3c: {  	p2 =	seq.s32 s10, $0x1;
	s10 =	sld [smem:$0x3F97]  }
0x3d: {  	_ =	shalt  }
0x3e: {  	_ =	shalt  }
0x3f: {  	_ =	shalt  }
0x40: {  	_ =	shalt  }
0x41: {  	_ =	shalt  }
0x42: {  	_ =	shalt  }
0x43: {  	_ =	shalt  }
0x44: {  	_ =	shalt  }
0x45: {  	_ =	shalt  }
0x46: {  	_ =	shalt  }
0x47: {  	_ =	shalt  }
0x48: {  	_ =	shalt  }
0x49: {  	_ =	shalt  }
0x4a: {  	_ =	shalt  }
0x4b: {  	_ =	shalt  }
0x4c: {  	_ =	shalt  }
0x4d: {  	_ =	shalt  }
0x4e: {  	_ =	shalt  }
0x4f: {  	_ =	shalt  }
0x50: {  	_ =	shalt  }
0x51: {  	_ =	shalt  }
0x52: {  	_ =	shalt  }
0x53: {  	_ =	shalt  }
0x54: {  	_ =	shalt  }
0x55: {  	_ =	shalt  }
0x56: {  	_ =	shalt  }
0x57: {  	_ =	shalt  }
0x58: {  	_ =	shalt  }
0x59: {  	_ =	shalt  }
0x5a: {  	_ =	shalt  }
0x5b: {  	_ =	shalt  }
0x5c: {  	_ =	shalt  }
0x5d: {  	_ =	shalt  }
0x5e: {  	_ =	shalt  }
0x5f: {  	_ =	shalt  }
0x60: {  	_ =	shalt  }
0x61: {  	_ =	shalt  }
0x62: {  	_ =	shalt  }
0x63: {  	_ =	shalt  }
0x64: {  	_ =	shalt  }
0x65: {  	_ =	shalt  }
0x66: {  	_ =	shalt  }
0x67: {  	_ =	shalt  }
0x68: {  	_ =	shalt  }
0x69: {  	_ =	shalt  }
0x6a: {  	_ =	shalt  }
0x6b: {  	_ =	shalt  }
0x6c: {  	_ =	shalt  }
0x6d: {  	_ =	shalt  }
0x6e: {  	_ =	shalt  }
0x6f: {  	_ =	shalt  }
0x70: {  	_ =	shalt  }
0x71: {  	_ =	shalt  }
0x72: {  	_ =	shalt  }
0x73: {  	_ =	shalt  }
0x74: {  	_ =	shalt  }
0x75: {  	_ =	shalt  }
0x76: {  	_ =	shalt  }
0x77: {  	_ =	shalt  }
0x78: {  	_ =	shalt  }
0x79: {  	_ =	shalt  }
0x7a: {  	_ =	shalt  }
0x7b: {  	_ =	shalt  }
0x7c: {  	_ =	shalt  }
0x7d: {  	_ =	shalt  }
0x7e: {  	_ =	shalt  }
0x7f: {  	_ =	shalt  }
0x80: {  	_ =	shalt  }
0x81: {  	_ =	shalt  }
0x82: {  	_ =	shalt  }
0x83: {  	_ =	shalt  }
0x84: {  	_ =	shalt  }
0x85: {  	_ =	shalt  }
0x86: {  	_ =	shalt  }
0x87: {  	_ =	shalt  }
.Lfunc_end0:
.L_simem_size_0:
called_computation.2_lowered:
.L_overlay_start_0:
0x88: {  	s0 =	sld [smem:$0x3FD9]  }
0x89: {  	s1 =	sld [smem:$0x3FFE];
	_ =	sdelay $0x3  }
0x8a: {  	s0 =	sadd.s32 s1, s0  }
0x8b: {  	[smem:$0x3FA3] =	sst s0  }
0x8c: {  	_ = 	snop  }
0x8d: {  	(tm) =	ssettm $0x1  }
0x8e: {  	s15 =	sld [smem:$0x3FFB];
	_ =	sdelay $0x3  }
0x8f: {  	_ =	strace s15  }
0x90: {  	s0 =	sld [smem:$0x3FFC];
	_ =	sdelay $0x3  }
0x91: {  	_ =	strace s0  }
0x92: {  	s0 =	sld [smem:$0x3FFD];
	_ =	sdelay $0x3  }
0x93: {  	_ =	strace s0  }
0x94: {  	_ =	strace $0x8FFFFFFF  }
0x95: {  	s16 =	sld [smem:$0x3FDB];
	_ =	sdelay $0x1  }
0x96: {  	s17 =	simm.s32 $_scs_section_size  }
0x97: {  	s2 =	simm.s32 $_size__tile_overlayer_lowered;
	s3 =	simm.s32 $_tile_overlayer_lowered  }
0x98: {  	s20 =	simm.s32 $0x1BFF;
	s19 =	sshll.u32 s3, $0x1;
	s0 =	sadd.s32 s17, s16  }
0x99: {  	s4 =	simm.s32 $0x0;
	s18 =	sshll.u32 s2, $0x1;
	s2 =	sadd.s32 s19, s0  }
0x9a: {  	[timem:s4], [sflag:s20] =	dma.local [hbm:s2], s18  }
0x9b: {  	_ =	swait.ge [sflag:s20], s18  }
0x9c: {  	s1 =	ssub.s32 $0x0, s18;
	[sflag:s20] =	ssyncset.done $0x0  }
0x9d: {  	[sflag:s20] =	ssyncadd.s32 s1;
	_ =	sdelay $0x1  }
0x9e: {  	s21 =	simm.s32 $0x1B8B  }
0x9f: {  	_ =	swait.ge [sflag:s21], $0x1  }
0xa0: {  	[sflag:s21] =	ssyncset.done $0x0  }
0xa1: {  	s23 =	simm.s32 $0x1B8E;
	s22 =	sld [smem:$0x3FFE];
	[sflag:s21] =	ssyncadd.s32 $0xFFFFFFFF  }
0xa2: {  	s24 =	simm.s32 $execute0_lowered;
	[smem:$0x3FD2] =	sst s23  }
0xa3: {  	s2 =	sshll.u32 s24, $0x1;
	_ =	strace $0x80000061;
	[dreg:$0x1] =	wrdreg $0xFFFFFFFF  }
0xa4: {  	s25 =	simm.s32 $_size_execute0_lowered;
	s0 =	sadd.s32 s0, s2;
	[dreg:$0x0] =	wrdreg $0x0  }
0xa5: {  	s2 =	sshll.u32 s25, $0x1;
	[dreg:$0x2] =	wrdreg s0  }
0xa6: {  	[dreg:$0x3] =	wrdreg s2  }
0xa7: {  	[dreg:$0x4] =	wrdreg $0xC0  }
0xa8: {  	_ =	task [dreg:s4], $0x5FFFF  }
0xa9: {  	[dreg:$0x1] =	wrdreg $0xFFFFFFFF  }
0xaa: {  	[dreg:$0x0] =	wrdreg $0x60  }
0xab: {  	[dreg:$0x2] =	wrdreg s22  }
0xac: {  	[dreg:$0x3] =	wrdreg $0x9  }
0xad: {  	_ =	task.clear_ibuf [dreg:s4], $0x4FFFF;
	_ =	strace $0x90000061  }
0xae: {  	s26 =	simm.s32 $0x9;
	_ =	strace $0x80000063  }
0xaf: {  	_ =	swait.ge [sflag:s26], $0x1  }
0xb0: {  	[sflag:s26] =	ssyncadd.s32 $0xFFFFFFFF  }
0xb1: {  	_ =	strace $0x90000063  }
0xb2: {  	_ =	sfence  }
0xb3: {  	s28 =	sld [smem:$0x0];
	_ =	sdelay $0x1  }
0xb4: {  	s29 =	srdreg.scid  }
0xb5: {  	s30 =	sshll.u32 s29, $0xD;
	s31 =	sshrl.u32 s29, $0x2  }
0xb6: {  	s1 =	sand.u32 $0x1, s29;
	s2 =	sand.u32 $0x4000, s30;
	s0 =	sadd.s32 s31, s28  }
0xb7: {  	s1 =	sor.u32 s2, s1;
	s0 =	sshll.u32 s0, $0x11  }
0xb8: {  	s0 =	sor.u32 s0, s1  }
0xb9: {  	s0 =	sadd.s32 $0x8F2B, s0  }
0xba: {  	[sflag:s0] =	ssyncadd.remote.s32 $0x1  }
0xbb: {  	_ =	sfence.sel $0xFFFF  }
0xbc: {  	[dreg:$0x0] =	wrdreg $0xFFFFFFFF;
	(pc) =	sbr.abs _section_cstart, $3  }
0xbd: {  	[dreg:$0x1] =	wrdreg $0xFFFFFFFF  }
0xbe: {  	_ =	task.clear_ibuf [dreg:s4], $0x2FFFF;
	_ =	strace $0x9FFFFFFF  }
0xbf: {  	(tm) =	ssettm $0x7FFFFFFF  }
tec
execute0_lowered:
.L_overlay_start_1:
0x0: {  	(tag) =	ssettag $0x1  }
0x1: {  	s4 =	rddreg [dreg:$0x0];
	_ =	strace $0x80000062;
	s0 =	simm.s32 $0x1  }
0x2: {  	v0 =	vimm.s32 $0x0;
	[sflag:s0] =	ssyncpa.u1 $0x0;
	s0 =	simm.s32 $0x408  }
0x3: {  	[tilespmem:s0+$0x70] =	vst v0  }
0x4: {  	[tilespmem:s0+$0x60] =	vst v0  }
0x5: {  	[tilespmem:s0+$0x50] =	vst v0  }
0x6: {  	[tilespmem:s0+$0x40] =	vst v0  }
0x7: {  	[tilespmem:s0+$0x30] =	vst v0  }
0x8: {  	s1 =	sadd.s32 $0xCB200, s4;
	s11 =	sadd.s32 $0x5E00, s4;
	[tilespmem:s0+$0x20] =	vst v0  }
0x9: {  	s3 =	sadd.s32 $0x2EE00, s4;
	s7 =	sadd.s32 $0x6400, s4;
	s4 =	simm.s32 $0x40;
	[tilespmem:s0+$0x10] =	vst v0  }
.LBB2_1:
0xa: {  	s4 =	sadd.s32 $0x40, s4;
	[tilespmem:s0+$0x0] =	vst v0;
	s0 =	sadd.s32 $0x80, s0  }
0xb: {  	p0 =	slt.u32 s4, $0x3100;
	[tilespmem:s0+$0x70] =	vst v0  }
0xc: {  	[tilespmem:s0+$0x60] =	vst v0  }
.Ltmp0:
0xd: {  	[tilespmem:s0+$0x50] =	vst v0;
	(pc) =	sbr.rel @p0 .LBB2_1-.Ltmp0, $4  }
0xe: {  	[tilespmem:s0+$0x40] =	vst v0  }
0xf: {  	[tilespmem:s0+$0x30] =	vst v0  }
0x10: {  	[tilespmem:s0+$0x20] =	vst v0  }
0x11: {  	[tilespmem:s0+$0x10] =	vst v0  }
0x12: {  	s2 =	stileid.u32  }
0x13: {  	s4 =	simm.s32 $0x1;
	p0 =	sne.s32 s2, $0x0;
	s6 =	smul.u32 $0xD, s2  }
0x14: {  	s4 =	simm.s32 @!p0 $0x0  }
0x15: {  	s4 =	sadd.s32 s4, s6  }
0x16: {  	p1 =	seq.s32 s2, $0x0;
	s6 =	smul.u32 $0x30, s4;
	s4 =	simm.s32 $0x2A0  }
0x17: {  	s4 =	simm.s32 @!p1 $0x270  }
0x18: {  	s4 =	sadd.s32 s4, s6  }
0x19: {  	s12 =	smin.u32 s4, $0x2710  }
0x1a: {  	s4 =	ssub.s32 s12, s6  }
0x1b: {  	p1 =	sgt.s32 s4, $0x0  }
0x1c: {  	s29 =	simm.s32 $0x2;
	s5 =	simm.s32 $0x7;
	s4 =	simm.s32 @!p1 $0x0  }
0x1d: {  	s10 =	simm.s32 $0x1;
	s9 =	simm.s32 $0x8;
	s8 =	smul.u32 $0xAAAB, s4  }
0x1e: {  	s31 =	simm.s32 $0x9;
	s21 =	simm.s32 $0x0;
	p2 =	por $0x0, $0x0  }
0x1f: {  	s15 =	simm.s32 $0x80;
	s16 =	simm.s32 $0x400;
	s30 =	sshrl.u32 s8, $0x15  }
0x20: {  	[tilespmem:s0+$0x0] =	vst v0;
	v0 =	vimm.s32 $0xFFFFFFFF;
	s18 =	simm.s32 $0x0;
	[sflag:s29] =	ssyncpa.u1 $0x0;
	s8 =	smul.u32 $0x30, s30  }
0x21: {  	s20 =	simm.s32 $0x0;
	s13 =	sshll.u32 s2, $0xA;
	[tilespmem:$0xC808] =	vst v0;
	[sflag:s5] =	ssyncpa.u1 $0x0  }
.Ltmp1:
0x22: {  	p1 =	sne.s32 s4, s8;
	s4 =	simm.s32 $0x1;
	(pc) =	sbr.rel .LBB2_3-.Ltmp1, $4  }
0x23: {  	s5 =	simm.s32 $0xA;
	[dreg:$0x2] =	wrdreg s6;
	s4 =	simm.s32 @!p1 $0x0  }
0x24: {  	[sflag:s9] =	ssyncpa.u1 $0x0;
	[dreg:$0x3] =	wrdreg s12;
	s14 =	sadd.s32 s30, s4  }
0x25: {  	[sflag:s31] =	ssyncpa.u1 $0x0;
	s17 =	sadd.s32 $0x1, s14;
	[dreg:$0x4] =	wrdreg s14  }
0x26: {  	v0 =	vlaneseq.u32;
	s19 =	smov.u32 s6;
	p1 =	por $0x1, $0x1;
	[dreg:$0x5] =	wrdreg s17  }
.LBB2_30:
0x27: {  	s0 =	sshrl.u32 s29, $0x2;
	s5 =	simm.s32 $0xA  }
.LBB2_32:
0x28: {  	_ =	swait.ge [sflag:s5], s0  }
0x29: {  	s31 =	ssub.s32 $0x0, s0;
	v1 =	vmov s23;
	vm0 =	veq.s32 v0, $0x0;
	[sflag:s5] =	ssyncset.done $0x0  }
0x2a: {  	vm15 =	veq.s32 v0, $0x2;
	v1 =	vsel vm0, s28, v1;
	[sflag:s5] =	ssyncadd.s32 s31  }
0x2b: {  	v1 =	vsel vm15, s21, v1;
	[sflag:s5] =	ssyncpa.u1 $0x1  }
0x2c: {  	[tilespmem:$0xC808] =	vst v1  }
.LBB2_33:
0x2d: {  	s0 =	sadd.s32 $0x30, s19  }
0x2e: {  	s2 =	smov.u32 s6;
	p3 =	slt.s32 s0, s12  }
0x2f: {  	s2 =	smov.u32 @p3 s0;
	p3 =	sne.s32 s20, s17  }
.Ltmp2:
0x30: {  	_ = 	snop;
	(pc) =	sbr.rel @!p3 .LBB2_34-.Ltmp2, $4  }
0x31: {  	_ = 	snop  }
0x32: {  	s21 =	smov.u32 s18  }
0x33: {  	s31 =	sadd.s32 $0x1, s20;
	s18 =	smov.u32 s19;
	p1 =	por !p1, !p1  }
0x34: {  	p2 =	por !p2, !p2;
	s20 =	smov.u32 s31;
	s19 =	smov.u32 s2  }
.LBB2_3:
0x35: {  	p3 =	sge.u32 s20, s14  }
0x36: {  	s0 =	smulhi.u32 @!p3 $0xAAAAAAAB, s20  }
0x37: {  	s4 =	smov.u32 s19;
	p4 =	sgt.s32 @!p3 s19, $0x26E0  }
0x38: {  	s8 =	sshra.s32 @!p3 s19, $0x1F;
	p4 =	por !p4, p3;
	s0 =	sshrl.u32 @!p3 s0, $0x1  }
0x39: {  	s8 =	sand.u32 @!p3 s8, s19;
	s4 =	simm.s32 @p4 $0x26E0;
	s0 =	smul.u32 @!p3 $0x3, s0  }
0x3a: {  	s4 =	ssub.s32 @!p3 s4, s8  }
0x3b: {  	s4 =	sadd.s32 @!p3 $0xFFFFD920, s4;
	s0 =	ssub.s32 @!p3 s20, s0  }
0x3c: {  	s8 =	sshll.u32 @!p3 s4, $0x2;
	p4 =	sgt.s32 @!p3 s4, $0x2F;
	s0 =	smul.u32 @!p3 $0xC0, s0  }
0x3d: {  	s9 =	sand.u32 @!p3 $0x7, s19;
	s4 =	ssub.s32 @!p3 $0xC0, s8;
	p4 =	por !p4, p3  }
0x3e: {  	s8 =	sshrl.u32 @!p3 s19, $0x3;
	s4 =	sshrl.u32 @!p3 s4, $0x2;
	s0 =	sshrl.u32 @!p3 s0, $0x2  }
0x3f: {  	s8 =	sadd.s32 @!p3 s7, s8;
	s4 =	simm.s32 @!p4 $0x0;
	s0 =	sadd.s32 @!p3 $0x10838, s0  }
0x40: {  	[tilespmem:s0], [sflag:$0x8] =	stream.linear.gather @!p3 [hbm4b:s8+s9], s4, $0x38;
	[tilespmem:$0x1C928] =	vst v63  }
0x41: {  	s4 =	sadd.s32 $0xFFFFFFFF, s20  }
0x42: {  	p3 =	sge.u32 s4, s14  }
0x43: {  	p4 =	sgt.s32 @!p3 s18, $0x26E0  }
0x44: {  	s0 =	smov.u32 s18;
	s8 =	sshra.s32 @!p3 s18, $0x1F;
	p4 =	por !p4, p3  }
0x45: {  	s8 =	sand.u32 @!p3 s8, s18;
	s0 =	simm.s32 @p4 $0x26E0  }
0x46: {  	s0 =	ssub.s32 @!p3 s0, s8  }
0x47: {  	s0 =	sadd.s32 @!p3 $0xFFFFD920, s0  }
0x48: {  	s8 =	sshll.u32 @!p3 s0, $0x2  }
0x49: {  	p4 =	sgt.s32 @!p3 s0, $0x2F;
	s0 =	ssub.s32 @!p3 $0xC0, s8  }
0x4a: {  	p4 =	por !p4, p3;
	s0 =	sshrl.u32 @!p3 s0, $0x2  }
0x4b: {  	s9 =	simm.s32 @!p3 $0x8;
	s8 =	sand.u32 @!p3 $0x1, s4;
	s0 =	simm.s32 @!p4 $0x0  }
0x4c: {  	s8 =	smul.u32 @!p3 $0xC0, s8;
	_ =	swait.ge @!p3 [sflag:s9], s0  }
0x4d: {  	s22 =	ssub.s32 @!p3 $0x0, s0;
	[sflag:s9] =	ssyncset.done @!p3 $0x0  }
0x4e: {  	s8 =	sshrl.u32 @!p3 s8, $0x2;
	[sflag:s9] =	ssyncadd.s32 @!p3 s22;
	s9 =	sshrl.u32 @!p3 s18, $0x3  }
0x4f: {  	s8 =	sor.u32 @!p3 $0x108C8, s8;
	s22 =	sand.u32 @!p3 $0x7, s18;
	s9 =	sadd.s32 @!p3 s11, s9  }
0x50: {  	[tilespmem:s8], [sflag:$0x9] =	stream.linear.gather @!p3 [hbm4b:s9+s22], s0, $0x38;
	[tilespmem:$0x1C928] =	vst v63  }
0x51: {  	s0 =	ssub.s32 @!p3 $0x2710, s18  }
0x52: {  	p4 =	slt.s32 @!p3 s0, $0x1  }
0x53: {  	p4 =	por p3, p4  }
.Ltmp3:
0x54: {  	_ = 	snop;
	(pc) =	sbr.rel @p4 .LBB2_9-.Ltmp3, $1  }
0x55: {  	_ =	sdelay $0x3  }
0x56: {  	s8 =	smulhi.u32 $0xAAAAAAAB, s4;
	_ =	sdelay $0x1  }
0x57: {  	s8 =	sshrl.u32 s8, $0x1  }
0x58: {  	s8 =	smul.u32 $0x3, s8;
	_ =	sdelay $0x1  }
0x59: {  	s29 =	ssub.s32 s4, s8  }
0x5a: {  	s9 =	simm.s32 $0x1;
	s4 =	smul.u32 $0xC0, s29  }
.Ltmp4:
0x5b: {  	s9 =	simm.s32 @!p1 $0x0;
	(pc) =	sbr.rel .LBB2_6-.Ltmp4, $4  }
0x5c: {  	s30 =	smul.u32 $0x18000, s9  }
0x5d: {  	p4 =	slt.s32 @!p3 s0, $0x30;
	s4 =	sshrl.u32 s4, $0x2  }
0x5e: {  	p3 =	por !p4, p3;
	s8 =	sshrl.u32 s30, $0x2;
	s31 =	sadd.s32 $0x10838, s4  }
0x5f: {  	s0 =	simm.s32 @p3 $0x30;
	s22 =	sor.u32 $0x10928, s8;
	s4 =	simm.s32 $0x0;
	v1 =	vmov s31  }
.LBB2_5:
0x60: {  	p3 =	sge.s32 s4, s0  }
.Ltmp5:
0x61: {  	_ = 	snop;
	(pc) =	sbr.rel @p3 .LBB2_9-.Ltmp5, $2  }
0x62: {  	_ =	sdelay $0x2  }
0x63: {  	s22 =	sadd.s32 $0x2000, s22  }
.LBB2_6:
0x64: {  	p3 =	sle.s32 s0, s4  }
.Ltmp6:
0x65: {  	_ = 	snop;
	(pc) =	sbr.rel @p3 .LBB2_5-.Ltmp6, $2  }
0x66: {  	_ =	sdelay $0x2  }
0x67: {  	s8 =	smov.u32 s4;
	s4 =	sadd.s32 $0x10, s4  }
0x68: {  	s9 =	ssub.s32 s0, s8  }
0x69: {  	p3 =	slt.s32 s9, $0x10  }
0x6a: {  	s9 =	simm.s32 @!p3 $0x10  }
0x6b: {  	v2 =	vmov s9  }
0x6c: {  	vm0 =	vgt.s32 v2, v0;
	_ =	sdelay $0x5  }
0x6d: {  	v2 =	vld.idx.msk [tilespmem:v1+s8+$0x0 ss:$0x1], vm0;
	_ =	sdelay $0x2  }
0x6e: {  	s23 =	smov.u32 s0;
	p3 =	slt.s32 s4, s0  }
0x6f: {  	s24 =	smov.u32 s22;
	s25 =	simm.s32 $0x0;
	s23 =	smov.u32 @p3 s4  }
.LBB2_8:
0x70: {  	(v2sf) =	vpush v2, s25;
	_ =	sdelay $0xe  }
0x71: {  	s25 =	sadd.s32 $0x1, s25;
	s9 =	spop (v2sf)  }
0x72: {  	s31 =	sadd.s32 s25, s8;
	s26 =	sshll.u32 s9, $0x9;
	s9 =	sshll.u32 s9, $0x7  }
0x73: {  	p3 =	slt.s32 s31, s23;
	s26 =	sand.u32 $0xFFFFF000, s26;
	s9 =	sand.u32 $0x380, s9  }
.Ltmp7:
0x74: {  	s9 =	sor.u32 s9, s26;
	(pc) =	sbr.rel @p3 .LBB2_8-.Ltmp7, $4  }
0x75: {  	s9 =	sshrl.u32 s9, $0x3  }
0x76: {  	s9 =	sadd.s32 s3, s9  }
0x77: {  	[tilespmem:s24], [sflag:$0x7] =	stream.strided.gather [hbm4b:s9+s15], $0x200, s16, s15, $0x38;
	[tilespmem:$0x1C928] =	vst v63  }
0x78: {  	s24 =	sadd.s32 $0x200, s24  }
.Ltmp8:
0x79: {  	_ = 	snop;
	(pc) =	sbr.rel .LBB2_5-.Ltmp8, $1  }
0x7a: {  	_ =	sdelay $0x3  }
.LBB2_9:
0x7b: {  	p3 =	slt.u32 s20, $0x2  }
.Ltmp9:
0x7c: {  	_ = 	snop;
	(pc) =	sbr.rel @p3 .LBB2_33-.Ltmp9, $1  }
0x7d: {  	_ =	sdelay $0x3  }
0x7e: {  	p3 =	sgt.s32 s21, $0x26E0;
	s0 =	smov.u32 s21  }
0x7f: {  	s4 =	sshra.s32 s21, $0x1F;
	s8 =	ssub.s32 $0x2710, s21;
	s0 =	simm.s32 @!p3 $0x26E0  }
0x80: {  	s4 =	sand.u32 s4, s21;
	p3 =	slt.s32 s8, $0x30;
	s9 =	smov.u32 s8  }
0x81: {  	s0 =	ssub.s32 s0, s4;
	s9 =	simm.s32 @!p3 $0x30  }
0x82: {  	s0 =	sadd.s32 $0xFFFFD920, s0;
	s25 =	sshll.u32 s9, $0x9  }
0x83: {  	s2 =	simm.s32 $0x7;
	s26 =	sshll.u32 s0, $0x2;
	s4 =	sand.u32 $0x3FFFFE00, s25  }
0x84: {  	p3 =	sgt.s32 s0, $0x2F;
	s28 =	ssub.s32 $0xC0, s26;
	_ =	swait.ge [sflag:s2], s4  }
0x85: {  	s4 =	ssub.s32 $0x0, s4;
	[sflag:s2] =	ssyncset.done $0x0;
	s0 =	sshrl.u32 s28, $0x2  }
0x86: {  	s30 =	simm.s32 $0x9;
	[sflag:s2] =	ssyncadd.s32 s4;
	s0 =	simm.s32 @p3 $0x0  }
0x87: {  	_ =	swait.ge [sflag:s30], s0  }
0x88: {  	s0 =	ssub.s32 $0x0, s0;
	[sflag:s30] =	ssyncset.done $0x0  }
0x89: {  	[sflag:s30] =	ssyncadd.s32 s0  }
0x8a: {  	v1 =	vld [tilespmem:$0xC808];
	_ =	sdelay $0x4  }
0x8b: {  	(v2sf) =	vpush v1, $0x0  }
0x8c: {  	(v2sf) =	vpush v1, $0x1  }
0x8d: {  	(v2sf) =	vpush v1, $0x2;
	_ =	sdelay $0x3  }
0x8e: {  	s0 =	sadd.s32 $0x30, s21  }
0x8f: {  	p3 =	slt.s32 s12, s0  }
0x90: {  	s0 =	smov.u32 @p3 s12;
	p3 =	sgt.s32 s8, $0x0  }
0x91: {  	s22 =	ssub.s32 s0, s21;
	s8 =	simm.s32 @!p3 $0x0  }
0x92: {  	p3 =	slt.s32 s8, s22  }
0x93: {  	s22 =	smov.u32 @p3 s8  }
0x94: {  	s24 =	simm.s32 $0x1;
	p3 =	slt.s32 s22, $0x1  }
.Ltmp10:
0x95: {  	s24 =	simm.s32 @!p2 $0x0;
	(pc) =	sbr.rel @p3 .LBB2_14-.Ltmp10, $4  }
0x96: {  	s31 =	smul.u32 $0xC0, s24  }
0x97: {  	s0 =	spop (v2sf)  }
0x98: {  	s4 =	sshrl.u32 s31, $0x2;
	s25 =	spop (v2sf)  }
0x99: {  	s29 =	sor.u32 $0x108C8, s4;
	s21 =	spop (v2sf)  }
0x9a: {  	s4 =	smin.u32 s22, $0x10  }
0x9b: {  	v1 =	vmov s4  }
0x9c: {  	vm1 =	vgt.u32 v1, v0  }
0x9d: {  	p4 =	sgt.s32 s22, $0x10  }
.Ltmp11:
0x9e: {  	_ = 	snop;
	(pc) =	sbr.rel @!p4 .LBB2_13-.Ltmp11, $2  }
0x9f: {  	_ =	sdelay $0x2  }
0xa0: {  	s8 =	simm.s32 $0x10;
	s23 =	sadd.s32 $0xFFFFFFF0, s22;
	s4 =	smov.u32 s29;
	vm0 =	vmmov vm1;
	v1 =	vld.msk [tilespmem:s29+$0x0 ss:$0x1], vm1  }
.LBB2_12:
0xa1: {  	s9 =	smin.u32 s23, $0x10;
	s8 =	sadd.s32 $0x10, s8  }
0xa2: {  	v2 =	vmov s9;
	p4 =	slt.s32 s8, s22  }
0xa3: {  	vm1 =	vgt.u32 v2, v0;
	_ =	sdelay $0x1  }
0xa4: {  	v2 =	vshll.u32 v1, $0x6;
	v1 =	vshll.u32 v1, $0x4  }
.Ltmp12:
0xa5: {  	v2 =	vand.u32 $0xFFFFFE00, v2;
	v1 =	vand.u32 $0x70, v1;
	(pc) =	sbr.rel @p4 .LBB2_12-.Ltmp12, $4  }
0xa6: {  	v1 =	vor.u32 v1, v2  }
0xa7: {  	[tilespmem:s4+$0x0] =	vst.msk vm0, v1;
	s4 =	sadd.s32 $0x10, s4;
	vm0 =	vmmov vm1  }
0xa8: {  	v1 =	vld.msk [tilespmem:s4+$0x0 ss:$0x1], vm1  }
0xa9: {  	s23 =	sadd.s32 $0xFFFFFFF0, s23  }
.LBB2_13:
0xaa: {  	_ =	sdelay $0x3  }
0xab: {  	v2 =	vshll.u32 v1, $0x6;
	v1 =	vshll.u32 v1, $0x4  }
0xac: {  	v2 =	vand.u32 $0xFFFFFE00, v2;
	v1 =	vand.u32 $0x70, v1  }
0xad: {  	v1 =	vor.u32 v1, v2  }
0xae: {  	[tilespmem:s4+$0x0] =	vst.msk vm0, v1  }
.LBB2_14:
0xaf: {  	s4 =	sand.u32 $0x1, s20  }
0xb0: {  	s4 =	smul.u32 $0x30, s4  }
0xb1: {  	p4 =	sne.s32 s25, $0xFFFFFFFF  }
0xb2: {  	v1 =	vld.msk @!p4 [tilespmem:s4+$0x108C8], $0x1;
	_ =	sdelay $0x4  }
0xb3: {  	(v2sf) =	vpush @!p4 v1, $0x0;
	_ =	sdelay $0xc  }
.Ltmp13:
0xb4: {  	_ = 	snop;
	(pc) =	sbr.rel @p3 .LBB2_31-.Ltmp13, $4  }
0xb5: {  	_ = 	snop  }
0xb6: {  	s26 =	spop @!p4 (v2sf)  }
0xb7: {  	s21 =	simm.s32 @!p4 $0x0;
	s23 =	smov.u32 s26  }
0xb8: {  	[sflag:s5] =	ssyncpa.u1 $0x0;
	s26 =	smov.u32 @p4 s0;
	s23 =	smov.u32 @p4 s25  }
0xb9: {  	v1 =	vld.msk [tilespmem:s29+$0x0], $0x1;
	_ =	sdelay $0x4  }
0xba: {  	(v2sf) =	vpush v1, $0x0;
	_ =	sdelay $0xe  }
0xbb: {  	s31 =	spop (v2sf)  }
0xbc: {  	s12 =	smov.u32 s7;
	s7 =	smov.u32 s11;
	p3 =	seq.s32 s26, s31  }
0xbd: {  	s0 =	smul.u32 $0x18000, s24;
	s28 =	sadd.s32 $0x108C8, s4;
	p4 =	sgt.s32 @!p3 s26, $0x0  }
0xbe: {  	s17 =	ssub.s32 $0x0, s22;
	s4 =	smov.u32 s26;
	p4 =	por !p4, p3  }
0xbf: {  	s25 =	simm.s32 $0x0;
	s29 =	sadd.s32 $0x1, s29;
	s4 =	simm.s32 @p4 $0x0  }
0xc0: {  	s30 =	sadd.s32 $0x1, s17;
	s8 =	simm.s32 @!p3 $0x6608;
	s9 =	smin.u32 @!p3 s4, $0x7E70  }
0xc1: {  	p4 =	seq.s32 s30, $0x0;
	s4 =	sand.u32 @!p3 $0x7FF8, s9;
	s11 =	sadd.s32 @!p3 $0x80, s9  }
0xc2: {  	s5 =	sadd.s32 @!p3 s1, s4;
	s4 =	sand.u32 @!p3 $0x7, s9;
	s11 =	sand.u32 @!p3 $0xFFF8, s11  }
0xc3: {  	[tilespmem:s8], [sflag:$0x2] =	stream.linear.gather @!p3 [hbm4b:s5+s4], $0x80, $0x38;
	[tilespmem:$0x1C928] =	vst v63  }
0xc4: {  	s2 =	sadd.s32 @!p3 $0x100, s9;
	s5 =	simm.s32 @!p3 $0x6688;
	s8 =	sadd.s32 @!p3 s1, s11  }
0xc5: {  	[tilespmem:s5], [sflag:$0x2] =	stream.linear.gather @!p3 [hbm4b:s8+s4], $0x80, $0x38;
	[tilespmem:$0x1C928] =	vst v63  }
.Ltmp14:
0xc6: {  	s0 =	sshrl.u32 s0, $0x2;
	s2 =	sand.u32 @!p3 $0xFFF8, s2;
	(pc) =	sbr.rel @p4 .LBB2_17-.Ltmp14, $4  }
0xc7: {  	s2 =	sadd.s32 @!p3 s1, s2;
	s5 =	simm.s32 @!p3 $0x6708;
	s8 =	sadd.s32 @!p3 $0x180, s9  }
0xc8: {  	[tilespmem:s5], [sflag:$0x2] =	stream.linear.gather @!p3 [hbm4b:s2+s4], $0x80, $0x38;
	[tilespmem:$0x1C928] =	vst v63  }
0xc9: {  	s24 =	sor.u32 $0x10928, s0;
	s0 =	simm.s32 @!p3 $0x1;
	s2 =	sand.u32 @!p3 $0xFFF8, s8  }
0xca: {  	s0 =	smov.u32 @p3 s25;
	s8 =	simm.s32 @!p3 $0x6788;
	s9 =	sadd.s32 @!p3 s1, s2  }
.LBB2_16:
0xcb: {  	s2 =	smov.u32 s0  }
0xcc: {  	[tilespmem:s8], [sflag:$0x2] =	stream.linear.gather @!p3 [hbm4b:s9+s4], $0x80, $0x38;
	[tilespmem:$0x1C928] =	vst v63  }
0xcd: {  	s30 =	sadd.s32 $0x1, s30;
	s4 =	smov.u32 s31  }
0xce: {  	p4 =	seq.s32 s30, $0x0;
	v1 =	vld.msk [tilespmem:s29+$0x0], $0x1;
	_ =	sdelay $0x4  }
0xcf: {  	(v2sf) =	vpush v1, $0x0;
	_ =	sdelay $0xe  }
0xd0: {  	s31 =	spop (v2sf)  }
0xd1: {  	p3 =	seq.s32 s4, s31  }
0xd2: {  	p5 =	sgt.s32 @!p3 s4, $0x0;
	s5 =	sshll.u32 @!p3 s0, $0xB;
	s0 =	sadd.s32 @!p3 $0x1, s0  }
0xd3: {  	p5 =	por !p5, p3;
	s5 =	sshra.s32 @!p3 s5, $0x2;
	s0 =	smov.u32 @p3 s2  }
0xd4: {  	s4 =	simm.s32 @p5 $0x0;
	s2 =	sadd.s32 @!p3 $0x6608, s5;
	s9 =	sadd.s32 @!p3 $0x6688, s5  }
0xd5: {  	s14 =	sadd.s32 @!p3 $0x6708, s5;
	s8 =	sadd.s32 @!p3 $0x6788, s5;
	s11 =	smin.u32 @!p3 s4, $0x7E70  }
0xd6: {  	s4 =	sand.u32 @!p3 $0x7FF8, s11;
	s5 =	sadd.s32 @!p3 $0x80, s11;
	s6 =	sadd.s32 @!p3 $0x100, s11  }
0xd7: {  	s17 =	sadd.s32 @!p3 s1, s4;
	s4 =	sand.u32 @!p3 $0x7, s11;
	s5 =	sand.u32 @!p3 $0xFFF8, s5  }
0xd8: {  	[tilespmem:s2], [sflag:$0x2] =	stream.linear.gather @!p3 [hbm4b:s17+s4], $0x80, $0x38;
	[tilespmem:$0x1C928] =	vst v63  }
0xd9: {  	s2 =	sadd.s32 @!p3 s1, s5  }
.Ltmp15:
0xda: {  	s5 =	sand.u32 @!p3 $0xFFF8, s6;
	s6 =	sadd.s32 @!p3 $0x180, s11;
	(pc) =	sbr.rel @!p4 .LBB2_16-.Ltmp15, $4  }
0xdb: {  	[tilespmem:s9], [sflag:$0x2] =	stream.linear.gather @!p3 [hbm4b:s2+s4], $0x80, $0x38;
	[tilespmem:$0x1C928] =	vst v63  }
0xdc: {  	s2 =	sadd.s32 @!p3 s1, s5;
	s5 =	sand.u32 @!p3 $0xFFF8, s6  }
0xdd: {  	[tilespmem:s14], [sflag:$0x2] =	stream.linear.gather @!p3 [hbm4b:s2+s4], $0x80, $0x38;
	[tilespmem:$0x1C928] =	vst v63  }
0xde: {  	s29 =	sadd.s32 $0x1, s29;
	s9 =	sadd.s32 @!p3 s1, s5  }
.LBB2_17:
0xdf: {  	[tilespmem:s8], [sflag:$0x2] =	stream.linear.gather @!p3 [hbm4b:s9+s4], $0x80, $0x38;
	[tilespmem:$0x1C928] =	vst v63  }
0xe0: {  	s0 =	sshll.u32 s0, $0x9  }
0xe1: {  	s2 =	simm.s32 $0x2;
	s0 =	sand.u32 $0x3FFFFE00, s0  }
.Ltmp16:
0xe2: {  	_ =	swait.ge [sflag:s2], s0;
	(pc) =	sbr.rel .LBB2_18-.Ltmp16, $4  }
0xe3: {  	s29 =	simm.s32 $0x0;
	s6 =	rddreg [dreg:$0x2]  }
0xe4: {  	s11 =	smov.u32 s7;
	s7 =	smov.u32 s12;
	s12 =	rddreg [dreg:$0x3]  }
0xe5: {  	s0 =	ssub.s32 $0x0, s0;
	[sflag:s2] =	ssyncset.done $0x0;
	s14 =	rddreg [dreg:$0x4]  }
0xe6: {  	v1 =	vmov s28;
	s30 =	simm.s32 $0x0;
	s17 =	rddreg [dreg:$0x5];
	[sflag:s2] =	ssyncadd.s32 s0  }
.LBB2_28:
0xe7: {  	[tilespmem:s0+$0x0] =	vst v2;
	s25 =	sadd.s32 $0x1, s25  }
.LBB2_29:
0xe8: {  	s30 =	sadd.s32 $0x1, s30  }
0xe9: {  	p3 =	sne.s32 s30, s22  }
.Ltmp17:
0xea: {  	_ = 	snop;
	(pc) =	sbr.rel @!p3 .LBB2_30-.Ltmp17, $2  }
0xeb: {  	_ =	sdelay $0x2  }
0xec: {  	s24 =	sadd.s32 $0x200, s24;
	s26 =	smov.u32 s28  }
.LBB2_18:
0xed: {  	_ =	sdelay $0x3  }
0xee: {  	v2 =	vld.idx.msk [tilespmem:v1+s30+$0x0 ss:$0x1], $0x1;
	_ =	sdelay $0x4  }
0xef: {  	(v2sf) =	vpush v2, $0x0;
	_ =	sdelay $0xe  }
0xf0: {  	s28 =	spop (v2sf)  }
0xf1: {  	p3 =	sne.s32 s26, s28  }
.Ltmp18:
0xf2: {  	_ = 	snop;
	(pc) =	sbr.rel @p3 .LBB2_22-.Ltmp18, $3  }
0xf3: {  	_ =	sdelay $0x1  }
0xf4: {  	s0 =	sshll.u32 s21, $0xB  }
0xf5: {  	s0 =	sshra.s32 s0, $0x2  }
0xf6: {  	s0 =	sadd.s32 $0x408, s0;
	s4 =	simm.s32 $0x0;
	v2 =	vld [tilespmem:s24+$0x0];
	s8 =	smov.u32 s24  }
.LBB2_20:
0xf7: {  	s4 =	sadd.s32 $0x10, s4  }
0xf8: {  	p3 =	slt.u32 s4, $0x1F0  }
.Ltmp19:
0xf9: {  	_ = 	snop;
	(pc) =	sbr.rel @p3 .LBB2_20-.Ltmp19, $3  }
0xfa: {  	_ =	sdelay $0x1  }
0xfb: {  	s8 =	sadd.s32 $0x10, s8;
	[tilespmem:s0+$0x0] =	vst.add.f32.msk $0xffff, v2;
	s0 =	sadd.s32 $0x10, s0  }
0xfc: {  	v2 =	vld [tilespmem:s8+$0x0]  }
.Ltmp20:
0xfd: {  	_ = 	snop;
	(pc) =	sbr.rel .LBB2_29-.Ltmp20, $2  }
0xfe: {  	_ =	sdelay $0x2  }
0xff: {  	[tilespmem:s0+$0x0] =	vst.add.f32.msk $0xffff, v2  }
.LBB2_22:
0x100: {  	p3 =	seq.s32 s26, s23  }
.Ltmp21:
0x101: {  	_ = 	snop;
	(pc) =	sbr.rel @!p3 .LBB2_23-.Ltmp21, $1  }
0x102: {  	_ =	sdelay $0x3  }
.Ltmp22:
0x103: {  	s0 =	sadd.s32 $0x408, s0;
	(pc) =	sbr.rel .LBB2_26-.Ltmp22, $4  }
0x104: {  	[spmem:s13] =	stream.linear.scatter [tilespmem:s0], [sflag:$0x1], $0x200, $0x38;
	[tilespmem:$0x1C928] =	vst v63  }
0x105: {  	_ =	swait.ge [sflag:s10], $0x200  }
0x106: {  	[sflag:s10] =	ssyncset.done $0x0  }
0x107: {  	[sflag:s10] =	ssyncadd.s32 $0xFFFFFE00  }
.LBB2_23:
0x108: {  	s2 =	sshll.u32 s25, $0xB  }
0x109: {  	s2 =	sshra.s32 s2, $0x2  }
0x10a: {  	s4 =	sadd.s32 $0x408, s0;
	s8 =	sadd.s32 $0x6608, s2  }
0x10b: {  	s9 =	simm.s32 $0x0;
	s31 =	smov.u32 s4;
	v2 =	vld [tilespmem:s8+$0x0]  }
.LBB2_24:
0x10c: {  	s9 =	sadd.s32 $0x10, s9  }
0x10d: {  	p3 =	slt.u32 s9, $0x1F0  }
.Ltmp23:
0x10e: {  	_ = 	snop;
	(pc) =	sbr.rel @p3 .LBB2_24-.Ltmp23, $3  }
0x10f: {  	_ =	sdelay $0x1  }
0x110: {  	s8 =	sadd.s32 $0x10, s8;
	[tilespmem:s31+$0x0] =	vst.add.f32.msk $0xffff, v2;
	s31 =	sadd.s32 $0x10, s31  }
0x111: {  	v2 =	vld [tilespmem:s8+$0x0]  }
0x112: {  	_ =	sdelay $0x1  }
0x113: {  	p3 =	sgt.u32 s26, $0x7E70  }
0x114: {  	s2 =	sand.u32 @!p3 $0x7FF8, s26  }
0x115: {  	s5 =	sand.u32 @!p3 $0x7, s26;
	s2 =	sadd.s32 @!p3 s1, s2;
	[tilespmem:s31+$0x0] =	vst.add.f32.msk $0xffff, v2  }
0x116: {  	[hbm4b:s2+s5] =	stream.linear.scatter @!p3 [tilespmem:s4], [sflag:$0xA], $0x80, $0x38;
	[tilespmem:$0x1C928] =	vst v63  }
0x117: {  	s2 =	sadd.s32 @!p3 $0x80, s26  }
0x118: {  	s2 =	sand.u32 @!p3 $0xFFF8, s2  }
0x119: {  	s4 =	sadd.s32 @!p3 $0x488, s0;
	s2 =	sadd.s32 @!p3 s1, s2  }
0x11a: {  	[hbm4b:s2+s5] =	stream.linear.scatter @!p3 [tilespmem:s4], [sflag:$0xA], $0x80, $0x38;
	[tilespmem:$0x1C928] =	vst v63  }
0x11b: {  	s2 =	sadd.s32 @!p3 $0x100, s26  }
0x11c: {  	s2 =	sand.u32 @!p3 $0xFFF8, s2  }
0x11d: {  	s4 =	sadd.s32 @!p3 $0x508, s0;
	s2 =	sadd.s32 @!p3 s1, s2  }
0x11e: {  	[hbm4b:s2+s5] =	stream.linear.scatter @!p3 [tilespmem:s4], [sflag:$0xA], $0x80, $0x38;
	[tilespmem:$0x1C928] =	vst v63  }
0x11f: {  	s2 =	sadd.s32 @!p3 $0x180, s26;
	s4 =	simm.s32 $0x0  }
0x120: {  	s2 =	sand.u32 @!p3 $0xFFF8, s2;
	s4 =	simm.s32 @!p3 $0x800  }
0x121: {  	s0 =	sadd.s32 @!p3 $0x588, s0;
	s2 =	sadd.s32 @!p3 s1, s2;
	s29 =	sadd.s32 s4, s29  }
0x122: {  	[hbm4b:s2+s5] =	stream.linear.scatter @!p3 [tilespmem:s0], [sflag:$0xA], $0x80, $0x38;
	[tilespmem:$0x1C928] =	vst v63  }
.LBB2_26:
0x123: {  	s0 =	sadd.s32 $0x1, s21  }
0x124: {  	s2 =	smulhi.u32 $0xAAAAAAAB, s0;
	_ =	sdelay $0x1  }
0x125: {  	s2 =	sshrl.u32 s2, $0x5  }
0x126: {  	s2 =	smul.u32 $0x30, s2;
	_ =	sdelay $0x1  }
0x127: {  	s21 =	ssub.s32 s0, s2  }
0x128: {  	s0 =	sshll.u32 s21, $0x9  }
0x129: {  	s4 =	simm.s32 $0x0;
	v2 =	vld [tilespmem:s24+$0x0];
	s8 =	smov.u32 s24;
	s0 =	sadd.s32 $0x408, s0  }
.LBB2_27:
0x12a: {  	s4 =	sadd.s32 $0x10, s4  }
0x12b: {  	p3 =	slt.u32 s4, $0x1F0  }
.Ltmp24:
0x12c: {  	_ = 	snop;
	(pc) =	sbr.rel @p3 .LBB2_27-.Ltmp24, $3  }
0x12d: {  	_ =	sdelay $0x1  }
0x12e: {  	[tilespmem:s0+$0x0] =	vst v2;
	s0 =	sadd.s32 $0x10, s0;
	s8 =	sadd.s32 $0x10, s8  }
0x12f: {  	v2 =	vld [tilespmem:s8+$0x0]  }
.Ltmp25:
0x130: {  	_ = 	snop;
	(pc) =	sbr.rel .LBB2_28-.Ltmp25, $1  }
0x131: {  	_ =	sdelay $0x3  }
.LBB2_31:
.Ltmp26:
0x132: {  	(pc) =	sbr.rel .LBB2_32-.Ltmp26, $4  }
0x133: {  	_ = 	snop  }
0x134: {  	s0 =	simm.s32 $0x2  }
0x135: {  	_ =	swait.ge [sflag:s0], $0x0  }
0x136: {  	s28 =	smov.u32 s26;
	[sflag:s0] =	ssyncset.done $0x0;
	s0 =	simm.s32 $0x0  }
.LBB2_34:
0x137: {  	_ =	sfence.sel $0x180000  }
0x138: {  	s0 =	simm.s32 $0x7;
	[bflag:$0x0] =	sbarrier.arrive $0xFFFF  }
0x139: {  	s24 =	simm.s32 $0x8;
	[sflag:s0] =	ssyncpa.u1 $0x1  }
0x13a: {  	s25 =	simm.s32 $0x9;
	[sflag:s24] =	ssyncpa.u1 $0x1  }
0x13b: {  	s26 =	simm.s32 $0x2;
	[sflag:s25] =	ssyncpa.u1 $0x1  }
0x13c: {  	[sflag:s26] =	ssyncpa.u1 $0x1  }
0x13d: {  	v0 =	vld [tilespmem:$0xC808];
	_ =	sdelay $0x4  }
0x13e: {  	(v2sf) =	vpush v0, $0x0  }
0x13f: {  	(v2sf) =	vpush v0, $0x1;
	_ =	sdelay $0x1  }
0x140: {  	(v2sf) =	vpush v0, $0x2;
	_ =	sdelay $0xb  }
0x141: {  	s0 =	spop (v2sf)  }
0x142: {  	s2 =	spop (v2sf)  }
0x143: {  	s3 =	smov.u32 s0;
	p1 =	sne.s32 s0, s2  }
0x144: {  	s4 =	spop (v2sf);
	s3 =	simm.s32 @!p1 $0xFFFFFFFF  }
0x145: {  	v2 =	vimm.s32 $0x1;
	v3 =	vlaneseq.u32;
	p1 =	seq.s32 s4, $0xFFFFFFFF;
	v1 =	vmov s3  }
0x146: {  	s28 =	stileid.u32;
	v0 =	vperm.xlane v0, v2;
	p2 =	sne.s32 @!p1 s0, s2;
	v1 =	vperm.xlane v1, v3  }
0x147: {  	vm0 =	vcmask $0x3F04;
	s6 =	simm.s32 $0xC808;
	s0 =	simm.s32 @!p1 $0x1;
	p2 =	por !p2, p1  }
0x148: {  	s3 =	sshll.u32 s28, $0x1;
	s2 =	sshll.u32 @!p1 s4, $0xB;
	s0 =	simm.s32 @p2 $0x0;
	v0 =	vsel vm0, v1, v0  }
0x149: {  	s5 =	sor.u32 $0x4000, s3;
	s2 =	sshra.s32 @!p1 s2, $0x2;
	s0 =	sor.u32 @!p1 s0, s3;
	[tilespmem:$0xC808] =	vst v0  }
0x14a: {  	[spmem:s5] =	stream.linear.scatter [tilespmem:s6], [sflag:$0x1], $0x2, $0x38;
	[tilespmem:$0x1C928] =	vst v63  }
0x14b: {  	s2 =	sadd.s32 @!p1 $0x408, s2;
	s0 =	sshll.u32 @!p1 s0, $0x9  }
0x14c: {  	[spmem:s0] =	stream.linear.scatter @!p1 [tilespmem:s2], [sflag:$0x1], $0x200, $0x38;
	[tilespmem:$0x1C928] =	vst v63  }
0x14d: {  	s2 =	simm.s32 @!p1 $0x202  }
0x14e: {  	s0 =	simm.s32 $0x1;
	s2 =	simm.s32 @p1 $0x2  }
0x14f: {  	_ =	swait.ge [sflag:s0], s2  }
0x150: {  	s2 =	ssub.s32 $0x0, s2;
	[sflag:s0] =	ssyncset.done $0x0  }
0x151: {  	[sflag:s0] =	ssyncadd.s32 s2  }
0x152: {  	_ =	sfence.stream.spmem  }
0x153: {  	s29 =	simm.s32 $0x3;
	[bflag:$0x0] =	sbarrier.arrive $0xFFFF  }
0x154: {  	s30 =	simm.s32 $0x4;
	[sflag:s29] =	ssyncpa.u1 $0x1  }
0x155: {  	s31 =	simm.s32 $0x3C;
	[sflag:s30] =	ssyncpa.u1 $0x1  }
0x156: {  	[sflag:s31] =	ssyncpa.u1 $0x1  }
0x157: {  	_ =	sfence @p0  }
0x158: {  	[sflag:s0] =	ssyncpa.u1 @p0 $0x1  }
0x159: {  	_ =	strace @p0 $0x90000062  }
0x15a: {  	[bflag:$0x2] =	sbarrier.arrive @p0 $0xFFFF  }
0x15b: {  	_ =	shalt @p0  }
.LBB2_35:
0x15c: {  	_ =	sfence.stream.spmem;
	s0 =	simm.s32 $0x5  }
0x15d: {  	s2 =	simm.s32 $0x4000;
	s3 =	simm.s32 $0xC818;
	[sflag:s0] =	ssyncpa.u1 $0x0  }
0x15e: {  	[tilespmem:s3], [sflag:$0x5] =	stream.linear.gather [spmem:s2], $0x20, $0x38;
	[tilespmem:$0x1C928] =	vst v63  }
0x15f: {  	s2 =	simm.s32 $0x0;
	s3 =	simm.s32 $0xC838  }
0x160: {  	[tilespmem:s3], [sflag:$0x5] =	stream.linear.gather [spmem:s2], $0x4000, $0x38;
	[tilespmem:$0x1C928] =	vst v63  }
.Ltmp27:
0x161: {  	_ = 	snop;
	(pc) =	sbr.rel .LBB2_36-.Ltmp27, $4  }
0x162: {  	_ =	swait.ge [sflag:s0], $0x4020  }
0x163: {  	s4 =	simm.s32 $0x6;
	[sflag:s0] =	ssyncset.done $0x0  }
0x164: {  	s5 =	simm.s32 $0xC688;
	s6 =	simm.s32 $0xC708;
	[sflag:s0] =	ssyncadd.s32 $0xFFFFBFE0  }
0x165: {  	s7 =	simm.s32 $0xC788;
	s8 =	simm.s32 $0x0;
	[sflag:s4] =	ssyncpa.u1 $0x0  }
.LBB2_51:
0x166: {  	s8 =	sadd.s32 $0x1, s8  }
0x167: {  	p0 =	sne.s32 s8, $0x20  }
.Ltmp28:
0x168: {  	_ = 	snop;
	(pc) =	sbr.rel @!p0 .LBB2_52-.Ltmp28, $2  }
0x169: {  	_ =	sdelay $0x2  }
0x16a: {  	s3 =	sadd.s32 $0x200, s3  }
.LBB2_36:
0x16b: {  	v0 =	vld.msk [tilespmem:s8+$0xC818], $0x1;
	_ =	sdelay $0x4  }
0x16c: {  	(v2sf) =	vpush v0, $0x0;
	_ =	sdelay $0xe  }
0x16d: {  	s9 =	spop (v2sf)  }
0x16e: {  	p0 =	seq.s32 s9, $0xFFFFFFFF  }
.Ltmp29:
0x16f: {  	_ = 	snop;
	(pc) =	sbr.rel @p0 .LBB2_51-.Ltmp29, $1  }
0x170: {  	_ =	sdelay $0x3  }
0x171: {  	p0 =	slt.s32 s2, $0x1  }
.Ltmp30:
0x172: {  	_ = 	snop;
	(pc) =	sbr.rel @p0 .LBB2_44-.Ltmp30, $1  }
0x173: {  	_ =	sdelay $0x3  }
0x174: {  	s0 =	simm.s32 $0xC818;
	p0 =	por $0x0, $0x0  }
0x175: {  	v1 =	vld.msk @!p0 [tilespmem:s0+$0x0], $0x1;
	_ =	sdelay $0x4  }
0x176: {  	(v2sf) =	vpush @!p0 v1, $0x0;
	_ =	sdelay $0xd  }
0x177: {  	p2 =	sne.s32 s2, $0x1  }
.Ltmp31:
0x178: {  	s10 =	spop @!p0 (v2sf);
	(pc) =	sbr.rel @!p2 .LBB2_40-.Ltmp31, $4  }
0x179: {  	p1 =	seq.s32 @!p0 s9, s10  }
0x17a: {  	s10 =	simm.s32 $0x0;
	p1 =	por !p1, p0  }
0x17b: {  	s12 =	simm.s32 $0xFFFFFFFF;
	s10 =	simm.s32 @p1 $0xFFFFFFFF  }
0x17c: {  	s11 =	simm.s32 $0x1;
	s10 =	smov.u32 @p0 s12  }
.LBB2_39:
0x17d: {  	s12 =	smov.u32 s10;
	p0 =	sne.s32 s10, $0xFFFFFFFF  }
0x17e: {  	s0 =	sadd.s32 $0x1, s0;
	s10 =	smov.u32 s11;
	s11 =	sadd.s32 $0x1, s11  }
0x17f: {  	p1 =	sne.s32 s2, s11;
	v1 =	vld.msk @!p0 [tilespmem:s0+$0x0], $0x1;
	_ =	sdelay $0x4  }
0x180: {  	(v2sf) =	vpush @!p0 v1, $0x0;
	_ =	sdelay $0xe  }
.Ltmp32:
0x181: {  	s13 =	spop @!p0 (v2sf);
	(pc) =	sbr.rel @p1 .LBB2_39-.Ltmp32, $4  }
0x182: {  	p2 =	seq.s32 @!p0 s9, s13  }
0x183: {  	p2 =	por !p2, p0  }
0x184: {  	s10 =	simm.s32 @p2 $0xFFFFFFFF  }
0x185: {  	s10 =	smov.u32 @p0 s12  }
.LBB2_40:
0x186: {  	p0 =	seq.s32 s10, $0xFFFFFFFF  }
.Ltmp33:
0x187: {  	_ = 	snop;
	(pc) =	sbr.rel @p0 .LBB2_44-.Ltmp33, $1  }
0x188: {  	_ =	sdelay $0x3  }
0x189: {  	s0 =	sshll.u32 s10, $0xB  }
0x18a: {  	s0 =	sshra.s32 s0, $0x2  }
0x18b: {  	s9 =	simm.s32 $0x0;
	v0 =	vld [tilespmem:s3+$0x0];
	s10 =	smov.u32 s3;
	s0 =	sadd.s32 $0xC838, s0  }
.LBB2_42:
0x18c: {  	s9 =	sadd.s32 $0x10, s9  }
0x18d: {  	p0 =	slt.u32 s9, $0x1F0  }
.Ltmp34:
0x18e: {  	_ = 	snop;
	(pc) =	sbr.rel @p0 .LBB2_42-.Ltmp34, $3  }
0x18f: {  	_ =	sdelay $0x1  }
0x190: {  	s10 =	sadd.s32 $0x10, s10;
	[tilespmem:s0+$0x0] =	vst.add.f32.msk $0xffff, v0;
	s0 =	sadd.s32 $0x10, s0  }
0x191: {  	v0 =	vld [tilespmem:s10+$0x0]  }
.Ltmp35:
0x192: {  	_ = 	snop;
	(pc) =	sbr.rel .LBB2_51-.Ltmp35, $2  }
0x193: {  	_ =	sdelay $0x2  }
0x194: {  	[tilespmem:s0+$0x0] =	vst.add.f32.msk $0xffff, v0  }
.LBB2_44:
0x195: {  	p0 =	sgt.u32 s9, $0x7E70  }
.Ltmp36:
0x196: {  	_ = 	snop;
	(pc) =	sbr.rel @p0 .LBB2_48-.Ltmp36, $1  }
0x197: {  	_ =	sdelay $0x3  }
0x198: {  	s0 =	sand.u32 $0x7FF8, s9;
	s11 =	sand.u32 $0x7, s9  }
0x199: {  	s29 =	sadd.s32 $0x80, s9;
	s10 =	sadd.s32 s1, s0;
	s0 =	simm.s32 $0xC608  }
0x19a: {  	[tilespmem:s0], [sflag:$0x6] =	stream.linear.gather [hbm4b:s10+s11], $0x80, $0x38;
	[tilespmem:$0x1C928] =	vst v63  }
0x19b: {  	s10 =	sand.u32 $0xFFF8, s29  }
0x19c: {  	s30 =	sadd.s32 $0x100, s9;
	s10 =	sadd.s32 s1, s10  }
0x19d: {  	[tilespmem:s5], [sflag:$0x6] =	stream.linear.gather [hbm4b:s10+s11], $0x80, $0x38;
	[tilespmem:$0x1C928] =	vst v63  }
0x19e: {  	s31 =	sadd.s32 $0x180, s9;
	s10 =	sand.u32 $0xFFF8, s30  }
0x19f: {  	s9 =	sand.u32 $0xFFF8, s31;
	s10 =	sadd.s32 s1, s10  }
0x1a0: {  	[tilespmem:s6], [sflag:$0x6] =	stream.linear.gather [hbm4b:s10+s11], $0x80, $0x38;
	[tilespmem:$0x1C928] =	vst v63  }
0x1a1: {  	s9 =	sadd.s32 s1, s9  }
0x1a2: {  	[tilespmem:s7], [sflag:$0x6] =	stream.linear.gather [hbm4b:s9+s11], $0x80, $0x38;
	[tilespmem:$0x1C928] =	vst v63  }
0x1a3: {  	_ =	swait.ge [sflag:s4], $0x200  }
0x1a4: {  	[sflag:s4] =	ssyncset.done $0x0  }
0x1a5: {  	[sflag:s4] =	ssyncadd.s32 $0xFFFFFE00  }
0x1a6: {  	s10 =	smov.u32 s3;
	s9 =	simm.s32 $0x0;
	v1 =	vld [tilespmem:s0+$0x0]  }
.LBB2_46:
0x1a7: {  	s9 =	sadd.s32 $0x10, s9  }
0x1a8: {  	p0 =	slt.u32 s9, $0x1F0  }
.Ltmp37:
0x1a9: {  	_ = 	snop;
	(pc) =	sbr.rel @p0 .LBB2_46-.Ltmp37, $3  }
0x1aa: {  	_ =	sdelay $0x1  }
0x1ab: {  	s0 =	sadd.s32 $0x10, s0;
	[tilespmem:s10+$0x0] =	vst.add.f32.msk $0xffff, v1;
	s10 =	sadd.s32 $0x10, s10  }
0x1ac: {  	v1 =	vld [tilespmem:s0+$0x0]  }
0x1ad: {  	_ =	sdelay $0x3  }
0x1ae: {  	[tilespmem:s10+$0x0] =	vst.add.f32.msk $0xffff, v1  }
.LBB2_48:
0x1af: {  	s0 =	sshll.u32 s2, $0xB  }
0x1b0: {  	[tilespmem:s2+$0xC818] =	vst.msk $0x1, v0;
	s0 =	sshra.s32 s0, $0x2  }
0x1b1: {  	s9 =	simm.s32 $0x0;
	s10 =	smov.u32 s3;
	v0 =	vld [tilespmem:s3+$0x0];
	s0 =	sadd.s32 $0xC838, s0  }
.LBB2_49:
0x1b2: {  	s9 =	sadd.s32 $0x10, s9  }
0x1b3: {  	p0 =	slt.u32 s9, $0x1F0  }
.Ltmp38:
0x1b4: {  	_ = 	snop;
	(pc) =	sbr.rel @p0 .LBB2_49-.Ltmp38, $3  }
0x1b5: {  	_ =	sdelay $0x1  }
0x1b6: {  	s10 =	sadd.s32 $0x10, s10;
	[tilespmem:s0+$0x0] =	vst v0;
	s0 =	sadd.s32 $0x10, s0  }
0x1b7: {  	v0 =	vld [tilespmem:s10+$0x0]  }
.Ltmp39:
0x1b8: {  	_ = 	snop;
	(pc) =	sbr.rel .LBB2_51-.Ltmp39, $2  }
0x1b9: {  	_ =	sdelay $0x2  }
0x1ba: {  	s2 =	sadd.s32 $0x1, s2;
	[tilespmem:s0+$0x0] =	vst v0  }
.LBB2_52:
0x1bb: {  	p0 =	slt.s32 s2, $0x1  }
.Ltmp40:
0x1bc: {  	_ = 	snop;
	(pc) =	sbr.rel @p0 .LBB2_56-.Ltmp40, $3  }
0x1bd: {  	_ =	sdelay $0x1  }
0x1be: {  	s0 =	simm.s32 $0x6  }
0x1bf: {  	s3 =	simm.s32 $0x0;
	[sflag:s0] =	ssyncpa.u1 $0x1  }
0x1c0: {  	s0 =	simm.s32 $0xC818  }
0x1c1: {  	v0 =	vld.msk [tilespmem:s0+$0x0], $0x1;
	_ =	sdelay $0x4  }
0x1c2: {  	(v2sf) =	vpush v0, $0x0;
	_ =	sdelay $0xe  }
0x1c3: {  	s7 =	spop (v2sf)  }
0x1c4: {  	s4 =	simm.s32 $0xC838;
	p0 =	sgt.u32 s7, $0x7E70  }
0x1c5: {  	s2 =	sadd.s32 $0xFFFFFFFF, s2;
	s0 =	sand.u32 @!p0 $0x7FF8, s7;
	s5 =	sadd.s32 @!p0 $0x80, s7  }
0x1c6: {  	s9 =	sadd.s32 @!p0 s1, s0;
	s0 =	sand.u32 @!p0 $0x7, s7;
	s5 =	sand.u32 @!p0 $0xFFF8, s5  }
0x1c7: {  	[hbm4b:s9+s0] =	stream.linear.scatter @!p0 [tilespmem:s4], [sflag:$0x5], $0x80, $0x38;
	[tilespmem:$0x1C928] =	vst v63  }
0x1c8: {  	p1 =	sne.s32 s2, $0x0;
	s4 =	simm.s32 @!p0 $0xC8B8;
	s5 =	sadd.s32 @!p0 s1, s5  }
0x1c9: {  	[hbm4b:s5+s0] =	stream.linear.scatter @!p0 [tilespmem:s4], [sflag:$0x5], $0x80, $0x38;
	[tilespmem:$0x1C928] =	vst v63  }
.Ltmp41:
0x1ca: {  	s6 =	simm.s32 $0x0;
	s8 =	sadd.s32 @!p0 $0x100, s7;
	(pc) =	sbr.rel @!p1 .LBB2_55-.Ltmp41, $4  }
0x1cb: {  	s6 =	simm.s32 @!p0 $0x800;
	s8 =	sand.u32 @!p0 $0xFFF8, s8;
	s4 =	simm.s32 @!p0 $0xC938  }
0x1cc: {  	s5 =	sadd.s32 @!p0 s1, s8;
	s8 =	sadd.s32 @!p0 $0x180, s7;
	s7 =	simm.s32 @!p0 $0xC9B8  }
0x1cd: {  	[hbm4b:s5+s0] =	stream.linear.scatter @!p0 [tilespmem:s4], [sflag:$0x5], $0x80, $0x38;
	[tilespmem:$0x1C928] =	vst v63  }
0x1ce: {  	s8 =	sand.u32 @!p0 $0xFFF8, s8;
	s4 =	simm.s32 $0xC819;
	s5 =	simm.s32 $0xCA38  }
.LBB2_54:
0x1cf: {  	s2 =	sadd.s32 $0xFFFFFFFF, s2;
	s8 =	sadd.s32 @!p0 s1, s8;
	s3 =	sadd.s32 s3, s6  }
0x1d0: {  	[hbm4b:s8+s0] =	stream.linear.scatter @!p0 [tilespmem:s7], [sflag:$0x5], $0x80, $0x38;
	[tilespmem:$0x1C928] =	vst v63  }
0x1d1: {  	p1 =	sne.s32 s2, $0x0;
	s7 =	smov.u32 s5;
	v0 =	vld.msk [tilespmem:s4+$0x0], $0x1;
	_ =	sdelay $0x4  }
0x1d2: {  	(v2sf) =	vpush v0, $0x0;
	_ =	sdelay $0xe  }
0x1d3: {  	s6 =	spop (v2sf)  }
0x1d4: {  	s5 =	sadd.s32 $0x200, s5;
	s4 =	sadd.s32 $0x1, s4;
	p0 =	sgt.u32 s6, $0x7E70  }
0x1d5: {  	s0 =	sand.u32 @!p0 $0x7FF8, s6;
	s8 =	sadd.s32 @!p0 $0x80, s6;
	s9 =	sadd.s32 @!p0 $0x100, s6  }
0x1d6: {  	s10 =	sadd.s32 @!p0 s1, s0;
	s0 =	sand.u32 @!p0 $0x7, s6;
	s8 =	sand.u32 @!p0 $0xFFF8, s8  }
0x1d7: {  	[hbm4b:s10+s0] =	stream.linear.scatter @!p0 [tilespmem:s7], [sflag:$0x5], $0x80, $0x38;
	[tilespmem:$0x1C928] =	vst v63  }
0x1d8: {  	s9 =	sand.u32 @!p0 $0xFFF8, s9;
	s10 =	sadd.s32 @!p0 $0x80, s7  }
.Ltmp42:
0x1d9: {  	s8 =	sadd.s32 @!p0 s1, s8;
	s9 =	sadd.s32 @!p0 s1, s9;
	(pc) =	sbr.rel @p1 .LBB2_54-.Ltmp42, $4  }
0x1da: {  	[hbm4b:s8+s0] =	stream.linear.scatter @!p0 [tilespmem:s10], [sflag:$0x5], $0x80, $0x38;
	[tilespmem:$0x1C928] =	vst v63  }
0x1db: {  	s8 =	sadd.s32 @!p0 $0x100, s7;
	s10 =	sadd.s32 @!p0 $0x180, s6;
	s6 =	simm.s32 $0x0  }
0x1dc: {  	[hbm4b:s9+s0] =	stream.linear.scatter @!p0 [tilespmem:s8], [sflag:$0x5], $0x80, $0x38;
	[tilespmem:$0x1C928] =	vst v63  }
0x1dd: {  	s7 =	sadd.s32 @!p0 $0x180, s7;
	s6 =	simm.s32 @!p0 $0x800;
	s8 =	sand.u32 @!p0 $0xFFF8, s10  }
.LBB2_55:
0x1de: {  	s1 =	sadd.s32 @!p0 s1, s8;
	s31 =	sadd.s32 s3, s6  }
0x1df: {  	[hbm4b:s1+s0] =	stream.linear.scatter @!p0 [tilespmem:s7], [sflag:$0x5], $0x80, $0x38;
	[tilespmem:$0x1C928] =	vst v63  }
0x1e0: {  	s3 =	sshrl.u32 s31, $0x2  }
.LBB2_56:
0x1e1: {  	s0 =	simm.s32 $0x5  }
0x1e2: {  	_ =	swait.ge [sflag:s0], s3  }
0x1e3: {  	s1 =	ssub.s32 $0x0, s3;
	[sflag:s0] =	ssyncset.done $0x0  }
0x1e4: {  	[sflag:s0] =	ssyncadd.s32 s1  }
0x1e5: {  	[sflag:s0] =	ssyncpa.u1 $0x1  }
0x1e6: {  	s30 =	simm.s32 $0x1;
	_ =	sfence  }
0x1e7: {  	[sflag:s30] =	ssyncpa.u1 $0x1  }
0x1e8: {  	_ =	strace $0x90000062  }
0x1e9: {  	[bflag:$0x2] =	sbarrier.arrive $0xFFFF  }
0x1ea: {  	s31 =	rddreg [dreg:$0x1]  }
0x1eb: {  	s0 =	sadd.s32 $0x100000, s31  }
0x1ec: {  	[sflag:s0] =	ssyncadd.tile.s32 $0x1;
	_ =	shalt  }
.Lfunc_end2:
_tile_overlayer_lowered:
.L_overlay_start_2:
0x1ed: {  	(tag) =	ssettag $0x2  }
0x1ee: {  	s0 =	rddreg [dreg:$0x0];
	s2 =	stileid.u32  }
0x1ef: {  	s1 =	rddreg [dreg:$0x1];
	p0 =	sne.s32 s2, $0x0  }
0x1f0: {  	s3 =	rddreg [dreg:$0x2];
	[bflag:$0x3] =	sbarrier.arrive $0xFFFF;
	s2 =	simm.s32 @!p0 $0x1C01  }
0x1f1: {  	[timem:s3], [sflag:s2] =	dma.local @!p0 [hbm:s0], s1  }
0x1f2: {  	s0 =	simm.s32 @!p0 $0x1  }
0x1f3: {  	_ =	swait.ge @!p0 [sflag:s0], s1  }
0x1f4: {  	s1 =	ssub.s32 @!p0 $0x0, s1;
	[sflag:s0] =	ssyncset.done @!p0 $0x0  }
0x1f5: {  	[sflag:s0] =	ssyncadd.s32 @!p0 s1  }
0x1f6: {  	[bflag:$0x3] =	sbarrier.arrive $0xFFFF  }
0x1f7: {  	_ =	shalt  }

// kernel: scatter_offload_async_start.3
scs
__scs_entry_jumppad:
0x0: {  	(pc) =	sbr.rel $0x88, $3  }
0x1: {  	(tag) =	ssettag $0x0;
	lr =	simm.s32 $0x1  }
0x2: {  	[smem:$0x3F7C] =	sst lr;
	_ =	strace $0xD0000000  }
0x3: {  	_ = 	snop  }
0x4: {  	_ = 	snop  }
0x5: {  	_ = 	snop  }
0x6: {  	_ = 	snop  }
0x7: {  	_ = 	snop  }
__scs_overlays_trampoline_lowered:
0x8: {  	[smem:$0x3F8B] =	sst s0  }
0x9: {  	[smem:$0x3F8C] =	sst s1  }
0xa: {  	[smem:$0x3F8D] =	sst s2  }
0xb: {  	[smem:$0x3F8E] =	sst s3  }
0xc: {  	[smem:$0x3F8F] =	sst s4  }
0xd: {  	[smem:$0x3F90] =	sst s5  }
0xe: {  	[smem:$0x3F91] =	sst s6  }
0xf: {  	[smem:$0x3F92] =	sst s7  }
0x10: {  	[smem:$0x3F93] =	sst s8  }
0x11: {  	[smem:$0x3F94] =	sst s9;
	s0 =	simm.s32 @!p0 $0x0  }
0x12: {  	s1 =	sld [smem:$0x3F7A];
	s0 =	simm.s32 @p0 $0x1  }
0x13: {  	[smem:$0x3F95] =	sst s0;
	s0 =	simm.s32 @!p1 $0x0  }
0x14: {  	s2 =	sld [smem:$0x3F79];
	s0 =	simm.s32 @p1 $0x1  }
0x15: {  	[smem:$0x3F96] =	sst s0;
	s0 =	simm.s32 @!p2 $0x0  }
0x16: {  	s3 =	sld [smem:$0x3FDB];
	s0 =	simm.s32 @p2 $0x1  }
0x17: {  	s4 =	simm.s32 $0x1BF5;
	[smem:$0x3F98] =	sst s0  }
0x18: {  	s0 =	sld [smem:$0x3F7B];
	_ =	swait.ge [sflag:s4], $0x0  }
0x19: {  	s7 =	sld [smem:$0x3F7C]  }
0x1a: {  	s8 =	sadd.s32 $0xFFFFE003, lr  }
0x1b: {  	s9 =	sadd.s32 $0xFFFFFEF7, lr;
	s5 =	simm.s32 $0xFFFFFFFF;
	p2 =	slt.u32 s8, $0xFFFFF086  }
0x1c: {  	p1 =	slt.u32 s9, $0xF7A;
	s5 =	simm.s32 @!p2 $0x0  }
0x1d: {  	s5 =	simm.s32 @p1 $0x1;
	p0 =	seq.s32 s7, s2  }
0x1e: {  	s7 =	smul.u32 @!p0 $0xF7A, s2;
	p2 =	seq.s32 @!p0 s5, $0x0  }
0x1f: {  	s9 =	smul.u32 $0xF7A, s1;
	s8 =	simm.s32 @!p0 $0x1BF5;
	p2 =	por !p2, p0  }
0x20: {  	[sflag:s8] =	ssyncset.s32 @!p0 $0xFFFFF086;
	s6 =	sadd.s32 @!p0 s3, s7;
	s7 =	simm.s32 @!p0 $0x108  }
0x21: {  	s3 =	sadd.s32 s3, s9;
	s6 =	sadd.s32 @!p0 $0x88, s6;
	s7 =	simm.s32 @p2 $0x1082  }
0x22: {  	[simem:s7], [sflag:s8] =	dma.local @!p0 [hbm:s6], $0xF7A  }
0x23: {  	s9 =	sor.u32 $0xD0000000, s2;
	s6 =	simm.s32 $0x108;
	_ =	swait.ge @!p0 [sflag:s8], $0x0  }
0x24: {  	s3 =	sadd.s32 $0x88, s3;
	s6 =	simm.s32 @!p1 $0x1082;
	[sflag:s4] =	ssyncset.s32 $0xFFFFF086  }
0x25: {  	[simem:s6], [sflag:s4] =	dma.local [hbm:s3], $0xF7A  }
0x26: {  	[smem:$0x3F7C] =	sst s1;
	(tag) =	ssettag s2;
	_ =	strace s9  }
0x27: {  	s1 =	sld [smem:$0x3F8C]  }
0x28: {  	s2 =	sld [smem:$0x3F8D]  }
0x29: {  	s4 =	sld [smem:$0x3F8F]  }
0x2a: {  	p0 =	seq.s32 s5, $0x0;
	s5 =	sld [smem:$0x3F90]  }
0x2b: {  	s6 =	sld [smem:$0x3F91]  }
0x2c: {  	s7 =	sld [smem:$0x3F92]  }
0x2d: {  	s3 =	simm.s32 $0x108;
	s8 =	sld [smem:$0x3F93]  }
0x2e: {  	s3 =	simm.s32 @!p0 $0x1082;
	s9 =	sld [smem:$0x3F94]  }
0x2f: {  	lr =	sadd.s32 s0, s3;
	s0 =	sld [smem:$0x3F8B]  }
0x30: {  	s3 =	sld [smem:$0x3F8E]  }
0x31: {  	[smem:$0x3F97] =	sst s10  }
0x32: {  	s10 =	sld [smem:$0x3F95];
	_ =	sdelay $0x3  }
0x33: {  	p0 =	seq.s32 s10, $0x1;
	s10 =	sld [smem:$0x3F97];
	_ =	sdelay $0x3  }
0x34: {  	[smem:$0x3F97] =	sst s10  }
0x35: {  	s10 =	sld [smem:$0x3F96];
	_ =	sdelay $0x3  }
0x36: {  	p1 =	seq.s32 s10, $0x1;
	s10 =	sld [smem:$0x3F97];
	_ =	sdelay $0x3  }
0x37: {  	[smem:$0x3F97] =	sst s10  }
0x38: {  	s10 =	sld [smem:$0x3F98]  }
0x39: {  	_ = 	snop;
	(pc) =	sbr.ind lr, $3  }
0x3a: {  	_ = 	snop  }
0x3b: {  	_ = 	snop  }
0x3c: {  	p2 =	seq.s32 s10, $0x1;
	s10 =	sld [smem:$0x3F97]  }
0x3d: {  	_ =	shalt  }
0x3e: {  	_ =	shalt  }
0x3f: {  	_ =	shalt  }
0x40: {  	_ =	shalt  }
0x41: {  	_ =	shalt  }
0x42: {  	_ =	shalt  }
0x43: {  	_ =	shalt  }
0x44: {  	_ =	shalt  }
0x45: {  	_ =	shalt  }
0x46: {  	_ =	shalt  }
0x47: {  	_ =	shalt  }
0x48: {  	_ =	shalt  }
0x49: {  	_ =	shalt  }
0x4a: {  	_ =	shalt  }
0x4b: {  	_ =	shalt  }
0x4c: {  	_ =	shalt  }
0x4d: {  	_ =	shalt  }
0x4e: {  	_ =	shalt  }
0x4f: {  	_ =	shalt  }
0x50: {  	_ =	shalt  }
0x51: {  	_ =	shalt  }
0x52: {  	_ =	shalt  }
0x53: {  	_ =	shalt  }
0x54: {  	_ =	shalt  }
0x55: {  	_ =	shalt  }
0x56: {  	_ =	shalt  }
0x57: {  	_ =	shalt  }
0x58: {  	_ =	shalt  }
0x59: {  	_ =	shalt  }
0x5a: {  	_ =	shalt  }
0x5b: {  	_ =	shalt  }
0x5c: {  	_ =	shalt  }
0x5d: {  	_ =	shalt  }
0x5e: {  	_ =	shalt  }
0x5f: {  	_ =	shalt  }
0x60: {  	_ =	shalt  }
0x61: {  	_ =	shalt  }
0x62: {  	_ =	shalt  }
0x63: {  	_ =	shalt  }
0x64: {  	_ =	shalt  }
0x65: {  	_ =	shalt  }
0x66: {  	_ =	shalt  }
0x67: {  	_ =	shalt  }
0x68: {  	_ =	shalt  }
0x69: {  	_ =	shalt  }
0x6a: {  	_ =	shalt  }
0x6b: {  	_ =	shalt  }
0x6c: {  	_ =	shalt  }
0x6d: {  	_ =	shalt  }
0x6e: {  	_ =	shalt  }
0x6f: {  	_ =	shalt  }
0x70: {  	_ =	shalt  }
0x71: {  	_ =	shalt  }
0x72: {  	_ =	shalt  }
0x73: {  	_ =	shalt  }
0x74: {  	_ =	shalt  }
0x75: {  	_ =	shalt  }
0x76: {  	_ =	shalt  }
0x77: {  	_ =	shalt  }
0x78: {  	_ =	shalt  }
0x79: {  	_ =	shalt  }
0x7a: {  	_ =	shalt  }
0x7b: {  	_ =	shalt  }
0x7c: {  	_ =	shalt  }
0x7d: {  	_ =	shalt  }
0x7e: {  	_ =	shalt  }
0x7f: {  	_ =	shalt  }
0x80: {  	_ =	shalt  }
0x81: {  	_ =	shalt  }
0x82: {  	_ =	shalt  }
0x83: {  	_ =	shalt  }
0x84: {  	_ =	shalt  }
0x85: {  	_ =	shalt  }
0x86: {  	_ =	shalt  }
0x87: {  	_ =	shalt  }
.Lfunc_end0:
.L_simem_size_0:
called_computation.3_lowered:
.L_overlay_start_0:
0x88: {  	s0 =	sld [smem:$0x3FD9]  }
0x89: {  	s1 =	sld [smem:$0x3FFE];
	_ =	sdelay $0x3  }
0x8a: {  	s0 =	sadd.s32 s1, s0  }
0x8b: {  	[smem:$0x3FA3] =	sst s0  }
0x8c: {  	_ = 	snop  }
0x8d: {  	(tm) =	ssettm $0x1  }
0x8e: {  	s15 =	sld [smem:$0x3FFB];
	_ =	sdelay $0x3  }
0x8f: {  	_ =	strace s15  }
0x90: {  	s0 =	sld [smem:$0x3FFC];
	_ =	sdelay $0x3  }
0x91: {  	_ =	strace s0  }
0x92: {  	s0 =	sld [smem:$0x3FFD];
	_ =	sdelay $0x3  }
0x93: {  	_ =	strace s0  }
0x94: {  	_ =	strace $0x8FFFFFFF  }
0x95: {  	s16 =	sld [smem:$0x3FDB];
	_ =	sdelay $0x1  }
0x96: {  	s17 =	simm.s32 $_scs_section_size  }
0x97: {  	s2 =	simm.s32 $_size__tile_overlayer_lowered;
	s3 =	simm.s32 $_tile_overlayer_lowered  }
0x98: {  	s20 =	simm.s32 $0x1BFF;
	s19 =	sshll.u32 s3, $0x1;
	s0 =	sadd.s32 s17, s16  }
0x99: {  	s4 =	simm.s32 $0x0;
	s18 =	sshll.u32 s2, $0x1;
	s2 =	sadd.s32 s19, s0  }
0x9a: {  	[timem:s4], [sflag:s20] =	dma.local [hbm:s2], s18  }
0x9b: {  	_ =	swait.ge [sflag:s20], s18  }
0x9c: {  	s1 =	ssub.s32 $0x0, s18;
	[sflag:s20] =	ssyncset.done $0x0  }
0x9d: {  	[sflag:s20] =	ssyncadd.s32 s1;
	_ =	sdelay $0x1  }
0x9e: {  	s21 =	simm.s32 $0x1B8B  }
0x9f: {  	_ =	swait.ge [sflag:s21], $0x1  }
0xa0: {  	[sflag:s21] =	ssyncset.done $0x0  }
0xa1: {  	s23 =	simm.s32 $0x1B8E;
	s22 =	sld [smem:$0x3FFE];
	[sflag:s21] =	ssyncadd.s32 $0xFFFFFFFF  }
0xa2: {  	s24 =	simm.s32 $execute0_lowered;
	[smem:$0x3FD2] =	sst s23  }
0xa3: {  	s2 =	sshll.u32 s24, $0x1;
	_ =	strace $0x8000005E;
	[dreg:$0x1] =	wrdreg $0xFFFFFFFF  }
0xa4: {  	s25 =	simm.s32 $_size_execute0_lowered;
	s0 =	sadd.s32 s0, s2;
	[dreg:$0x0] =	wrdreg $0x0  }
0xa5: {  	s2 =	sshll.u32 s25, $0x1;
	[dreg:$0x2] =	wrdreg s0  }
0xa6: {  	[dreg:$0x3] =	wrdreg s2  }
0xa7: {  	[dreg:$0x4] =	wrdreg $0xC0  }
0xa8: {  	_ =	task [dreg:s4], $0x5FFFF  }
0xa9: {  	[dreg:$0x1] =	wrdreg $0xFFFFFFFF  }
0xaa: {  	[dreg:$0x0] =	wrdreg $0x60  }
0xab: {  	[dreg:$0x2] =	wrdreg s22  }
0xac: {  	[dreg:$0x3] =	wrdreg $0xA  }
0xad: {  	_ =	task.clear_ibuf [dreg:s4], $0x4FFFF;
	_ =	strace $0x9000005E  }
0xae: {  	s26 =	simm.s32 $0xA;
	_ =	strace $0x80000060  }
0xaf: {  	_ =	swait.ge [sflag:s26], $0x1  }
0xb0: {  	[sflag:s26] =	ssyncadd.s32 $0xFFFFFFFF  }
0xb1: {  	_ =	strace $0x90000060  }
0xb2: {  	_ =	sfence  }
0xb3: {  	s28 =	sld [smem:$0x0];
	_ =	sdelay $0x1  }
0xb4: {  	s29 =	srdreg.scid  }
0xb5: {  	s30 =	sshll.u32 s29, $0xD;
	s31 =	sshrl.u32 s29, $0x2  }
0xb6: {  	s1 =	sand.u32 $0x1, s29;
	s2 =	sand.u32 $0x4000, s30;
	s0 =	sadd.s32 s31, s28  }
0xb7: {  	s1 =	sor.u32 s2, s1;
	s0 =	sshll.u32 s0, $0x11  }
0xb8: {  	s0 =	sor.u32 s0, s1  }
0xb9: {  	s0 =	sadd.s32 $0x8F2B, s0  }
0xba: {  	[sflag:s0] =	ssyncadd.remote.s32 $0x1  }
0xbb: {  	_ =	sfence.sel $0xFFFF  }
0xbc: {  	[dreg:$0x0] =	wrdreg $0xFFFFFFFF;
	(pc) =	sbr.abs _section_cstart, $3  }
0xbd: {  	[dreg:$0x1] =	wrdreg $0xFFFFFFFF  }
0xbe: {  	_ =	task.clear_ibuf [dreg:s4], $0x2FFFF;
	_ =	strace $0x9FFFFFFF  }
0xbf: {  	(tm) =	ssettm $0x7FFFFFFF  }
tec
execute0_lowered:
.L_overlay_start_1:
0x0: {  	(tag) =	ssettag $0x1  }
0x1: {  	s3 =	stileid.u32  }
0x2: {  	s6 =	rddreg [dreg:$0x0];
	_ =	strace $0x8000005F;
	s0 =	smin.u32 s3, $0x9  }
0x3: {  	s2 =	simm.s32 $0x1;
	p0 =	slt.u32 s3, $0x9;
	s0 =	sadd.s32 s3, s0  }
0x4: {  	v1 =	vimm.s32 $0xFFFFFFFF;
	[sflag:s2] =	ssyncpa.u1 $0x0;
	s4 =	smul.u32 $0x190, s0;
	s0 =	simm.s32 $0x320  }
0x5: {  	[tilespmem:$0x10] =	vst v1;
	s0 =	simm.s32 @!p0 $0x190  }
0x6: {  	v0 =	vimm.f32 $0.0e+00;
	[tilespmem:$0x20] =	vst v1;
	s0 =	sadd.s32 s0, s4  }
0x7: {  	[tilespmem:$0x30] =	vst v0;
	s5 =	smin.u32 s0, $0x2710  }
0x8: {  	[tilespmem:$0x40] =	vst v0;
	s0 =	ssub.s32 s5, s4  }
0x9: {  	[tilespmem:$0x50] =	vst v0;
	p0 =	sgt.s32 s0, $0x0  }
0xa: {  	s7 =	simm.s32 $0x2;
	s8 =	simm.s32 $0x8;
	[tilespmem:$0x60] =	vst v1;
	s0 =	simm.s32 @!p0 $0x0  }
0xb: {  	s31 =	simm.s32 $0x9;
	s16 =	simm.s32 $0x0;
	[tilespmem:$0x70] =	vst v1;
	s1 =	sand.u32 $0xFFF0, s0  }
0xc: {  	s17 =	simm.s32 $0xF0;
	s18 =	simm.s32 $0xFFFFFFFF;
	[tilespmem:$0x80] =	vst v1;
	s1 =	sshrl.u32 s1, $0x4  }
0xd: {  	s19 =	simm.s32 $0xFFFFFDE0;
	s20 =	simm.s32 $0xFFFFFFFE;
	v1 =	vimm.s32 $0x0;
	[tilespmem:$0xB0] =	vst v0;
	s1 =	smul.u32 $0xA3E, s1  }
0xe: {  	s21 =	simm.s32 $0xF;
	s25 =	simm.s32 $0x0;
	s24 =	simm.s32 $0x0;
	[tilespmem:$0x90] =	vst v1  }
0xf: {  	[tilespmem:$0xA0] =	vst v1;
	[sflag:s7] =	ssyncpa.u1 $0x0;
	s7 =	simm.s32 $0x7;
	s9 =	sshrl.u32 s1, $0x10  }
0x10: {  	s14 =	sshllo.u32 s3, $0x1;
	[sflag:s7] =	ssyncpa.u1 $0x0;
	s10 =	smul.u32 $0x190, s9  }
.Ltmp0:
0x11: {  	[sflag:s8] =	ssyncpa.u1 $0x0;
	s23 =	smov.u32 s4;
	(pc) =	sbr.rel .LBB2_1-.Ltmp0, $4  }
0x12: {  	[sflag:s31] =	ssyncpa.u1 $0x0;
	s1 =	sadd.s32 $0xC00, s6;
	p0 =	sne.s32 s0, s10  }
0x13: {  	s6 =	sadd.s32 $0x600, s6;
	s10 =	sshll.u32 s3, $0x1;
	s2 =	simm.s32 @!p0 $0x0  }
0x14: {  	vm0 =	vmmov $0xffff;
	v2 =	vlaneseq.u32;
	s13 =	sor.u32 $0x81, s10;
	s15 =	sor.u32 $0x80, s10;
	s9 =	sadd.s32 s9, s2  }
0x15: {  	vm1 =	vmxor vm1, vm1;
	vm2 =	vmmov $0x1;
	vm3 =	vcmask $0x3F3C;
	p0 =	por $0x0, $0x0;
	s11 =	sadd.s32 $0x1, s9;
	s12 =	sadd.s32 $0x2, s9  }
.LBB2_9:
0x16: {  	p1 =	slt.u32 s24, $0x3  }
0x17: {  	s0 =	simm.s32 @!p1 $0x2  }
0x18: {  	_ =	swait.ge @!p1 [sflag:s0], $0x190  }
0x19: {  	[sflag:s0] =	ssyncset.done @!p1 $0x0  }
0x1a: {  	[sflag:s0] =	ssyncadd.s32 @!p1 $0xFFFFFE70;
	s0 =	simm.s32 @!p1 $0x9  }
0x1b: {  	_ =	swait.ge @!p1 [sflag:s0], $0x10  }
0x1c: {  	[sflag:s0] =	ssyncset.done @!p1 $0x0  }
0x1d: {  	[sflag:s0] =	ssyncadd.s32 @!p1 $0xFFFFFFF0;
	p1 =	sne.s32 s24, s12  }
.Ltmp1:
0x1e: {  	s2 =	sadd.s32 $0x190, s23;
	(pc) =	sbr.rel @!p1 .LBB2_10-.Ltmp1, $4  }
0x1f: {  	s3 =	smov.u32 s4;
	s31 =	sadd.s32 $0x1, s24;
	s17 =	sadd.s32 $0x190, s17  }
0x20: {  	s18 =	sadd.s32 $0x1, s18;
	s25 =	smov.u32 s23;
	p2 =	slt.s32 s2, s5  }
0x21: {  	p0 =	por !p0, !p0;
	s19 =	sadd.s32 $0x190, s19;
	s3 =	smov.u32 @p2 s2  }
0x22: {  	s20 =	sadd.s32 $0x1, s20;
	s23 =	smov.u32 s3;
	s24 =	smov.u32 s31  }
.LBB2_1:
0x23: {  	p1 =	sge.u32 s24, s9  }
0x24: {  	s0 =	smulhi.u32 @!p1 $0xAAAAAAAB, s24;
	_ =	sdelay $0x1  }
0x25: {  	s0 =	sshrl.u32 @!p1 s0, $0x1  }
0x26: {  	s0 =	smul.u32 @!p1 $0x3, s0;
	_ =	sdelay $0x1  }
0x27: {  	s0 =	ssub.s32 @!p1 s24, s0  }
0x28: {  	s0 =	smul.u32 @!p1 $0x640, s0;
	_ =	sdelay $0x1  }
0x29: {  	s3 =	rddreg [dreg:$0x0];
	s2 =	sshrl.u32 @!p1 s23, $0x3;
	s0 =	sshrl.u32 @!p1 s0, $0x2  }
0x2a: {  	s22 =	sand.u32 @!p1 $0x7, s23;
	s2 =	sadd.s32 @!p1 s3, s2;
	s0 =	sadd.s32 @!p1 $0x100, s0  }
0x2b: {  	[tilespmem:s0], [sflag:$0x7] =	stream.linear.gather @!p1 [hbm4b:s2+s22], $0x190, $0x38;
	[tilespmem:$0xF30] =	vst v63  }
0x2c: {  	s0 =	sadd.s32 $0xFFFFFFFF, s24  }
0x2d: {  	p1 =	sge.u32 s0, s9  }
.Ltmp2:
0x2e: {  	_ = 	snop;
	(pc) =	sbr.rel @p1 .LBB2_5-.Ltmp2, $1  }
0x2f: {  	_ =	sdelay $0x3  }
0x30: {  	s2 =	smulhi.u32 $0xAAAAAAAB, s0;
	_ =	sdelay $0x1  }
0x31: {  	s2 =	sshrl.u32 s2, $0x1  }
0x32: {  	s2 =	smul.u32 $0x3, s2;
	_ =	sdelay $0x1  }
0x33: {  	s2 =	ssub.s32 s0, s2  }
0x34: {  	s2 =	smul.u32 $0x640, s2  }
0x35: {  	_ =	swait.ge [sflag:s7], $0x190  }
0x36: {  	[sflag:s7] =	ssyncset.done $0x0;
	s2 =	sshrl.u32 s2, $0x2  }
0x37: {  	[sflag:s7] =	ssyncadd.s32 $0xFFFFFE70;
	(ifvalue) =	ssetifvalue $0xFFFFFFFF;
	v3 =	vld.msk [tilespmem:s2+$0x100 ss:$0x1], $0xffff;
	_ =	sdelay $0x2  }
0x38: {  	s30 =	smulhi.u32 $0xAAAAAAAB, s18;
	p1 =	sne.s32 s24, $0x1  }
0x39: {  	v4 =	vimm.s32 @!p1 $0x0  }
0x3a: {  	s2 =	sshrl.u32 s30, $0x1;
	v4 =	vperm.xlane @!p1 v3, v4  }
0x3b: {  	s22 =	sshll.u32 s24, $0x4;
	s2 =	smul.u32 $0xFFFFED40, s2;
	vm4 =	vlt.u32 v3, $0x200  }
0x3c: {  	s22 =	sand.u32 $0x10, s22;
	v3 =	vnsel vm4, $0xFFFFFFFE, v3;
	vm4 =	vlt.u32 @!p1 v4, $0x200  }
0x3d: {  	s2 =	sshra.s32 s2, $0x2;
	[tilespmem:s22+$0x60] =	vst v3;
	v3 =	vnsel @!p1 vm4, $0xFFFFFFFE, v4  }
0x3e: {  	s28 =	sadd.s32 s2, s17;
	[tilespmem:$0x80] =	vst @!p1 v3  }
0x3f: {  	v3 =	vld.msk [tilespmem:s28+$0x0 ss:$0x1], $0xffff;
	_ =	sdelay $0x4  }
0x40: {  	(xrf1) =	vunique.msk.u32 $0xffff, v3;
	_ =	sdelay $0xd  }
0x41: {  	v4 =	vimm.s32 $0xFFFFFFFF;
	v5, _, _ =	vpop (xrf1)  }
0x42: {  	vm5 =	vne.s32 v3, v4;
	vm4 =	veq.s32 v5, v2  }
0x43: {  	vm6 =	vlt.u32 v3, $0x200;
	vm4 =	vmand vm5, vm4  }
0x44: {  	vm4 =	vmand vm6, vm4  }
0x45: {  	v4 =	vnsel vm4, $0xFFFFFFFF, v3  }
0x46: {  	s31 =	sand.u32 $0x1, s0  }
0x47: {  	s0 =	simm.s32 $0x190;
	p1 =	seq.s32 s31, $0x1  }
0x48: {  	s0 =	simm.s32 @!p1 $0x0  }
0x49: {  	s26 =	sadd.s32 $0x730, s0;
	(ifvalue) =	ssetifvalue $0xFFFFFFFF  }
0x4a: {  	v3 =	vperm.xlane v3, v1;
	[tilespmem:s26], [sflag:$0x8] =	stream.indirect_vreg.gather [hbm4b:s1+s16], $0x1, v4, vm0, $0x4038;
	v4 =	vnsel vm6, $0xFFFFFFFE, v4;
	[tilespmem:$0xF30] =	vst v63  }
0x4b: {  	s2 =	simm.s32 $0x0;
	s22 =	sadd.s32 $0xFFFFFFF0, s28;
	[tilespmem:s28+$0x0] =	vst v4  }
.LBB2_3:
0x4c: {  	v4 =	vld.msk [tilespmem:s22+$0x0 ss:$0x1], $0xffff;
	s2 =	sadd.s32 $0x10, s2;
	v5 =	vmov v3;
	s28 =	smov.u32 s22  }
0x4d: {  	p1 =	slt.u32 s2, $0x180;
	_ =	sdelay $0x4  }
0x4e: {  	v3 =	vperm.xlane v4, v1;
	(xrf1) =	vunique.msk.u32 $0xffff, v4;
	_ =	sdelay $0xd  }
0x4f: {  	v6, _, _ =	vpop (xrf1)  }
0x50: {  	vm5 =	vne.s32 v4, v5;
	vm4 =	veq.s32 v6, v2  }
0x51: {  	vm6 =	vlt.u32 v4, $0x200;
	vm4 =	vmand vm5, vm4  }
0x52: {  	vm4 =	vmand vm6, vm4  }
0x53: {  	v4 =	vnsel vm4, $0xFFFFFFFF, v4  }
.Ltmp3:
0x54: {  	v5 =	vnsel vm6, $0xFFFFFFFE, v4;
	(pc) =	sbr.rel @p1 .LBB2_3-.Ltmp3, $3  }
0x55: {  	_ =	sdelay $0x1  }
0x56: {  	s22 =	sadd.s32 $0xFFFFFFF0, s22;
	s26 =	sadd.s32 $0xFFFFFFF0, s26;
	(ifvalue) =	ssetifvalue $0xFFFFFFFF  }
0x57: {  	[tilespmem:s26], [sflag:$0x8] =	stream.indirect_vreg.gather [hbm4b:s1+s16], $0x1, v4, vm0, $0x4038;
	[tilespmem:s28+$0x0] =	vst v5  }
0x58: {  	s2 =	sshrl.u32 s25, $0x3  }
0x59: {  	s0 =	sadd.s32 $0x8D0, s0;
	s2 =	sadd.s32 s6, s2  }
0x5a: {  	[tilespmem:s0], [sflag:$0x8] =	stream.linear.gather [hbm:s2], $0x190, $0x38;
	[tilespmem:$0xF30] =	vst v63  }
.LBB2_5:
0x5b: {  	p1 =	slt.u32 s24, $0x2  }
0x5c: {  	p2 =	sge.u32 @!p1 s24, s12  }
0x5d: {  	p1 =	por p1, p2  }
.Ltmp4:
0x5e: {  	_ = 	snop;
	(pc) =	sbr.rel @p1 .LBB2_9-.Ltmp4, $1  }
0x5f: {  	_ =	sdelay $0x3  }
0x60: {  	s0 =	sadd.s32 $0xFFFFFFFE, s24  }
0x61: {  	s2 =	smulhi.u32 $0xAAAAAAAB, s0;
	_ =	sdelay $0x1  }
0x62: {  	s2 =	sshrl.u32 s2, $0x1  }
0x63: {  	s2 =	smul.u32 $0x3, s2;
	_ =	sdelay $0x1  }
0x64: {  	s0 =	ssub.s32 s0, s2  }
0x65: {  	_ =	swait.ge [sflag:s8], $0x320;
	s0 =	smul.u32 $0x190, s0  }
0x66: {  	p1 =	sne.s32 s24, s11;
	[sflag:s8] =	ssyncset.done $0x0  }
0x67: {  	[sflag:s8] =	ssyncadd.s32 $0xFFFFFCE0;
	s2 =	sadd.s32 @!p1 $0x28F, s0  }
0x68: {  	[spmem:s13] =	stream.linear.scatter @!p1 [tilespmem:s2], [sflag:$0x1], $0x1, $0x38;
	[tilespmem:$0xF30] =	vst v63  }
0x69: {  	s2 =	simm.s32 @!p1 $0x1  }
0x6a: {  	_ =	swait.ge @!p1 [sflag:s2], $0x1  }
0x6b: {  	s22 =	sshll.u32 s24, $0x4;
	[sflag:s2] =	ssyncset.done @!p1 $0x0  }
0x6c: {  	s25 =	sand.u32 $0x10, s22;
	[sflag:s2] =	ssyncadd.s32 @!p1 $0xFFFFFFFF  }
0x6d: {  	s2 =	sxor.u32 $0x10, s25;
	v4 =	vld [tilespmem:s25+$0x10]  }
0x6e: {  	v5 =	vld [tilespmem:s2+$0x60]  }
0x6f: {  	v3 =	vld [tilespmem:$0x80];
	_ =	sdelay $0x2  }
0x70: {  	(v2sf) =	vpush v4, $0x0  }
0x71: {  	(v2sf) =	vpush v5, $0x0  }
0x72: {  	(v2sf) =	vpush v3, $0x0;
	_ =	sdelay $0xc  }
0x73: {  	s3 =	spop (v2sf)  }
0x74: {  	s28 =	spop (v2sf)  }
0x75: {  	s26 =	spop (v2sf)  }
0x76: {  	p2 =	seq.s32 s3, s28;
	p3 =	seq.s32 s26, s3  }
0x77: {  	p3 =	por p2, p3  }
0x78: {  	s3 =	sand.u32 $0x1, s24;
	v4 =	vpsel p3, $0xFFFFFFFF, v4  }
0x79: {  	s28 =	smul.u32 $0x190, s3;
	[tilespmem:s25+$0x10] =	vst.msk $0x1, v4  }
0x7a: {  	v4 =	vld [tilespmem:$0x30]  }
0x7b: {  	v5 =	vld [tilespmem:s28+$0x8D0]  }
0x7c: {  	v6 =	vld [tilespmem:s25+$0x40];
	_ =	sdelay $0x3  }
0x7d: {  	vm4 =	vmmov vm1;
	v5 =	vadd.f32 v5, v4  }
0x7e: {  	vm5 =	vmmov vm2;
	vm4 =	vmmov @p2 vm2;
	v4 =	vadd.f32 v6, v4  }
0x7f: {  	s22 =	sshll.u32 s3, $0x4;
	vm5 =	vmmov @p3 vm1;
	[tilespmem:s28+$0x8D0] =	vst.msk vm4, v5  }
0x80: {  	[tilespmem:s22+$0xF10] =	vst.msk vm5, v4  }
0x81: {  	v4 =	vld [tilespmem:s28+$0x730];
	_ =	sdelay $0x3  }
0x82: {  	v5 =	vimm.f32 $0.0e+00  }
0x83: {  	v4 =	vshift.insert v4, v5, s21  }
0x84: {  	s29 =	sor.u32 $0x40, s2  }
0x85: {  	[tilespmem:s29+$0x0] =	vst.msk $0x1, v4  }
0x86: {  	[tilespmem:s28+$0x73F] =	vst.msk $0x1, v5  }
0x87: {  	v4 =	vld [tilespmem:s0+$0x280];
	_ =	sdelay $0x1  }
0x88: {  	s29 =	smulhi.u32 $0xAAAAAAAB, s20;
	s0 =	simm.s32 $0x1  }
0x89: {  	s0 =	simm.s32 @!p0 $0x0  }
0x8a: {  	s29 =	sshrl.u32 s29, $0x1;
	s0 =	smul.u32 $0x640, s0  }
0x8b: {  	s29 =	smul.u32 $0xFFFFED40, s29;
	v4 =	vshift.insert v4, v1, s21  }
0x8c: {  	s0 =	sshrl.u32 s0, $0x2  }
0x8d: {  	s29 =	sshra.s32 s29, $0x2;
	s30 =	sadd.s32 $0x8D0, s0;
	[tilespmem:s2+$0x10] =	vst.msk $0x1, v4  }
0x8e: {  	s3 =	sadd.s32 s29, s19;
	v6 =	vld [tilespmem:s30+$0x0]  }
0x8f: {  	v7 =	vld [tilespmem:s3+$0x0];
	_ =	sdelay $0x3  }
0x90: {  	v5 =	vadd.f32 v6, v5  }
0x91: {  	vm4 =	vne.s32 v7, $0xFFFFFFFF  }
0x92: {  	(xrf2) =	vadd.seg.scan.f32 vm4, v5;
	_ =	sdelay $0x3  }
0x93: {  	s31 =	sadd.s32 $0x5B0, s0;
	v5 =	vperm.xlane v4, v1  }
0x94: {  	v6 =	vld [tilespmem:s31+$0x0]  }
0x95: {  	vm5 =	veq.s32 v7, v3;
	vm6 =	veq.s32 v7, v5  }
0x96: {  	vm7 =	vgt.u32 v7, $0xFFFFFFFD;
	vm6 =	vmor vm6, vm5  }
0x97: {  	vm6 =	vmor vm6, vm7  }
0x98: {  	v9 =	vld [tilespmem:$0xA0];
	v7 =	vsel vm6, $0xFFFFFFFF, v7  }
0x99: {  	v10 =	vld [tilespmem:$0x90];
	v6 =	vsel vm5, $0x0, v6;
	v8, _, _ =	vpop (xrf2)  }
0x9a: {  	v6 =	vadd.f32 v8, v6  }
0x9b: {  	s0 =	sadd.s32 $0xBF0, s0  }
0x9c: {  	vm4 =	vmand vm4, vm3;
	[tilespmem:s0+$0x0] =	vst v6;
	(ifvalue) =	ssetifvalue $0xFFFFFFFF  }
0x9d: {  	vm6 =	veq.s32 v9, $0x1;
	[hbm4b:s1+s16] =	stream.indirect_vreg.scatter [tilespmem:s0], [sflag:$0x2], $0x1, v7, vm0, $0x4038;
	v7 =	vsel vm4, $0x0, v8;
	[tilespmem:$0xF30] =	vst v63  }
0x9e: {  	s29 =	sadd.s32 $0xF10, s22;
	s22 =	sadd.s32 $0x10, s3;
	s2 =	simm.s32 $0x0;
	vm4 =	vmor vm6, vm5;
	v6 =	vsel vm5, v8, v10;
	v7 =	vshift.insert v7, v0, s21  }
.LBB2_7:
0x9f: {  	v8 =	vld [tilespmem:s22+$0x0];
	s30 =	sadd.s32 $0x10, s30  }
0xa0: {  	s31 =	sadd.s32 $0x10, s31;
	v9 =	vld [tilespmem:s30+$0x0]  }
0xa1: {  	s2 =	sadd.s32 $0x10, s2;
	v10 =	vld [tilespmem:s31+$0x0]  }
0xa2: {  	p2 =	slt.u32 s2, $0x180;
	_ =	sdelay $0x2  }
0xa3: {  	v7 =	vadd.f32 v9, v7  }
0xa4: {  	vm5 =	vne.s32 v8, $0xFFFFFFFF  }
0xa5: {  	vm6 =	vmand vm5, vm3;
	(xrf2) =	vadd.seg.scan.f32 vm5, v7;
	_ =	sdelay $0x5  }
0xa6: {  	vm7 =	veq.s32 v8, v5;
	vm5 =	veq.s32 v8, v3  }
0xa7: {  	vm8 =	vgt.u32 v8, $0xFFFFFFFD;
	vm4 =	vmor vm4, vm5;
	vm7 =	vmor vm7, vm5  }
0xa8: {  	vm7 =	vmor vm7, vm8  }
0xa9: {  	v8 =	vsel vm7, $0xFFFFFFFF, v8  }
.Ltmp5:
0xaa: {  	v7 =	vsel vm5, $0x0, v10;
	v9, _, _ =	vpop (xrf2);
	(pc) =	sbr.rel @p2 .LBB2_7-.Ltmp5, $4  }
0xab: {  	v6 =	vsel vm5, v9, v6;
	v10 =	vadd.f32 v9, v7;
	v7 =	vsel vm6, $0x0, v9  }
0xac: {  	s0 =	sadd.s32 $0x10, s0;
	v7 =	vshift.insert v7, v0, s21  }
0xad: {  	s22 =	sadd.s32 $0x10, s22;
	[tilespmem:s0+$0x0] =	vst v10;
	(ifvalue) =	ssetifvalue $0xFFFFFFFF  }
0xae: {  	[hbm4b:s1+s16] =	stream.indirect_vreg.scatter [tilespmem:s0], [sflag:$0x2], $0x1, v8, vm0, $0x4038;
	[tilespmem:$0xF30] =	vst v63  }
0xaf: {  	v3 =	vld [tilespmem:s28+$0xD70];
	_ =	sdelay $0x4  }
0xb0: {  	v3 =	vshift.insert v3, v0, s21  }
0xb1: {  	s0 =	simm.s32 $0x30  }
0xb2: {  	[tilespmem:s0+$0x0] =	vst.msk $0x1, v3  }
0xb3: {  	v3 =	vsel vm4, $0x1, v1;
	[tilespmem:$0x90] =	vst v6  }
0xb4: {  	s0 =	sadd.s32 @!p1 $0xD7F, s28;
	[tilespmem:$0xA0] =	vst v3  }
0xb5: {  	[spmem:s14] =	stream.linear.scatter @!p1 [tilespmem:s0], [sflag:$0x1], $0x1, $0x38;
	[tilespmem:$0xF30] =	vst v63  }
0xb6: {  	s0 =	simm.s32 @!p1 $0x1  }
0xb7: {  	v3 =	vmctz.xlane @!p1 vm4;
	_ =	swait.ge @!p1 [sflag:s0], $0x1  }
0xb8: {  	(v2sf) =	vpush @!p1 v4, $0x0  }
0xb9: {  	(v2sf) =	vpush @!p1 v3, $0x0;
	_ =	sdelay $0xd  }
0xba: {  	s2 =	spop @!p1 (v2sf)  }
0xbb: {  	s3 =	spop @!p1 (v2sf)  }
0xbc: {  	p2 =	sne.s32 @!p1 s26, s2;
	p3 =	slt.s32 @!p1 s3, $0xF  }
0xbd: {  	[sflag:s0] =	ssyncset.done @!p1 $0x0;
	p2 =	por p2, p1;
	p3 =	por !p3, p1  }
0xbe: {  	[sflag:s0] =	ssyncadd.s32 @!p1 $0xFFFFFFFF;
	v3 =	vimm.s32 @!p2 $0xFFFFFFFF;
	s3 =	simm.s32 @p3 $0xF  }
0xbf: {  	[tilespmem:$0x80] =	vst @!p2 v3;
	s2 =	sadd.s32 @!p1 $0x90, s3  }
0xc0: {  	[spmem:s10] =	stream.linear.scatter @!p1 [tilespmem:s2], [sflag:$0x1], $0x1, $0x38;
	[tilespmem:$0xF30] =	vst v63  }
0xc1: {  	_ =	swait.ge @!p1 [sflag:s0], $0x1  }
0xc2: {  	[sflag:s0] =	ssyncset.done @!p1 $0x0  }
0xc3: {  	s2 =	simm.s32 @!p1 $0x80;
	[sflag:s0] =	ssyncadd.s32 @!p1 $0xFFFFFFFF  }
0xc4: {  	[spmem:s15] =	stream.linear.scatter @!p1 [tilespmem:s2], [sflag:$0x1], $0x1, $0x38;
	[tilespmem:$0xF30] =	vst v63  }
0xc5: {  	_ =	swait.ge @!p1 [sflag:s0], $0x1  }
0xc6: {  	[sflag:s0] =	ssyncset.done @!p1 $0x0  }
0xc7: {  	[sflag:s0] =	ssyncadd.s32 @!p1 $0xFFFFFFFF;
	(ifvalue) =	ssetifvalue $0xFFFFFFFF;
	v3 =	vld [tilespmem:s25+$0x10];
	_ =	sdelay $0x3  }
.Ltmp6:
0xc8: {  	_ = 	snop;
	(pc) =	sbr.rel .LBB2_9-.Ltmp6, $3  }
0xc9: {  	_ =	sdelay $0x1  }
0xca: {  	(ifvalue) =	ssetifvalue $0xFFFFFFFF  }
0xcb: {  	[hbm4b:s1+s16] =	stream.indirect_vreg.scatter [tilespmem:s29], [sflag:$0x9], $0x1, v3, vm0, $0x4038;
	[tilespmem:$0xF30] =	vst v63  }
.LBB2_10:
0xcc: {  	_ =	sfence.sel $0x180000  }
0xcd: {  	s0 =	simm.s32 $0x7;
	[bflag:$0x0] =	sbarrier.arrive $0xFFFF  }
0xce: {  	s26 =	simm.s32 $0x8;
	[sflag:s0] =	ssyncpa.u1 $0x1  }
0xcf: {  	s28 =	simm.s32 $0x9;
	[sflag:s26] =	ssyncpa.u1 $0x1  }
0xd0: {  	[sflag:s28] =	ssyncpa.u1 $0x1  }
0xd1: {  	_ =	sfence.stream.spmem  }
0xd2: {  	s29 =	simm.s32 $0x3;
	[bflag:$0x0] =	sbarrier.arrive $0xFFFF  }
0xd3: {  	s30 =	simm.s32 $0x4;
	[sflag:s29] =	ssyncpa.u1 $0x1  }
0xd4: {  	s31 =	simm.s32 $0x3C;
	s2 =	stileid.u32;
	[sflag:s30] =	ssyncpa.u1 $0x1  }
0xd5: {  	p0 =	sne.s32 s2, $0x0;
	[sflag:s31] =	ssyncpa.u1 $0x1  }
0xd6: {  	s0 =	simm.s32 @p0 $0x1;
	_ =	sfence @p0  }
0xd7: {  	[sflag:s0] =	ssyncpa.u1 @p0 $0x1;
	s0 =	simm.s32 @p0 $0x2  }
0xd8: {  	[sflag:s0] =	ssyncpa.u1 @p0 $0x1  }
0xd9: {  	_ =	strace @p0 $0x9000005F  }
0xda: {  	[bflag:$0x2] =	sbarrier.arrive @p0 $0xFFFF  }
0xdb: {  	_ =	shalt @p0  }
.LBB2_11:
0xdc: {  	_ =	sfence.stream.spmem;
	s0 =	simm.s32 $0x5  }
0xdd: {  	s2 =	simm.s32 $0x80;
	s3 =	simm.s32 $0xC0;
	[sflag:s0] =	ssyncpa.u1 $0x0  }
0xde: {  	[tilespmem:s3], [sflag:$0x5] =	stream.linear.gather [spmem:s2], $0x20, $0x38;
	[tilespmem:$0xF30] =	vst v63  }
0xdf: {  	s2 =	simm.s32 $0x0;
	s3 =	simm.s32 $0xE0  }
0xe0: {  	[tilespmem:s3], [sflag:$0x5] =	stream.linear.gather [spmem:s2], $0x20, $0x38;
	[tilespmem:$0xF30] =	vst v63  }
.Ltmp7:
0xe1: {  	_ = 	snop;
	(pc) =	sbr.rel .LBB2_12-.Ltmp7, $4  }
0xe2: {  	_ =	swait.ge [sflag:s0], $0x40  }
0xe3: {  	[sflag:s0] =	ssyncset.done $0x0  }
0xe4: {  	s31 =	simm.s32 $0x6;
	[sflag:s0] =	ssyncadd.s32 $0xFFFFFFC0  }
0xe5: {  	s4 =	simm.s32 $0x0;
	[sflag:s31] =	ssyncpa.u1 $0x0  }
.LBB2_17:
0xe6: {  	p0 =	sgt.u32 s5, $0x1FF  }
0xe7: {  	s0 =	sshrl.u32 @!p0 s5, $0x3  }
0xe8: {  	s5 =	sand.u32 @!p0 $0x7, s5;
	s6 =	simm.s32 @!p0 $0xB0;
	s0 =	sadd.s32 @!p0 s1, s0  }
0xe9: {  	[tilespmem:s6], [sflag:$0x6] =	stream.linear.gather @!p0 [hbm4b:s0+s5], $0x1, $0x38;
	[tilespmem:$0xF30] =	vst v63  }
0xea: {  	s0 =	simm.s32 @!p0 $0x6  }
0xeb: {  	_ =	swait.ge @!p0 [sflag:s0], $0x1  }
0xec: {  	[sflag:s0] =	ssyncset.done @!p0 $0x0  }
0xed: {  	[sflag:s0] =	ssyncadd.s32 @!p0 $0xFFFFFFFF  }
0xee: {  	v2 =	vmov @!p0 s4;
	v1 =	vld.msk @!p0 [tilespmem:$0xB0], $0x1;
	_ =	sdelay $0x3  }
0xef: {  	s0 =	simm.s32 @!p0 $0xE0  }
0xf0: {  	[tilespmem:v2+s0+$0x0], v1 =	vst.idx.ret.add.f32.msk @!p0 $0x1, v1  }
0xf1: {  	[tilespmem:s2+$0xC0] =	vst.msk $0x1, v0  }
0xf2: {  	v0 =	vld.msk [tilespmem:s4+$0xE0], $0x1;
	_ =	sdelay $0x4  }
0xf3: {  	[tilespmem:s2+$0xE0] =	vst.msk $0x1, v0;
	s2 =	sadd.s32 $0x1, s2  }
.LBB2_19:
0xf4: {  	s4 =	sadd.s32 $0x1, s4  }
0xf5: {  	p0 =	sne.s32 s4, $0x20  }
.Ltmp8:
0xf6: {  	_ = 	snop;
	(pc) =	sbr.rel @!p0 .LBB2_20-.Ltmp8, $1  }
0xf7: {  	_ =	sdelay $0x3  }
.LBB2_12:
0xf8: {  	v0 =	vld.msk [tilespmem:s4+$0xC0], $0x1;
	_ =	sdelay $0x4  }
0xf9: {  	(v2sf) =	vpush v0, $0x0;
	_ =	sdelay $0xe  }
0xfa: {  	s5 =	spop (v2sf)  }
0xfb: {  	p0 =	seq.s32 s5, $0xFFFFFFFF  }
.Ltmp9:
0xfc: {  	_ = 	snop;
	(pc) =	sbr.rel @p0 .LBB2_19-.Ltmp9, $1  }
0xfd: {  	_ =	sdelay $0x3  }
0xfe: {  	p0 =	slt.s32 s2, $0x1  }
.Ltmp10:
0xff: {  	_ = 	snop;
	(pc) =	sbr.rel @p0 .LBB2_17-.Ltmp10, $1  }
0x100: {  	_ =	sdelay $0x3  }
0x101: {  	s0 =	simm.s32 $0xC0;
	p0 =	por $0x0, $0x0  }
0x102: {  	v1 =	vld.msk @!p0 [tilespmem:s0+$0x0], $0x1;
	_ =	sdelay $0x4  }
0x103: {  	(v2sf) =	vpush @!p0 v1, $0x0;
	_ =	sdelay $0xd  }
0x104: {  	p2 =	sne.s32 s2, $0x1  }
.Ltmp11:
0x105: {  	s6 =	spop @!p0 (v2sf);
	(pc) =	sbr.rel @!p2 .LBB2_16-.Ltmp11, $4  }
0x106: {  	p1 =	seq.s32 @!p0 s5, s6  }
0x107: {  	s6 =	simm.s32 $0x0;
	p1 =	por !p1, p0  }
0x108: {  	s8 =	simm.s32 $0xFFFFFFFF;
	s6 =	simm.s32 @p1 $0xFFFFFFFF  }
0x109: {  	s7 =	simm.s32 $0x1;
	s6 =	smov.u32 @p0 s8  }
.LBB2_15:
0x10a: {  	s8 =	smov.u32 s6;
	p0 =	sne.s32 s6, $0xFFFFFFFF  }
0x10b: {  	s0 =	sadd.s32 $0x1, s0;
	s6 =	smov.u32 s7;
	s7 =	sadd.s32 $0x1, s7  }
0x10c: {  	p1 =	sne.s32 s2, s7;
	v1 =	vld.msk @!p0 [tilespmem:s0+$0x0], $0x1;
	_ =	sdelay $0x4  }
0x10d: {  	(v2sf) =	vpush @!p0 v1, $0x0;
	_ =	sdelay $0xe  }
.Ltmp12:
0x10e: {  	s9 =	spop @!p0 (v2sf);
	(pc) =	sbr.rel @p1 .LBB2_15-.Ltmp12, $4  }
0x10f: {  	p2 =	seq.s32 @!p0 s5, s9  }
0x110: {  	p2 =	por !p2, p0  }
0x111: {  	s6 =	simm.s32 @p2 $0xFFFFFFFF  }
0x112: {  	s6 =	smov.u32 @p0 s8  }
.LBB2_16:
0x113: {  	p0 =	sne.s32 s6, $0xFFFFFFFF  }
.Ltmp13:
0x114: {  	_ = 	snop;
	(pc) =	sbr.rel @!p0 .LBB2_17-.Ltmp13, $1  }
0x115: {  	_ =	sdelay $0x3  }
0x116: {  	v0 =	vld.msk [tilespmem:s4+$0xE0], $0x1;
	v1 =	vmov s6  }
.Ltmp14:
0x117: {  	_ = 	snop;
	(pc) =	sbr.rel .LBB2_19-.Ltmp14, $2  }
0x118: {  	_ =	sdelay $0x2  }
0x119: {  	[tilespmem:v1+s3+$0x0], v0 =	vst.idx.ret.add.f32.msk $0x1, v0  }
.LBB2_20:
0x11a: {  	p0 =	slt.s32 s2, $0x1  }
.Ltmp15:
0x11b: {  	_ = 	snop;
	(pc) =	sbr.rel @p0 .LBB2_24-.Ltmp15, $3  }
0x11c: {  	_ =	sdelay $0x1  }
0x11d: {  	s0 =	simm.s32 $0x6  }
0x11e: {  	s3 =	simm.s32 $0x0;
	[sflag:s0] =	ssyncpa.u1 $0x1  }
0x11f: {  	s0 =	simm.s32 $0xC0  }
0x120: {  	v0 =	vld.msk [tilespmem:s0+$0x0], $0x1;
	_ =	sdelay $0x4  }
0x121: {  	(v2sf) =	vpush v0, $0x0;
	_ =	sdelay $0xe  }
0x122: {  	s2 =	sadd.s32 $0xFFFFFFFF, s2;
	s4 =	spop (v2sf)  }
0x123: {  	p1 =	sne.s32 s2, $0x0;
	p0 =	sgt.u32 s4, $0x1FF  }
.Ltmp16:
0x124: {  	s5 =	sshrl.u32 @!p0 s4, $0x3;
	(pc) =	sbr.rel @!p1 .LBB2_23-.Ltmp16, $4  }
0x125: {  	s0 =	simm.s32 $0xE0;
	s4 =	sand.u32 @!p0 $0x7, s4;
	s5 =	sadd.s32 @!p0 s1, s5  }
0x126: {  	[hbm4b:s5+s4] =	stream.linear.scatter @!p0 [tilespmem:s0], [sflag:$0x5], $0x1, $0x38;
	[tilespmem:$0xF30] =	vst v63  }
0x127: {  	s5 =	simm.s32 $0x0  }
0x128: {  	s4 =	simm.s32 $0xC1;
	s5 =	simm.s32 @!p0 $0x4  }
.LBB2_22:
0x129: {  	v0 =	vld.msk [tilespmem:s4+$0x0], $0x1;
	s2 =	sadd.s32 $0xFFFFFFFF, s2;
	s3 =	sadd.s32 s3, s5  }
0x12a: {  	p0 =	sne.s32 s2, $0x0;
	_ =	sdelay $0x3  }
0x12b: {  	(v2sf) =	vpush v0, $0x0;
	_ =	sdelay $0xe  }
.Ltmp17:
0x12c: {  	s6 =	spop (v2sf);
	(pc) =	sbr.rel @p0 .LBB2_22-.Ltmp17, $4  }
0x12d: {  	s5 =	simm.s32 $0x0;
	p1 =	sgt.u32 s6, $0x1FF  }
0x12e: {  	s0 =	sadd.s32 $0x1, s0;
	s5 =	simm.s32 @!p1 $0x4;
	s7 =	sshrl.u32 @!p1 s6, $0x3  }
0x12f: {  	s4 =	sadd.s32 $0x1, s4;
	s6 =	sand.u32 @!p1 $0x7, s6;
	s7 =	sadd.s32 @!p1 s1, s7  }
0x130: {  	[hbm4b:s7+s6] =	stream.linear.scatter @!p1 [tilespmem:s0], [sflag:$0x5], $0x1, $0x38;
	[tilespmem:$0xF30] =	vst v63  }
.LBB2_23:
0x131: {  	s0 =	sadd.s32 s3, s5  }
0x132: {  	s3 =	sshrl.u32 s0, $0x2  }
.LBB2_24:
0x133: {  	s0 =	simm.s32 $0x5  }
0x134: {  	_ =	swait.ge [sflag:s0], s3  }
0x135: {  	s1 =	ssub.s32 $0x0, s3;
	[sflag:s0] =	ssyncset.done $0x0  }
0x136: {  	[sflag:s0] =	ssyncadd.s32 s1  }
0x137: {  	[sflag:s0] =	ssyncpa.u1 $0x1  }
0x138: {  	s29 =	simm.s32 $0x1;
	_ =	sfence  }
0x139: {  	s30 =	simm.s32 $0x2;
	[sflag:s29] =	ssyncpa.u1 $0x1  }
0x13a: {  	[sflag:s30] =	ssyncpa.u1 $0x1  }
0x13b: {  	_ =	strace $0x9000005F  }
0x13c: {  	[bflag:$0x2] =	sbarrier.arrive $0xFFFF  }
0x13d: {  	s31 =	rddreg [dreg:$0x1]  }
0x13e: {  	s0 =	sadd.s32 $0x100000, s31  }
0x13f: {  	[sflag:s0] =	ssyncadd.tile.s32 $0x1;
	_ =	shalt  }
.Lfunc_end2:
_tile_overlayer_lowered:
.L_overlay_start_2:
0x140: {  	(tag) =	ssettag $0x2  }
0x141: {  	s0 =	rddreg [dreg:$0x0];
	s2 =	stileid.u32  }
0x142: {  	s1 =	rddreg [dreg:$0x1];
	p0 =	sne.s32 s2, $0x0  }
0x143: {  	s3 =	rddreg [dreg:$0x2];
	[bflag:$0x3] =	sbarrier.arrive $0xFFFF;
	s2 =	simm.s32 @!p0 $0x1C01  }
0x144: {  	[timem:s3], [sflag:s2] =	dma.local @!p0 [hbm:s0], s1  }
0x145: {  	s0 =	simm.s32 @!p0 $0x1  }
0x146: {  	_ =	swait.ge @!p0 [sflag:s0], s1  }
0x147: {  	s1 =	ssub.s32 @!p0 $0x0, s1;
	[sflag:s0] =	ssyncset.done @!p0 $0x0  }
0x148: {  	[sflag:s0] =	ssyncadd.s32 @!p0 s1  }
0x149: {  	[bflag:$0x3] =	sbarrier.arrive $0xFFFF  }
0x14a: {  	_ =	shalt  }

// kernel: scatter_offload_async_start.4
scs
__scs_entry_jumppad:
0x0: {  	(pc) =	sbr.rel $0x88, $3  }
0x1: {  	(tag) =	ssettag $0x0;
	lr =	simm.s32 $0x1  }
0x2: {  	[smem:$0x3F7C] =	sst lr;
	_ =	strace $0xD0000000  }
0x3: {  	_ = 	snop  }
0x4: {  	_ = 	snop  }
0x5: {  	_ = 	snop  }
0x6: {  	_ = 	snop  }
0x7: {  	_ = 	snop  }
__scs_overlays_trampoline_lowered:
0x8: {  	[smem:$0x3F8B] =	sst s0  }
0x9: {  	[smem:$0x3F8C] =	sst s1  }
0xa: {  	[smem:$0x3F8D] =	sst s2  }
0xb: {  	[smem:$0x3F8E] =	sst s3  }
0xc: {  	[smem:$0x3F8F] =	sst s4  }
0xd: {  	[smem:$0x3F90] =	sst s5  }
0xe: {  	[smem:$0x3F91] =	sst s6  }
0xf: {  	[smem:$0x3F92] =	sst s7  }
0x10: {  	[smem:$0x3F93] =	sst s8  }
0x11: {  	[smem:$0x3F94] =	sst s9;
	s0 =	simm.s32 @!p0 $0x0  }
0x12: {  	s1 =	sld [smem:$0x3F7A];
	s0 =	simm.s32 @p0 $0x1  }
0x13: {  	[smem:$0x3F95] =	sst s0;
	s0 =	simm.s32 @!p1 $0x0  }
0x14: {  	s2 =	sld [smem:$0x3F79];
	s0 =	simm.s32 @p1 $0x1  }
0x15: {  	[smem:$0x3F96] =	sst s0;
	s0 =	simm.s32 @!p2 $0x0  }
0x16: {  	s3 =	sld [smem:$0x3FDB];
	s0 =	simm.s32 @p2 $0x1  }
0x17: {  	s4 =	simm.s32 $0x1BF5;
	[smem:$0x3F98] =	sst s0  }
0x18: {  	s0 =	sld [smem:$0x3F7B];
	_ =	swait.ge [sflag:s4], $0x0  }
0x19: {  	s7 =	sld [smem:$0x3F7C]  }
0x1a: {  	s8 =	sadd.s32 $0xFFFFE003, lr  }
0x1b: {  	s9 =	sadd.s32 $0xFFFFFEF7, lr;
	s5 =	simm.s32 $0xFFFFFFFF;
	p2 =	slt.u32 s8, $0xFFFFF086  }
0x1c: {  	p1 =	slt.u32 s9, $0xF7A;
	s5 =	simm.s32 @!p2 $0x0  }
0x1d: {  	s5 =	simm.s32 @p1 $0x1;
	p0 =	seq.s32 s7, s2  }
0x1e: {  	s7 =	smul.u32 @!p0 $0xF7A, s2;
	p2 =	seq.s32 @!p0 s5, $0x0  }
0x1f: {  	s9 =	smul.u32 $0xF7A, s1;
	s8 =	simm.s32 @!p0 $0x1BF5;
	p2 =	por !p2, p0  }
0x20: {  	[sflag:s8] =	ssyncset.s32 @!p0 $0xFFFFF086;
	s6 =	sadd.s32 @!p0 s3, s7;
	s7 =	simm.s32 @!p0 $0x108  }
0x21: {  	s3 =	sadd.s32 s3, s9;
	s6 =	sadd.s32 @!p0 $0x88, s6;
	s7 =	simm.s32 @p2 $0x1082  }
0x22: {  	[simem:s7], [sflag:s8] =	dma.local @!p0 [hbm:s6], $0xF7A  }
0x23: {  	s9 =	sor.u32 $0xD0000000, s2;
	s6 =	simm.s32 $0x108;
	_ =	swait.ge @!p0 [sflag:s8], $0x0  }
0x24: {  	s3 =	sadd.s32 $0x88, s3;
	s6 =	simm.s32 @!p1 $0x1082;
	[sflag:s4] =	ssyncset.s32 $0xFFFFF086  }
0x25: {  	[simem:s6], [sflag:s4] =	dma.local [hbm:s3], $0xF7A  }
0x26: {  	[smem:$0x3F7C] =	sst s1;
	(tag) =	ssettag s2;
	_ =	strace s9  }
0x27: {  	s1 =	sld [smem:$0x3F8C]  }
0x28: {  	s2 =	sld [smem:$0x3F8D]  }
0x29: {  	s4 =	sld [smem:$0x3F8F]  }
0x2a: {  	p0 =	seq.s32 s5, $0x0;
	s5 =	sld [smem:$0x3F90]  }
0x2b: {  	s6 =	sld [smem:$0x3F91]  }
0x2c: {  	s7 =	sld [smem:$0x3F92]  }
0x2d: {  	s3 =	simm.s32 $0x108;
	s8 =	sld [smem:$0x3F93]  }
0x2e: {  	s3 =	simm.s32 @!p0 $0x1082;
	s9 =	sld [smem:$0x3F94]  }
0x2f: {  	lr =	sadd.s32 s0, s3;
	s0 =	sld [smem:$0x3F8B]  }
0x30: {  	s3 =	sld [smem:$0x3F8E]  }
0x31: {  	[smem:$0x3F97] =	sst s10  }
0x32: {  	s10 =	sld [smem:$0x3F95];
	_ =	sdelay $0x3  }
0x33: {  	p0 =	seq.s32 s10, $0x1;
	s10 =	sld [smem:$0x3F97];
	_ =	sdelay $0x3  }
0x34: {  	[smem:$0x3F97] =	sst s10  }
0x35: {  	s10 =	sld [smem:$0x3F96];
	_ =	sdelay $0x3  }
0x36: {  	p1 =	seq.s32 s10, $0x1;
	s10 =	sld [smem:$0x3F97];
	_ =	sdelay $0x3  }
0x37: {  	[smem:$0x3F97] =	sst s10  }
0x38: {  	s10 =	sld [smem:$0x3F98]  }
0x39: {  	_ = 	snop;
	(pc) =	sbr.ind lr, $3  }
0x3a: {  	_ = 	snop  }
0x3b: {  	_ = 	snop  }
0x3c: {  	p2 =	seq.s32 s10, $0x1;
	s10 =	sld [smem:$0x3F97]  }
0x3d: {  	_ =	shalt  }
0x3e: {  	_ =	shalt  }
0x3f: {  	_ =	shalt  }
0x40: {  	_ =	shalt  }
0x41: {  	_ =	shalt  }
0x42: {  	_ =	shalt  }
0x43: {  	_ =	shalt  }
0x44: {  	_ =	shalt  }
0x45: {  	_ =	shalt  }
0x46: {  	_ =	shalt  }
0x47: {  	_ =	shalt  }
0x48: {  	_ =	shalt  }
0x49: {  	_ =	shalt  }
0x4a: {  	_ =	shalt  }
0x4b: {  	_ =	shalt  }
0x4c: {  	_ =	shalt  }
0x4d: {  	_ =	shalt  }
0x4e: {  	_ =	shalt  }
0x4f: {  	_ =	shalt  }
0x50: {  	_ =	shalt  }
0x51: {  	_ =	shalt  }
0x52: {  	_ =	shalt  }
0x53: {  	_ =	shalt  }
0x54: {  	_ =	shalt  }
0x55: {  	_ =	shalt  }
0x56: {  	_ =	shalt  }
0x57: {  	_ =	shalt  }
0x58: {  	_ =	shalt  }
0x59: {  	_ =	shalt  }
0x5a: {  	_ =	shalt  }
0x5b: {  	_ =	shalt  }
0x5c: {  	_ =	shalt  }
0x5d: {  	_ =	shalt  }
0x5e: {  	_ =	shalt  }
0x5f: {  	_ =	shalt  }
0x60: {  	_ =	shalt  }
0x61: {  	_ =	shalt  }
0x62: {  	_ =	shalt  }
0x63: {  	_ =	shalt  }
0x64: {  	_ =	shalt  }
0x65: {  	_ =	shalt  }
0x66: {  	_ =	shalt  }
0x67: {  	_ =	shalt  }
0x68: {  	_ =	shalt  }
0x69: {  	_ =	shalt  }
0x6a: {  	_ =	shalt  }
0x6b: {  	_ =	shalt  }
0x6c: {  	_ =	shalt  }
0x6d: {  	_ =	shalt  }
0x6e: {  	_ =	shalt  }
0x6f: {  	_ =	shalt  }
0x70: {  	_ =	shalt  }
0x71: {  	_ =	shalt  }
0x72: {  	_ =	shalt  }
0x73: {  	_ =	shalt  }
0x74: {  	_ =	shalt  }
0x75: {  	_ =	shalt  }
0x76: {  	_ =	shalt  }
0x77: {  	_ =	shalt  }
0x78: {  	_ =	shalt  }
0x79: {  	_ =	shalt  }
0x7a: {  	_ =	shalt  }
0x7b: {  	_ =	shalt  }
0x7c: {  	_ =	shalt  }
0x7d: {  	_ =	shalt  }
0x7e: {  	_ =	shalt  }
0x7f: {  	_ =	shalt  }
0x80: {  	_ =	shalt  }
0x81: {  	_ =	shalt  }
0x82: {  	_ =	shalt  }
0x83: {  	_ =	shalt  }
0x84: {  	_ =	shalt  }
0x85: {  	_ =	shalt  }
0x86: {  	_ =	shalt  }
0x87: {  	_ =	shalt  }
.Lfunc_end0:
.L_simem_size_0:
called_computation.4_lowered:
.L_overlay_start_0:
0x88: {  	s2 =	sld [smem:$0x3FD9]  }
0x89: {  	s3 =	sld [smem:$0x3FFE];
	_ =	sdelay $0x1  }
0x8a: {  	s1 =	srdreg.scid  }
0x8b: {  	s0 =	sand.u32 $0x1, s1  }
0x8c: {  	s15 =	sshll.u32 s0, $0xA;
	s2 =	sadd.s32 s3, s2  }
0x8d: {  	s2 =	sadd.s32 s2, s15  }
0x8e: {  	[smem:$0x3FA3] =	sst s2  }
0x8f: {  	_ = 	snop  }
0x90: {  	(tm) =	ssettm $0x1  }
0x91: {  	s16 =	sld [smem:$0x3FFB];
	_ =	sdelay $0x3  }
0x92: {  	_ =	strace s16  }
0x93: {  	s2 =	sld [smem:$0x3FFC];
	_ =	sdelay $0x3  }
0x94: {  	_ =	strace s2  }
0x95: {  	s2 =	sld [smem:$0x3FFD];
	_ =	sdelay $0x3  }
0x96: {  	_ =	strace s2  }
0x97: {  	_ =	strace $0x8FFFFFFF  }
0x98: {  	s17 =	sld [smem:$0x3FDB];
	_ =	sdelay $0x1  }
0x99: {  	s18 =	simm.s32 $_scs_section_size  }
0x9a: {  	s4 =	simm.s32 $_size__tile_overlayer_lowered;
	s5 =	simm.s32 $_tile_overlayer_lowered  }
0x9b: {  	s21 =	simm.s32 $0x1BFF;
	s20 =	sshll.u32 s5, $0x1;
	s2 =	sadd.s32 s18, s17  }
0x9c: {  	s6 =	simm.s32 $0x0;
	s19 =	sshll.u32 s4, $0x1;
	s4 =	sadd.s32 s20, s2  }
0x9d: {  	[timem:s6], [sflag:s21] =	dma.local [hbm:s4], s19  }
0x9e: {  	_ =	swait.ge [sflag:s21], s19  }
0x9f: {  	s3 =	ssub.s32 $0x0, s19;
	[sflag:s21] =	ssyncset.done $0x0  }
0xa0: {  	[sflag:s21] =	ssyncadd.s32 s3;
	_ =	sdelay $0x1  }
0xa1: {  	s22 =	simm.s32 $0x1B8B  }
0xa2: {  	_ =	swait.ge [sflag:s22], $0x1  }
0xa3: {  	[sflag:s22] =	ssyncset.done $0x0  }
0xa4: {  	s23 =	sld [smem:$0x3FFE];
	[sflag:s22] =	ssyncadd.s32 $0xFFFFFFFF  }
0xa5: {  	s25 =	simm.s32 $0x1B8E;
	s24 =	sld [smem:$0x0]  }
0xa6: {  	s26 =	simm.s32 $execute0_lowered;
	[smem:$0x3FD2] =	sst s25  }
0xa7: {  	s5 =	sshll.u32 s26, $0x1;
	_ =	strace $0x8000005B;
	[dreg:$0x1] =	wrdreg $0xFFFFFFFF  }
0xa8: {  	s28 =	simm.s32 $_size_execute0_lowered;
	s2 =	sadd.s32 s2, s5;
	[dreg:$0x0] =	wrdreg $0x0  }
0xa9: {  	s5 =	sshll.u32 s28, $0x1;
	[dreg:$0x2] =	wrdreg s2  }
0xaa: {  	[dreg:$0x3] =	wrdreg s5  }
0xab: {  	[dreg:$0x4] =	wrdreg $0xC0  }
0xac: {  	_ =	task [dreg:s6], $0x5FFFF  }
0xad: {  	[dreg:$0x1] =	wrdreg $0xFFFFFFFF  }
0xae: {  	[dreg:$0x0] =	wrdreg $0x60  }
0xaf: {  	[dreg:$0x2] =	wrdreg s23  }
0xb0: {  	[dreg:$0x3] =	wrdreg s1  }
0xb1: {  	[dreg:$0x4] =	wrdreg s24  }
0xb2: {  	[dreg:$0x5] =	wrdreg $0xB  }
0xb3: {  	_ =	task.clear_ibuf [dreg:s6], $0x6FFFF;
	_ =	strace $0x9000005B  }
0xb4: {  	s29 =	simm.s32 $0xB;
	_ =	strace $0x8000005D  }
0xb5: {  	_ =	swait.ge [sflag:s29], $0x1  }
0xb6: {  	[sflag:s29] =	ssyncadd.s32 $0xFFFFFFFF  }
0xb7: {  	_ =	strace $0x9000005D  }
0xb8: {  	_ =	sfence  }
0xb9: {  	s30 =	sld [smem:$0x0];
	_ =	sdelay $0x2  }
0xba: {  	s31 =	sshll.u32 s1, $0xD;
	s1 =	sshrl.u32 s1, $0x2  }
0xbb: {  	s3 =	sand.u32 $0x4000, s31;
	s1 =	sadd.s32 s1, s30  }
0xbc: {  	s0 =	sor.u32 s3, s0;
	s1 =	sshll.u32 s1, $0x11  }
0xbd: {  	s0 =	sor.u32 s1, s0  }
0xbe: {  	s0 =	sadd.s32 $0x8F2B, s0  }
0xbf: {  	[sflag:s0] =	ssyncadd.remote.s32 $0x1  }
0xc0: {  	_ =	sfence.sel $0xFFFF  }
0xc1: {  	[dreg:$0x0] =	wrdreg $0xFFFFFFFF;
	(pc) =	sbr.abs _section_cstart, $3  }
0xc2: {  	[dreg:$0x1] =	wrdreg $0xFFFFFFFF  }
0xc3: {  	_ =	task.clear_ibuf [dreg:s6], $0x2FFFF;
	_ =	strace $0x9FFFFFFF  }
0xc4: {  	(tm) =	ssettm $0x7FFFFFFF  }
0xc5: {  	_ =	shalt  }
tec
execute0_lowered:
.L_overlay_start_1:
0x0: {  	(tag) =	ssettag $0x1  }
0x1: {  	s12 =	rddreg [dreg:$0x0]  }
0x2: {  	s0 =	rddreg [dreg:$0x1];
	_ =	strace $0x8000005C;
	s6 =	simm.s32 $0x1  }
0x3: {  	v0 =	vimm.s32 $0x0;
	[sflag:s6] =	ssyncpa.u1 $0x0  }
0x4: {  	[tilespmem:$0x48] =	vst v0  }
0x5: {  	[tilespmem:$0x58] =	vst v0  }
0x6: {  	[tilespmem:$0x68] =	vst v0  }
0x7: {  	[tilespmem:$0x78] =	vst v0  }
0x8: {  	[tilespmem:$0x88] =	vst v0  }
0x9: {  	[tilespmem:$0x98] =	vst v0  }
0xa: {  	[tilespmem:$0xA8] =	vst v0  }
0xb: {  	[tilespmem:$0xB8] =	vst v0  }
0xc: {  	[tilespmem:$0xC8] =	vst v0  }
0xd: {  	[tilespmem:$0xD8] =	vst v0  }
0xe: {  	[tilespmem:$0xE8] =	vst v0  }
0xf: {  	[tilespmem:$0xF8] =	vst v0  }
0x10: {  	[tilespmem:$0x108] =	vst v0  }
0x11: {  	[tilespmem:$0x118] =	vst v0  }
0x12: {  	[tilespmem:$0x128] =	vst v0  }
0x13: {  	[tilespmem:$0x138] =	vst v0  }
0x14: {  	[tilespmem:$0x148] =	vst v0  }
0x15: {  	[tilespmem:$0x158] =	vst v0  }
0x16: {  	[tilespmem:$0x168] =	vst v0  }
0x17: {  	[tilespmem:$0x178] =	vst v0  }
0x18: {  	[tilespmem:$0x188] =	vst v0  }
0x19: {  	[tilespmem:$0x198] =	vst v0  }
0x1a: {  	[tilespmem:$0x1A8] =	vst v0  }
0x1b: {  	[tilespmem:$0x1B8] =	vst v0  }
0x1c: {  	[tilespmem:$0x1C8] =	vst v0  }
0x1d: {  	[tilespmem:$0x1D8] =	vst v0  }
0x1e: {  	[tilespmem:$0x1E8] =	vst v0  }
0x1f: {  	[tilespmem:$0x1F8] =	vst v0  }
0x20: {  	[tilespmem:$0x208] =	vst v0  }
0x21: {  	[tilespmem:$0x218] =	vst v0  }
0x22: {  	[tilespmem:$0x228] =	vst v0  }
0x23: {  	[tilespmem:$0x238] =	vst v0  }
0x24: {  	[tilespmem:$0x248] =	vst v0  }
0x25: {  	[tilespmem:$0x258] =	vst v0  }
0x26: {  	[tilespmem:$0x268] =	vst v0  }
0x27: {  	[tilespmem:$0x278] =	vst v0  }
0x28: {  	[tilespmem:$0x288] =	vst v0  }
0x29: {  	[tilespmem:$0x298] =	vst v0  }
0x2a: {  	[tilespmem:$0x2A8] =	vst v0  }
0x2b: {  	[tilespmem:$0x2B8] =	vst v0  }
0x2c: {  	[tilespmem:$0x2C8] =	vst v0  }
0x2d: {  	[tilespmem:$0x2D8] =	vst v0  }
0x2e: {  	[tilespmem:$0x2E8] =	vst v0  }
0x2f: {  	[tilespmem:$0x2F8] =	vst v0  }
0x30: {  	[tilespmem:$0x308] =	vst v0  }
0x31: {  	[tilespmem:$0x318] =	vst v0  }
0x32: {  	[tilespmem:$0x328] =	vst v0  }
0x33: {  	[tilespmem:$0x338] =	vst v0  }
0x34: {  	[tilespmem:$0x348] =	vst v0  }
0x35: {  	[tilespmem:$0x358] =	vst v0  }
0x36: {  	[tilespmem:$0x368] =	vst v0  }
0x37: {  	[tilespmem:$0x378] =	vst v0  }
0x38: {  	[tilespmem:$0x388] =	vst v0  }
0x39: {  	[tilespmem:$0x398] =	vst v0  }
0x3a: {  	[tilespmem:$0x3A8] =	vst v0  }
0x3b: {  	[tilespmem:$0x3B8] =	vst v0  }
0x3c: {  	[tilespmem:$0x3C8] =	vst v0  }
0x3d: {  	[tilespmem:$0x3D8] =	vst v0  }
0x3e: {  	[tilespmem:$0x3E8] =	vst v0  }
0x3f: {  	[tilespmem:$0x3F8] =	vst v0  }
0x40: {  	[tilespmem:$0x408] =	vst v0  }
0x41: {  	[tilespmem:$0x418] =	vst v0  }
0x42: {  	[tilespmem:$0x428] =	vst v0  }
0x43: {  	[tilespmem:$0x438] =	vst v0  }
0x44: {  	[tilespmem:$0x448] =	vst v0  }
0x45: {  	[tilespmem:$0x458] =	vst v0  }
0x46: {  	[tilespmem:$0x468] =	vst v0  }
0x47: {  	[tilespmem:$0x478] =	vst v0  }
0x48: {  	[tilespmem:$0x488] =	vst v0  }
0x49: {  	[tilespmem:$0x498] =	vst v0  }
0x4a: {  	[tilespmem:$0x4A8] =	vst v0  }
0x4b: {  	[tilespmem:$0x4B8] =	vst v0  }
0x4c: {  	[tilespmem:$0x4C8] =	vst v0  }
0x4d: {  	[tilespmem:$0x4D8] =	vst v0  }
0x4e: {  	[tilespmem:$0x4E8] =	vst v0  }
0x4f: {  	[tilespmem:$0x4F8] =	vst v0  }
0x50: {  	[tilespmem:$0x508] =	vst v0  }
0x51: {  	[tilespmem:$0x518] =	vst v0  }
0x52: {  	[tilespmem:$0x528] =	vst v0  }
0x53: {  	[tilespmem:$0x538] =	vst v0  }
0x54: {  	[tilespmem:$0x548] =	vst v0  }
0x55: {  	[tilespmem:$0x558] =	vst v0  }
0x56: {  	[tilespmem:$0x568] =	vst v0  }
0x57: {  	[tilespmem:$0x578] =	vst v0  }
0x58: {  	[tilespmem:$0x588] =	vst v0  }
0x59: {  	[tilespmem:$0x598] =	vst v0  }
0x5a: {  	[tilespmem:$0x5A8] =	vst v0  }
0x5b: {  	[tilespmem:$0x5B8] =	vst v0  }
0x5c: {  	[tilespmem:$0x5C8] =	vst v0  }
0x5d: {  	[tilespmem:$0x5D8] =	vst v0  }
0x5e: {  	[tilespmem:$0x5E8] =	vst v0  }
0x5f: {  	[tilespmem:$0x5F8] =	vst v0  }
0x60: {  	[tilespmem:$0x608] =	vst v0  }
0x61: {  	[tilespmem:$0x618] =	vst v0  }
0x62: {  	[tilespmem:$0x628] =	vst v0  }
0x63: {  	[tilespmem:$0x638] =	vst v0  }
0x64: {  	[tilespmem:$0x648] =	vst v0  }
0x65: {  	[tilespmem:$0x658] =	vst v0  }
0x66: {  	[tilespmem:$0x668] =	vst v0  }
0x67: {  	[tilespmem:$0x678] =	vst v0  }
0x68: {  	[tilespmem:$0x688] =	vst v0  }
0x69: {  	[tilespmem:$0x698] =	vst v0  }
0x6a: {  	[tilespmem:$0x6A8] =	vst v0  }
0x6b: {  	[tilespmem:$0x6B8] =	vst v0  }
0x6c: {  	[tilespmem:$0x6C8] =	vst v0  }
0x6d: {  	[tilespmem:$0x6D8] =	vst v0  }
0x6e: {  	[tilespmem:$0x6E8] =	vst v0  }
0x6f: {  	[tilespmem:$0x6F8] =	vst v0  }
0x70: {  	[tilespmem:$0x708] =	vst v0  }
0x71: {  	[tilespmem:$0x718] =	vst v0  }
0x72: {  	[tilespmem:$0x728] =	vst v0  }
0x73: {  	[tilespmem:$0x738] =	vst v0  }
0x74: {  	[tilespmem:$0x748] =	vst v0  }
0x75: {  	[tilespmem:$0x758] =	vst v0  }
0x76: {  	[tilespmem:$0x768] =	vst v0  }
0x77: {  	[tilespmem:$0x778] =	vst v0  }
0x78: {  	[tilespmem:$0x788] =	vst v0  }
0x79: {  	[tilespmem:$0x798] =	vst v0  }
0x7a: {  	[tilespmem:$0x7A8] =	vst v0  }
0x7b: {  	[tilespmem:$0x7B8] =	vst v0  }
0x7c: {  	[tilespmem:$0x7C8] =	vst v0  }
0x7d: {  	[tilespmem:$0x7D8] =	vst v0  }
0x7e: {  	[tilespmem:$0x7E8] =	vst v0  }
0x7f: {  	[tilespmem:$0x7F8] =	vst v0  }
0x80: {  	[tilespmem:$0x808] =	vst v0  }
0x81: {  	[tilespmem:$0x818] =	vst v0  }
0x82: {  	[tilespmem:$0x828] =	vst v0  }
0x83: {  	[tilespmem:$0x838] =	vst v0  }
0x84: {  	[tilespmem:$0x848] =	vst v0  }
0x85: {  	[tilespmem:$0x858] =	vst v0  }
0x86: {  	[tilespmem:$0x868] =	vst v0  }
0x87: {  	[tilespmem:$0x878] =	vst v0  }
0x88: {  	[tilespmem:$0x888] =	vst v0  }
0x89: {  	[tilespmem:$0x898] =	vst v0  }
0x8a: {  	[tilespmem:$0x8A8] =	vst v0  }
0x8b: {  	[tilespmem:$0x8B8] =	vst v0  }
0x8c: {  	[tilespmem:$0x8C8] =	vst v0  }
0x8d: {  	[tilespmem:$0x8D8] =	vst v0  }
0x8e: {  	[tilespmem:$0x8E8] =	vst v0  }
0x8f: {  	[tilespmem:$0x8F8] =	vst v0  }
0x90: {  	[tilespmem:$0x908] =	vst v0  }
0x91: {  	[tilespmem:$0x918] =	vst v0  }
0x92: {  	[tilespmem:$0x928] =	vst v0  }
0x93: {  	[tilespmem:$0x938] =	vst v0  }
0x94: {  	[tilespmem:$0x948] =	vst v0  }
0x95: {  	[tilespmem:$0x958] =	vst v0  }
0x96: {  	[tilespmem:$0x968] =	vst v0  }
0x97: {  	[tilespmem:$0x978] =	vst v0  }
0x98: {  	[tilespmem:$0x988] =	vst v0  }
0x99: {  	[tilespmem:$0x998] =	vst v0  }
0x9a: {  	[tilespmem:$0x9A8] =	vst v0  }
0x9b: {  	[tilespmem:$0x9B8] =	vst v0  }
0x9c: {  	[tilespmem:$0x9C8] =	vst v0  }
0x9d: {  	[tilespmem:$0x9D8] =	vst v0  }
0x9e: {  	[tilespmem:$0x9E8] =	vst v0  }
0x9f: {  	[tilespmem:$0x9F8] =	vst v0  }
0xa0: {  	[tilespmem:$0xA08] =	vst v0  }
0xa1: {  	[tilespmem:$0xA18] =	vst v0  }
0xa2: {  	[tilespmem:$0xA28] =	vst v0  }
0xa3: {  	[tilespmem:$0xA38] =	vst v0  }
0xa4: {  	[tilespmem:$0xA48] =	vst v0  }
0xa5: {  	[tilespmem:$0xA58] =	vst v0  }
0xa6: {  	[tilespmem:$0xA68] =	vst v0  }
0xa7: {  	[tilespmem:$0xA78] =	vst v0  }
0xa8: {  	[tilespmem:$0xA88] =	vst v0  }
0xa9: {  	[tilespmem:$0xA98] =	vst v0  }
0xaa: {  	[tilespmem:$0xAA8] =	vst v0  }
0xab: {  	[tilespmem:$0xAB8] =	vst v0  }
0xac: {  	[tilespmem:$0xAC8] =	vst v0  }
0xad: {  	[tilespmem:$0xAD8] =	vst v0  }
0xae: {  	[tilespmem:$0xAE8] =	vst v0  }
0xaf: {  	[tilespmem:$0xAF8] =	vst v0  }
0xb0: {  	[tilespmem:$0xB08] =	vst v0  }
0xb1: {  	[tilespmem:$0xB18] =	vst v0  }
0xb2: {  	[tilespmem:$0xB28] =	vst v0  }
0xb3: {  	[tilespmem:$0xB38] =	vst v0  }
0xb4: {  	[tilespmem:$0xB48] =	vst v0  }
0xb5: {  	[tilespmem:$0xB58] =	vst v0  }
0xb6: {  	[tilespmem:$0xB68] =	vst v0  }
0xb7: {  	[tilespmem:$0xB78] =	vst v0  }
0xb8: {  	[tilespmem:$0xB88] =	vst v0  }
0xb9: {  	[tilespmem:$0xB98] =	vst v0  }
0xba: {  	[tilespmem:$0xBA8] =	vst v0  }
0xbb: {  	[tilespmem:$0xBB8] =	vst v0  }
0xbc: {  	[tilespmem:$0xBC8] =	vst v0  }
0xbd: {  	[tilespmem:$0xBD8] =	vst v0  }
0xbe: {  	[tilespmem:$0xBE8] =	vst v0  }
0xbf: {  	[tilespmem:$0xBF8] =	vst v0  }
0xc0: {  	[tilespmem:$0xC08] =	vst v0  }
0xc1: {  	[tilespmem:$0xC18] =	vst v0  }
0xc2: {  	[tilespmem:$0xC28] =	vst v0  }
0xc3: {  	[tilespmem:$0xC38] =	vst v0  }
0xc4: {  	[tilespmem:$0xC48] =	vst v0  }
0xc5: {  	[tilespmem:$0xC58] =	vst v0  }
0xc6: {  	[tilespmem:$0xC68] =	vst v0  }
0xc7: {  	[tilespmem:$0xC78] =	vst v0  }
0xc8: {  	[tilespmem:$0xC88] =	vst v0  }
0xc9: {  	[tilespmem:$0xC98] =	vst v0  }
0xca: {  	[tilespmem:$0xCA8] =	vst v0  }
0xcb: {  	[tilespmem:$0xCB8] =	vst v0  }
0xcc: {  	[tilespmem:$0xCC8] =	vst v0  }
0xcd: {  	[tilespmem:$0xCD8] =	vst v0  }
0xce: {  	[tilespmem:$0xCE8] =	vst v0  }
0xcf: {  	[tilespmem:$0xCF8] =	vst v0  }
0xd0: {  	[tilespmem:$0xD08] =	vst v0  }
0xd1: {  	[tilespmem:$0xD18] =	vst v0  }
0xd2: {  	[tilespmem:$0xD28] =	vst v0  }
0xd3: {  	[tilespmem:$0xD38] =	vst v0  }
0xd4: {  	[tilespmem:$0xD48] =	vst v0  }
0xd5: {  	[tilespmem:$0xD58] =	vst v0  }
0xd6: {  	[tilespmem:$0xD68] =	vst v0  }
0xd7: {  	[tilespmem:$0xD78] =	vst v0  }
0xd8: {  	[tilespmem:$0xD88] =	vst v0  }
0xd9: {  	[tilespmem:$0xD98] =	vst v0  }
0xda: {  	[tilespmem:$0xDA8] =	vst v0  }
0xdb: {  	[tilespmem:$0xDB8] =	vst v0  }
0xdc: {  	[tilespmem:$0xDC8] =	vst v0  }
0xdd: {  	[tilespmem:$0xDD8] =	vst v0  }
0xde: {  	[tilespmem:$0xDE8] =	vst v0  }
0xdf: {  	[tilespmem:$0xDF8] =	vst v0  }
0xe0: {  	[tilespmem:$0xE08] =	vst v0  }
0xe1: {  	[tilespmem:$0xE18] =	vst v0  }
0xe2: {  	[tilespmem:$0xE28] =	vst v0  }
0xe3: {  	[tilespmem:$0xE38] =	vst v0  }
0xe4: {  	[tilespmem:$0xE48] =	vst v0  }
0xe5: {  	[tilespmem:$0xE58] =	vst v0  }
0xe6: {  	[tilespmem:$0xE68] =	vst v0  }
0xe7: {  	[tilespmem:$0xE78] =	vst v0  }
0xe8: {  	[tilespmem:$0xE88] =	vst v0  }
0xe9: {  	[tilespmem:$0xE98] =	vst v0  }
0xea: {  	[tilespmem:$0xEA8] =	vst v0  }
0xeb: {  	[tilespmem:$0xEB8] =	vst v0  }
0xec: {  	[tilespmem:$0xEC8] =	vst v0  }
0xed: {  	[tilespmem:$0xED8] =	vst v0  }
0xee: {  	[tilespmem:$0xEE8] =	vst v0  }
0xef: {  	[tilespmem:$0xEF8] =	vst v0  }
0xf0: {  	[tilespmem:$0xF08] =	vst v0  }
0xf1: {  	[tilespmem:$0xF18] =	vst v0  }
0xf2: {  	[tilespmem:$0xF28] =	vst v0  }
0xf3: {  	[tilespmem:$0xF38] =	vst v0  }
0xf4: {  	[tilespmem:$0xF48] =	vst v0  }
0xf5: {  	[tilespmem:$0xF58] =	vst v0  }
0xf6: {  	[tilespmem:$0xF68] =	vst v0  }
0xf7: {  	[tilespmem:$0xF78] =	vst v0  }
0xf8: {  	[tilespmem:$0xF88] =	vst v0  }
0xf9: {  	[tilespmem:$0xF98] =	vst v0  }
0xfa: {  	[tilespmem:$0xFA8] =	vst v0  }
0xfb: {  	[tilespmem:$0xFB8] =	vst v0  }
0xfc: {  	[tilespmem:$0xFC8] =	vst v0  }
0xfd: {  	[tilespmem:$0xFD8] =	vst v0  }
0xfe: {  	[tilespmem:$0xFE8] =	vst v0  }
0xff: {  	[tilespmem:$0xFF8] =	vst v0  }
0x100: {  	[tilespmem:$0x1008] =	vst v0  }
0x101: {  	[tilespmem:$0x1018] =	vst v0  }
0x102: {  	[tilespmem:$0x1028] =	vst v0  }
0x103: {  	[tilespmem:$0x1858] =	vst v0  }
0x104: {  	[tilespmem:$0x1848] =	vst v0  }
0x105: {  	[tilespmem:$0x1838] =	vst v0  }
0x106: {  	[tilespmem:$0x1828] =	vst v0  }
0x107: {  	[tilespmem:$0x1818] =	vst v0  }
0x108: {  	[tilespmem:$0x1808] =	vst v0  }
0x109: {  	[tilespmem:$0x17F8] =	vst v0  }
0x10a: {  	[tilespmem:$0x17E8] =	vst v0  }
0x10b: {  	[tilespmem:$0x17D8] =	vst v0  }
0x10c: {  	[tilespmem:$0x17C8] =	vst v0  }
0x10d: {  	[tilespmem:$0x17B8] =	vst v0  }
0x10e: {  	[tilespmem:$0x17A8] =	vst v0  }
0x10f: {  	[tilespmem:$0x1798] =	vst v0  }
0x110: {  	[tilespmem:$0x1788] =	vst v0  }
0x111: {  	[tilespmem:$0x1778] =	vst v0  }
0x112: {  	[tilespmem:$0x1768] =	vst v0  }
0x113: {  	[tilespmem:$0x1758] =	vst v0  }
0x114: {  	[tilespmem:$0x1748] =	vst v0  }
0x115: {  	[tilespmem:$0x1738] =	vst v0  }
0x116: {  	[tilespmem:$0x1728] =	vst v0  }
0x117: {  	[tilespmem:$0x1718] =	vst v0  }
0x118: {  	[tilespmem:$0x1708] =	vst v0  }
0x119: {  	[tilespmem:$0x16F8] =	vst v0  }
0x11a: {  	[tilespmem:$0x16E8] =	vst v0  }
0x11b: {  	[tilespmem:$0x16D8] =	vst v0  }
0x11c: {  	[tilespmem:$0x16C8] =	vst v0  }
0x11d: {  	[tilespmem:$0x16B8] =	vst v0  }
0x11e: {  	[tilespmem:$0x16A8] =	vst v0  }
0x11f: {  	[tilespmem:$0x1698] =	vst v0  }
0x120: {  	[tilespmem:$0x1688] =	vst v0  }
0x121: {  	[tilespmem:$0x1678] =	vst v0  }
0x122: {  	[tilespmem:$0x1668] =	vst v0  }
0x123: {  	[tilespmem:$0x1658] =	vst v0  }
0x124: {  	[tilespmem:$0x1648] =	vst v0  }
0x125: {  	[tilespmem:$0x1638] =	vst v0  }
0x126: {  	[tilespmem:$0x1628] =	vst v0  }
0x127: {  	[tilespmem:$0x1618] =	vst v0  }
0x128: {  	[tilespmem:$0x1608] =	vst v0  }
0x129: {  	[tilespmem:$0x15F8] =	vst v0  }
0x12a: {  	[tilespmem:$0x15E8] =	vst v0  }
0x12b: {  	[tilespmem:$0x15D8] =	vst v0  }
0x12c: {  	[tilespmem:$0x15C8] =	vst v0  }
0x12d: {  	[tilespmem:$0x15B8] =	vst v0  }
0x12e: {  	[tilespmem:$0x15A8] =	vst v0  }
0x12f: {  	[tilespmem:$0x1598] =	vst v0  }
0x130: {  	[tilespmem:$0x1588] =	vst v0  }
0x131: {  	[tilespmem:$0x1578] =	vst v0  }
0x132: {  	[tilespmem:$0x1568] =	vst v0  }
0x133: {  	[tilespmem:$0x1558] =	vst v0  }
0x134: {  	[tilespmem:$0x1548] =	vst v0  }
0x135: {  	[tilespmem:$0x1538] =	vst v0  }
0x136: {  	[tilespmem:$0x1528] =	vst v0  }
0x137: {  	[tilespmem:$0x1518] =	vst v0  }
0x138: {  	[tilespmem:$0x1508] =	vst v0  }
0x139: {  	[tilespmem:$0x14F8] =	vst v0  }
0x13a: {  	[tilespmem:$0x14E8] =	vst v0  }
0x13b: {  	[tilespmem:$0x14D8] =	vst v0  }
0x13c: {  	[tilespmem:$0x14C8] =	vst v0  }
0x13d: {  	[tilespmem:$0x14B8] =	vst v0  }
0x13e: {  	[tilespmem:$0x14A8] =	vst v0  }
0x13f: {  	[tilespmem:$0x1498] =	vst v0  }
0x140: {  	[tilespmem:$0x1488] =	vst v0  }
0x141: {  	[tilespmem:$0x1478] =	vst v0  }
0x142: {  	[tilespmem:$0x1468] =	vst v0  }
0x143: {  	[tilespmem:$0x1458] =	vst v0  }
0x144: {  	[tilespmem:$0x1448] =	vst v0  }
0x145: {  	[tilespmem:$0x1438] =	vst v0  }
0x146: {  	[tilespmem:$0x1428] =	vst v0  }
0x147: {  	[tilespmem:$0x1418] =	vst v0  }
0x148: {  	[tilespmem:$0x1408] =	vst v0  }
0x149: {  	[tilespmem:$0x13F8] =	vst v0  }
0x14a: {  	[tilespmem:$0x13E8] =	vst v0  }
0x14b: {  	[tilespmem:$0x13D8] =	vst v0  }
0x14c: {  	[tilespmem:$0x13C8] =	vst v0  }
0x14d: {  	[tilespmem:$0x13B8] =	vst v0  }
0x14e: {  	[tilespmem:$0x13A8] =	vst v0  }
0x14f: {  	[tilespmem:$0x1398] =	vst v0  }
0x150: {  	[tilespmem:$0x1388] =	vst v0  }
0x151: {  	[tilespmem:$0x1378] =	vst v0  }
0x152: {  	[tilespmem:$0x1368] =	vst v0  }
0x153: {  	[tilespmem:$0x1358] =	vst v0  }
0x154: {  	[tilespmem:$0x1348] =	vst v0  }
0x155: {  	[tilespmem:$0x1338] =	vst v0  }
0x156: {  	[tilespmem:$0x1328] =	vst v0  }
0x157: {  	[tilespmem:$0x1318] =	vst v0  }
0x158: {  	[tilespmem:$0x1308] =	vst v0  }
0x159: {  	[tilespmem:$0x12F8] =	vst v0  }
0x15a: {  	[tilespmem:$0x12E8] =	vst v0  }
0x15b: {  	[tilespmem:$0x12D8] =	vst v0  }
0x15c: {  	[tilespmem:$0x12C8] =	vst v0  }
0x15d: {  	[tilespmem:$0x12B8] =	vst v0  }
0x15e: {  	[tilespmem:$0x12A8] =	vst v0  }
0x15f: {  	[tilespmem:$0x1298] =	vst v0  }
0x160: {  	[tilespmem:$0x1288] =	vst v0  }
0x161: {  	[tilespmem:$0x1278] =	vst v0  }
0x162: {  	[tilespmem:$0x1268] =	vst v0  }
0x163: {  	[tilespmem:$0x1258] =	vst v0  }
0x164: {  	[tilespmem:$0x1248] =	vst v0  }
0x165: {  	[tilespmem:$0x1238] =	vst v0  }
0x166: {  	[tilespmem:$0x1228] =	vst v0  }
0x167: {  	[tilespmem:$0x1218] =	vst v0  }
0x168: {  	[tilespmem:$0x1208] =	vst v0  }
0x169: {  	[tilespmem:$0x11F8] =	vst v0  }
0x16a: {  	[tilespmem:$0x11E8] =	vst v0  }
0x16b: {  	[tilespmem:$0x11D8] =	vst v0  }
0x16c: {  	[tilespmem:$0x11C8] =	vst v0  }
0x16d: {  	[tilespmem:$0x11B8] =	vst v0  }
0x16e: {  	[tilespmem:$0x11A8] =	vst v0  }
0x16f: {  	[tilespmem:$0x1198] =	vst v0  }
0x170: {  	[tilespmem:$0x1188] =	vst v0  }
0x171: {  	[tilespmem:$0x1178] =	vst v0  }
0x172: {  	[tilespmem:$0x1168] =	vst v0  }
0x173: {  	[tilespmem:$0x1158] =	vst v0  }
0x174: {  	[tilespmem:$0x1148] =	vst v0  }
0x175: {  	[tilespmem:$0x1138] =	vst v0  }
0x176: {  	[tilespmem:$0x1128] =	vst v0  }
0x177: {  	[tilespmem:$0x1118] =	vst v0  }
0x178: {  	[tilespmem:$0x1108] =	vst v0  }
0x179: {  	[tilespmem:$0x10F8] =	vst v0  }
0x17a: {  	[tilespmem:$0x10E8] =	vst v0  }
0x17b: {  	[tilespmem:$0x10D8] =	vst v0  }
0x17c: {  	[tilespmem:$0x10C8] =	vst v0  }
0x17d: {  	[tilespmem:$0x10B8] =	vst v0  }
0x17e: {  	[tilespmem:$0x10A8] =	vst v0  }
0x17f: {  	[tilespmem:$0x1098] =	vst v0  }
0x180: {  	s1 =	simm.s32 $0x2;
	s29 =	stileid.u32;
	[tilespmem:$0x1088] =	vst v0  }
0x181: {  	s2 =	simm.s32 $0x9;
	s30 =	simm.s32 $0xA;
	s31 =	simm.s32 $0xB;
	[tilespmem:$0x1078] =	vst v0  }
0x182: {  	s17 =	simm.s32 $0x0;
	s11 =	simm.s32 $0xC;
	s22 =	simm.s32 $0x0;
	[tilespmem:$0x1068] =	vst v0  }
0x183: {  	s21 =	simm.s32 $0x0;
	s0 =	sand.u32 $0x1, s0;
	s9 =	smul.u32 $0xC0, s29;
	[tilespmem:$0x1058] =	vst v0  }
0x184: {  	s3 =	sadd.s32 $0x6E00, s12;
	[tilespmem:$0x1048] =	vst v0;
	[dreg:$0x4] =	wrdreg s0;
	s0 =	smul.u32 $0x180, s0  }
.Ltmp0:
0x185: {  	s16 =	sshll.u32 s29, $0x6;
	[tilespmem:$0x1038] =	vst v0;
	[sflag:s1] =	ssyncpa.u1 $0x0;
	v0 =	vimm.s32 $0xFFFFFFFF;
	(pc) =	sbr.rel .LBB2_1-.Ltmp0, $4  }
0x186: {  	[tilespmem:$0x3088] =	vst v0;
	[sflag:s2] =	ssyncpa.u1 $0x0;
	s13 =	sadd.s32 $0xC0, s9;
	s0 =	sadd.s32 s0, s12  }
0x187: {  	s20 =	smov.u32 s9;
	s10 =	sadd.s32 $0x5A00, s0;
	s0 =	sadd.s32 $0x5600, s0  }
0x188: {  	[sflag:s30] =	ssyncpa.u1 $0x0;
	s12 =	sadd.s32 $0x119E00, s12;
	[dreg:$0x6] =	wrdreg s0  }
0x189: {  	v0 =	vlaneseq.u32;
	[sflag:s31] =	ssyncpa.u1 $0x0;
	s0 =	simm.s32 $0x0;
	[dreg:$0x5] =	wrdreg s10  }
.LBB2_3:
0x18a: {  	p0 =	sne.s32 s21, $0x0  }
0x18b: {  	p1 =	sgt.s32 @!p0 s20, $0xB40  }
0x18c: {  	s0 =	smov.u32 s20;
	s1 =	sshra.s32 @!p0 s20, $0x1F;
	p1 =	por !p1, p0  }
0x18d: {  	s1 =	sand.u32 @!p0 s1, s20;
	s0 =	simm.s32 @p1 $0xB40  }
0x18e: {  	s0 =	ssub.s32 @!p0 s0, s1  }
0x18f: {  	s0 =	sadd.s32 @!p0 $0xFFFFF4C0, s0  }
0x190: {  	s1 =	sshll.u32 @!p0 s0, $0x2  }
0x191: {  	s2 =	sand.u32 @!p0 $0x7, s20;
	p1 =	sgt.s32 @!p0 s0, $0xBF;
	s0 =	ssub.s32 @!p0 $0x300, s1  }
0x192: {  	p1 =	por !p1, p0;
	s1 =	sshrl.u32 @!p0 s20, $0x3;
	s0 =	sshrl.u32 @!p0 s0, $0x2  }
0x193: {  	s4 =	simm.s32 @!p0 $0x34C8;
	s1 =	sadd.s32 @!p0 s1, s10;
	s0 =	simm.s32 @!p1 $0x0  }
0x194: {  	[tilespmem:s4], [sflag:$0xA] =	stream.linear.gather @!p0 [hbm4b:s1+s2], s0, $0x38;
	[tilespmem:$0xF888] =	vst v63  }
.LBB2_24:
0x195: {  	s1 =	sadd.s32 $0xC0, s20  }
0x196: {  	s2 =	smov.u32 s9;
	s21 =	sadd.s32 $0x1, s21;
	p0 =	slt.s32 s1, s13  }
0x197: {  	s2 =	smov.u32 @p0 s1;
	p0 =	sne.s32 s21, $0x3  }
.Ltmp1:
0x198: {  	_ = 	snop;
	(pc) =	sbr.rel @!p0 .LBB2_25-.Ltmp1, $2  }
0x199: {  	_ =	sdelay $0x2  }
0x19a: {  	s0 =	smov.u32 s22;
	s22 =	smov.u32 s20;
	s20 =	smov.u32 s2  }
.LBB2_1:
0x19b: {  	p0 =	seq.s32 s21, $0x2  }
.Ltmp2:
0x19c: {  	_ = 	snop;
	(pc) =	sbr.rel @p0 .LBB2_7-.Ltmp2, $1  }
0x19d: {  	_ =	sdelay $0x3  }
0x19e: {  	p0 =	seq.s32 s21, $0x1  }
.Ltmp3:
0x19f: {  	_ = 	snop;
	(pc) =	sbr.rel @!p0 .LBB2_3-.Ltmp3, $1  }
0x1a0: {  	_ =	sdelay $0x3  }
0x1a1: {  	p0 =	sgt.s32 s22, $0xB40;
	s0 =	smov.u32 s22;
	s1 =	sshra.s32 s22, $0x1F  }
0x1a2: {  	s0 =	simm.s32 @!p0 $0xB40;
	s1 =	sand.u32 s1, s22  }
0x1a3: {  	s0 =	ssub.s32 s0, s1  }
0x1a4: {  	s0 =	sadd.s32 $0xFFFFF4C0, s0  }
0x1a5: {  	s7 =	sshll.u32 s0, $0x2  }
0x1a6: {  	s1 =	ssub.s32 $0x300, s7  }
0x1a7: {  	p0 =	sgt.s32 s0, $0xBF;
	s0 =	sshrl.u32 s1, $0x2  }
0x1a8: {  	s4 =	simm.s32 $0xA;
	s2 =	sshrl.u32 s22, $0x3;
	s0 =	simm.s32 @p0 $0x0  }
0x1a9: {  	s11 =	sand.u32 $0x7, s22;
	s14 =	simm.s32 $0x3708;
	_ =	swait.ge [sflag:s4], s0  }
0x1aa: {  	s8 =	ssub.s32 $0x0, s0;
	[sflag:s4] =	ssyncset.done $0x0;
	s10 =	rddreg [dreg:$0x6]  }
0x1ab: {  	s15 =	simm.s32 $0x34C8;
	[sflag:s4] =	ssyncadd.s32 s8;
	s1 =	sadd.s32 s2, s10  }
0x1ac: {  	[tilespmem:s14], [sflag:$0xB] =	stream.linear.gather [hbm4b:s1+s11], s0, $0x38;
	[tilespmem:$0xF888] =	vst v63  }
0x1ad: {  	v1 =	vld.msk [tilespmem:s15+$0x0], $0xffff;
	_ =	sdelay $0x4  }
0x1ae: {  	v1 =	vshll.u32 v1, $0x4  }
0x1af: {  	(v2sf) =	vpush v1, $0x0  }
0x1b0: {  	(v2sf) =	vpush v1, $0x1  }
0x1b1: {  	(v2sf) =	vpush v1, $0x2;
	_ =	sdelay $0x1  }
0x1b2: {  	(v2sf) =	vpush v1, $0x3;
	_ =	sdelay $0x1  }
0x1b3: {  	(v2sf) =	vpush v1, $0x4;
	_ =	sdelay $0x1  }
0x1b4: {  	(v2sf) =	vpush v1, $0x5;
	_ =	sdelay $0x1  }
0x1b5: {  	(v2sf) =	vpush v1, $0x6  }
0x1b6: {  	s5 =	simm.s32 $0x3D08  }
0x1b7: {  	s23 =	simm.s32 $0x3C08;
	s24 =	simm.s32 $0x3C88;
	s25 =	simm.s32 $0x3A08;
	(v2sf) =	vpush v1, $0x7  }
0x1b8: {  	s26 =	simm.s32 $0x3A88;
	s28 =	simm.s32 $0x3B08;
	s29 =	simm.s32 $0x3908  }
0x1b9: {  	s30 =	simm.s32 $0x3988;
	s19 =	simm.s32 $0x3888;
	s2 =	simm.s32 $0x3D88;
	(v2sf) =	vpush v1, $0x8  }
0x1ba: {  	s4 =	simm.s32 $0x3B88;
	s0 =	simm.s32 $0x3E88;
	s31 =	spop (v2sf)  }
0x1bb: {  	s1 =	simm.s32 $0x3E08;
	(v2sf) =	vpush v1, $0x9;
	s31 =	sand.u32 $0x1FFFFFF0, s31;
	s15 =	spop (v2sf)  }
0x1bc: {  	(v2sf) =	vpush v1, $0xA;
	s31 =	sadd.s32 s12, s31;
	s15 =	sand.u32 $0x1FFFFFF0, s15;
	s7 =	spop (v2sf)  }
0x1bd: {  	[tilespmem:s19], [sflag:$0x9] =	stream.linear.gather [hbm4b:s31+s17], $0x20, $0x38;
	[tilespmem:$0xF888] =	vst v63  }
0x1be: {  	(v2sf) =	vpush v1, $0xB;
	s15 =	sadd.s32 s12, s15;
	s7 =	sand.u32 $0x1FFFFFF0, s7;
	s18 =	spop (v2sf)  }
0x1bf: {  	(v2sf) =	vpush v1, $0xC;
	[tilespmem:s29], [sflag:$0x9] =	stream.linear.gather [hbm4b:s15+s17], $0x20, $0x38;
	[tilespmem:$0xF888] =	vst v63  }
0x1c0: {  	s7 =	sadd.s32 s12, s7;
	s31 =	sand.u32 $0x1FFFFFF0, s18;
	s8 =	spop (v2sf)  }
0x1c1: {  	(v2sf) =	vpush v1, $0xD;
	[tilespmem:s30], [sflag:$0x9] =	stream.linear.gather [hbm4b:s7+s17], $0x20, $0x38;
	[tilespmem:$0xF888] =	vst v63  }
0x1c2: {  	s10 =	sadd.s32 s12, s31;
	s11 =	sand.u32 $0x1FFFFFF0, s8;
	s14 =	spop (v2sf)  }
0x1c3: {  	[tilespmem:s25], [sflag:$0x9] =	stream.linear.gather [hbm4b:s10+s17], $0x20, $0x38;
	[tilespmem:$0xF888] =	vst v63  }
0x1c4: {  	s18 =	sadd.s32 s12, s11;
	s29 =	spop (v2sf);
	s25 =	sand.u32 $0x1FFFFFF0, s14  }
0x1c5: {  	(v2sf) =	vpush v1, $0xE;
	[tilespmem:s26], [sflag:$0x9] =	stream.linear.gather [hbm4b:s18+s17], $0x20, $0x38;
	[tilespmem:$0xF888] =	vst v63  }
0x1c6: {  	s31 =	sand.u32 $0x1FFFFFF0, s29;
	s8 =	spop (v2sf);
	s30 =	sadd.s32 s12, s25  }
0x1c7: {  	(v2sf) =	vpush v1, $0xF;
	[tilespmem:s28], [sflag:$0x9] =	stream.linear.gather [hbm4b:s30+s17], $0x20, $0x38;
	[tilespmem:$0xF888] =	vst v63  }
0x1c8: {  	s11 =	sand.u32 $0x1FFFFFF0, s8;
	s10 =	sadd.s32 s12, s31;
	s14 =	spop (v2sf)  }
0x1c9: {  	[tilespmem:s4], [sflag:$0x9] =	stream.linear.gather [hbm4b:s10+s17], $0x20, $0x38;
	[tilespmem:$0xF888] =	vst v63  }
0x1ca: {  	s15 =	sadd.s32 s12, s11;
	s18 =	sand.u32 $0x1FFFFFF0, s14;
	s19 =	spop (v2sf)  }
0x1cb: {  	s25 =	sadd.s32 s12, s18;
	s26 =	sand.u32 $0x1FFFFFF0, s19;
	s28 =	spop (v2sf)  }
0x1cc: {  	[tilespmem:s23], [sflag:$0x9] =	stream.linear.gather [hbm4b:s15+s17], $0x20, $0x38;
	[tilespmem:$0xF888] =	vst v63  }
0x1cd: {  	s29 =	sadd.s32 s12, s26;
	s30 =	sand.u32 $0x1FFFFFF0, s28;
	s31 =	spop (v2sf)  }
0x1ce: {  	s8 =	sadd.s32 s12, s30;
	s10 =	sand.u32 $0x1FFFFFF0, s31;
	s11 =	spop (v2sf)  }
0x1cf: {  	[tilespmem:s24], [sflag:$0x9] =	stream.linear.gather [hbm4b:s25+s17], $0x20, $0x38;
	[tilespmem:$0xF888] =	vst v63  }
0x1d0: {  	s31 =	simm.s32 $0x3F88;
	s14 =	sadd.s32 s12, s10;
	s18 =	spop (v2sf)  }
0x1d1: {  	[tilespmem:s5], [sflag:$0x9] =	stream.linear.gather [hbm4b:s29+s17], $0x20, $0x38;
	[tilespmem:$0xF888] =	vst v63  }
0x1d2: {  	s15 =	sand.u32 $0x1FFFFFF0, s11;
	s25 =	simm.s32 $0x3F08;
	s23 =	sand.u32 $0x1FFFFFF0, s18  }
0x1d3: {  	[tilespmem:s2], [sflag:$0x9] =	stream.linear.gather [hbm4b:s8+s17], $0x20, $0x38;
	[tilespmem:$0xF888] =	vst v63  }
0x1d4: {  	s19 =	sadd.s32 s12, s15;
	s24 =	spop (v2sf);
	s26 =	sadd.s32 s12, s23  }
0x1d5: {  	[tilespmem:s1], [sflag:$0x9] =	stream.linear.gather [hbm4b:s14+s17], $0x20, $0x38;
	[tilespmem:$0xF888] =	vst v63  }
0x1d6: {  	s28 =	sand.u32 $0x1FFFFFF0, s24;
	s29 =	spop (v2sf);
	s24 =	simm.s32 $0x4008  }
0x1d7: {  	[tilespmem:s0], [sflag:$0x9] =	stream.linear.gather [hbm4b:s19+s17], $0x20, $0x38;
	[tilespmem:$0xF888] =	vst v63  }
0x1d8: {  	s23 =	simm.s32 $0x0;
	s30 =	sadd.s32 s12, s28;
	s0 =	sand.u32 $0x1FFFFFF0, s29  }
0x1d9: {  	[tilespmem:s25], [sflag:$0x9] =	stream.linear.gather [hbm4b:s26+s17], $0x20, $0x38;
	[tilespmem:$0xF888] =	vst v63  }
0x1da: {  	s0 =	sadd.s32 s12, s0;
	s25 =	simm.s32 $0x4808;
	s26 =	simm.s32 $0x34D8  }
0x1db: {  	[tilespmem:s31], [sflag:$0x9] =	stream.linear.gather [hbm4b:s30+s17], $0x20, $0x38;
	[tilespmem:$0xF888] =	vst v63  }
.LBB2_5:
0x1dc: {  	[tilespmem:s24], [sflag:$0x9] =	stream.linear.gather [hbm4b:s0+s17], $0x20, $0x38;
	[tilespmem:$0xF888] =	vst v63  }
0x1dd: {  	s23 =	sadd.s32 $0x10, s23;
	s24 =	smov.u32 s25  }
0x1de: {  	p0 =	slt.u32 s23, $0xB0;
	v1 =	vld.msk [tilespmem:s26+$0x0], $0xffff;
	_ =	sdelay $0x4  }
0x1df: {  	v1 =	vshll.u32 v1, $0x4  }
0x1e0: {  	(v2sf) =	vpush v1, $0x0  }
0x1e1: {  	(v2sf) =	vpush v1, $0x1  }
0x1e2: {  	(v2sf) =	vpush v1, $0x2;
	_ =	sdelay $0x1  }
0x1e3: {  	(v2sf) =	vpush v1, $0x3;
	_ =	sdelay $0x1  }
0x1e4: {  	(v2sf) =	vpush v1, $0x4;
	_ =	sdelay $0x1  }
0x1e5: {  	(v2sf) =	vpush v1, $0x5;
	_ =	sdelay $0x1  }
0x1e6: {  	(v2sf) =	vpush v1, $0x6  }
0x1e7: {  	s29 =	sadd.s32 $0xFFFFFE80, s25;
	s28 =	sadd.s32 $0xFFFFFF00, s25  }
0x1e8: {  	s0 =	sadd.s32 $0xFFFFFD00, s25;
	s31 =	sadd.s32 $0xFFFFFD80, s25;
	s30 =	sadd.s32 $0xFFFFFE00, s25;
	(v2sf) =	vpush v1, $0x7  }
0x1e9: {  	s5 =	sadd.s32 $0xFFFFFB80, s25;
	s2 =	sadd.s32 $0xFFFFFC00, s25;
	s1 =	sadd.s32 $0xFFFFFC80, s25  }
0x1ea: {  	s4 =	sadd.s32 $0xFFFFFA00, s25;
	s7 =	sadd.s32 $0xFFFFFA80, s25;
	s15 =	sadd.s32 $0xFFFFFB00, s25;
	(v2sf) =	vpush v1, $0x8  }
0x1eb: {  	s19 =	sadd.s32 $0xFFFFF900, s25;
	s8 =	sadd.s32 $0xFFFFF980, s25;
	s10 =	spop (v2sf)  }
0x1ec: {  	s11 =	sadd.s32 $0xFFFFF880, s25;
	s10 =	sand.u32 $0x1FFFFFF0, s10;
	s14 =	spop (v2sf);
	(v2sf) =	vpush v1, $0x9  }
0x1ed: {  	s10 =	sadd.s32 s12, s10;
	s14 =	sand.u32 $0x1FFFFFF0, s14;
	s18 =	spop (v2sf)  }
0x1ee: {  	[tilespmem:s11], [sflag:$0x9] =	stream.linear.gather [hbm4b:s10+s17], $0x20, $0x38;
	(v2sf) =	vpush v1, $0xA;
	[tilespmem:$0xF888] =	vst v63  }
0x1ef: {  	s10 =	sadd.s32 s12, s14;
	s11 =	sand.u32 $0x1FFFFFF0, s18;
	s14 =	spop (v2sf)  }
0x1f0: {  	[tilespmem:s19], [sflag:$0x9] =	stream.linear.gather [hbm4b:s10+s17], $0x20, $0x38;
	(v2sf) =	vpush v1, $0xB;
	[tilespmem:$0xF888] =	vst v63  }
0x1f1: {  	s10 =	sadd.s32 s12, s11;
	s11 =	sand.u32 $0x1FFFFFF0, s14;
	s14 =	spop (v2sf)  }
0x1f2: {  	[tilespmem:s8], [sflag:$0x9] =	stream.linear.gather [hbm4b:s10+s17], $0x20, $0x38;
	(v2sf) =	vpush v1, $0xC;
	[tilespmem:$0xF888] =	vst v63  }
0x1f3: {  	s8 =	sadd.s32 s12, s11;
	s10 =	sand.u32 $0x1FFFFFF0, s14;
	s11 =	spop (v2sf)  }
0x1f4: {  	[tilespmem:s4], [sflag:$0x9] =	stream.linear.gather [hbm4b:s8+s17], $0x20, $0x38;
	(v2sf) =	vpush v1, $0xD;
	[tilespmem:$0xF888] =	vst v63  }
0x1f5: {  	s4 =	sadd.s32 s12, s10;
	s8 =	sand.u32 $0x1FFFFFF0, s11;
	s10 =	spop (v2sf)  }
0x1f6: {  	[tilespmem:s7], [sflag:$0x9] =	stream.linear.gather [hbm4b:s4+s17], $0x20, $0x38;
	(v2sf) =	vpush v1, $0xE;
	[tilespmem:$0xF888] =	vst v63  }
0x1f7: {  	s4 =	sadd.s32 s12, s8;
	s7 =	sand.u32 $0x1FFFFFF0, s10;
	s8 =	spop (v2sf)  }
0x1f8: {  	[tilespmem:s15], [sflag:$0x9] =	stream.linear.gather [hbm4b:s4+s17], $0x20, $0x38;
	(v2sf) =	vpush v1, $0xF;
	[tilespmem:$0xF888] =	vst v63  }
0x1f9: {  	s4 =	sadd.s32 s12, s7;
	s7 =	sand.u32 $0x1FFFFFF0, s8;
	s8 =	spop (v2sf)  }
0x1fa: {  	[tilespmem:s5], [sflag:$0x9] =	stream.linear.gather [hbm4b:s4+s17], $0x20, $0x38;
	[tilespmem:$0xF888] =	vst v63  }
0x1fb: {  	s4 =	sadd.s32 s12, s7;
	s5 =	sand.u32 $0x1FFFFFF0, s8;
	s7 =	spop (v2sf)  }
0x1fc: {  	[tilespmem:s2], [sflag:$0x9] =	stream.linear.gather [hbm4b:s4+s17], $0x20, $0x38;
	[tilespmem:$0xF888] =	vst v63  }
0x1fd: {  	s2 =	sadd.s32 s12, s5;
	s4 =	sand.u32 $0x1FFFFFF0, s7;
	s5 =	spop (v2sf)  }
0x1fe: {  	[tilespmem:s1], [sflag:$0x9] =	stream.linear.gather [hbm4b:s2+s17], $0x20, $0x38;
	[tilespmem:$0xF888] =	vst v63  }
0x1ff: {  	s1 =	sadd.s32 s12, s4;
	s2 =	sand.u32 $0x1FFFFFF0, s5;
	s4 =	spop (v2sf)  }
0x200: {  	[tilespmem:s0], [sflag:$0x9] =	stream.linear.gather [hbm4b:s1+s17], $0x20, $0x38;
	[tilespmem:$0xF888] =	vst v63  }
0x201: {  	s0 =	sadd.s32 s12, s2;
	s1 =	sand.u32 $0x1FFFFFF0, s4;
	s2 =	spop (v2sf)  }
0x202: {  	[tilespmem:s31], [sflag:$0x9] =	stream.linear.gather [hbm4b:s0+s17], $0x20, $0x38;
	[tilespmem:$0xF888] =	vst v63  }
0x203: {  	s0 =	sadd.s32 s12, s1;
	s1 =	sand.u32 $0x1FFFFFF0, s2;
	s2 =	spop (v2sf)  }
0x204: {  	[tilespmem:s30], [sflag:$0x9] =	stream.linear.gather [hbm4b:s0+s17], $0x20, $0x38;
	[tilespmem:$0xF888] =	vst v63  }
0x205: {  	s0 =	sadd.s32 s12, s1;
	s1 =	sand.u32 $0x1FFFFFF0, s2;
	s2 =	spop (v2sf)  }
0x206: {  	[tilespmem:s29], [sflag:$0x9] =	stream.linear.gather [hbm4b:s0+s17], $0x20, $0x38;
	[tilespmem:$0xF888] =	vst v63  }
0x207: {  	s0 =	sadd.s32 s12, s1  }
.Ltmp4:
0x208: {  	s1 =	sand.u32 $0x1FFFFFF0, s2;
	s2 =	spop (v2sf);
	(pc) =	sbr.rel @p0 .LBB2_5-.Ltmp4, $4  }
0x209: {  	[tilespmem:s28], [sflag:$0x9] =	stream.linear.gather [hbm4b:s0+s17], $0x20, $0x38;
	[tilespmem:$0xF888] =	vst v63  }
0x20a: {  	s0 =	sadd.s32 s12, s1;
	s1 =	sadd.s32 $0xFFFFFF80, s25;
	s2 =	sand.u32 $0x1FFFFFF0, s2  }
0x20b: {  	[tilespmem:s1], [sflag:$0x9] =	stream.linear.gather [hbm4b:s0+s17], $0x20, $0x38;
	[tilespmem:$0xF888] =	vst v63  }
0x20c: {  	s26 =	sadd.s32 $0x10, s26;
	s25 =	sadd.s32 $0x800, s25;
	s0 =	sadd.s32 s12, s2  }
.Ltmp5:
0x20d: {  	(pc) =	sbr.rel .LBB2_24-.Ltmp5, $3  }
0x20e: {  	_ =	sdelay $0x1  }
0x20f: {  	[tilespmem:s24], [sflag:$0x9] =	stream.linear.gather [hbm4b:s0+s17], $0x20, $0x38;
	[tilespmem:$0xF888] =	vst v63  }
0x210: {  	s10 =	rddreg [dreg:$0x5];
	s11 =	simm.s32 $0xC  }
.LBB2_7:
0x211: {  	p0 =	sgt.s32 s0, $0xB40;
	s1 =	smov.u32 s0;
	s2 =	sshra.s32 s0, $0x1F  }
0x212: {  	s1 =	simm.s32 @!p0 $0xB40;
	s2 =	sand.u32 s2, s0  }
0x213: {  	s1 =	ssub.s32 s1, s2  }
0x214: {  	s1 =	sadd.s32 $0xFFFFF4C0, s1  }
0x215: {  	s4 =	simm.s32 $0x9;
	s30 =	sshll.u32 s1, $0x2  }
0x216: {  	_ =	swait.ge [sflag:s4], $0x1800;
	s2 =	ssub.s32 $0x300, s30  }
0x217: {  	[sflag:s4] =	ssyncset.done $0x0;
	p0 =	sgt.s32 s1, $0xBF;
	s1 =	sshrl.u32 s2, $0x2  }
0x218: {  	s31 =	simm.s32 $0xB;
	[sflag:s4] =	ssyncadd.s32 $0xFFFFE800;
	s1 =	simm.s32 @p0 $0x0  }
0x219: {  	_ =	swait.ge [sflag:s31], s1  }
0x21a: {  	s1 =	ssub.s32 $0x0, s1;
	[sflag:s31] =	ssyncset.done $0x0  }
0x21b: {  	[sflag:s31] =	ssyncadd.s32 s1  }
0x21c: {  	v1 =	vld [tilespmem:$0x3088];
	_ =	sdelay $0x4  }
0x21d: {  	(v2sf) =	vpush v1, $0x0  }
0x21e: {  	(v2sf) =	vpush v1, $0x1  }
0x21f: {  	(v2sf) =	vpush v1, $0x2;
	_ =	sdelay $0x3  }
0x220: {  	s1 =	sadd.s32 $0xC0, s0  }
0x221: {  	s2 =	ssub.s32 $0x1800, s0;
	p0 =	slt.s32 s13, s1  }
0x222: {  	s1 =	smov.u32 @p0 s13;
	p0 =	sgt.s32 s2, $0x0  }
0x223: {  	s24 =	ssub.s32 s1, s0;
	s2 =	simm.s32 @!p0 $0x0  }
0x224: {  	p0 =	slt.s32 s2, s24  }
0x225: {  	s24 =	smov.u32 @p0 s2  }
0x226: {  	p0 =	slt.s32 s24, $0x1  }
.Ltmp6:
0x227: {  	_ = 	snop;
	(pc) =	sbr.rel @p0 .LBB2_11-.Ltmp6, $4  }
0x228: {  	_ = 	snop  }
0x229: {  	s0 =	spop (v2sf)  }
0x22a: {  	s1 =	spop (v2sf)  }
0x22b: {  	s23 =	spop (v2sf)  }
0x22c: {  	s2 =	smin.u32 s24, $0x10  }
0x22d: {  	v1 =	vmov s2  }
0x22e: {  	p1 =	sgt.s32 s24, $0x10;
	vm1 =	vgt.u32 v1, v0  }
.Ltmp7:
0x22f: {  	_ = 	snop;
	(pc) =	sbr.rel @!p1 .LBB2_10-.Ltmp7, $2  }
0x230: {  	_ =	sdelay $0x2  }
0x231: {  	s5 =	simm.s32 $0x10;
	s25 =	sadd.s32 $0xFFFFFFF0, s24;
	s2 =	simm.s32 $0x3708;
	vm0 =	vmmov vm1  }
.LBB2_9:
0x232: {  	s4 =	smin.u32 s25, $0x10;
	s5 =	sadd.s32 $0x10, s5;
	v1 =	vld.msk [tilespmem:s2+$0x0 ss:$0x1], vm1  }
0x233: {  	v2 =	vmov s4;
	p1 =	slt.s32 s5, s24  }
0x234: {  	vm1 =	vgt.u32 v2, v0  }
.Ltmp8:
0x235: {  	(pc) =	sbr.rel @p1 .LBB2_9-.Ltmp8, $3  }
0x236: {  	_ =	sdelay $0x1  }
0x237: {  	v1 =	vshll.u32 v1, $0x4  }
0x238: {  	s25 =	sadd.s32 $0xFFFFFFF0, s25;
	[tilespmem:s2+$0x0] =	vst.msk vm0, v1;
	s2 =	sadd.s32 $0x10, s2;
	vm0 =	vmmov vm1  }
.LBB2_10:
0x239: {  	_ =	sdelay $0x4  }
0x23a: {  	v1 =	vld.msk [tilespmem:s2+$0x0 ss:$0x1], vm1;
	_ =	sdelay $0x4  }
0x23b: {  	v1 =	vshll.u32 v1, $0x4  }
0x23c: {  	[tilespmem:s2+$0x0] =	vst.msk vm0, v1  }
.LBB2_11:
0x23d: {  	p1 =	sne.s32 s1, $0xFFFFFFFF  }
0x23e: {  	v1 =	vld.msk @!p1 [tilespmem:$0x3708], $0x1;
	_ =	sdelay $0x4  }
0x23f: {  	(v2sf) =	vpush @!p1 v1, $0x0;
	_ =	sdelay $0xc  }
.Ltmp9:
0x240: {  	_ = 	snop;
	(pc) =	sbr.rel @p0 .LBB2_22-.Ltmp9, $4  }
0x241: {  	_ = 	snop  }
0x242: {  	s29 =	spop @!p1 (v2sf)  }
0x243: {  	s23 =	simm.s32 @!p1 $0x0;
	s25 =	smov.u32 s29  }
0x244: {  	[sflag:s11] =	ssyncpa.u1 $0x0;
	s29 =	smov.u32 @p1 s0;
	s25 =	smov.u32 @p1 s1  }
0x245: {  	s26 =	simm.s32 $0x3708  }
0x246: {  	v1 =	vld.msk [tilespmem:s26+$0x0], $0x1;
	_ =	sdelay $0x4  }
0x247: {  	(v2sf) =	vpush v1, $0x0;
	_ =	sdelay $0xe  }
0x248: {  	s2 =	spop (v2sf)  }
0x249: {  	p0 =	seq.s32 s29, s2  }
0x24a: {  	p1 =	sgt.s32 @!p0 s29, $0x0  }
0x24b: {  	s1 =	smov.u32 s29;
	s0 =	sadd.s32 $0xFFFFFFFF, s24;
	p1 =	por !p1, p0  }
0x24c: {  	s1 =	simm.s32 @p1 $0x0;
	p1 =	sne.s32 s0, $0x0  }
.Ltmp10:
0x24d: {  	_ = 	snop;
	(pc) =	sbr.rel @!p1 .LBB2_14-.Ltmp10, $4  }
0x24e: {  	_ = 	snop  }
0x24f: {  	s28 =	simm.s32 $0x0;
	s5 =	simm.s32 @!p0 $0x1;
	s1 =	smin.u32 @!p0 s1, $0x27FFC  }
0x250: {  	s30 =	simm.s32 @!p0 $0x1868;
	s5 =	smov.u32 @p0 s28;
	s4 =	sand.u32 @!p0 $0x3FFF8, s1  }
0x251: {  	s31 =	sand.u32 @!p0 $0x7, s1;
	s1 =	simm.s32 $0x3709;
	s4 =	sadd.s32 @!p0 s3, s4  }
.LBB2_13:
0x252: {  	s7 =	smov.u32 s5  }
0x253: {  	[tilespmem:s30], [sflag:$0x2] =	stream.linear.gather @!p0 [hbm4b:s4+s31], $0x20, $0x38;
	[tilespmem:$0xF888] =	vst v63  }
0x254: {  	s0 =	sadd.s32 $0xFFFFFFFF, s0;
	s4 =	smov.u32 s2;
	v1 =	vld.msk [tilespmem:s1+$0x0], $0x1  }
0x255: {  	p1 =	sne.s32 s0, $0x0;
	_ =	sdelay $0x3  }
0x256: {  	(v2sf) =	vpush v1, $0x0;
	_ =	sdelay $0xe  }
0x257: {  	s2 =	spop (v2sf)  }
0x258: {  	p0 =	seq.s32 s4, s2  }
0x259: {  	p2 =	sgt.s32 @!p0 s4, $0x0;
	s8 =	sshll.u32 @!p0 s5, $0x7;
	s5 =	sadd.s32 @!p0 $0x1, s5  }
.Ltmp11:
0x25a: {  	p2 =	por !p2, p0;
	s8 =	sshra.s32 @!p0 s8, $0x2;
	(pc) =	sbr.rel @p1 .LBB2_13-.Ltmp11, $4  }
0x25b: {  	s5 =	smov.u32 @p0 s7;
	s4 =	simm.s32 @p2 $0x0;
	s30 =	sadd.s32 @!p0 $0x1868, s8  }
0x25c: {  	s4 =	smin.u32 @!p0 s4, $0x27FFC  }
0x25d: {  	s7 =	sand.u32 @!p0 $0x3FFF8, s4;
	s31 =	sand.u32 @!p0 $0x7, s4  }
0x25e: {  	s1 =	sadd.s32 $0x1, s1;
	s4 =	sadd.s32 @!p0 s3, s7  }
.LBB2_14:
0x25f: {  	[tilespmem:s30], [sflag:$0x2] =	stream.linear.gather @!p0 [hbm4b:s4+s31], $0x20, $0x38;
	[tilespmem:$0xF888] =	vst v63  }
.Ltmp12:
0x260: {  	s0 =	sshll.u32 s5, $0x5;
	(pc) =	sbr.rel .LBB2_15-.Ltmp12, $4  }
0x261: {  	s1 =	simm.s32 $0x2;
	s0 =	sand.u32 $0x3FFFFFE0, s0  }
0x262: {  	_ =	swait.ge [sflag:s1], s0  }
0x263: {  	s0 =	ssub.s32 $0x0, s0;
	[sflag:s1] =	ssyncset.done $0x0  }
0x264: {  	s2 =	simm.s32 $0x3898;
	[sflag:s1] =	ssyncadd.s32 s0;
	s1 =	simm.s32 $0x0  }
.LBB2_16:
0x265: {  	v1 =	vld [tilespmem:s2+$0xFFFFFFF0];
	_ =	sdelay $0x3  }
0x266: {  	s4 =	sshra.s32 s5, $0x2  }
0x267: {  	[tilespmem:s4+$0x48] =	vst.add.f32.msk $0xffff, v1  }
0x268: {  	v1 =	vld [tilespmem:s2+$0x0];
	_ =	sdelay $0x4  }
0x269: {  	[tilespmem:s4+$0x58] =	vst.add.f32.msk $0xffff, v1  }
.LBB2_20:
0x26a: {  	s24 =	sadd.s32 $0xFFFFFFFF, s24  }
0x26b: {  	p0 =	sne.s32 s24, $0x0  }
.Ltmp13:
0x26c: {  	_ = 	snop;
	(pc) =	sbr.rel @!p0 .LBB2_21-.Ltmp13, $2  }
0x26d: {  	_ =	sdelay $0x2  }
0x26e: {  	s2 =	sadd.s32 $0x80, s2;
	s26 =	sadd.s32 $0x1, s26;
	s29 =	smov.u32 s0  }
.LBB2_15:
0x26f: {  	v1 =	vld.msk [tilespmem:s26+$0x0], $0x1;
	_ =	sdelay $0x4  }
0x270: {  	(v2sf) =	vpush v1, $0x0;
	_ =	sdelay $0xe  }
0x271: {  	s0 =	spop (v2sf)  }
0x272: {  	p0 =	sne.s32 s29, s0  }
.Ltmp14:
0x273: {  	_ = 	snop;
	(pc) =	sbr.rel @!p0 .LBB2_16-.Ltmp14, $2  }
0x274: {  	_ =	sdelay $0x2  }
0x275: {  	s5 =	sshll.u32 s23, $0x7  }
0x276: {  	p0 =	seq.s32 s29, s25  }
.Ltmp15:
0x277: {  	_ = 	snop;
	(pc) =	sbr.rel @!p0 .LBB2_18-.Ltmp15, $1  }
0x278: {  	_ =	sdelay $0x3  }
0x279: {  	s4 =	sshra.s32 s5, $0x2  }
.Ltmp16:
0x27a: {  	s4 =	sadd.s32 $0x48, s4;
	(pc) =	sbr.rel .LBB2_19-.Ltmp16, $4  }
0x27b: {  	[spmem:s16] =	stream.linear.scatter [tilespmem:s4], [sflag:$0x1], $0x20, $0x38;
	[tilespmem:$0xF888] =	vst v63  }
0x27c: {  	_ =	swait.ge [sflag:s6], $0x20  }
0x27d: {  	[sflag:s6] =	ssyncset.done $0x0  }
0x27e: {  	[sflag:s6] =	ssyncadd.s32 $0xFFFFFFE0  }
.LBB2_18:
0x27f: {  	s4 =	sshll.u32 s28, $0x7  }
0x280: {  	s4 =	sshra.s32 s4, $0x2  }
0x281: {  	v1 =	vld [tilespmem:s4+$0x1868];
	_ =	sdelay $0x3  }
0x282: {  	s5 =	sshra.s32 s5, $0x2  }
0x283: {  	[tilespmem:s5+$0x48] =	vst.add.f32.msk $0xffff, v1  }
0x284: {  	v1 =	vld [tilespmem:s4+$0x1878];
	_ =	sdelay $0x2  }
0x285: {  	p0 =	sgt.u32 s29, $0x27FFC  }
0x286: {  	s4 =	sand.u32 @!p0 $0x3FFF8, s29  }
0x287: {  	s7 =	sadd.s32 $0x48, s5;
	s4 =	sadd.s32 @!p0 s3, s4;
	[tilespmem:s5+$0x58] =	vst.add.f32.msk $0xffff, v1;
	s5 =	sand.u32 @!p0 $0x7, s29  }
0x288: {  	[hbm4b:s4+s5] =	stream.linear.scatter @!p0 [tilespmem:s7], [sflag:$0xC], $0x20, $0x38;
	[tilespmem:$0xF888] =	vst v63  }
0x289: {  	s4 =	simm.s32 $0x0  }
0x28a: {  	s4 =	simm.s32 @!p0 $0x80  }
0x28b: {  	s1 =	sadd.s32 s4, s1  }
.LBB2_19:
0x28c: {  	s4 =	sadd.s32 $0x1, s23  }
0x28d: {  	s5 =	smulhi.u32 $0xAAAAAAAB, s4;
	_ =	sdelay $0x1  }
0x28e: {  	v1 =	vld [tilespmem:s2+$0xFFFFFFF0];
	s5 =	sshrl.u32 s5, $0x7  }
0x28f: {  	s5 =	smul.u32 $0xC0, s5;
	_ =	sdelay $0x1  }
0x290: {  	s23 =	ssub.s32 s4, s5  }
0x291: {  	s4 =	sshll.u32 s23, $0x5  }
0x292: {  	[tilespmem:s4+$0x48] =	vst v1  }
0x293: {  	v1 =	vld [tilespmem:s2+$0x0]  }
.Ltmp17:
0x294: {  	_ = 	snop;
	(pc) =	sbr.rel .LBB2_20-.Ltmp17, $2  }
0x295: {  	_ =	sdelay $0x2  }
0x296: {  	s28 =	sadd.s32 $0x1, s28;
	[tilespmem:s4+$0x58] =	vst v1  }
.LBB2_21:
.Ltmp18:
0x297: {  	(pc) =	sbr.rel .LBB2_23-.Ltmp18, $2  }
0x298: {  	_ =	sdelay $0x2  }
0x299: {  	s1 =	sshrl.u32 s1, $0x2  }
.LBB2_22:
0x29a: {  	s0 =	simm.s32 $0x2  }
0x29b: {  	_ =	swait.ge [sflag:s0], $0x0  }
0x29c: {  	s1 =	simm.s32 $0x0;
	[sflag:s0] =	ssyncset.done $0x0;
	s0 =	smov.u32 s29  }
.LBB2_23:
.Ltmp19:
0x29d: {  	_ =	swait.ge [sflag:s11], s1;
	(pc) =	sbr.rel .LBB2_24-.Ltmp19, $4  }
0x29e: {  	s31 =	ssub.s32 $0x0, s1;
	v1 =	vmov s25;
	vm0 =	veq.s32 v0, $0x0;
	[sflag:s11] =	ssyncset.done $0x0  }
0x29f: {  	vm15 =	veq.s32 v0, $0x2;
	v1 =	vsel vm0, s0, v1;
	[sflag:s11] =	ssyncadd.s32 s31  }
0x2a0: {  	v1 =	vsel vm15, s23, v1;
	[sflag:s11] =	ssyncpa.u1 $0x1  }
0x2a1: {  	[tilespmem:$0x3088] =	vst v1  }
.LBB2_25:
0x2a2: {  	_ =	sfence.sel $0x180000  }
0x2a3: {  	s0 =	simm.s32 $0x9;
	[bflag:$0x0] =	sbarrier.arrive $0xFFFF  }
0x2a4: {  	s24 =	simm.s32 $0xA;
	[sflag:s0] =	ssyncpa.u1 $0x1  }
0x2a5: {  	s25 =	simm.s32 $0xB;
	[sflag:s24] =	ssyncpa.u1 $0x1  }
0x2a6: {  	s26 =	simm.s32 $0x2;
	[sflag:s25] =	ssyncpa.u1 $0x1  }
0x2a7: {  	[sflag:s26] =	ssyncpa.u1 $0x1  }
0x2a8: {  	v0 =	vld [tilespmem:$0x3088];
	_ =	sdelay $0x4  }
0x2a9: {  	(v2sf) =	vpush v0, $0x0  }
0x2aa: {  	(v2sf) =	vpush v0, $0x1;
	_ =	sdelay $0x1  }
0x2ab: {  	(v2sf) =	vpush v0, $0x2;
	_ =	sdelay $0xb  }
0x2ac: {  	s0 =	spop (v2sf)  }
0x2ad: {  	s1 =	spop (v2sf)  }
0x2ae: {  	s2 =	smov.u32 s0;
	p0 =	sne.s32 s0, s1  }
0x2af: {  	s4 =	spop (v2sf);
	s2 =	simm.s32 @!p0 $0xFFFFFFFF  }
0x2b0: {  	v2 =	vimm.s32 $0x1;
	v3 =	vlaneseq.u32;
	p0 =	seq.s32 s4, $0xFFFFFFFF;
	v1 =	vmov s2  }
0x2b1: {  	s14 =	stileid.u32;
	v0 =	vperm.xlane v0, v2;
	p1 =	sne.s32 @!p0 s0, s1;
	v1 =	vperm.xlane v1, v3  }
0x2b2: {  	vm0 =	vcmask $0x3F04;
	s6 =	simm.s32 $0x3088;
	s0 =	simm.s32 @!p0 $0x1;
	p1 =	por !p1, p0  }
0x2b3: {  	s2 =	sshll.u32 s14, $0x1;
	s1 =	sshll.u32 @!p0 s4, $0x7;
	s0 =	simm.s32 @p1 $0x0;
	v0 =	vsel vm0, v1, v0  }
0x2b4: {  	s5 =	sor.u32 $0x400, s2;
	s1 =	sshra.s32 @!p0 s1, $0x2;
	s0 =	sor.u32 @!p0 s0, s2;
	[tilespmem:$0x3088] =	vst v0  }
0x2b5: {  	[spmem:s5] =	stream.linear.scatter [tilespmem:s6], [sflag:$0x1], $0x2, $0x38;
	[tilespmem:$0xF888] =	vst v63  }
0x2b6: {  	s1 =	sadd.s32 @!p0 $0x48, s1;
	s0 =	sshll.u32 @!p0 s0, $0x5  }
0x2b7: {  	[spmem:s0] =	stream.linear.scatter @!p0 [tilespmem:s1], [sflag:$0x1], $0x20, $0x38;
	[tilespmem:$0xF888] =	vst v63  }
0x2b8: {  	s0 =	simm.s32 @!p0 $0x22  }
0x2b9: {  	s28 =	simm.s32 $0x1;
	s0 =	simm.s32 @p0 $0x2  }
0x2ba: {  	_ =	swait.ge [sflag:s28], s0  }
0x2bb: {  	s0 =	ssub.s32 $0x0, s0;
	[sflag:s28] =	ssyncset.done $0x0  }
0x2bc: {  	p0 =	sne.s32 s14, $0x0;
	[sflag:s28] =	ssyncadd.s32 s0  }
.Ltmp20:
0x2bd: {  	_ =	sfence.stream.spmem;
	(pc) =	sbr.rel @p0 .LBB2_42-.Ltmp20, $4  }
0x2be: {  	s29 =	simm.s32 $0x3;
	[bflag:$0x0] =	sbarrier.arrive $0xFFFF  }
0x2bf: {  	s30 =	simm.s32 $0x4;
	[sflag:s29] =	ssyncpa.u1 $0x1  }
0x2c0: {  	s31 =	simm.s32 $0x3C;
	[sflag:s30] =	ssyncpa.u1 $0x1  }
0x2c1: {  	s13 =	rddreg [dreg:$0x4];
	[sflag:s31] =	ssyncpa.u1 $0x1  }
0x2c2: {  	_ =	sfence.stream.spmem;
	s0 =	simm.s32 $0x5  }
0x2c3: {  	s1 =	simm.s32 $0x400;
	s2 =	simm.s32 $0x3098;
	[sflag:s0] =	ssyncpa.u1 $0x0  }
0x2c4: {  	[tilespmem:s2], [sflag:$0x5] =	stream.linear.gather [spmem:s1], $0x20, $0x38;
	[tilespmem:$0xF888] =	vst v63  }
0x2c5: {  	s26 =	simm.s32 $0x0;
	s28 =	simm.s32 $0x30B8  }
0x2c6: {  	[tilespmem:s28], [sflag:$0x5] =	stream.linear.gather [spmem:s26], $0x400, $0x38;
	[tilespmem:$0xF888] =	vst v63  }
0x2c7: {  	_ =	swait.ge [sflag:s0], $0x420  }
0x2c8: {  	[sflag:s0] =	ssyncset.done $0x0  }
0x2c9: {  	s29 =	simm.s32 $0x0;
	[sflag:s0] =	ssyncadd.s32 $0xFFFFFBE0  }
0x2ca: {  	v0 =	vld.msk [tilespmem:s29+$0x3098], $0x1;
	_ =	sdelay $0x1  }
0x2cb: {  	s30 =	simm.s32 $0x1  }
0x2cc: {  	v1 =	vld.msk [tilespmem:s30+$0x3098], $0x1;
	_ =	sdelay $0x1  }
0x2cd: {  	(v2sf) =	vpush v0, $0x0;
	_ =	sdelay $0x2  }
0x2ce: {  	(v2sf) =	vpush v1, $0x0;
	_ =	sdelay $0x2  }
0x2cf: {  	s31 =	simm.s32 $0x2  }
0x2d0: {  	v0 =	vld.msk [tilespmem:s31+$0x3098], $0x1;
	_ =	sdelay $0x2  }
0x2d1: {  	s1 =	simm.s32 $0xFFFFFFFF;
	s2 =	simm.s32 $0xFFFFFFFF;
	s0 =	simm.s32 $0xC  }
.LBB2_27:
0x2d2: {  	s4 =	smov.u32 s2;
	s5 =	smov.u32 s1  }
0x2d3: {  	s1 =	sshra.s32 s0, $0x2;
	p1 =	sne.s32 s0, $0x7C;
	s0 =	sadd.s32 $0x4, s0;
	(v2sf) =	vpush v0, $0x0  }
0x2d4: {  	v0 =	vld.msk [tilespmem:s1+$0x3098], $0x1  }
.Ltmp21:
0x2d5: {  	(pc) =	sbr.rel @p1 .LBB2_27-.Ltmp21, $4  }
0x2d6: {  	s2 =	spop (v2sf)  }
0x2d7: {  	p2 =	sne.s32 s5, $0xFFFFFFFF;
	s1 =	smov.u32 s2  }
0x2d8: {  	p3 =	seq.s32 s2, $0xFFFFFFFF;
	s1 =	smov.u32 @p2 s5  }
0x2d9: {  	s2 =	smov.u32 @p3 s4;
	s1 =	smov.u32 @p3 s5  }
0x2da: {  	(v2sf) =	vpush v0, $0x0;
	_ =	sdelay $0x8  }
0x2db: {  	s0 =	spop (v2sf)  }
0x2dc: {  	p1 =	sne.s32 s1, $0xFFFFFFFF;
	s4 =	smov.u32 s0  }
0x2dd: {  	s9 =	simm.s32 $0x6;
	p2 =	seq.s32 s0, $0xFFFFFFFF;
	s4 =	smov.u32 @p1 s1  }
0x2de: {  	s6 =	simm.s32 $0x0;
	s4 =	smov.u32 @p2 s1;
	s1 =	spop (v2sf)  }
0x2df: {  	s0 =	smov.u32 @p2 s2;
	p1 =	sne.s32 s4, $0xFFFFFFFF;
	s5 =	smov.u32 s1  }
.Ltmp22:
0x2e0: {  	p2 =	seq.s32 s1, $0xFFFFFFFF;
	s5 =	smov.u32 @p1 s4;
	(pc) =	sbr.rel .LBB2_29-.Ltmp22, $4  }
0x2e1: {  	s10 =	simm.s32 $0x3068;
	s5 =	smov.u32 @p2 s4;
	s7 =	spop (v2sf)  }
0x2e2: {  	s11 =	simm.s32 $0x0;
	p1 =	sne.s32 s5, $0xFFFFFFFF;
	s8 =	smov.u32 s7  }
0x2e3: {  	s1 =	smov.u32 @p2 s0;
	p2 =	seq.s32 s7, $0xFFFFFFFF;
	s8 =	smov.u32 @p1 s5  }
0x2e4: {  	[sflag:s9] =	ssyncpa.u1 $0x0;
	s7 =	smov.u32 @p2 s1;
	s8 =	smov.u32 @p2 s5  }
.LBB2_35:
0x2e5: {  	p1 =	sgt.u32 s0, $0x27FFC  }
0x2e6: {  	p2 =	seq.s32 @!p1 s0, s8  }
0x2e7: {  	p1 =	por p1, p2  }
0x2e8: {  	p2 =	sne.s32 @!p1 s0, s7  }
0x2e9: {  	p1 =	por p1, !p2  }
0x2ea: {  	s0 =	sshll.u32 @p1 s11, $0x7  }
0x2eb: {  	s1 =	sand.u32 @!p1 $0x3FFF8, s0  }
0x2ec: {  	s0 =	sand.u32 @!p1 $0x7, s0;
	s1 =	sadd.s32 @!p1 s3, s1  }
0x2ed: {  	[tilespmem:s10], [sflag:$0x6] =	stream.linear.gather @!p1 [hbm4b:s1+s0], $0x20, $0x38;
	[tilespmem:$0xF888] =	vst v63  }
0x2ee: {  	_ =	swait.ge @!p1 [sflag:s9], $0x20  }
0x2ef: {  	[sflag:s9] =	ssyncset.done @!p1 $0x0  }
0x2f0: {  	[sflag:s9] =	ssyncadd.s32 @!p1 $0xFFFFFFE0  }
0x2f1: {  	v1 =	vld @!p1 [tilespmem:$0x3068];
	_ =	sdelay $0x2  }
0x2f2: {  	s0 =	sshll.u32 @!p1 s11, $0x7  }
0x2f3: {  	s1 =	sshrl.u32 @!p1 s0, $0x2  }
0x2f4: {  	[tilespmem:s1+$0x30B8] =	vst.add.f32.msk @!p1 $0xffff, v1  }
0x2f5: {  	v1 =	vld @!p1 [tilespmem:$0x3078];
	_ =	sdelay $0x4  }
0x2f6: {  	[tilespmem:s1+$0x30C8] =	vst.add.f32.msk @!p1 $0xffff, v1  }
0x2f7: {  	s0 =	sshrl.u32 s0, $0x2;
	[tilespmem:s6+$0x3098] =	vst.msk $0x1, v0  }
0x2f8: {  	v0 =	vld [tilespmem:s0+$0x30B8];
	_ =	sdelay $0x2  }
0x2f9: {  	s31 =	sshll.u32 s6, $0x7  }
0x2fa: {  	s1 =	sshra.s32 s31, $0x2  }
0x2fb: {  	[tilespmem:s1+$0x30B8] =	vst v0  }
0x2fc: {  	v0 =	vld [tilespmem:s0+$0x30C8];
	_ =	sdelay $0x4  }
0x2fd: {  	s6 =	sadd.s32 $0x1, s6;
	[tilespmem:s1+$0x30C8] =	vst v0  }
.LBB2_36:
0x2fe: {  	s11 =	sadd.s32 $0x1, s11  }
0x2ff: {  	p1 =	sne.s32 s11, $0x20  }
.Ltmp23:
0x300: {  	_ = 	snop;
	(pc) =	sbr.rel @!p1 .LBB2_37-.Ltmp23, $1  }
0x301: {  	_ =	sdelay $0x3  }
.LBB2_29:
0x302: {  	v0 =	vld.msk [tilespmem:s11+$0x3098], $0x1;
	_ =	sdelay $0x4  }
0x303: {  	(v2sf) =	vpush v0, $0x0;
	_ =	sdelay $0xe  }
0x304: {  	s0 =	spop (v2sf)  }
0x305: {  	p1 =	seq.s32 s0, $0xFFFFFFFF  }
.Ltmp24:
0x306: {  	_ = 	snop;
	(pc) =	sbr.rel @p1 .LBB2_36-.Ltmp24, $1  }
0x307: {  	_ =	sdelay $0x3  }
0x308: {  	p1 =	slt.s32 s6, $0x1  }
.Ltmp25:
0x309: {  	_ = 	snop;
	(pc) =	sbr.rel @p1 .LBB2_35-.Ltmp25, $1  }
0x30a: {  	_ =	sdelay $0x3  }
0x30b: {  	s1 =	simm.s32 $0x3098;
	p1 =	por $0x0, $0x0  }
0x30c: {  	v1 =	vld.msk @!p1 [tilespmem:s1+$0x0], $0x1;
	_ =	sdelay $0x4  }
0x30d: {  	(v2sf) =	vpush @!p1 v1, $0x0;
	_ =	sdelay $0xd  }
0x30e: {  	p3 =	sne.s32 s6, $0x1  }
.Ltmp26:
0x30f: {  	s2 =	spop @!p1 (v2sf);
	(pc) =	sbr.rel @!p3 .LBB2_33-.Ltmp26, $4  }
0x310: {  	p2 =	seq.s32 @!p1 s0, s2  }
0x311: {  	s2 =	simm.s32 $0x0;
	p2 =	por !p2, p1  }
0x312: {  	s4 =	simm.s32 $0xFFFFFFFF;
	s2 =	simm.s32 @p2 $0xFFFFFFFF  }
0x313: {  	s5 =	simm.s32 $0x1;
	s2 =	smov.u32 @p1 s4  }
.LBB2_32:
0x314: {  	s4 =	smov.u32 s2;
	p1 =	sne.s32 s2, $0xFFFFFFFF  }
0x315: {  	s1 =	sadd.s32 $0x1, s1;
	s2 =	smov.u32 s5;
	s5 =	sadd.s32 $0x1, s5  }
0x316: {  	p2 =	sne.s32 s6, s5;
	v1 =	vld.msk @!p1 [tilespmem:s1+$0x0], $0x1;
	_ =	sdelay $0x4  }
0x317: {  	(v2sf) =	vpush @!p1 v1, $0x0;
	_ =	sdelay $0xe  }
.Ltmp27:
0x318: {  	s12 =	spop @!p1 (v2sf);
	(pc) =	sbr.rel @p2 .LBB2_32-.Ltmp27, $4  }
0x319: {  	p3 =	seq.s32 @!p1 s0, s12  }
0x31a: {  	p3 =	por !p3, p1  }
0x31b: {  	s2 =	simm.s32 @p3 $0xFFFFFFFF  }
0x31c: {  	s2 =	smov.u32 @p1 s4  }
.LBB2_33:
0x31d: {  	p1 =	seq.s32 s2, $0xFFFFFFFF  }
.Ltmp28:
0x31e: {  	_ = 	snop;
	(pc) =	sbr.rel @p1 .LBB2_35-.Ltmp28, $1  }
0x31f: {  	_ =	sdelay $0x3  }
0x320: {  	s0 =	sshll.u32 s11, $0x5  }
0x321: {  	s0 =	sand.u32 $0x3FFFFFE0, s0  }
0x322: {  	v0 =	vld [tilespmem:s0+$0x30B8];
	_ =	sdelay $0x2  }
0x323: {  	s1 =	sshll.u32 s2, $0x7  }
0x324: {  	s1 =	sshra.s32 s1, $0x2  }
0x325: {  	[tilespmem:s1+$0x30B8] =	vst.add.f32.msk $0xffff, v0  }
0x326: {  	v0 =	vld [tilespmem:s0+$0x30C8]  }
.Ltmp29:
0x327: {  	_ = 	snop;
	(pc) =	sbr.rel .LBB2_36-.Ltmp29, $2  }
0x328: {  	_ =	sdelay $0x2  }
0x329: {  	[tilespmem:s1+$0x30C8] =	vst.add.f32.msk $0xffff, v0  }
.LBB2_37:
0x32a: {  	s0 =	simm.s32 $0x6;
	p1 =	seq.s32 s6, $0x0  }
0x32b: {  	[sflag:s0] =	ssyncpa.u1 $0x1;
	v0 =	vimm.s32 @p1 $0xFFFFFFFF  }
0x32c: {  	s0 =	sadd.s32 $0xFFFFFFFF, s6;
	[tilespmem:$0x34B8] =	vst @p1 v0  }
0x32d: {  	v0 =	vld.msk @!p1 [tilespmem:s0+$0x3098], $0x1;
	_ =	sdelay $0x1  }
0x32e: {  	v1 =	vld.msk @!p1 [tilespmem:$0x3098], $0x1;
	_ =	sdelay $0x2  }
0x32f: {  	p2 =	seq.s32 @!p1 s0, $0x0;
	v0 =	vbroadcast @!p1 v0, $0x0  }
0x330: {  	vm0 =	vmmov @!p1 $0x1;
	p2 =	por !p2, p1  }
0x331: {  	v1 =	vnsel @!p1 vm0, $0xFFFFFFFF, v1;
	vm0 =	vcmask @!p1 $0x308;
	v0 =	vpsel !p2, $0xFFFFFFFF, v0  }
0x332: {  	p2 =	sne.s32 @!p1 s8, s7;
	v0 =	vsel @!p1 vm0, v1, v0  }
0x333: {  	s1 =	simm.s32 @!p1 $0x30B8;
	s2 =	simm.s32 @!p1 $0x0;
	p3 =	por !p2, p1;
	[tilespmem:$0x34B8] =	vst @!p1 v0  }
0x334: {  	[spmem:s2] =	stream.linear.scatter @!p1 [tilespmem:s1], [sflag:$0x1], $0x20, $0x38;
	[tilespmem:$0xF888] =	vst v63  }
0x335: {  	s1 =	sshll.u32 @!p3 s0, $0x7  }
0x336: {  	s1 =	sshra.s32 @!p3 s1, $0x2  }
0x337: {  	s2 =	simm.s32 @!p3 $0x20;
	s1 =	sadd.s32 @!p3 $0x30B8, s1  }
0x338: {  	[spmem:s2] =	stream.linear.scatter @!p3 [tilespmem:s1], [sflag:$0x1], $0x20, $0x38;
	[tilespmem:$0xF888] =	vst v63  }
0x339: {  	s1 =	simm.s32 @!p3 $0x1  }
0x33a: {  	_ =	swait.ge @!p3 [sflag:s1], $0x40  }
0x33b: {  	p1 =	por p2, p1;
	[sflag:s1] =	ssyncset.done @!p3 $0x0  }
0x33c: {  	[sflag:s1] =	ssyncadd.s32 @!p3 $0xFFFFFFC0;
	s1 =	simm.s32 @!p1 $0x1  }
0x33d: {  	_ =	swait.ge @!p1 [sflag:s1], $0x20  }
0x33e: {  	s29 =	simm.s32 $0x34B8;
	[sflag:s1] =	ssyncset.done @!p1 $0x0  }
0x33f: {  	s30 =	simm.s32 $0x400;
	s31 =	simm.s32 $0x1;
	[sflag:s1] =	ssyncadd.s32 @!p1 $0xFFFFFFE0  }
0x340: {  	[spmem:s30] =	stream.linear.scatter [tilespmem:s29], [sflag:$0x1], $0x10, $0x38;
	[tilespmem:$0xF888] =	vst v63  }
0x341: {  	_ =	swait.ge [sflag:s31], $0x10  }
0x342: {  	[sflag:s31] =	ssyncset.done $0x0  }
0x343: {  	p1 =	seq.s32 s13, $0x0;
	s9 =	rddreg [dreg:$0x1];
	[sflag:s31] =	ssyncadd.s32 $0xFFFFFFF0  }
0x344: {  	s2 =	sshll.u32 @p1 s9, $0xE;
	s8 =	rddreg [dreg:$0x2]  }
0x345: {  	s1 =	sadd.s32 @p1 $0x15C3C, s2;
	s2 =	sshll.u32 @p1 s8, $0x11  }
0x346: {  	_ =	sfence.stream.spmem;
	s1 =	sor.u32 @p1 s2, s1  }
0x347: {  	[sflag:s1] =	ssyncadd.remote.s32 @p1 $0x1;
	s1 =	simm.s32 @p1 $0x4  }
0x348: {  	s4 =	simm.s32 @!p1 $0x3C;
	s2 =	sand.u32 $0xFFFFFFFE, s9;
	_ =	swait.ge @p1 [sflag:s1], $0xA  }
0x349: {  	s5 =	simm.s32 @!p1 $0x0;
	s2 =	sadd.s32 @!p1 $0x4, s2;
	[sflag:s1] =	ssyncset.done @p1 $0x0  }
0x34a: {  	s7 =	simm.s32 @!p1 $0x40;
	[sflag:s1] =	ssyncadd.s32 @p1 $0xFFFFFFF6;
	s1 =	sshll.u32 @!p1 s2, $0x1A  }
0x34b: {  	s2 =	sshll.u32 @!p1 s2, $0xD;
	s1 =	sor.u32 @!p1 s1, s8;
	_ =	swait.eq @!p1 [sflag:s4], $0x1  }
0x34c: {  	s2 =	sor.u32 @!p1 $0x1C04, s2;
	s4 =	simm.s32 @!p1 $0x1C03;
	s1 =	sor.u32 @!p1 $0x80004000, s1  }
0x34d: {  	[spmem:s7], [sflag:s2] =	dma.general @!p1 [spmem:s5], [sflag:s4], length:$0x8, [dreg:$0x0], stride_count:$0x0, ici_dest:s1, dma_misc:DstOpCode:WRITE  }
0x34e: {  	p2 =	slt.s32 s0, $0x2;
	s5 =	simm.s32 @!p1 $0x80;
	s7 =	simm.s32 @!p1 $0x82  }
0x34f: {  	[spmem:s7], [sflag:s2] =	dma.general @!p1 [spmem:s5], [sflag:s4], length:$0x2, [dreg:$0x0], stride_count:$0x0, ici_dest:s1, dma_misc:DstOpCode:WRITE  }
.Ltmp30:
0x350: {  	s1 =	simm.s32 @!p1 $0x3;
	(pc) =	sbr.rel @p2 .LBB2_41-.Ltmp30, $4  }
0x351: {  	s2 =	sshll.u32 @!p1 s9, $0xE;
	_ =	swait.ge @!p1 [sflag:s1], $0xA  }
0x352: {  	s4 =	sshll.u32 @!p1 s8, $0x11;
	s2 =	sadd.s32 @!p1 $0x11C3C, s2;
	[sflag:s1] =	ssyncset.done @!p1 $0x0  }
0x353: {  	[sflag:s1] =	ssyncadd.s32 @!p1 $0xFFFFFFF6;
	s1 =	sor.u32 @!p1 s4, s2  }
0x354: {  	s0 =	simm.s32 $0x0;
	[sflag:s1] =	ssyncadd.remote.s32 @!p1 $0xFFFFFFFF  }
0x355: {  	s0 =	simm.s32 $0x3099  }
0x356: {  	v0 =	vld.msk [tilespmem:s0+$0x0], $0x1;
	_ =	sdelay $0x4  }
0x357: {  	(v2sf) =	vpush v0, $0x0;
	_ =	sdelay $0xc  }
0x358: {  	s1 =	sadd.s32 $0xFFFFFFFE, s6  }
0x359: {  	s1 =	sadd.s32 $0xFFFFFFFF, s1  }
0x35a: {  	p2 =	sne.s32 s1, $0x0;
	s2 =	spop (v2sf)  }
.Ltmp31:
0x35b: {  	p1 =	sgt.u32 s2, $0x27FFC;
	(pc) =	sbr.rel @!p2 .LBB2_40-.Ltmp31, $4  }
0x35c: {  	s6 =	simm.s32 $0x0;
	s4 =	sand.u32 @!p1 $0x3FFF8, s2  }
0x35d: {  	s0 =	simm.s32 $0x30D8;
	s2 =	sand.u32 @!p1 $0x7, s2;
	s4 =	sadd.s32 @!p1 s3, s4  }
0x35e: {  	[hbm4b:s4+s2] =	stream.linear.scatter @!p1 [tilespmem:s0], [sflag:$0x5], $0x20, $0x38;
	[tilespmem:$0xF888] =	vst v63  }
0x35f: {  	s5 =	simm.s32 $0x309A;
	s6 =	simm.s32 @!p1 $0x80;
	s2 =	simm.s32 $0x0  }
.LBB2_39:
0x360: {  	v0 =	vld.msk [tilespmem:s5+$0x0], $0x1;
	s1 =	sadd.s32 $0xFFFFFFFF, s1;
	s2 =	sadd.s32 s2, s6  }
0x361: {  	p1 =	sne.s32 s1, $0x0;
	_ =	sdelay $0x3  }
0x362: {  	(v2sf) =	vpush v0, $0x0;
	_ =	sdelay $0xe  }
.Ltmp32:
0x363: {  	s4 =	spop (v2sf);
	(pc) =	sbr.rel @p1 .LBB2_39-.Ltmp32, $4  }
0x364: {  	s6 =	simm.s32 $0x0;
	p2 =	sgt.u32 s4, $0x27FFC  }
0x365: {  	s0 =	sadd.s32 $0x20, s0;
	s6 =	simm.s32 @!p2 $0x80;
	s7 =	sand.u32 @!p2 $0x3FFF8, s4  }
0x366: {  	s5 =	sadd.s32 $0x1, s5;
	s4 =	sand.u32 @!p2 $0x7, s4;
	s7 =	sadd.s32 @!p2 s3, s7  }
0x367: {  	[hbm4b:s7+s4] =	stream.linear.scatter @!p2 [tilespmem:s0], [sflag:$0x5], $0x20, $0x38;
	[tilespmem:$0xF888] =	vst v63  }
.LBB2_40:
0x368: {  	s0 =	sadd.s32 s2, s6  }
0x369: {  	s0 =	sshrl.u32 s0, $0x2  }
.LBB2_41:
0x36a: {  	s1 =	simm.s32 $0x5  }
0x36b: {  	_ =	swait.ge [sflag:s1], s0  }
0x36c: {  	s31 =	ssub.s32 $0x0, s0;
	[sflag:s1] =	ssyncset.done $0x0  }
0x36d: {  	[sflag:s1] =	ssyncadd.s32 s31  }
0x36e: {  	[sflag:s1] =	ssyncpa.u1 $0x1  }
.LBB2_42:
0x36f: {  	s0 =	sor.u32 s13, s14  }
0x370: {  	p1 =	sne.s32 s0, $0x0  }
.Ltmp33:
0x371: {  	_ = 	snop;
	(pc) =	sbr.rel @p1 .LBB2_57-.Ltmp33, $3  }
0x372: {  	_ =	sdelay $0x1  }
0x373: {  	[bflag:$0x0] =	sbarrier.arrive $0xFFFF  }
0x374: {  	_ =	sfence  }
0x375: {  	s0 =	simm.s32 $0x7  }
0x376: {  	s1 =	simm.s32 $0x400;
	s2 =	simm.s32 $0x3098;
	[sflag:s0] =	ssyncpa.u1 $0x0  }
0x377: {  	[tilespmem:s2], [sflag:$0x7] =	stream.linear.gather [spmem:s1], $0x20, $0x38;
	[tilespmem:$0xF888] =	vst v63  }
0x378: {  	s30 =	simm.s32 $0x30B8;
	s1 =	simm.s32 $0x0  }
0x379: {  	[tilespmem:s30], [sflag:$0x7] =	stream.linear.gather [spmem:s1], $0x400, $0x38;
	[tilespmem:$0xF888] =	vst v63  }
.Ltmp34:
0x37a: {  	_ = 	snop;
	(pc) =	sbr.rel .LBB2_44-.Ltmp34, $4  }
0x37b: {  	_ =	swait.ge [sflag:s0], $0x420  }
0x37c: {  	[sflag:s0] =	ssyncset.done $0x0  }
0x37d: {  	s31 =	simm.s32 $0x8;
	[sflag:s0] =	ssyncadd.s32 $0xFFFFFBE0  }
0x37e: {  	s2 =	simm.s32 $0x0;
	[sflag:s31] =	ssyncpa.u1 $0x0  }
.LBB2_50:
0x37f: {  	p1 =	slt.u32 s0, $0x27FFD  }
0x380: {  	s4 =	sand.u32 @p1 $0x3FFF8, s0  }
0x381: {  	s0 =	sand.u32 @p1 $0x7, s0;
	s5 =	simm.s32 @p1 $0x3068;
	s4 =	sadd.s32 @p1 s3, s4  }
0x382: {  	[tilespmem:s5], [sflag:$0x8] =	stream.linear.gather @p1 [hbm4b:s4+s0], $0x20, $0x38;
	[tilespmem:$0xF888] =	vst v63  }
0x383: {  	s0 =	simm.s32 @p1 $0x8  }
0x384: {  	_ =	swait.ge @p1 [sflag:s0], $0x20  }
0x385: {  	[sflag:s0] =	ssyncset.done @p1 $0x0  }
0x386: {  	[sflag:s0] =	ssyncadd.s32 @p1 $0xFFFFFFE0  }
0x387: {  	v1 =	vld @p1 [tilespmem:$0x3068];
	_ =	sdelay $0x2  }
0x388: {  	s0 =	sshll.u32 @p1 s2, $0x7  }
0x389: {  	s4 =	sshrl.u32 @p1 s0, $0x2  }
0x38a: {  	[tilespmem:s4+$0x30B8] =	vst.add.f32.msk @p1 $0xffff, v1  }
0x38b: {  	v1 =	vld @p1 [tilespmem:$0x3078];
	_ =	sdelay $0x3  }
0x38c: {  	s5 =	sshll.u32 @!p1 s2, $0x7  }
0x38d: {  	s5 =	smov.u32 @p1 s0;
	[tilespmem:s4+$0x30C8] =	vst.add.f32.msk @p1 $0xffff, v1  }
0x38e: {  	s0 =	sshrl.u32 s5, $0x2;
	[tilespmem:s1+$0x3098] =	vst.msk $0x1, v0  }
0x38f: {  	v0 =	vld [tilespmem:s0+$0x30B8];
	_ =	sdelay $0x2  }
0x390: {  	s31 =	sshll.u32 s1, $0x7  }
0x391: {  	s4 =	sshra.s32 s31, $0x2  }
0x392: {  	[tilespmem:s4+$0x30B8] =	vst v0  }
0x393: {  	v0 =	vld [tilespmem:s0+$0x30C8];
	_ =	sdelay $0x4  }
0x394: {  	s1 =	sadd.s32 $0x1, s1;
	[tilespmem:s4+$0x30C8] =	vst v0  }
.LBB2_51:
0x395: {  	s2 =	sadd.s32 $0x1, s2  }
0x396: {  	p1 =	sne.s32 s2, $0x20  }
.Ltmp35:
0x397: {  	_ = 	snop;
	(pc) =	sbr.rel @!p1 .LBB2_52-.Ltmp35, $1  }
0x398: {  	_ =	sdelay $0x3  }
.LBB2_44:
0x399: {  	v0 =	vld.msk [tilespmem:s2+$0x3098], $0x1;
	_ =	sdelay $0x4  }
0x39a: {  	(v2sf) =	vpush v0, $0x0;
	_ =	sdelay $0xe  }
0x39b: {  	s0 =	spop (v2sf)  }
0x39c: {  	p1 =	seq.s32 s0, $0xFFFFFFFF  }
.Ltmp36:
0x39d: {  	_ = 	snop;
	(pc) =	sbr.rel @p1 .LBB2_51-.Ltmp36, $1  }
0x39e: {  	_ =	sdelay $0x3  }
0x39f: {  	p1 =	slt.s32 s1, $0x1  }
.Ltmp37:
0x3a0: {  	_ = 	snop;
	(pc) =	sbr.rel @p1 .LBB2_50-.Ltmp37, $1  }
0x3a1: {  	_ =	sdelay $0x3  }
0x3a2: {  	s4 =	simm.s32 $0x3098;
	p1 =	por $0x0, $0x0  }
0x3a3: {  	v1 =	vld.msk @!p1 [tilespmem:s4+$0x0], $0x1;
	_ =	sdelay $0x4  }
0x3a4: {  	(v2sf) =	vpush @!p1 v1, $0x0;
	_ =	sdelay $0xd  }
0x3a5: {  	p3 =	sne.s32 s1, $0x1  }
.Ltmp38:
0x3a6: {  	s5 =	spop @!p1 (v2sf);
	(pc) =	sbr.rel @!p3 .LBB2_48-.Ltmp38, $4  }
0x3a7: {  	p2 =	seq.s32 @!p1 s0, s5  }
0x3a8: {  	s5 =	simm.s32 $0x0;
	p2 =	por !p2, p1  }
0x3a9: {  	s7 =	simm.s32 $0xFFFFFFFF;
	s5 =	simm.s32 @p2 $0xFFFFFFFF  }
0x3aa: {  	s6 =	simm.s32 $0x1;
	s5 =	smov.u32 @p1 s7  }
.LBB2_47:
0x3ab: {  	s7 =	smov.u32 s5;
	p1 =	sne.s32 s5, $0xFFFFFFFF  }
0x3ac: {  	s4 =	sadd.s32 $0x1, s4;
	s5 =	smov.u32 s6;
	s6 =	sadd.s32 $0x1, s6  }
0x3ad: {  	p2 =	sne.s32 s1, s6;
	v1 =	vld.msk @!p1 [tilespmem:s4+$0x0], $0x1;
	_ =	sdelay $0x4  }
0x3ae: {  	(v2sf) =	vpush @!p1 v1, $0x0;
	_ =	sdelay $0xe  }
.Ltmp39:
0x3af: {  	s8 =	spop @!p1 (v2sf);
	(pc) =	sbr.rel @p2 .LBB2_47-.Ltmp39, $4  }
0x3b0: {  	p3 =	seq.s32 @!p1 s0, s8  }
0x3b1: {  	p3 =	por !p3, p1  }
0x3b2: {  	s5 =	simm.s32 @p3 $0xFFFFFFFF  }
0x3b3: {  	s5 =	smov.u32 @p1 s7  }
.LBB2_48:
0x3b4: {  	p1 =	seq.s32 s5, $0xFFFFFFFF  }
.Ltmp40:
0x3b5: {  	_ = 	snop;
	(pc) =	sbr.rel @p1 .LBB2_50-.Ltmp40, $1  }
0x3b6: {  	_ =	sdelay $0x3  }
0x3b7: {  	s0 =	sshll.u32 s2, $0x5  }
0x3b8: {  	s0 =	sand.u32 $0x3FFFFFE0, s0  }
0x3b9: {  	v0 =	vld [tilespmem:s0+$0x30B8];
	_ =	sdelay $0x2  }
0x3ba: {  	s4 =	sshll.u32 s5, $0x7  }
0x3bb: {  	s4 =	sshra.s32 s4, $0x2  }
0x3bc: {  	[tilespmem:s4+$0x30B8] =	vst.add.f32.msk $0xffff, v0  }
0x3bd: {  	v0 =	vld [tilespmem:s0+$0x30C8]  }
.Ltmp41:
0x3be: {  	_ = 	snop;
	(pc) =	sbr.rel .LBB2_51-.Ltmp41, $2  }
0x3bf: {  	_ =	sdelay $0x2  }
0x3c0: {  	[tilespmem:s4+$0x30C8] =	vst.add.f32.msk $0xffff, v0  }
.LBB2_52:
0x3c1: {  	p1 =	slt.s32 s1, $0x1  }
.Ltmp42:
0x3c2: {  	_ = 	snop;
	(pc) =	sbr.rel @p1 .LBB2_56-.Ltmp42, $3  }
0x3c3: {  	_ =	sdelay $0x1  }
0x3c4: {  	s0 =	simm.s32 $0x8  }
0x3c5: {  	[sflag:s0] =	ssyncpa.u1 $0x1;
	s0 =	simm.s32 $0x0  }
0x3c6: {  	s2 =	simm.s32 $0x3098  }
0x3c7: {  	v0 =	vld.msk [tilespmem:s2+$0x0], $0x1;
	_ =	sdelay $0x4  }
0x3c8: {  	(v2sf) =	vpush v0, $0x0;
	_ =	sdelay $0xe  }
0x3c9: {  	s1 =	sadd.s32 $0xFFFFFFFF, s1;
	s4 =	spop (v2sf)  }
0x3ca: {  	p2 =	sne.s32 s1, $0x0;
	p1 =	sgt.u32 s4, $0x27FFC  }
.Ltmp43:
0x3cb: {  	s5 =	sand.u32 @!p1 $0x3FFF8, s4;
	(pc) =	sbr.rel @!p2 .LBB2_55-.Ltmp43, $4  }
0x3cc: {  	s2 =	simm.s32 $0x30B8;
	s4 =	sand.u32 @!p1 $0x7, s4;
	s5 =	sadd.s32 @!p1 s3, s5  }
0x3cd: {  	[hbm4b:s5+s4] =	stream.linear.scatter @!p1 [tilespmem:s2], [sflag:$0x7], $0x20, $0x38;
	[tilespmem:$0xF888] =	vst v63  }
0x3ce: {  	s5 =	simm.s32 $0x0  }
0x3cf: {  	s4 =	simm.s32 $0x3099;
	s5 =	simm.s32 @!p1 $0x80  }
.LBB2_54:
0x3d0: {  	v0 =	vld.msk [tilespmem:s4+$0x0], $0x1;
	s1 =	sadd.s32 $0xFFFFFFFF, s1;
	s0 =	sadd.s32 s0, s5  }
0x3d1: {  	p1 =	sne.s32 s1, $0x0;
	_ =	sdelay $0x3  }
0x3d2: {  	(v2sf) =	vpush v0, $0x0;
	_ =	sdelay $0xe  }
.Ltmp44:
0x3d3: {  	s6 =	spop (v2sf);
	(pc) =	sbr.rel @p1 .LBB2_54-.Ltmp44, $4  }
0x3d4: {  	s5 =	simm.s32 $0x0;
	p2 =	sgt.u32 s6, $0x27FFC  }
0x3d5: {  	s2 =	sadd.s32 $0x20, s2;
	s5 =	simm.s32 @!p2 $0x80;
	s7 =	sand.u32 @!p2 $0x3FFF8, s6  }
0x3d6: {  	s4 =	sadd.s32 $0x1, s4;
	s6 =	sand.u32 @!p2 $0x7, s6;
	s7 =	sadd.s32 @!p2 s3, s7  }
0x3d7: {  	[hbm4b:s7+s6] =	stream.linear.scatter @!p2 [tilespmem:s2], [sflag:$0x7], $0x20, $0x38;
	[tilespmem:$0xF888] =	vst v63  }
.LBB2_55:
0x3d8: {  	s0 =	sadd.s32 s0, s5  }
0x3d9: {  	s0 =	sshrl.u32 s0, $0x2  }
.LBB2_56:
0x3da: {  	s1 =	simm.s32 $0x7  }
0x3db: {  	_ =	swait.ge [sflag:s1], s0  }
0x3dc: {  	s31 =	ssub.s32 $0x0, s0;
	[sflag:s1] =	ssyncset.done $0x0  }
0x3dd: {  	[sflag:s1] =	ssyncadd.s32 s31  }
0x3de: {  	[sflag:s1] =	ssyncpa.u1 $0x1  }
.LBB2_57:
0x3df: {  	_ =	sfence;
	s0 =	simm.s32 $0x1  }
0x3e0: {  	[sflag:s0] =	ssyncpa.u1 $0x1  }
0x3e1: {  	_ =	strace $0x9000005C  }
0x3e2: {  	[bflag:$0x2] =	sbarrier.arrive $0xFFFF  }
0x3e3: {  	s0 =	rddreg [dreg:$0x3]  }
0x3e4: {  	s0 =	sadd.s32 @!p0 $0x100000, s0  }
0x3e5: {  	[sflag:s0] =	ssyncadd.tile.s32 @!p0 $0x1;
	_ =	shalt  }
.Lfunc_end2:
_tile_overlayer_lowered:
.L_overlay_start_2:
0x3e6: {  	(tag) =	ssettag $0x2  }
0x3e7: {  	s0 =	rddreg [dreg:$0x0];
	s2 =	stileid.u32  }
0x3e8: {  	s1 =	rddreg [dreg:$0x1];
	p0 =	sne.s32 s2, $0x0  }
0x3e9: {  	s3 =	rddreg [dreg:$0x2];
	[bflag:$0x3] =	sbarrier.arrive $0xFFFF;
	s2 =	simm.s32 @!p0 $0x1C01  }
0x3ea: {  	[timem:s3], [sflag:s2] =	dma.local @!p0 [hbm:s0], s1  }
0x3eb: {  	s0 =	simm.s32 @!p0 $0x1  }
0x3ec: {  	_ =	swait.ge @!p0 [sflag:s0], s1  }
0x3ed: {  	s1 =	ssub.s32 @!p0 $0x0, s1;
	[sflag:s0] =	ssyncset.done @!p0 $0x0  }
0x3ee: {  	[sflag:s0] =	ssyncadd.s32 @!p0 s1  }
0x3ef: {  	[bflag:$0x3] =	sbarrier.arrive $0xFFFF  }
0x3f0: {  	_ =	shalt  }

// kernel: scatter_offload_async_start
scs
__scs_entry_jumppad:
0x0: {  	(pc) =	sbr.rel $0x88, $3  }
0x1: {  	(tag) =	ssettag $0x0;
	lr =	simm.s32 $0x1  }
0x2: {  	[smem:$0x3F7C] =	sst lr;
	_ =	strace $0xD0000000  }
0x3: {  	_ = 	snop  }
0x4: {  	_ = 	snop  }
0x5: {  	_ = 	snop  }
0x6: {  	_ = 	snop  }
0x7: {  	_ = 	snop  }
__scs_overlays_trampoline_lowered:
0x8: {  	[smem:$0x3F8B] =	sst s0  }
0x9: {  	[smem:$0x3F8C] =	sst s1  }
0xa: {  	[smem:$0x3F8D] =	sst s2  }
0xb: {  	[smem:$0x3F8E] =	sst s3  }
0xc: {  	[smem:$0x3F8F] =	sst s4  }
0xd: {  	[smem:$0x3F90] =	sst s5  }
0xe: {  	[smem:$0x3F91] =	sst s6  }
0xf: {  	[smem:$0x3F92] =	sst s7  }
0x10: {  	[smem:$0x3F93] =	sst s8  }
0x11: {  	[smem:$0x3F94] =	sst s9;
	s0 =	simm.s32 @!p0 $0x0  }
0x12: {  	s1 =	sld [smem:$0x3F7A];
	s0 =	simm.s32 @p0 $0x1  }
0x13: {  	[smem:$0x3F95] =	sst s0;
	s0 =	simm.s32 @!p1 $0x0  }
0x14: {  	s2 =	sld [smem:$0x3F79];
	s0 =	simm.s32 @p1 $0x1  }
0x15: {  	[smem:$0x3F96] =	sst s0;
	s0 =	simm.s32 @!p2 $0x0  }
0x16: {  	s3 =	sld [smem:$0x3FDB];
	s0 =	simm.s32 @p2 $0x1  }
0x17: {  	s4 =	simm.s32 $0x1BF5;
	[smem:$0x3F98] =	sst s0  }
0x18: {  	s0 =	sld [smem:$0x3F7B];
	_ =	swait.ge [sflag:s4], $0x0  }
0x19: {  	s7 =	sld [smem:$0x3F7C]  }
0x1a: {  	s8 =	sadd.s32 $0xFFFFE003, lr  }
0x1b: {  	s9 =	sadd.s32 $0xFFFFFEF7, lr;
	s5 =	simm.s32 $0xFFFFFFFF;
	p2 =	slt.u32 s8, $0xFFFFF086  }
0x1c: {  	p1 =	slt.u32 s9, $0xF7A;
	s5 =	simm.s32 @!p2 $0x0  }
0x1d: {  	s5 =	simm.s32 @p1 $0x1;
	p0 =	seq.s32 s7, s2  }
0x1e: {  	s7 =	smul.u32 @!p0 $0xF7A, s2;
	p2 =	seq.s32 @!p0 s5, $0x0  }
0x1f: {  	s9 =	smul.u32 $0xF7A, s1;
	s8 =	simm.s32 @!p0 $0x1BF5;
	p2 =	por !p2, p0  }
0x20: {  	[sflag:s8] =	ssyncset.s32 @!p0 $0xFFFFF086;
	s6 =	sadd.s32 @!p0 s3, s7;
	s7 =	simm.s32 @!p0 $0x108  }
0x21: {  	s3 =	sadd.s32 s3, s9;
	s6 =	sadd.s32 @!p0 $0x88, s6;
	s7 =	simm.s32 @p2 $0x1082  }
0x22: {  	[simem:s7], [sflag:s8] =	dma.local @!p0 [hbm:s6], $0xF7A  }
0x23: {  	s9 =	sor.u32 $0xD0000000, s2;
	s6 =	simm.s32 $0x108;
	_ =	swait.ge @!p0 [sflag:s8], $0x0  }
0x24: {  	s3 =	sadd.s32 $0x88, s3;
	s6 =	simm.s32 @!p1 $0x1082;
	[sflag:s4] =	ssyncset.s32 $0xFFFFF086  }
0x25: {  	[simem:s6], [sflag:s4] =	dma.local [hbm:s3], $0xF7A  }
0x26: {  	[smem:$0x3F7C] =	sst s1;
	(tag) =	ssettag s2;
	_ =	strace s9  }
0x27: {  	s1 =	sld [smem:$0x3F8C]  }
0x28: {  	s2 =	sld [smem:$0x3F8D]  }
0x29: {  	s4 =	sld [smem:$0x3F8F]  }
0x2a: {  	p0 =	seq.s32 s5, $0x0;
	s5 =	sld [smem:$0x3F90]  }
0x2b: {  	s6 =	sld [smem:$0x3F91]  }
0x2c: {  	s7 =	sld [smem:$0x3F92]  }
0x2d: {  	s3 =	simm.s32 $0x108;
	s8 =	sld [smem:$0x3F93]  }
0x2e: {  	s3 =	simm.s32 @!p0 $0x1082;
	s9 =	sld [smem:$0x3F94]  }
0x2f: {  	lr =	sadd.s32 s0, s3;
	s0 =	sld [smem:$0x3F8B]  }
0x30: {  	s3 =	sld [smem:$0x3F8E]  }
0x31: {  	[smem:$0x3F97] =	sst s10  }
0x32: {  	s10 =	sld [smem:$0x3F95];
	_ =	sdelay $0x3  }
0x33: {  	p0 =	seq.s32 s10, $0x1;
	s10 =	sld [smem:$0x3F97];
	_ =	sdelay $0x3  }
0x34: {  	[smem:$0x3F97] =	sst s10  }
0x35: {  	s10 =	sld [smem:$0x3F96];
	_ =	sdelay $0x3  }
0x36: {  	p1 =	seq.s32 s10, $0x1;
	s10 =	sld [smem:$0x3F97];
	_ =	sdelay $0x3  }
0x37: {  	[smem:$0x3F97] =	sst s10  }
0x38: {  	s10 =	sld [smem:$0x3F98]  }
0x39: {  	_ = 	snop;
	(pc) =	sbr.ind lr, $3  }
0x3a: {  	_ = 	snop  }
0x3b: {  	_ = 	snop  }
0x3c: {  	p2 =	seq.s32 s10, $0x1;
	s10 =	sld [smem:$0x3F97]  }
0x3d: {  	_ =	shalt  }
0x3e: {  	_ =	shalt  }
0x3f: {  	_ =	shalt  }
0x40: {  	_ =	shalt  }
0x41: {  	_ =	shalt  }
0x42: {  	_ =	shalt  }
0x43: {  	_ =	shalt  }
0x44: {  	_ =	shalt  }
0x45: {  	_ =	shalt  }
0x46: {  	_ =	shalt  }
0x47: {  	_ =	shalt  }
0x48: {  	_ =	shalt  }
0x49: {  	_ =	shalt  }
0x4a: {  	_ =	shalt  }
0x4b: {  	_ =	shalt  }
0x4c: {  	_ =	shalt  }
0x4d: {  	_ =	shalt  }
0x4e: {  	_ =	shalt  }
0x4f: {  	_ =	shalt  }
0x50: {  	_ =	shalt  }
0x51: {  	_ =	shalt  }
0x52: {  	_ =	shalt  }
0x53: {  	_ =	shalt  }
0x54: {  	_ =	shalt  }
0x55: {  	_ =	shalt  }
0x56: {  	_ =	shalt  }
0x57: {  	_ =	shalt  }
0x58: {  	_ =	shalt  }
0x59: {  	_ =	shalt  }
0x5a: {  	_ =	shalt  }
0x5b: {  	_ =	shalt  }
0x5c: {  	_ =	shalt  }
0x5d: {  	_ =	shalt  }
0x5e: {  	_ =	shalt  }
0x5f: {  	_ =	shalt  }
0x60: {  	_ =	shalt  }
0x61: {  	_ =	shalt  }
0x62: {  	_ =	shalt  }
0x63: {  	_ =	shalt  }
0x64: {  	_ =	shalt  }
0x65: {  	_ =	shalt  }
0x66: {  	_ =	shalt  }
0x67: {  	_ =	shalt  }
0x68: {  	_ =	shalt  }
0x69: {  	_ =	shalt  }
0x6a: {  	_ =	shalt  }
0x6b: {  	_ =	shalt  }
0x6c: {  	_ =	shalt  }
0x6d: {  	_ =	shalt  }
0x6e: {  	_ =	shalt  }
0x6f: {  	_ =	shalt  }
0x70: {  	_ =	shalt  }
0x71: {  	_ =	shalt  }
0x72: {  	_ =	shalt  }
0x73: {  	_ =	shalt  }
0x74: {  	_ =	shalt  }
0x75: {  	_ =	shalt  }
0x76: {  	_ =	shalt  }
0x77: {  	_ =	shalt  }
0x78: {  	_ =	shalt  }
0x79: {  	_ =	shalt  }
0x7a: {  	_ =	shalt  }
0x7b: {  	_ =	shalt  }
0x7c: {  	_ =	shalt  }
0x7d: {  	_ =	shalt  }
0x7e: {  	_ =	shalt  }
0x7f: {  	_ =	shalt  }
0x80: {  	_ =	shalt  }
0x81: {  	_ =	shalt  }
0x82: {  	_ =	shalt  }
0x83: {  	_ =	shalt  }
0x84: {  	_ =	shalt  }
0x85: {  	_ =	shalt  }
0x86: {  	_ =	shalt  }
0x87: {  	_ =	shalt  }
.Lfunc_end0:
.L_simem_size_0:
called_computation_lowered:
.L_overlay_start_0:
0x88: {  	s2 =	sld [smem:$0x3FD9]  }
0x89: {  	s3 =	sld [smem:$0x3FFE];
	_ =	sdelay $0x1  }
0x8a: {  	s1 =	srdreg.scid  }
0x8b: {  	s0 =	sand.u32 $0x1, s1  }
0x8c: {  	s12 =	sshll.u32 s0, $0xA;
	s2 =	sadd.s32 s3, s2  }
0x8d: {  	s2 =	sadd.s32 s2, s12  }
0x8e: {  	[smem:$0x3FA3] =	sst s2  }
0x8f: {  	_ = 	snop  }
0x90: {  	s4 =	sld [smem:$0x3FD0];
	(tm) =	ssettm $0x1  }
0x91: {  	s13 =	sld [smem:$0x3FFB];
	_ =	sdelay $0x3  }
0x92: {  	_ =	strace s13  }
0x93: {  	s2 =	sld [smem:$0x3FFC];
	_ =	sdelay $0x3  }
0x94: {  	_ =	strace s2  }
0x95: {  	s2 =	sld [smem:$0x3FFD];
	_ =	sdelay $0x3  }
0x96: {  	_ =	strace s2  }
0x97: {  	_ =	strace $0x8FFFFFFF  }
0x98: {  	s14 =	sld [smem:$0x3FDB];
	_ =	sdelay $0x1  }
0x99: {  	s15 =	simm.s32 $_scs_section_size  }
0x9a: {  	s5 =	simm.s32 $_size__tile_overlayer_lowered;
	s6 =	simm.s32 $_tile_overlayer_lowered  }
0x9b: {  	s19 =	simm.s32 $0x1BFF;
	s17 =	sshll.u32 s6, $0x1;
	s7 =	sadd.s32 s15, s14  }
0x9c: {  	s20 =	simm.s32 $0x0;
	s16 =	sshll.u32 s5, $0x1;
	s18 =	sadd.s32 s17, s7  }
0x9d: {  	[timem:s20], [sflag:s19] =	dma.local [hbm:s18], s16  }
0x9e: {  	_ =	swait.ge [sflag:s19], s16  }
0x9f: {  	s3 =	ssub.s32 $0x0, s16;
	[sflag:s19] =	ssyncset.done $0x0  }
0xa0: {  	[sflag:s19] =	ssyncadd.s32 s3;
	_ =	sdelay $0x1  }
0xa1: {  	s21 =	simm.s32 $0x1B8B  }
0xa2: {  	_ =	swait.ge [sflag:s21], $0x1  }
0xa3: {  	[sflag:s21] =	ssyncset.done $0x0  }
0xa4: {  	[sflag:s21] =	ssyncadd.s32 $0xFFFFFFFF  }
0xa5: {  	s3 =	sld [smem:$0x0]  }
0xa6: {  	s5 =	sand.u32 $0xFFFFFFFE, s1  }
0xa7: {  	p0 =	sne.s32 s1, s5  }
0xa8: {  	s5 =	sshll.u32 @p0 s5, $0xE  }
0xa9: {  	s6 =	sadd.s32 @p0 $0x11B8D, s5;
	s8 =	sshll.u32 @p0 s3, $0x11  }
0xaa: {  	s6 =	sor.u32 @p0 s8, s6  }
0xab: {  	[sflag:s6] =	ssyncadd.remote.s32 @p0 $0x1;
	_ =	sdelay $0x1  }
0xac: {  	s6 =	simm.s32 @p0 $0x1B8D  }
0xad: {  	_ =	swait.eq @p0 [sflag:s6], $0x1  }
0xae: {  	[sflag:s6] =	ssyncadd.s32 @p0 $0xFFFFFFFF  }
0xaf: {  	s8 =	sshll.u32 @!p0 s1, $0xE  }
0xb0: {  	s8 =	sor.u32 @!p0 $0x4000, s8;
	s6 =	simm.s32 @!p0 $0x1B8D  }
0xb1: {  	s10 =	sshll.u32 @!p0 s3, $0x11;
	s9 =	sadd.s32 @!p0 $0x11B8D, s8;
	_ =	swait.eq @!p0 [sflag:s6], $0x1  }
0xb2: {  	[sflag:s6] =	ssyncadd.s32 @!p0 $0xFFFFFFFF;
	s6 =	sor.u32 @!p0 s10, s9  }
0xb3: {  	s23 =	simm.s32 $0x1B8E;
	s22 =	sld [smem:$0x3FFE];
	[sflag:s6] =	ssyncadd.remote.s32 @!p0 $0x1  }
0xb4: {  	s24 =	simm.s32 $execute0_lowered;
	[smem:$0x3FD2] =	sst s23  }
0xb5: {  	s9 =	sshll.u32 s24, $0x1;
	_ =	strace $0x80000055;
	[dreg:$0x1] =	wrdreg $0xFFFFFFFF  }
0xb6: {  	s25 =	simm.s32 $_size_execute0_lowered;
	s9 =	sadd.s32 s7, s9;
	[dreg:$0x0] =	wrdreg $0x0  }
0xb7: {  	s10 =	sshll.u32 s25, $0x1;
	[dreg:$0x2] =	wrdreg s9  }
0xb8: {  	[dreg:$0x3] =	wrdreg s10  }
0xb9: {  	[dreg:$0x4] =	wrdreg $0xC0  }
0xba: {  	s26 =	simm.s32 $execute1_lowered;
	_ =	task [dreg:s20], $0x5FFFF  }
0xbb: {  	s9 =	sshll.u32 s26, $0x1;
	[dreg:$0x1] =	wrdreg $0xFFFFFFFF  }
0xbc: {  	s7 =	sadd.s32 s7, s9;
	[dreg:$0x0] =	wrdreg $0x60  }
0xbd: {  	[dreg:$0x2] =	wrdreg s7  }
0xbe: {  	[dreg:$0x3] =	wrdreg s4  }
0xbf: {  	[dreg:$0x4] =	wrdreg s22  }
0xc0: {  	[dreg:$0x5] =	wrdreg $0x9  }
0xc1: {  	_ =	task.clear_ibuf [dreg:s20], $0x6FFFF;
	_ =	strace $0x90000055  }
0xc2: {  	s28 =	simm.s32 $0x9;
	_ =	strace $0x80000057  }
0xc3: {  	_ =	swait.ge [sflag:s28], $0x1  }
0xc4: {  	[sflag:s28] =	ssyncadd.s32 $0xFFFFFFFF  }
0xc5: {  	_ =	strace $0x90000057  }
0xc6: {  	s4 =	sld [smem:$0x0];
	_ =	sdelay $0x3  }
0xc7: {  	s5 =	sadd.s32 @p0 $0x11BF3, s5;
	s7 =	sshll.u32 @p0 s4, $0x11  }
0xc8: {  	s5 =	sor.u32 @p0 s7, s5  }
0xc9: {  	[sflag:s5] =	ssyncadd.remote.s32 @p0 $0x1;
	_ =	sdelay $0x1  }
0xca: {  	s5 =	simm.s32 @p0 $0x1BF3  }
0xcb: {  	_ =	swait.eq @p0 [sflag:s5], $0x1  }
0xcc: {  	[sflag:s5] =	ssyncadd.s32 @p0 $0xFFFFFFFF;
	_ =	sdelay $0x1  }
0xcd: {  	s5 =	simm.s32 @!p0 $0x1BF3  }
0xce: {  	s4 =	sshll.u32 @!p0 s4, $0x11;
	s7 =	sadd.s32 @!p0 $0x11BF3, s8;
	_ =	swait.eq @!p0 [sflag:s5], $0x1  }
0xcf: {  	s4 =	sor.u32 @!p0 s4, s7;
	[sflag:s5] =	ssyncadd.s32 @!p0 $0xFFFFFFFF  }
0xd0: {  	[sflag:s4] =	ssyncadd.remote.s32 @!p0 $0x1  }
0xd1: {  	_ =	strace $0x80000058;
	[dreg:$0x1] =	wrdreg $0xFFFFFFFF  }
0xd2: {  	[dreg:$0x0] =	wrdreg $0x2030  }
0xd3: {  	[dreg:$0x2] =	wrdreg s22  }
0xd4: {  	[dreg:$0x3] =	wrdreg s1  }
0xd5: {  	[dreg:$0x4] =	wrdreg s3  }
0xd6: {  	[dreg:$0x5] =	wrdreg $0xA  }
0xd7: {  	_ =	task.clear_ibuf [dreg:s20], $0x6FFFF;
	_ =	strace $0x90000058  }
0xd8: {  	s29 =	simm.s32 $0xA;
	_ =	strace $0x8000005A  }
0xd9: {  	_ =	swait.ge [sflag:s29], $0x1  }
0xda: {  	[sflag:s29] =	ssyncadd.s32 $0xFFFFFFFF  }
0xdb: {  	_ =	strace $0x9000005A  }
0xdc: {  	_ =	sfence  }
0xdd: {  	s30 =	sld [smem:$0x0];
	_ =	sdelay $0x2  }
0xde: {  	s31 =	sshll.u32 s1, $0xD;
	s1 =	sshrl.u32 s1, $0x2  }
0xdf: {  	s4 =	sand.u32 $0x4000, s31;
	s1 =	sadd.s32 s1, s30  }
0xe0: {  	s0 =	sor.u32 s4, s0;
	s1 =	sshll.u32 s1, $0x11  }
0xe1: {  	s0 =	sor.u32 s1, s0  }
0xe2: {  	s0 =	sadd.s32 $0x8F2B, s0  }
0xe3: {  	[sflag:s0] =	ssyncadd.remote.s32 $0x1  }
0xe4: {  	_ =	sfence.sel $0xFFFF  }
0xe5: {  	[dreg:$0x0] =	wrdreg $0xFFFFFFFF;
	(pc) =	sbr.abs _section_cstart, $3  }
0xe6: {  	[dreg:$0x1] =	wrdreg $0xFFFFFFFF  }
0xe7: {  	_ =	task.clear_ibuf [dreg:s20], $0x2FFFF;
	_ =	strace $0x9FFFFFFF  }
0xe8: {  	(tm) =	ssettm $0x7FFFFFFF  }
0xe9: {  	_ =	shalt  }
tec
execute0_lowered:
.L_overlay_start_1:
0x0: {  	(tag) =	ssettag $0x1  }
0x1: {  	s3 =	rddreg [dreg:$0x0]  }
0x2: {  	s2 =	rddreg [dreg:$0x1]  }
0x3: {  	s4 =	rddreg [dreg:$0x2]  }
0x4: {  	s0 =	rddreg [dreg:$0x3]  }
0x5: {  	s5 =	stileid.u32;
	[bflag:$0x3] =	sbarrier.arrive $0xFFFF;
	s1 =	simm.s32 $_size_execute1_lowered  }
0x6: {  	s29 =	srdreg.scid;
	s31 =	simm.s32 $0x2;
	p0 =	sne.s32 s5, $0x0  }
0x7: {  	s1 =	sshll.u32 s1, $0x1;
	s6 =	simm.s32 @!p0 $0x1C3F;
	s7 =	simm.s32 @!p0 $0x4060  }
0x8: {  	[timem:s7], [sflag:s6] =	dma.local @!p0 [hbm:s3], s1  }
0x9: {  	s8 =	simm.s32 $0x0;
	s12 =	simm.s32 $0x0;
	s3 =	sshll.u32 s29, $0x7  }
.Ltmp0:
0xa: {  	s5 =	sshll.u32 s5, $0x8;
	s3 =	sand.u32 $0x80, s3;
	(pc) =	sbr.rel .LBB2_1-.Ltmp0, $4  }
0xb: {  	s10 =	simm.s32 $0x0;
	s11 =	simm.s32 $0x0;
	s3 =	sor.u32 s5, s3  }
0xc: {  	_ =	strace $0x80000056;
	s5 =	simm.s32 $0x1;
	s30 =	ssub.s32 $0x2700, s3  }
0xd: {  	s4 =	sadd.s32 $0xF2C00, s4;
	[sflag:s5] =	ssyncpa.u1 $0x0;
	s6 =	sshrl.u32 s30, $0xC  }
0xe: {  	s9 =	smov.u32 s3;
	[sflag:s31] =	ssyncpa.u1 $0x0;
	s7 =	sadd.s32 $0x2, s6  }
.LBB2_4:
0xf: {  	_ = 	snop  }
.LBB2_7:
0x10: {  	_ =	sdelay $0x3  }
0x11: {  	[tilespmem:v0+s16+$0x0 ss:$0x1] =	vst.idx.msk @p1 $0xffff, v2  }
0x12: {  	v56 =	vld.idx.msk [tilespmem:v1+s15+$0x0 ss:$0x1], $0xffff;
	s24 =	sor.u32 $0x70, s15;
	[tilespmem:v0+s17+$0x0 ss:$0x1] =	vst.idx.msk @p1 $0xffff, v4  }
0x13: {  	s25 =	sor.u32 $0x10, s15;
	[tilespmem:v0+s18+$0x0 ss:$0x1] =	vst.idx.msk @p1 $0xffff, v3;
	v57 =	vld.idx.msk [tilespmem:v1+s24+$0x0 ss:$0x1], $0xffff  }
0x14: {  	s26 =	sor.u32 $0x20, s15;
	[tilespmem:v0+s19+$0x0 ss:$0x1] =	vst.idx.msk @p1 $0xffff, v5;
	v58 =	vld.idx.msk [tilespmem:v1+s25+$0x0 ss:$0x1], $0xffff  }
0x15: {  	s28 =	sor.u32 $0x30, s15;
	[tilespmem:v0+s20+$0x0 ss:$0x1] =	vst.idx.msk @p1 $0xffff, v6;
	v59 =	vld.idx.msk [tilespmem:v1+s26+$0x0 ss:$0x1], $0xffff  }
0x16: {  	s29 =	sor.u32 $0x40, s15;
	[tilespmem:v0+s21+$0x0 ss:$0x1] =	vst.idx.msk @p1 $0xffff, v7;
	v60 =	vld.idx.msk [tilespmem:v1+s28+$0x0 ss:$0x1], $0xffff  }
0x17: {  	s30 =	sor.u32 $0x50, s15;
	v61 =	vld.idx.msk [tilespmem:v1+s29+$0x0 ss:$0x1], $0xffff;
	[tilespmem:v0+s15+$0x0 ss:$0x1] =	vst.idx.msk $0xffff, v56  }
0x18: {  	s31 =	sor.u32 $0x60, s15;
	v62 =	vld.idx.msk [tilespmem:v1+s30+$0x0 ss:$0x1], $0xffff;
	[tilespmem:v0+s24+$0x0 ss:$0x1] =	vst.idx.msk $0xffff, v57  }
0x19: {  	v63 =	vld.idx.msk [tilespmem:v1+s31+$0x0 ss:$0x1], $0xffff;
	[tilespmem:v0+s25+$0x0 ss:$0x1] =	vst.idx.msk $0xffff, v58  }
0x1a: {  	[tilespmem:v0+s26+$0x0 ss:$0x1] =	vst.idx.msk $0xffff, v59  }
0x1b: {  	[tilespmem:v0+s28+$0x0 ss:$0x1] =	vst.idx.msk $0xffff, v60  }
0x1c: {  	[tilespmem:v0+s29+$0x0 ss:$0x1] =	vst.idx.msk $0xffff, v61  }
0x1d: {  	[tilespmem:v0+s30+$0x0 ss:$0x1] =	vst.idx.msk $0xffff, v62  }
0x1e: {  	[tilespmem:v0+s31+$0x0 ss:$0x1] =	vst.idx.msk $0xffff, v63  }
.LBB2_8:
0x1f: {  	s15 =	sand.u32 $0x1FFFFFF, s10  }
0x20: {  	s16 =	smulhi.u32 $0x1A36E2F, s15;
	_ =	sdelay $0x1  }
0x21: {  	s16 =	sshrl.u32 s16, $0x6  }
0x22: {  	s16 =	smul.u32 $0x2710, s16;
	_ =	sdelay $0x1  }
0x23: {  	s15 =	ssub.s32 s15, s16  }
0x24: {  	s15 =	sshll.u32 s15, $0x4  }
0x25: {  	s15 =	sadd.s32 s4, s15  }
0x26: {  	[hbm4b:s15+s8] =	stream.linear.scatter [tilespmem:s14], [sflag:$0x2], s13, $0x38;
	[tilespmem:$0x10000] =	vst v63  }
.LBB2_9:
0x27: {  	p1 =	slt.u32 s11, $0x2  }
0x28: {  	p2 =	sgt.s32 @!p1 s12, $0x2690  }
0x29: {  	s13 =	smov.u32 s12;
	s14 =	sshra.s32 @!p1 s12, $0x1F;
	p2 =	por !p2, p1  }
0x2a: {  	s12 =	sand.u32 @!p1 s14, s12;
	s13 =	simm.s32 @p2 $0x2690  }
0x2b: {  	s12 =	ssub.s32 @!p1 s13, s12  }
0x2c: {  	s12 =	sadd.s32 @!p1 $0xFFFFD970, s12  }
0x2d: {  	s13 =	sshll.u32 @!p1 s12, $0x9  }
0x2e: {  	p2 =	sgt.s32 @!p1 s12, $0x7F;
	s12 =	ssub.s32 @!p1 $0x10000, s13  }
0x2f: {  	s14 =	sadd.s32 $0x1000, s9;
	p2 =	por !p2, p1;
	s12 =	sshrl.u32 @!p1 s12, $0x2  }
0x30: {  	s12 =	simm.s32 @!p2 $0x0;
	p2 =	sgt.s32 s14, $0x270F  }
0x31: {  	s14 =	smov.u32 @p2 s3;
	p2 =	sne.s32 s11, s7  }
.Ltmp1:
0x32: {  	_ = 	snop;
	(pc) =	sbr.rel @!p2 .LBB2_10-.Ltmp1, $4  }
0x33: {  	s13 =	simm.s32 @!p1 $0x2  }
0x34: {  	_ =	swait.ge @!p1 [sflag:s13], s12;
	s15 =	ssub.s32 @!p1 $0x0, s12  }
0x35: {  	s12 =	smov.u32 s10;
	s11 =	sadd.s32 $0x1, s11;
	[sflag:s13] =	ssyncset.done @!p1 $0x0  }
0x36: {  	s10 =	smov.u32 s9;
	s9 =	smov.u32 s14;
	[sflag:s13] =	ssyncadd.s32 @!p1 s15  }
.LBB2_1:
0x37: {  	p1 =	sgt.u32 s11, s6  }
0x38: {  	s13 =	sand.u32 @!p1 $0x1FFFFFF, s9  }
0x39: {  	p2 =	sgt.s32 @!p1 s9, $0x2690;
	s14 =	smulhi.u32 @!p1 $0x1A36E2F, s13  }
0x3a: {  	s15 =	smov.u32 s9;
	s16 =	sshra.s32 @!p1 s9, $0x1F;
	p2 =	por !p2, p1  }
0x3b: {  	s16 =	sand.u32 @!p1 s16, s9;
	s15 =	simm.s32 @p2 $0x2690;
	s14 =	sshrl.u32 @!p1 s14, $0x6  }
0x3c: {  	s15 =	ssub.s32 @!p1 s15, s16;
	s14 =	smul.u32 @!p1 $0x2710, s14  }
0x3d: {  	s16 =	sxor.u32 @!p1 $0xFFFFFFFF, s11;
	s15 =	sadd.s32 @!p1 $0xFFFFD970, s15  }
0x3e: {  	s16 =	sshll.u32 @!p1 s16, $0xE;
	s13 =	ssub.s32 @!p1 s13, s14;
	s14 =	sshll.u32 @!p1 s15, $0x9  }
0x3f: {  	s16 =	sand.u32 @!p1 $0x4000, s16;
	p2 =	sgt.s32 @!p1 s15, $0x7F;
	s14 =	ssub.s32 @!p1 $0x10000, s14  }
0x40: {  	p2 =	por !p2, p1;
	s13 =	sshll.u32 @!p1 s13, $0x4;
	s14 =	sshrl.u32 @!p1 s14, $0x2  }
0x41: {  	s15 =	simm.s32 @!p1 $0x0;
	s13 =	sadd.s32 @!p1 s2, s13;
	s14 =	simm.s32 @!p2 $0x0  }
0x42: {  	[tilespmem:s16], [sflag:$0x1] =	stream.linear.gather @!p1 [hbm4b:s13+s15], s14, $0x38;
	[tilespmem:$0x10000] =	vst v63  }
0x43: {  	p1 =	seq.s32 s11, $0x0  }
0x44: {  	p2 =	sge.u32 @!p1 s11, s7  }
0x45: {  	p1 =	por p1, p2  }
.Ltmp2:
0x46: {  	_ = 	snop;
	(pc) =	sbr.rel @p1 .LBB2_9-.Ltmp2, $1  }
0x47: {  	_ =	sdelay $0x3  }
0x48: {  	p1 =	sgt.s32 s10, $0x2690;
	s13 =	smov.u32 s10;
	s14 =	sshra.s32 s10, $0x1F  }
0x49: {  	s13 =	simm.s32 @!p1 $0x2690;
	s14 =	sand.u32 s14, s10  }
0x4a: {  	s13 =	ssub.s32 s13, s14  }
0x4b: {  	s13 =	sadd.s32 $0xFFFFD970, s13  }
0x4c: {  	s31 =	sshll.u32 s13, $0x9  }
0x4d: {  	s14 =	ssub.s32 $0x10000, s31  }
0x4e: {  	p1 =	sgt.s32 s13, $0x7F;
	s13 =	sshrl.u32 s14, $0x2;
	s14 =	sadd.s32 $0x80, s10  }
0x4f: {  	s13 =	simm.s32 @p1 $0x0;
	p1 =	slt.s32 s14, $0x2710  }
0x50: {  	s14 =	simm.s32 @!p1 $0x2710  }
0x51: {  	s16 =	ssub.s32 s14, s10  }
0x52: {  	p1 =	slt.s32 s16, $0x1  }
.Ltmp3:
0x53: {  	_ = 	snop;
	(pc) =	sbr.rel @p1 .LBB2_8-.Ltmp3, $4  }
0x54: {  	_ = 	snop  }
0x55: {  	s15 =	sshll.u32 s11, $0xE;
	_ =	swait.ge [sflag:s5], s13  }
0x56: {  	s15 =	sand.u32 $0x4000, s15;
	s17 =	ssub.s32 $0x0, s13;
	[sflag:s5] =	ssyncset.done $0x0  }
0x57: {  	s14 =	sor.u32 $0x8000, s15;
	[sflag:s5] =	ssyncadd.s32 s17  }
0x58: {  	p2 =	sne.s32 s16, $0x1  }
.Ltmp4:
0x59: {  	v1 =	vmov s15;
	v0 =	vmov s14;
	(pc) =	sbr.rel @!p2 .LBB2_4-.Ltmp4, $3  }
0x5a: {  	_ =	sdelay $0x1  }
0x5b: {  	s17 =	simm.s32 $0x0  }
0x5c: {  	s23 =	sadd.s32 $0xFFFFFFFF, s16;
	p1 =	por $0x0, $0x0;
	s15 =	sand.u32 $0x3F80, s17  }
0x5d: {  	_ =	sdelay $0x3  }
0x5e: {  	v6 =	vld.idx.msk [tilespmem:v1+s15+$0x0 ss:$0x1], $0xffff;
	s24 =	sor.u32 $0x70, s15  }
0x5f: {  	s16 =	sor.u32 $0x10, s15;
	v8 =	vld.idx.msk [tilespmem:v1+s24+$0x0 ss:$0x1], $0xffff  }
0x60: {  	s17 =	sor.u32 $0x20, s15;
	p2 =	sne.s32 s23, $0x1;
	v2 =	vld.idx.msk [tilespmem:v1+s16+$0x0 ss:$0x1], $0xffff  }
.Ltmp5:
0x61: {  	s18 =	sor.u32 $0x30, s15;
	v4 =	vld.idx.msk [tilespmem:v1+s17+$0x0 ss:$0x1], $0xffff;
	(pc) =	sbr.rel @!p2 .LBB2_7-.Ltmp5, $4  }
0x62: {  	s19 =	sor.u32 $0x40, s15;
	v3 =	vld.idx.msk [tilespmem:v1+s18+$0x0 ss:$0x1], $0xffff  }
0x63: {  	s21 =	sor.u32 $0x60, s15;
	v5 =	vld.idx.msk [tilespmem:v1+s19+$0x0 ss:$0x1], $0xffff  }
0x64: {  	s20 =	sor.u32 $0x50, s15;
	s22 =	simm.s32 $0x80;
	v7 =	vld.idx.msk [tilespmem:v1+s21+$0x0 ss:$0x1], $0xffff;
	[tilespmem:v0+s15+$0x0 ss:$0x1] =	vst.idx.msk $0xffff, v6  }
0x65: {  	s23 =	sadd.s32 $0xFFFFFFFF, s23;
	p1 =	por $0x1, $0x1;
	v6 =	vld.idx.msk [tilespmem:v1+s20+$0x0 ss:$0x1], $0xffff;
	s15 =	sand.u32 $0x3F80, s22;
	[tilespmem:v0+s24+$0x0 ss:$0x1] =	vst.idx.msk $0xffff, v8  }
.LBB2_6:
0x66: {  	p2 =	sne.s32 s23, $0x1;
	v8 =	vld.idx.msk [tilespmem:v1+s15+$0x0 ss:$0x1], $0xffff;
	s24 =	sor.u32 $0x70, s15;
	[tilespmem:v0+s16+$0x0 ss:$0x1] =	vst.idx.msk $0xffff, v2;
	s16 =	sor.u32 $0x10, s15  }
0x67: {  	s25 =	sor.u32 $0x30, s15;
	s26 =	sor.u32 $0x40, s15;
	v9 =	vld.idx.msk [tilespmem:v1+s24+$0x0 ss:$0x1], $0xffff;
	[tilespmem:v0+s17+$0x0 ss:$0x1] =	vst.idx.msk $0xffff, v4;
	s17 =	sor.u32 $0x20, s15  }
0x68: {  	s28 =	sor.u32 $0x50, s15;
	s29 =	sor.u32 $0x60, s15;
	v2 =	vld.idx.msk [tilespmem:v1+s16+$0x0 ss:$0x1], $0xffff;
	[tilespmem:v0+s18+$0x0 ss:$0x1] =	vst.idx.msk $0xffff, v3;
	s18 =	smov.u32 s25  }
.Ltmp6:
0x69: {  	v4 =	vld.idx.msk [tilespmem:v1+s17+$0x0 ss:$0x1], $0xffff;
	[tilespmem:v0+s19+$0x0 ss:$0x1] =	vst.idx.msk $0xffff, v5;
	s19 =	smov.u32 s26;
	(pc) =	sbr.rel @p2 .LBB2_6-.Ltmp6, $4  }
0x6a: {  	v3 =	vld.idx.msk [tilespmem:v1+s18+$0x0 ss:$0x1], $0xffff;
	[tilespmem:v0+s20+$0x0 ss:$0x1] =	vst.idx.msk $0xffff, v6;
	s20 =	smov.u32 s28  }
0x6b: {  	v5 =	vld.idx.msk [tilespmem:v1+s19+$0x0 ss:$0x1], $0xffff;
	[tilespmem:v0+s21+$0x0 ss:$0x1] =	vst.idx.msk $0xffff, v7;
	s21 =	smov.u32 s29  }
0x6c: {  	s22 =	sadd.s32 $0x80, s22;
	[tilespmem:v0+s15+$0x0 ss:$0x1] =	vst.idx.msk $0xffff, v8;
	v6 =	vld.idx.msk [tilespmem:v1+s20+$0x0 ss:$0x1], $0xffff  }
0x6d: {  	s23 =	sadd.s32 $0xFFFFFFFF, s23;
	s15 =	sand.u32 $0x3F80, s22;
	v7 =	vld.idx.msk [tilespmem:v1+s21+$0x0 ss:$0x1], $0xffff;
	[tilespmem:v0+s24+$0x0 ss:$0x1] =	vst.idx.msk $0xffff, v9  }
.Ltmp7:
0x6e: {  	_ = 	snop;
	(pc) =	sbr.rel .LBB2_7-.Ltmp7, $1  }
0x6f: {  	_ =	sdelay $0x3  }
.LBB2_10:
0x70: {  	_ =	sfence.sel $0x180000  }
0x71: {  	s2 =	simm.s32 $0x1;
	[bflag:$0x0] =	sbarrier.arrive $0xFFFF  }
0x72: {  	s31 =	simm.s32 $0x2;
	[sflag:s2] =	ssyncpa.u1 $0x1  }
0x73: {  	[sflag:s31] =	ssyncpa.u1 $0x1  }
0x74: {  	_ =	strace $0x90000056  }
0x75: {  	s0 =	sadd.s32 @!p0 $0x100000, s0;
	[bflag:$0x2] =	sbarrier.arrive $0xFFFF  }
0x76: {  	[sflag:s0] =	ssyncadd.tile.s32 @!p0 $0x1;
	s0 =	simm.s32 @!p0 $0x3F  }
0x77: {  	_ =	swait.ge @!p0 [sflag:s0], s1  }
0x78: {  	s1 =	ssub.s32 @!p0 $0x0, s1;
	[sflag:s0] =	ssyncset.done @!p0 $0x0  }
0x79: {  	[sflag:s0] =	ssyncadd.s32 @!p0 s1  }
0x7a: {  	[bflag:$0x3] =	sbarrier.arrive $0xFFFF  }
0x7b: {  	_ =	shalt  }
.Lfunc_end2:
execute1_lowered:
.L_overlay_start_2:
0x7c: {  	(tag) =	ssettag $0x2  }
0x7d: {  	s2 =	rddreg [dreg:$0x0]  }
0x7e: {  	s3 =	rddreg [dreg:$0x1];
	_ =	strace $0x80000059;
	s0 =	simm.s32 $0x1  }
0x7f: {  	v0 =	vimm.s32 $0x0;
	[sflag:s0] =	ssyncpa.u1 $0x0;
	s0 =	simm.s32 $0x108  }
0x80: {  	[tilespmem:s0+$0x70] =	vst v0  }
0x81: {  	[tilespmem:s0+$0x60] =	vst v0  }
0x82: {  	[tilespmem:s0+$0x50] =	vst v0  }
0x83: {  	[tilespmem:s0+$0x40] =	vst v0  }
0x84: {  	[tilespmem:s0+$0x30] =	vst v0  }
0x85: {  	s1 =	sadd.s32 $0xF2C00, s2;
	s15 =	sadd.s32 $0x2E00, s2;
	s6 =	sadd.s32 $0x56800, s2;
	[tilespmem:s0+$0x20] =	vst v0  }
0x86: {  	s14 =	sadd.s32 $0x4200, s2;
	s5 =	sand.u32 $0x1, s3;
	s3 =	simm.s32 $0x40;
	[tilespmem:s0+$0x10] =	vst v0  }
.LBB3_1:
0x87: {  	s3 =	sadd.s32 $0x40, s3;
	[tilespmem:s0+$0x0] =	vst v0;
	s0 =	sadd.s32 $0x80, s0  }
0x88: {  	p0 =	slt.u32 s3, $0x3C40;
	[tilespmem:s0+$0x70] =	vst v0  }
0x89: {  	[tilespmem:s0+$0x60] =	vst v0  }
.Ltmp8:
0x8a: {  	[tilespmem:s0+$0x50] =	vst v0;
	(pc) =	sbr.rel @p0 .LBB3_1-.Ltmp8, $4  }
0x8b: {  	[tilespmem:s0+$0x40] =	vst v0  }
0x8c: {  	[tilespmem:s0+$0x30] =	vst v0  }
0x8d: {  	[tilespmem:s0+$0x20] =	vst v0  }
0x8e: {  	[tilespmem:s0+$0x10] =	vst v0  }
0x8f: {  	s9 =	stileid.u32  }
0x90: {  	s2 =	smul.u32 $0x5, s9  }
0x91: {  	s3 =	smin.u32 s9, $0x4  }
0x92: {  	s2 =	sadd.s32 s3, s2  }
0x93: {  	p0 =	slt.u32 s9, $0x4;
	s7 =	smul.u32 $0xF0, s2;
	s2 =	simm.s32 $0x5A0  }
0x94: {  	s2 =	simm.s32 @!p0 $0x4B0  }
0x95: {  	s2 =	sadd.s32 s2, s7  }
0x96: {  	s8 =	smin.u32 s2, $0x4E20  }
0x97: {  	s2 =	ssub.s32 s8, s7  }
0x98: {  	p0 =	sgt.s32 s2, $0x0  }
0x99: {  	s29 =	simm.s32 $0x2;
	s10 =	simm.s32 $0x9;
	s2 =	simm.s32 @!p0 $0x0  }
0x9a: {  	s4 =	simm.s32 $0xA;
	s11 =	simm.s32 $0xB;
	s28 =	smul.u32 $0x8889, s2  }
0x9b: {  	[dreg:$0x4] =	wrdreg s5;
	s31 =	smul.u32 $0x9C4, s5;
	s12 =	simm.s32 $0x1  }
0x9c: {  	s22 =	simm.s32 $0x0;
	s18 =	simm.s32 $0xC;
	s30 =	sshrl.u32 s28, $0x17  }
0x9d: {  	s20 =	simm.s32 $0x0;
	s21 =	simm.s32 $0x0;
	s3 =	smul.u32 $0xF0, s30  }
.Ltmp9:
0x9e: {  	[tilespmem:s0+$0x0] =	vst v0;
	v0 =	vimm.s32 $0xFFFFFFFF;
	[sflag:s29] =	ssyncpa.u1 $0x0;
	s16 =	sshll.u32 s9, $0x8;
	(pc) =	sbr.rel .LBB3_3-.Ltmp9, $4  }
0x9f: {  	[tilespmem:$0xF208] =	vst v0;
	[sflag:s10] =	ssyncpa.u1 $0x0;
	p0 =	sne.s32 s2, s3;
	s2 =	simm.s32 $0x1  }
0xa0: {  	s14 =	sadd.s32 s31, s14;
	[sflag:s4] =	ssyncpa.u1 $0x0;
	s2 =	simm.s32 @!p0 $0x0  }
0xa1: {  	s15 =	sadd.s32 s31, s15;
	[sflag:s11] =	ssyncpa.u1 $0x0;
	s13 =	sadd.s32 s30, s2  }
0xa2: {  	v0 =	vlaneseq.u32;
	s19 =	smov.u32 s7;
	p0 =	por $0x0, $0x0;
	s17 =	sadd.s32 $0x1, s13  }
.LBB3_18:
0xa3: {  	s0 =	sshrl.u32 s31, $0x2  }
.LBB3_20:
0xa4: {  	_ =	swait.ge [sflag:s18], s0  }
0xa5: {  	s31 =	ssub.s32 $0x0, s0;
	v1 =	vmov s24;
	vm0 =	veq.s32 v0, $0x0;
	[sflag:s18] =	ssyncset.done $0x0  }
0xa6: {  	vm15 =	veq.s32 v0, $0x2;
	v1 =	vsel vm0, s30, v1;
	[sflag:s18] =	ssyncadd.s32 s31  }
0xa7: {  	v1 =	vsel vm15, s22, v1;
	[sflag:s18] =	ssyncpa.u1 $0x1  }
0xa8: {  	[tilespmem:$0xF208] =	vst v1  }
.LBB3_21:
0xa9: {  	s0 =	sadd.s32 $0xF0, s19  }
0xaa: {  	s2 =	smov.u32 s7;
	p1 =	slt.s32 s0, s8  }
0xab: {  	s2 =	smov.u32 @p1 s0;
	p1 =	sne.s32 s21, s17  }
.Ltmp10:
0xac: {  	_ = 	snop;
	(pc) =	sbr.rel @!p1 .LBB3_22-.Ltmp10, $3  }
0xad: {  	_ =	sdelay $0x1  }
0xae: {  	s22 =	smov.u32 s20;
	s31 =	sadd.s32 $0x1, s21;
	s20 =	smov.u32 s19  }
0xaf: {  	p0 =	por !p0, !p0;
	s21 =	smov.u32 s31;
	s19 =	smov.u32 s2  }
.LBB3_3:
0xb0: {  	p1 =	sge.u32 s21, s13  }
0xb1: {  	s0 =	smulhi.u32 @!p1 $0xAAAAAAAB, s21  }
0xb2: {  	s2 =	smov.u32 s19;
	p2 =	sgt.s32 @!p1 s19, $0x4D30  }
0xb3: {  	s3 =	sshra.s32 @!p1 s19, $0x1F;
	p2 =	por !p2, p1;
	s0 =	sshrl.u32 @!p1 s0, $0x1  }
0xb4: {  	s3 =	sand.u32 @!p1 s3, s19;
	s2 =	simm.s32 @p2 $0x4D30;
	s0 =	smul.u32 @!p1 $0x3, s0  }
0xb5: {  	s2 =	ssub.s32 @!p1 s2, s3  }
0xb6: {  	s2 =	sadd.s32 @!p1 $0xFFFFB2D0, s2;
	s0 =	ssub.s32 @!p1 s21, s0  }
0xb7: {  	s3 =	sshll.u32 @!p1 s2, $0x2;
	p2 =	sgt.s32 @!p1 s2, $0xEF;
	s0 =	smul.u32 @!p1 $0x3C0, s0  }
0xb8: {  	s4 =	sand.u32 @!p1 $0x7, s19;
	s2 =	ssub.s32 @!p1 $0x3C0, s3;
	p2 =	por !p2, p1  }
0xb9: {  	s3 =	sshrl.u32 @!p1 s19, $0x3;
	s2 =	sshrl.u32 @!p1 s2, $0x2;
	s0 =	sshrl.u32 @!p1 s0, $0x2  }
0xba: {  	s3 =	sadd.s32 @!p1 s3, s14;
	s2 =	simm.s32 @!p2 $0x0;
	s0 =	sadd.s32 @!p1 $0x10248, s0  }
0xbb: {  	[tilespmem:s0], [sflag:$0xA] =	stream.linear.gather @!p1 [hbm4b:s3+s4], s2, $0x38;
	[tilespmem:$0x1F6F8] =	vst v63  }
0xbc: {  	s0 =	sadd.s32 $0xFFFFFFFF, s21  }
0xbd: {  	p1 =	sge.u32 s0, s13  }
0xbe: {  	p2 =	sgt.s32 @!p1 s20, $0x4D30  }
0xbf: {  	s2 =	smov.u32 s20;
	s3 =	sshra.s32 @!p1 s20, $0x1F;
	p2 =	por !p2, p1  }
0xc0: {  	s3 =	sand.u32 @!p1 s3, s20;
	s2 =	simm.s32 @p2 $0x4D30  }
0xc1: {  	s2 =	ssub.s32 @!p1 s2, s3  }
0xc2: {  	s2 =	sadd.s32 @!p1 $0xFFFFB2D0, s2  }
0xc3: {  	s4 =	sand.u32 @!p1 $0x1, s0;
	s3 =	sshll.u32 @!p1 s2, $0x2  }
0xc4: {  	p2 =	sgt.s32 @!p1 s2, $0xEF;
	s2 =	ssub.s32 @!p1 $0x3C0, s3;
	s3 =	smulhi.u32 @!p1 $0xAAAAAAAB, s0  }
0xc5: {  	s23 =	smul.u32 @!p1 $0x3C0, s4;
	p2 =	por !p2, p1;
	s2 =	sshrl.u32 @!p1 s2, $0x2  }
0xc6: {  	s5 =	simm.s32 @!p1 $0xA;
	s2 =	simm.s32 @!p2 $0x0;
	s3 =	sshrl.u32 @!p1 s3, $0x1  }
0xc7: {  	s23 =	sshrl.u32 @!p1 s23, $0x2;
	_ =	swait.ge @!p1 [sflag:s5], s2;
	s3 =	smul.u32 @!p1 $0x3, s3  }
0xc8: {  	s23 =	sadd.s32 @!p1 $0x10518, s23;
	s24 =	ssub.s32 @!p1 $0x0, s2;
	[sflag:s5] =	ssyncset.done @!p1 $0x0  }
0xc9: {  	[sflag:s5] =	ssyncadd.s32 @!p1 s24;
	s5 =	sshrl.u32 @!p1 s20, $0x3;
	s0 =	ssub.s32 @!p1 s0, s3  }
0xca: {  	s24 =	sand.u32 @!p1 $0x7, s20;
	s5 =	sadd.s32 @!p1 s5, s15;
	s0 =	smul.u32 @!p1 $0x3C0, s0  }
0xcb: {  	[tilespmem:s23], [sflag:$0xB] =	stream.linear.gather @!p1 [hbm4b:s5+s24], s2, $0x38;
	[tilespmem:$0x1F6F8] =	vst v63  }
0xcc: {  	s3 =	ssub.s32 @!p1 $0x4E20, s20;
	s2 =	smul.u32 @!p1 $0x1E000, s4  }
0xcd: {  	p2 =	slt.s32 @!p1 s3, $0xF0  }
0xce: {  	p2 =	por !p2, p1;
	s0 =	sshrl.u32 @!p1 s0, $0x2;
	s2 =	sshrl.u32 @!p1 s2, $0x2  }
0xcf: {  	s3 =	simm.s32 @p2 $0xF0;
	s0 =	sadd.s32 @!p1 $0x10248, s0;
	s2 =	sor.u32 @!p1 $0x106F8, s2  }
0xd0: {  	[tilespmem:s2], [sflag:$0x9] =	stream.indirect.gather @!p1 [hbm4b:s6+s3], $0x80, s0, s3, $0xb8;
	[tilespmem:$0x1F6F8] =	vst v63  }
0xd1: {  	p1 =	slt.u32 s21, $0x2  }
.Ltmp11:
0xd2: {  	_ = 	snop;
	(pc) =	sbr.rel @p1 .LBB3_21-.Ltmp11, $1  }
0xd3: {  	_ =	sdelay $0x3  }
0xd4: {  	p1 =	sgt.s32 s22, $0x4D30  }
0xd5: {  	s0 =	smov.u32 s22;
	s2 =	sshra.s32 s22, $0x1F;
	s3 =	ssub.s32 $0x4E20, s22  }
0xd6: {  	s0 =	simm.s32 @!p1 $0x4D30;
	s2 =	sand.u32 s2, s22;
	p1 =	slt.s32 s3, $0xF0  }
0xd7: {  	s0 =	ssub.s32 s0, s2;
	s3 =	simm.s32 @!p1 $0xF0  }
0xd8: {  	s0 =	sadd.s32 $0xFFFFB2D0, s0;
	s25 =	sshll.u32 s3, $0x7  }
0xd9: {  	s26 =	sshll.u32 s0, $0x2;
	s2 =	sand.u32 $0x3FFFFF80, s25  }
0xda: {  	p1 =	sgt.s32 s0, $0xEF;
	s29 =	ssub.s32 $0x3C0, s26;
	_ =	swait.ge [sflag:s10], s2  }
0xdb: {  	s2 =	ssub.s32 $0x0, s2;
	[sflag:s10] =	ssyncset.done $0x0;
	s0 =	sshrl.u32 s29, $0x2  }
0xdc: {  	[sflag:s10] =	ssyncadd.s32 s2;
	s0 =	simm.s32 @p1 $0x0  }
0xdd: {  	_ =	swait.ge [sflag:s11], s0  }
0xde: {  	s0 =	ssub.s32 $0x0, s0;
	[sflag:s11] =	ssyncset.done $0x0  }
0xdf: {  	[sflag:s11] =	ssyncadd.s32 s0  }
0xe0: {  	v1 =	vld [tilespmem:$0xF208];
	_ =	sdelay $0x4  }
0xe1: {  	(v2sf) =	vpush v1, $0x0  }
0xe2: {  	(v2sf) =	vpush v1, $0x1  }
0xe3: {  	(v2sf) =	vpush v1, $0x2;
	_ =	sdelay $0x3  }
0xe4: {  	s0 =	sadd.s32 $0xF0, s22  }
0xe5: {  	s2 =	ssub.s32 $0x9C40, s22;
	p1 =	slt.s32 s8, s0  }
0xe6: {  	s0 =	smov.u32 @p1 s8;
	p1 =	sgt.s32 s2, $0x0  }
0xe7: {  	s26 =	ssub.s32 s0, s22;
	s2 =	simm.s32 @!p1 $0x0  }
0xe8: {  	p1 =	slt.s32 s2, s26  }
0xe9: {  	s26 =	smov.u32 @p1 s2  }
0xea: {  	s25 =	simm.s32 $0x1;
	p1 =	slt.s32 s26, $0x1  }
.Ltmp12:
0xeb: {  	s25 =	simm.s32 @!p0 $0x0;
	(pc) =	sbr.rel @p1 .LBB3_8-.Ltmp12, $4  }
0xec: {  	s31 =	smul.u32 $0x3C0, s25  }
0xed: {  	s28 =	spop (v2sf)  }
0xee: {  	s0 =	sshrl.u32 s31, $0x2;
	s30 =	spop (v2sf)  }
0xef: {  	s23 =	sadd.s32 $0x10518, s0;
	s22 =	spop (v2sf)  }
0xf0: {  	s0 =	smin.u32 s26, $0x10  }
0xf1: {  	v1 =	vmov s0  }
0xf2: {  	p2 =	sgt.s32 s26, $0x10;
	vm1 =	vgt.u32 v1, v0  }
.Ltmp13:
0xf3: {  	_ = 	snop;
	(pc) =	sbr.rel @!p2 .LBB3_7-.Ltmp13, $2  }
0xf4: {  	_ =	sdelay $0x2  }
0xf5: {  	s4 =	simm.s32 $0x10;
	s24 =	sadd.s32 $0xFFFFFFF0, s26;
	s0 =	smov.u32 s23;
	vm0 =	vmmov vm1  }
.LBB3_6:
0xf6: {  	s2 =	smin.u32 s24, $0x10;
	s4 =	sadd.s32 $0x10, s4;
	v1 =	vld.msk [tilespmem:s0+$0x0 ss:$0x1], vm1  }
0xf7: {  	v2 =	vmov s2;
	p2 =	slt.s32 s4, s26  }
0xf8: {  	vm1 =	vgt.u32 v2, v0  }
.Ltmp14:
0xf9: {  	(pc) =	sbr.rel @p2 .LBB3_6-.Ltmp14, $3  }
0xfa: {  	_ =	sdelay $0x1  }
0xfb: {  	v1 =	vshll.u32 v1, $0x4  }
0xfc: {  	s24 =	sadd.s32 $0xFFFFFFF0, s24;
	[tilespmem:s0+$0x0] =	vst.msk vm0, v1;
	s0 =	sadd.s32 $0x10, s0;
	vm0 =	vmmov vm1  }
.LBB3_7:
0xfd: {  	_ =	sdelay $0x4  }
0xfe: {  	v1 =	vld.msk [tilespmem:s0+$0x0 ss:$0x1], vm1;
	_ =	sdelay $0x4  }
0xff: {  	v1 =	vshll.u32 v1, $0x4  }
0x100: {  	[tilespmem:s0+$0x0] =	vst.msk vm0, v1  }
.LBB3_8:
0x101: {  	s0 =	sand.u32 $0x1, s21  }
0x102: {  	s0 =	smul.u32 $0xF0, s0  }
0x103: {  	p2 =	sne.s32 s30, $0xFFFFFFFF  }
0x104: {  	v1 =	vld.msk @!p2 [tilespmem:s0+$0x10518], $0x1;
	_ =	sdelay $0x4  }
0x105: {  	(v2sf) =	vpush @!p2 v1, $0x0;
	_ =	sdelay $0xc  }
.Ltmp15:
0x106: {  	_ = 	snop;
	(pc) =	sbr.rel @p1 .LBB3_19-.Ltmp15, $4  }
0x107: {  	_ = 	snop  }
0x108: {  	s29 =	spop @!p2 (v2sf)  }
0x109: {  	s22 =	simm.s32 @!p2 $0x0;
	s24 =	smov.u32 s29  }
0x10a: {  	[sflag:s18] =	ssyncpa.u1 $0x0;
	s29 =	smov.u32 @p2 s28;
	s24 =	smov.u32 @p2 s30  }
0x10b: {  	v1 =	vld.msk [tilespmem:s23+$0x0], $0x1;
	_ =	sdelay $0x4  }
0x10c: {  	(v2sf) =	vpush v1, $0x0;
	_ =	sdelay $0xe  }
0x10d: {  	s2 =	smul.u32 $0x1E000, s25;
	s0 =	spop (v2sf)  }
0x10e: {  	s26 =	ssub.s32 $0x0, s26;
	p1 =	seq.s32 s29, s0  }
0x10f: {  	s30 =	sadd.s32 $0x1, s26;
	s2 =	sshrl.u32 s2, $0x2;
	p2 =	sgt.s32 @!p1 s29, $0x0  }
0x110: {  	s25 =	sor.u32 $0x10738, s2;
	s2 =	smov.u32 s29;
	p2 =	por !p2, p1  }
0x111: {  	s2 =	simm.s32 @p2 $0x0;
	p2 =	seq.s32 s30, $0x0  }
.Ltmp16:
0x112: {  	_ = 	snop;
	(pc) =	sbr.rel @p2 .LBB3_11-.Ltmp16, $4  }
0x113: {  	_ = 	snop  }
0x114: {  	s28 =	simm.s32 $0x0;
	s31 =	sadd.s32 $0x1, s23;
	s2 =	smin.u32 @!p1 s2, $0x270F0  }
0x115: {  	s4 =	simm.s32 @!p1 $0x1;
	s5 =	simm.s32 @!p1 $0x7988;
	s3 =	sand.u32 @!p1 $0x3FFF8, s2  }
0x116: {  	s4 =	smov.u32 @p1 s28;
	s2 =	sand.u32 @!p1 $0x7, s2;
	s3 =	sadd.s32 @!p1 s1, s3  }
.LBB3_10:
0x117: {  	s9 =	smov.u32 s4  }
0x118: {  	[tilespmem:s5], [sflag:$0x2] =	stream.linear.gather @!p1 [hbm4b:s3+s2], $0x80, $0x38;
	[tilespmem:$0x1F6F8] =	vst v63  }
0x119: {  	s30 =	sadd.s32 $0x1, s30;
	s2 =	smov.u32 s0;
	v1 =	vld.msk [tilespmem:s31+$0x0], $0x1  }
0x11a: {  	p2 =	seq.s32 s30, $0x0;
	_ =	sdelay $0x3  }
0x11b: {  	(v2sf) =	vpush v1, $0x0;
	_ =	sdelay $0xe  }
0x11c: {  	s0 =	spop (v2sf)  }
0x11d: {  	p1 =	seq.s32 s2, s0  }
0x11e: {  	p3 =	sgt.s32 @!p1 s2, $0x0;
	s3 =	sshll.u32 @!p1 s4, $0x9;
	s4 =	sadd.s32 @!p1 $0x1, s4  }
.Ltmp17:
0x11f: {  	p3 =	por !p3, p1;
	s3 =	sshra.s32 @!p1 s3, $0x2;
	(pc) =	sbr.rel @!p2 .LBB3_10-.Ltmp17, $4  }
0x120: {  	s4 =	smov.u32 @p1 s9;
	s2 =	simm.s32 @p3 $0x0;
	s5 =	sadd.s32 @!p1 $0x7988, s3  }
0x121: {  	s2 =	smin.u32 @!p1 s2, $0x270F0  }
0x122: {  	s3 =	sand.u32 @!p1 $0x3FFF8, s2;
	s2 =	sand.u32 @!p1 $0x7, s2  }
0x123: {  	s31 =	sadd.s32 $0x1, s31;
	s3 =	sadd.s32 @!p1 s1, s3  }
.LBB3_11:
0x124: {  	[tilespmem:s5], [sflag:$0x2] =	stream.linear.gather @!p1 [hbm4b:s3+s2], $0x80, $0x38;
	[tilespmem:$0x1F6F8] =	vst v63  }
.Ltmp18:
0x125: {  	s0 =	sshll.u32 s4, $0x7;
	(pc) =	sbr.rel .LBB3_12-.Ltmp18, $4  }
0x126: {  	s30 =	simm.s32 $0x2;
	s0 =	sand.u32 $0x3FFFFF80, s0  }
0x127: {  	_ =	swait.ge [sflag:s30], s0  }
0x128: {  	s0 =	ssub.s32 $0x0, s0;
	[sflag:s30] =	ssyncset.done $0x0  }
0x129: {  	s31 =	simm.s32 $0x0;
	[sflag:s30] =	ssyncadd.s32 s0  }
.LBB3_13:
0x12a: {  	v1 =	vld [tilespmem:s25+$0xFFFFFFC0];
	_ =	sdelay $0x3  }
0x12b: {  	s0 =	sshra.s32 s0, $0x2  }
0x12c: {  	[tilespmem:s0+$0x108] =	vst.add.f32.msk $0xffff, v1  }
0x12d: {  	v1 =	vld [tilespmem:s25+$0xFFFFFFD0];
	_ =	sdelay $0x4  }
0x12e: {  	[tilespmem:s0+$0x118] =	vst.add.f32.msk $0xffff, v1  }
0x12f: {  	v1 =	vld [tilespmem:s25+$0xFFFFFFE0];
	_ =	sdelay $0x4  }
0x130: {  	[tilespmem:s0+$0x128] =	vst.add.f32.msk $0xffff, v1  }
0x131: {  	v1 =	vld [tilespmem:s25+$0xFFFFFFF0];
	_ =	sdelay $0x4  }
0x132: {  	[tilespmem:s0+$0x138] =	vst.add.f32.msk $0xffff, v1  }
0x133: {  	v1 =	vld [tilespmem:s25+$0x0];
	_ =	sdelay $0x4  }
0x134: {  	[tilespmem:s0+$0x148] =	vst.add.f32.msk $0xffff, v1  }
0x135: {  	v1 =	vld [tilespmem:s25+$0x10];
	_ =	sdelay $0x4  }
0x136: {  	[tilespmem:s0+$0x158] =	vst.add.f32.msk $0xffff, v1  }
0x137: {  	v1 =	vld [tilespmem:s25+$0x20];
	_ =	sdelay $0x4  }
0x138: {  	[tilespmem:s0+$0x168] =	vst.add.f32.msk $0xffff, v1  }
0x139: {  	v1 =	vld [tilespmem:s25+$0x30];
	_ =	sdelay $0x4  }
0x13a: {  	[tilespmem:s0+$0x178] =	vst.add.f32.msk $0xffff, v1  }
.LBB3_17:
0x13b: {  	s26 =	sadd.s32 $0x1, s26  }
0x13c: {  	p1 =	seq.s32 s26, $0x0  }
.Ltmp19:
0x13d: {  	_ = 	snop;
	(pc) =	sbr.rel @p1 .LBB3_18-.Ltmp19, $2  }
0x13e: {  	_ =	sdelay $0x2  }
0x13f: {  	s23 =	sadd.s32 $0x1, s23;
	s25 =	sadd.s32 $0x80, s25;
	s29 =	smov.u32 s30  }
.LBB3_12:
0x140: {  	v1 =	vld.msk [tilespmem:s23+$0x0], $0x1;
	_ =	sdelay $0x4  }
0x141: {  	(v2sf) =	vpush v1, $0x0;
	_ =	sdelay $0xe  }
0x142: {  	s30 =	spop (v2sf)  }
0x143: {  	p1 =	sne.s32 s29, s30  }
.Ltmp20:
0x144: {  	_ = 	snop;
	(pc) =	sbr.rel @!p1 .LBB3_13-.Ltmp20, $2  }
0x145: {  	_ =	sdelay $0x2  }
0x146: {  	s0 =	sshll.u32 s22, $0x9  }
0x147: {  	p1 =	seq.s32 s29, s24  }
.Ltmp21:
0x148: {  	_ = 	snop;
	(pc) =	sbr.rel @!p1 .LBB3_15-.Ltmp21, $1  }
0x149: {  	_ =	sdelay $0x3  }
0x14a: {  	s0 =	sshra.s32 s0, $0x2  }
.Ltmp22:
0x14b: {  	s0 =	sadd.s32 $0x108, s0;
	(pc) =	sbr.rel .LBB3_16-.Ltmp22, $4  }
0x14c: {  	[spmem:s16] =	stream.linear.scatter [tilespmem:s0], [sflag:$0x1], $0x80, $0x38;
	[tilespmem:$0x1F6F8] =	vst v63  }
0x14d: {  	_ =	swait.ge [sflag:s12], $0x80  }
0x14e: {  	[sflag:s12] =	ssyncset.done $0x0  }
0x14f: {  	[sflag:s12] =	ssyncadd.s32 $0xFFFFFF80  }
.LBB3_15:
0x150: {  	s2 =	sshll.u32 s28, $0x9  }
0x151: {  	s2 =	sshra.s32 s2, $0x2  }
0x152: {  	v1 =	vld [tilespmem:s2+$0x7988];
	_ =	sdelay $0x3  }
0x153: {  	s0 =	sshra.s32 s0, $0x2  }
0x154: {  	[tilespmem:s0+$0x108] =	vst.add.f32.msk $0xffff, v1  }
0x155: {  	v1 =	vld [tilespmem:s2+$0x7998];
	_ =	sdelay $0x4  }
0x156: {  	[tilespmem:s0+$0x118] =	vst.add.f32.msk $0xffff, v1  }
0x157: {  	v1 =	vld [tilespmem:s2+$0x79A8];
	_ =	sdelay $0x4  }
0x158: {  	[tilespmem:s0+$0x128] =	vst.add.f32.msk $0xffff, v1  }
0x159: {  	v1 =	vld [tilespmem:s2+$0x79B8];
	_ =	sdelay $0x4  }
0x15a: {  	[tilespmem:s0+$0x138] =	vst.add.f32.msk $0xffff, v1  }
0x15b: {  	v1 =	vld [tilespmem:s2+$0x79C8];
	_ =	sdelay $0x4  }
0x15c: {  	[tilespmem:s0+$0x148] =	vst.add.f32.msk $0xffff, v1  }
0x15d: {  	v1 =	vld [tilespmem:s2+$0x79D8];
	_ =	sdelay $0x4  }
0x15e: {  	[tilespmem:s0+$0x158] =	vst.add.f32.msk $0xffff, v1  }
0x15f: {  	v1 =	vld [tilespmem:s2+$0x79E8];
	_ =	sdelay $0x4  }
0x160: {  	[tilespmem:s0+$0x168] =	vst.add.f32.msk $0xffff, v1  }
0x161: {  	v1 =	vld [tilespmem:s2+$0x79F8];
	_ =	sdelay $0x2  }
0x162: {  	p1 =	sgt.u32 s29, $0x270F0  }
0x163: {  	s2 =	sand.u32 @!p1 $0x3FFF8, s29  }
0x164: {  	s3 =	sadd.s32 $0x108, s0;
	[tilespmem:s0+$0x178] =	vst.add.f32.msk $0xffff, v1;
	s0 =	sadd.s32 @!p1 s1, s2;
	s2 =	sand.u32 @!p1 $0x7, s29  }
0x165: {  	[hbm4b:s0+s2] =	stream.linear.scatter @!p1 [tilespmem:s3], [sflag:$0xC], $0x80, $0x38;
	[tilespmem:$0x1F6F8] =	vst v63  }
0x166: {  	s0 =	simm.s32 $0x0  }
0x167: {  	s0 =	simm.s32 @!p1 $0x200  }
0x168: {  	s31 =	sadd.s32 s0, s31  }
.LBB3_16:
0x169: {  	s0 =	sadd.s32 $0x1, s22  }
0x16a: {  	s2 =	smulhi.u32 $0x88888889, s0;
	_ =	sdelay $0x1  }
0x16b: {  	v1 =	vld [tilespmem:s25+$0xFFFFFFC0];
	s2 =	sshrl.u32 s2, $0x7  }
0x16c: {  	s2 =	smul.u32 $0xF0, s2;
	_ =	sdelay $0x1  }
0x16d: {  	s22 =	ssub.s32 s0, s2  }
0x16e: {  	s0 =	sshll.u32 s22, $0x7  }
0x16f: {  	[tilespmem:s0+$0x108] =	vst v1  }
0x170: {  	v1 =	vld [tilespmem:s25+$0xFFFFFFD0];
	_ =	sdelay $0x4  }
0x171: {  	[tilespmem:s0+$0x118] =	vst v1  }
0x172: {  	v1 =	vld [tilespmem:s25+$0xFFFFFFE0];
	_ =	sdelay $0x4  }
0x173: {  	[tilespmem:s0+$0x128] =	vst v1  }
0x174: {  	v1 =	vld [tilespmem:s25+$0xFFFFFFF0];
	_ =	sdelay $0x4  }
0x175: {  	[tilespmem:s0+$0x138] =	vst v1  }
0x176: {  	v1 =	vld [tilespmem:s25+$0x0];
	_ =	sdelay $0x4  }
0x177: {  	[tilespmem:s0+$0x148] =	vst v1  }
0x178: {  	v1 =	vld [tilespmem:s25+$0x10];
	_ =	sdelay $0x4  }
0x179: {  	[tilespmem:s0+$0x158] =	vst v1  }
0x17a: {  	v1 =	vld [tilespmem:s25+$0x20];
	_ =	sdelay $0x4  }
0x17b: {  	[tilespmem:s0+$0x168] =	vst v1  }
0x17c: {  	v1 =	vld [tilespmem:s25+$0x30]  }
.Ltmp23:
0x17d: {  	_ = 	snop;
	(pc) =	sbr.rel .LBB3_17-.Ltmp23, $2  }
0x17e: {  	_ =	sdelay $0x2  }
0x17f: {  	s28 =	sadd.s32 $0x1, s28;
	[tilespmem:s0+$0x178] =	vst v1  }
.LBB3_19:
.Ltmp24:
0x180: {  	(pc) =	sbr.rel .LBB3_20-.Ltmp24, $4  }
0x181: {  	_ = 	snop  }
0x182: {  	s0 =	simm.s32 $0x2  }
0x183: {  	_ =	swait.ge [sflag:s0], $0x0  }
0x184: {  	s30 =	smov.u32 s29;
	[sflag:s0] =	ssyncset.done $0x0;
	s0 =	simm.s32 $0x0  }
.LBB3_22:
0x185: {  	_ =	sfence.sel $0x180000  }
0x186: {  	s0 =	simm.s32 $0x9;
	[bflag:$0x0] =	sbarrier.arrive $0xFFFF  }
0x187: {  	s24 =	simm.s32 $0xA;
	[sflag:s0] =	ssyncpa.u1 $0x1  }
0x188: {  	s25 =	simm.s32 $0xB;
	[sflag:s24] =	ssyncpa.u1 $0x1  }
0x189: {  	s26 =	simm.s32 $0x2;
	[sflag:s25] =	ssyncpa.u1 $0x1  }
0x18a: {  	[sflag:s26] =	ssyncpa.u1 $0x1  }
0x18b: {  	v0 =	vld [tilespmem:$0xF208];
	_ =	sdelay $0x4  }
0x18c: {  	(v2sf) =	vpush v0, $0x0  }
0x18d: {  	(v2sf) =	vpush v0, $0x1;
	_ =	sdelay $0x1  }
0x18e: {  	(v2sf) =	vpush v0, $0x2;
	_ =	sdelay $0xb  }
0x18f: {  	s0 =	spop (v2sf)  }
0x190: {  	s2 =	spop (v2sf)  }
0x191: {  	s3 =	smov.u32 s0;
	p0 =	sne.s32 s0, s2  }
0x192: {  	s4 =	spop (v2sf);
	s3 =	simm.s32 @!p0 $0xFFFFFFFF  }
0x193: {  	v2 =	vimm.s32 $0x1;
	v3 =	vlaneseq.u32;
	p0 =	seq.s32 s4, $0xFFFFFFFF;
	v1 =	vmov s3  }
0x194: {  	s16 =	stileid.u32;
	v0 =	vperm.xlane v0, v2;
	p1 =	sne.s32 @!p0 s0, s2;
	v1 =	vperm.xlane v1, v3  }
0x195: {  	vm0 =	vcmask $0x3F04;
	s6 =	simm.s32 $0xF208;
	s0 =	simm.s32 @!p0 $0x1;
	p1 =	por !p1, p0  }
0x196: {  	s3 =	sshll.u32 s16, $0x1;
	s2 =	sshll.u32 @!p0 s4, $0x9;
	s0 =	simm.s32 @p1 $0x0;
	v0 =	vsel vm0, v1, v0  }
0x197: {  	s5 =	sor.u32 $0x1000, s3;
	s2 =	sshra.s32 @!p0 s2, $0x2;
	s0 =	sor.u32 @!p0 s0, s3;
	[tilespmem:$0xF208] =	vst v0  }
0x198: {  	[spmem:s5] =	stream.linear.scatter [tilespmem:s6], [sflag:$0x1], $0x2, $0x38;
	[tilespmem:$0x1F6F8] =	vst v63  }
0x199: {  	s2 =	sadd.s32 @!p0 $0x108, s2;
	s0 =	sshll.u32 @!p0 s0, $0x7  }
0x19a: {  	[spmem:s0] =	stream.linear.scatter @!p0 [tilespmem:s2], [sflag:$0x1], $0x80, $0x38;
	[tilespmem:$0x1F6F8] =	vst v63  }
0x19b: {  	s0 =	simm.s32 @!p0 $0x82  }
0x19c: {  	s28 =	simm.s32 $0x1;
	s0 =	simm.s32 @p0 $0x2  }
0x19d: {  	_ =	swait.ge [sflag:s28], s0  }
0x19e: {  	s0 =	ssub.s32 $0x0, s0;
	[sflag:s28] =	ssyncset.done $0x0  }
0x19f: {  	p0 =	sne.s32 s16, $0x0;
	[sflag:s28] =	ssyncadd.s32 s0  }
.Ltmp25:
0x1a0: {  	_ =	sfence.stream.spmem;
	(pc) =	sbr.rel @p0 .LBB3_39-.Ltmp25, $4  }
0x1a1: {  	s29 =	simm.s32 $0x3;
	[bflag:$0x0] =	sbarrier.arrive $0xFFFF  }
0x1a2: {  	s30 =	simm.s32 $0x4;
	[sflag:s29] =	ssyncpa.u1 $0x1  }
0x1a3: {  	s31 =	simm.s32 $0x3C;
	[sflag:s30] =	ssyncpa.u1 $0x1  }
0x1a4: {  	s15 =	rddreg [dreg:$0x4];
	[sflag:s31] =	ssyncpa.u1 $0x1  }
0x1a5: {  	_ =	sfence.stream.spmem;
	s0 =	simm.s32 $0x5  }
0x1a6: {  	s2 =	simm.s32 $0x1000;
	s3 =	simm.s32 $0xF218;
	[sflag:s0] =	ssyncpa.u1 $0x0  }
0x1a7: {  	[tilespmem:s3], [sflag:$0x5] =	stream.linear.gather [spmem:s2], $0x20, $0x38;
	[tilespmem:$0x1F6F8] =	vst v63  }
0x1a8: {  	s26 =	simm.s32 $0x0;
	s28 =	simm.s32 $0xF238  }
0x1a9: {  	[tilespmem:s28], [sflag:$0x5] =	stream.linear.gather [spmem:s26], $0x1000, $0x38;
	[tilespmem:$0x1F6F8] =	vst v63  }
0x1aa: {  	_ =	swait.ge [sflag:s0], $0x1020  }
0x1ab: {  	[sflag:s0] =	ssyncset.done $0x0  }
0x1ac: {  	s29 =	simm.s32 $0x0;
	[sflag:s0] =	ssyncadd.s32 $0xFFFFEFE0  }
0x1ad: {  	v0 =	vld.msk [tilespmem:s29+$0xF218], $0x1;
	_ =	sdelay $0x1  }
0x1ae: {  	s30 =	simm.s32 $0x1  }
0x1af: {  	v1 =	vld.msk [tilespmem:s30+$0xF218], $0x1;
	_ =	sdelay $0x1  }
0x1b0: {  	(v2sf) =	vpush v0, $0x0;
	_ =	sdelay $0x2  }
0x1b1: {  	(v2sf) =	vpush v1, $0x0;
	_ =	sdelay $0x2  }
0x1b2: {  	s31 =	simm.s32 $0x2  }
0x1b3: {  	v0 =	vld.msk [tilespmem:s31+$0xF218], $0x1;
	_ =	sdelay $0x2  }
0x1b4: {  	s4 =	simm.s32 $0xFFFFFFFF;
	s5 =	simm.s32 $0xFFFFFFFF;
	s0 =	simm.s32 $0xC  }
.LBB3_24:
0x1b5: {  	s2 =	smov.u32 s5;
	s3 =	smov.u32 s4  }
0x1b6: {  	s4 =	sshra.s32 s0, $0x2;
	p1 =	sne.s32 s0, $0x7C;
	s0 =	sadd.s32 $0x4, s0;
	(v2sf) =	vpush v0, $0x0  }
0x1b7: {  	v0 =	vld.msk [tilespmem:s4+$0xF218], $0x1  }
.Ltmp26:
0x1b8: {  	(pc) =	sbr.rel @p1 .LBB3_24-.Ltmp26, $4  }
0x1b9: {  	s5 =	spop (v2sf)  }
0x1ba: {  	p2 =	sne.s32 s3, $0xFFFFFFFF;
	s4 =	smov.u32 s5  }
0x1bb: {  	p3 =	seq.s32 s5, $0xFFFFFFFF;
	s4 =	smov.u32 @p2 s3  }
0x1bc: {  	s5 =	smov.u32 @p3 s2;
	s4 =	smov.u32 @p3 s3  }
0x1bd: {  	(v2sf) =	vpush v0, $0x0;
	_ =	sdelay $0x8  }
0x1be: {  	s0 =	spop (v2sf)  }
0x1bf: {  	p1 =	sne.s32 s4, $0xFFFFFFFF;
	s2 =	smov.u32 s0  }
0x1c0: {  	s9 =	simm.s32 $0x6;
	p2 =	seq.s32 s0, $0xFFFFFFFF;
	s2 =	smov.u32 @p1 s4  }
0x1c1: {  	s6 =	simm.s32 $0x0;
	s2 =	smov.u32 @p2 s4;
	s3 =	spop (v2sf)  }
0x1c2: {  	s0 =	smov.u32 @p2 s5;
	p1 =	sne.s32 s2, $0xFFFFFFFF;
	s4 =	smov.u32 s3  }
.Ltmp27:
0x1c3: {  	p2 =	seq.s32 s3, $0xFFFFFFFF;
	s4 =	smov.u32 @p1 s2;
	(pc) =	sbr.rel .LBB3_26-.Ltmp27, $4  }
0x1c4: {  	s10 =	simm.s32 $0xF188;
	s4 =	smov.u32 @p2 s2;
	s7 =	spop (v2sf)  }
0x1c5: {  	s11 =	simm.s32 $0x0;
	p1 =	sne.s32 s4, $0xFFFFFFFF;
	s8 =	smov.u32 s7  }
0x1c6: {  	s3 =	smov.u32 @p2 s0;
	p2 =	seq.s32 s7, $0xFFFFFFFF;
	s8 =	smov.u32 @p1 s4  }
0x1c7: {  	[sflag:s9] =	ssyncpa.u1 $0x0;
	s7 =	smov.u32 @p2 s3;
	s8 =	smov.u32 @p2 s4  }
.LBB3_32:
0x1c8: {  	p1 =	sgt.u32 s12, $0x270F0  }
0x1c9: {  	p2 =	seq.s32 @!p1 s12, s8  }
0x1ca: {  	p1 =	por p1, p2  }
0x1cb: {  	p2 =	sne.s32 @!p1 s12, s7  }
0x1cc: {  	p1 =	por p1, !p2  }
0x1cd: {  	s0 =	sshll.u32 @p1 s11, $0x9  }
0x1ce: {  	s0 =	sand.u32 @!p1 $0x3FFF8, s12  }
0x1cf: {  	s2 =	sand.u32 @!p1 $0x7, s12;
	s0 =	sadd.s32 @!p1 s1, s0  }
0x1d0: {  	[tilespmem:s10], [sflag:$0x6] =	stream.linear.gather @!p1 [hbm4b:s0+s2], $0x80, $0x38;
	[tilespmem:$0x1F6F8] =	vst v63  }
0x1d1: {  	_ =	swait.ge @!p1 [sflag:s9], $0x80  }
0x1d2: {  	[sflag:s9] =	ssyncset.done @!p1 $0x0  }
0x1d3: {  	[sflag:s9] =	ssyncadd.s32 @!p1 $0xFFFFFF80  }
0x1d4: {  	v1 =	vld @!p1 [tilespmem:$0xF188];
	_ =	sdelay $0x2  }
0x1d5: {  	s0 =	sshll.u32 @!p1 s11, $0x9  }
0x1d6: {  	s2 =	sshrl.u32 @!p1 s0, $0x2  }
0x1d7: {  	[tilespmem:s2+$0xF238] =	vst.add.f32.msk @!p1 $0xffff, v1  }
0x1d8: {  	v1 =	vld @!p1 [tilespmem:$0xF198];
	_ =	sdelay $0x4  }
0x1d9: {  	[tilespmem:s2+$0xF248] =	vst.add.f32.msk @!p1 $0xffff, v1  }
0x1da: {  	v1 =	vld @!p1 [tilespmem:$0xF1A8];
	_ =	sdelay $0x4  }
0x1db: {  	[tilespmem:s2+$0xF258] =	vst.add.f32.msk @!p1 $0xffff, v1  }
0x1dc: {  	v1 =	vld @!p1 [tilespmem:$0xF1B8];
	_ =	sdelay $0x4  }
0x1dd: {  	[tilespmem:s2+$0xF268] =	vst.add.f32.msk @!p1 $0xffff, v1  }
0x1de: {  	v1 =	vld @!p1 [tilespmem:$0xF1C8];
	_ =	sdelay $0x4  }
0x1df: {  	[tilespmem:s2+$0xF278] =	vst.add.f32.msk @!p1 $0xffff, v1  }
0x1e0: {  	v1 =	vld @!p1 [tilespmem:$0xF1D8];
	_ =	sdelay $0x4  }
0x1e1: {  	[tilespmem:s2+$0xF288] =	vst.add.f32.msk @!p1 $0xffff, v1  }
0x1e2: {  	v1 =	vld @!p1 [tilespmem:$0xF1E8];
	_ =	sdelay $0x4  }
0x1e3: {  	[tilespmem:s2+$0xF298] =	vst.add.f32.msk @!p1 $0xffff, v1  }
0x1e4: {  	v1 =	vld @!p1 [tilespmem:$0xF1F8];
	_ =	sdelay $0x4  }
0x1e5: {  	[tilespmem:s2+$0xF2A8] =	vst.add.f32.msk @!p1 $0xffff, v1  }
0x1e6: {  	s0 =	sshrl.u32 s0, $0x2;
	[tilespmem:s6+$0xF218] =	vst.msk $0x1, v0  }
0x1e7: {  	v0 =	vld [tilespmem:s0+$0xF238];
	_ =	sdelay $0x2  }
0x1e8: {  	s31 =	sshll.u32 s6, $0x9  }
0x1e9: {  	s2 =	sshra.s32 s31, $0x2  }
0x1ea: {  	[tilespmem:s2+$0xF238] =	vst v0  }
0x1eb: {  	v0 =	vld [tilespmem:s0+$0xF248];
	_ =	sdelay $0x4  }
0x1ec: {  	[tilespmem:s2+$0xF248] =	vst v0  }
0x1ed: {  	v0 =	vld [tilespmem:s0+$0xF258];
	_ =	sdelay $0x4  }
0x1ee: {  	[tilespmem:s2+$0xF258] =	vst v0  }
0x1ef: {  	v0 =	vld [tilespmem:s0+$0xF268];
	_ =	sdelay $0x4  }
0x1f0: {  	[tilespmem:s2+$0xF268] =	vst v0  }
0x1f1: {  	v0 =	vld [tilespmem:s0+$0xF278];
	_ =	sdelay $0x4  }
0x1f2: {  	[tilespmem:s2+$0xF278] =	vst v0  }
0x1f3: {  	v0 =	vld [tilespmem:s0+$0xF288];
	_ =	sdelay $0x4  }
0x1f4: {  	[tilespmem:s2+$0xF288] =	vst v0  }
0x1f5: {  	v0 =	vld [tilespmem:s0+$0xF298];
	_ =	sdelay $0x4  }
0x1f6: {  	[tilespmem:s2+$0xF298] =	vst v0  }
0x1f7: {  	v0 =	vld [tilespmem:s0+$0xF2A8];
	_ =	sdelay $0x4  }
0x1f8: {  	s6 =	sadd.s32 $0x1, s6;
	[tilespmem:s2+$0xF2A8] =	vst v0  }
.LBB3_33:
0x1f9: {  	s11 =	sadd.s32 $0x1, s11  }
0x1fa: {  	p1 =	sne.s32 s11, $0x20  }
.Ltmp28:
0x1fb: {  	_ = 	snop;
	(pc) =	sbr.rel @!p1 .LBB3_34-.Ltmp28, $1  }
0x1fc: {  	_ =	sdelay $0x3  }
.LBB3_26:
0x1fd: {  	v0 =	vld.msk [tilespmem:s11+$0xF218], $0x1;
	_ =	sdelay $0x4  }
0x1fe: {  	(v2sf) =	vpush v0, $0x0;
	_ =	sdelay $0xe  }
0x1ff: {  	s12 =	spop (v2sf)  }
0x200: {  	p1 =	seq.s32 s12, $0xFFFFFFFF  }
.Ltmp29:
0x201: {  	_ = 	snop;
	(pc) =	sbr.rel @p1 .LBB3_33-.Ltmp29, $1  }
0x202: {  	_ =	sdelay $0x3  }
0x203: {  	p1 =	slt.s32 s6, $0x1  }
.Ltmp30:
0x204: {  	_ = 	snop;
	(pc) =	sbr.rel @p1 .LBB3_32-.Ltmp30, $1  }
0x205: {  	_ =	sdelay $0x3  }
0x206: {  	s13 =	simm.s32 $0xF218;
	p1 =	por $0x0, $0x0  }
0x207: {  	v1 =	vld.msk @!p1 [tilespmem:s13+$0x0], $0x1;
	_ =	sdelay $0x4  }
0x208: {  	(v2sf) =	vpush @!p1 v1, $0x0;
	_ =	sdelay $0xd  }
0x209: {  	p3 =	sne.s32 s6, $0x1  }
.Ltmp31:
0x20a: {  	s0 =	spop @!p1 (v2sf);
	(pc) =	sbr.rel @!p3 .LBB3_30-.Ltmp31, $4  }
0x20b: {  	p2 =	seq.s32 @!p1 s12, s0  }
0x20c: {  	s14 =	simm.s32 $0x0;
	p2 =	por !p2, p1  }
0x20d: {  	s2 =	simm.s32 $0xFFFFFFFF;
	s14 =	simm.s32 @p2 $0xFFFFFFFF  }
0x20e: {  	s0 =	simm.s32 $0x1;
	s14 =	smov.u32 @p1 s2  }
.LBB3_29:
0x20f: {  	s2 =	smov.u32 s14;
	p1 =	sne.s32 s14, $0xFFFFFFFF  }
0x210: {  	s13 =	sadd.s32 $0x1, s13;
	s14 =	smov.u32 s0;
	s0 =	sadd.s32 $0x1, s0  }
0x211: {  	p2 =	sne.s32 s6, s0;
	v1 =	vld.msk @!p1 [tilespmem:s13+$0x0], $0x1;
	_ =	sdelay $0x4  }
0x212: {  	(v2sf) =	vpush @!p1 v1, $0x0;
	_ =	sdelay $0xe  }
.Ltmp32:
0x213: {  	s3 =	spop @!p1 (v2sf);
	(pc) =	sbr.rel @p2 .LBB3_29-.Ltmp32, $4  }
0x214: {  	p3 =	seq.s32 @!p1 s12, s3  }
0x215: {  	p3 =	por !p3, p1  }
0x216: {  	s14 =	simm.s32 @p3 $0xFFFFFFFF  }
0x217: {  	s14 =	smov.u32 @p1 s2  }
.LBB3_30:
0x218: {  	p1 =	seq.s32 s14, $0xFFFFFFFF  }
.Ltmp33:
0x219: {  	_ = 	snop;
	(pc) =	sbr.rel @p1 .LBB3_32-.Ltmp33, $1  }
0x21a: {  	_ =	sdelay $0x3  }
0x21b: {  	s0 =	sshll.u32 s11, $0x7  }
0x21c: {  	s0 =	sand.u32 $0x3FFFFF80, s0  }
0x21d: {  	v0 =	vld [tilespmem:s0+$0xF238];
	_ =	sdelay $0x2  }
0x21e: {  	s2 =	sshll.u32 s14, $0x9  }
0x21f: {  	s2 =	sshra.s32 s2, $0x2  }
0x220: {  	[tilespmem:s2+$0xF238] =	vst.add.f32.msk $0xffff, v0  }
0x221: {  	v0 =	vld [tilespmem:s0+$0xF248];
	_ =	sdelay $0x4  }
0x222: {  	[tilespmem:s2+$0xF248] =	vst.add.f32.msk $0xffff, v0  }
0x223: {  	v0 =	vld [tilespmem:s0+$0xF258];
	_ =	sdelay $0x4  }
0x224: {  	[tilespmem:s2+$0xF258] =	vst.add.f32.msk $0xffff, v0  }
0x225: {  	v0 =	vld [tilespmem:s0+$0xF268];
	_ =	sdelay $0x4  }
0x226: {  	[tilespmem:s2+$0xF268] =	vst.add.f32.msk $0xffff, v0  }
0x227: {  	v0 =	vld [tilespmem:s0+$0xF278];
	_ =	sdelay $0x4  }
0x228: {  	[tilespmem:s2+$0xF278] =	vst.add.f32.msk $0xffff, v0  }
0x229: {  	v0 =	vld [tilespmem:s0+$0xF288];
	_ =	sdelay $0x4  }
0x22a: {  	[tilespmem:s2+$0xF288] =	vst.add.f32.msk $0xffff, v0  }
0x22b: {  	v0 =	vld [tilespmem:s0+$0xF298];
	_ =	sdelay $0x4  }
0x22c: {  	[tilespmem:s2+$0xF298] =	vst.add.f32.msk $0xffff, v0  }
0x22d: {  	v0 =	vld [tilespmem:s0+$0xF2A8]  }
.Ltmp34:
0x22e: {  	_ = 	snop;
	(pc) =	sbr.rel .LBB3_33-.Ltmp34, $2  }
0x22f: {  	_ =	sdelay $0x2  }
0x230: {  	[tilespmem:s2+$0xF2A8] =	vst.add.f32.msk $0xffff, v0  }
.LBB3_34:
0x231: {  	s0 =	simm.s32 $0x6;
	p1 =	seq.s32 s6, $0x0  }
0x232: {  	[sflag:s0] =	ssyncpa.u1 $0x1;
	v0 =	vimm.s32 @p1 $0xFFFFFFFF  }
0x233: {  	s9 =	sadd.s32 $0xFFFFFFFF, s6;
	[tilespmem:$0x10238] =	vst @p1 v0  }
0x234: {  	v0 =	vld.msk @!p1 [tilespmem:s9+$0xF218], $0x1;
	_ =	sdelay $0x1  }
0x235: {  	v1 =	vld.msk @!p1 [tilespmem:$0xF218], $0x1;
	_ =	sdelay $0x2  }
0x236: {  	p2 =	seq.s32 @!p1 s9, $0x0;
	v0 =	vbroadcast @!p1 v0, $0x0  }
0x237: {  	vm0 =	vmmov @!p1 $0x1;
	p2 =	por !p2, p1  }
0x238: {  	v1 =	vnsel @!p1 vm0, $0xFFFFFFFF, v1;
	vm0 =	vcmask @!p1 $0x308;
	v0 =	vpsel !p2, $0xFFFFFFFF, v0  }
0x239: {  	p2 =	sne.s32 @!p1 s8, s7;
	v0 =	vsel @!p1 vm0, v1, v0  }
0x23a: {  	s0 =	simm.s32 @!p1 $0xF238;
	s2 =	simm.s32 @!p1 $0x0;
	p3 =	por !p2, p1;
	[tilespmem:$0x10238] =	vst @!p1 v0  }
0x23b: {  	[spmem:s2] =	stream.linear.scatter @!p1 [tilespmem:s0], [sflag:$0x1], $0x80, $0x38;
	[tilespmem:$0x1F6F8] =	vst v63  }
0x23c: {  	s0 =	sshll.u32 @!p3 s9, $0x9  }
0x23d: {  	s0 =	sshra.s32 @!p3 s0, $0x2  }
0x23e: {  	s2 =	simm.s32 @!p3 $0x80;
	s0 =	sadd.s32 @!p3 $0xF238, s0  }
0x23f: {  	[spmem:s2] =	stream.linear.scatter @!p3 [tilespmem:s0], [sflag:$0x1], $0x80, $0x38;
	[tilespmem:$0x1F6F8] =	vst v63  }
0x240: {  	s0 =	simm.s32 @!p3 $0x1  }
0x241: {  	_ =	swait.ge @!p3 [sflag:s0], $0x100  }
0x242: {  	p1 =	por p2, p1;
	[sflag:s0] =	ssyncset.done @!p3 $0x0  }
0x243: {  	[sflag:s0] =	ssyncadd.s32 @!p3 $0xFFFFFF00;
	s0 =	simm.s32 @!p1 $0x1  }
0x244: {  	_ =	swait.ge @!p1 [sflag:s0], $0x80  }
0x245: {  	s29 =	simm.s32 $0x10238;
	[sflag:s0] =	ssyncset.done @!p1 $0x0  }
0x246: {  	s30 =	simm.s32 $0x1000;
	s31 =	simm.s32 $0x1;
	[sflag:s0] =	ssyncadd.s32 @!p1 $0xFFFFFF80  }
0x247: {  	[spmem:s30] =	stream.linear.scatter [tilespmem:s29], [sflag:$0x1], $0x10, $0x38;
	[tilespmem:$0x1F6F8] =	vst v63  }
0x248: {  	_ =	swait.ge [sflag:s31], $0x10  }
0x249: {  	[sflag:s31] =	ssyncset.done $0x0  }
0x24a: {  	p1 =	seq.s32 s15, $0x0;
	s8 =	rddreg [dreg:$0x1];
	[sflag:s31] =	ssyncadd.s32 $0xFFFFFFF0  }
0x24b: {  	s2 =	sshll.u32 @p1 s8, $0xE;
	s7 =	rddreg [dreg:$0x2]  }
0x24c: {  	s0 =	sadd.s32 @p1 $0x15C3C, s2;
	s2 =	sshll.u32 @p1 s7, $0x11  }
0x24d: {  	_ =	sfence.stream.spmem;
	s0 =	sor.u32 @p1 s2, s0  }
0x24e: {  	[sflag:s0] =	ssyncadd.remote.s32 @p1 $0x1;
	s0 =	simm.s32 @p1 $0x4  }
0x24f: {  	s3 =	simm.s32 @!p1 $0x3C;
	s2 =	sand.u32 $0xFFFFFFFE, s8;
	_ =	swait.ge @p1 [sflag:s0], $0x22  }
0x250: {  	s4 =	simm.s32 @!p1 $0x0;
	s2 =	sadd.s32 @!p1 $0x4, s2;
	[sflag:s0] =	ssyncset.done @p1 $0x0  }
0x251: {  	s5 =	simm.s32 @!p1 $0x100;
	[sflag:s0] =	ssyncadd.s32 @p1 $0xFFFFFFDE;
	s0 =	sshll.u32 @!p1 s2, $0x1A  }
0x252: {  	s2 =	sshll.u32 @!p1 s2, $0xD;
	s0 =	sor.u32 @!p1 s0, s7;
	_ =	swait.eq @!p1 [sflag:s3], $0x1  }
0x253: {  	s2 =	sor.u32 @!p1 $0x1C04, s2;
	s3 =	simm.s32 @!p1 $0x1C03;
	s0 =	sor.u32 @!p1 $0x80004000, s0  }
0x254: {  	[spmem:s5], [sflag:s2] =	dma.general @!p1 [spmem:s4], [sflag:s3], length:$0x20, [dreg:$0x0], stride_count:$0x0, ici_dest:s0, dma_misc:DstOpCode:WRITE  }
0x255: {  	p2 =	slt.s32 s9, $0x2;
	s4 =	simm.s32 @!p1 $0x200;
	s5 =	simm.s32 @!p1 $0x202  }
0x256: {  	[spmem:s5], [sflag:s2] =	dma.general @!p1 [spmem:s4], [sflag:s3], length:$0x2, [dreg:$0x0], stride_count:$0x0, ici_dest:s0, dma_misc:DstOpCode:WRITE  }
.Ltmp35:
0x257: {  	s0 =	simm.s32 @!p1 $0x3;
	(pc) =	sbr.rel @p2 .LBB3_38-.Ltmp35, $4  }
0x258: {  	s2 =	sshll.u32 @!p1 s8, $0xE;
	_ =	swait.ge @!p1 [sflag:s0], $0x22  }
0x259: {  	s3 =	sshll.u32 @!p1 s7, $0x11;
	s2 =	sadd.s32 @!p1 $0x11C3C, s2;
	[sflag:s0] =	ssyncset.done @!p1 $0x0  }
0x25a: {  	[sflag:s0] =	ssyncadd.s32 @!p1 $0xFFFFFFDE;
	s0 =	sor.u32 @!p1 s3, s2  }
0x25b: {  	[sflag:s0] =	ssyncadd.remote.s32 @!p1 $0xFFFFFFFF;
	s0 =	simm.s32 $0x0  }
0x25c: {  	s0 =	simm.s32 $0xF219  }
0x25d: {  	v0 =	vld.msk [tilespmem:s0+$0x0], $0x1;
	_ =	sdelay $0x4  }
0x25e: {  	(v2sf) =	vpush v0, $0x0;
	_ =	sdelay $0xb  }
0x25f: {  	s31 =	sadd.s32 $0xFFFFFFFE, s6  }
0x260: {  	s0 =	sadd.s32 $0xFFFFFFFF, s31  }
0x261: {  	p2 =	sne.s32 s0, $0x0  }
.Ltmp36:
0x262: {  	s2 =	spop (v2sf);
	(pc) =	sbr.rel @!p2 .LBB3_37-.Ltmp36, $4  }
0x263: {  	s4 =	simm.s32 $0xF2B8;
	s7 =	simm.s32 $0x0;
	p1 =	sgt.u32 s2, $0x270F0  }
0x264: {  	s5 =	simm.s32 $0x0;
	s6 =	simm.s32 $0xF21A;
	s3 =	sand.u32 @!p1 $0x3FFF8, s2  }
0x265: {  	s2 =	sand.u32 @!p1 $0x7, s2;
	s7 =	simm.s32 @!p1 $0x200;
	s3 =	sadd.s32 @!p1 s1, s3  }
0x266: {  	[hbm4b:s3+s2] =	stream.linear.scatter @!p1 [tilespmem:s4], [sflag:$0x5], $0x80, $0x38;
	[tilespmem:$0x1F6F8] =	vst v63  }
.LBB3_36:
0x267: {  	v0 =	vld.msk [tilespmem:s6+$0x0], $0x1;
	s0 =	sadd.s32 $0xFFFFFFFF, s0;
	s5 =	sadd.s32 s5, s7  }
0x268: {  	p1 =	sne.s32 s0, $0x0;
	_ =	sdelay $0x3  }
0x269: {  	(v2sf) =	vpush v0, $0x0;
	_ =	sdelay $0xe  }
.Ltmp37:
0x26a: {  	s2 =	spop (v2sf);
	(pc) =	sbr.rel @p1 .LBB3_36-.Ltmp37, $4  }
0x26b: {  	s7 =	simm.s32 $0x0;
	p2 =	sgt.u32 s2, $0x270F0  }
0x26c: {  	s4 =	sadd.s32 $0x80, s4;
	s7 =	simm.s32 @!p2 $0x200;
	s3 =	sand.u32 @!p2 $0x3FFF8, s2  }
0x26d: {  	s6 =	sadd.s32 $0x1, s6;
	s2 =	sand.u32 @!p2 $0x7, s2;
	s3 =	sadd.s32 @!p2 s1, s3  }
0x26e: {  	[hbm4b:s3+s2] =	stream.linear.scatter @!p2 [tilespmem:s4], [sflag:$0x5], $0x80, $0x38;
	[tilespmem:$0x1F6F8] =	vst v63  }
.LBB3_37:
0x26f: {  	s0 =	sadd.s32 s5, s7  }
0x270: {  	s0 =	sshrl.u32 s0, $0x2  }
.LBB3_38:
0x271: {  	s2 =	simm.s32 $0x5  }
0x272: {  	_ =	swait.ge [sflag:s2], s0  }
0x273: {  	s31 =	ssub.s32 $0x0, s0;
	[sflag:s2] =	ssyncset.done $0x0  }
0x274: {  	[sflag:s2] =	ssyncadd.s32 s31  }
0x275: {  	[sflag:s2] =	ssyncpa.u1 $0x1  }
.LBB3_39:
0x276: {  	s0 =	sor.u32 s15, s16  }
0x277: {  	p1 =	sne.s32 s0, $0x0  }
.Ltmp38:
0x278: {  	_ = 	snop;
	(pc) =	sbr.rel @p1 .LBB3_54-.Ltmp38, $3  }
0x279: {  	_ =	sdelay $0x1  }
0x27a: {  	[bflag:$0x0] =	sbarrier.arrive $0xFFFF  }
0x27b: {  	_ =	sfence  }
0x27c: {  	s0 =	simm.s32 $0x7  }
0x27d: {  	s2 =	simm.s32 $0x1000;
	s3 =	simm.s32 $0xF218;
	[sflag:s0] =	ssyncpa.u1 $0x0  }
0x27e: {  	[tilespmem:s3], [sflag:$0x7] =	stream.linear.gather [spmem:s2], $0x20, $0x38;
	[tilespmem:$0x1F6F8] =	vst v63  }
0x27f: {  	s30 =	simm.s32 $0xF238;
	s2 =	simm.s32 $0x0  }
0x280: {  	[tilespmem:s30], [sflag:$0x7] =	stream.linear.gather [spmem:s2], $0x1000, $0x38;
	[tilespmem:$0x1F6F8] =	vst v63  }
.Ltmp39:
0x281: {  	_ = 	snop;
	(pc) =	sbr.rel .LBB3_41-.Ltmp39, $4  }
0x282: {  	_ =	swait.ge [sflag:s0], $0x1020  }
0x283: {  	[sflag:s0] =	ssyncset.done $0x0  }
0x284: {  	s31 =	simm.s32 $0x8;
	[sflag:s0] =	ssyncadd.s32 $0xFFFFEFE0  }
0x285: {  	s3 =	simm.s32 $0x0;
	[sflag:s31] =	ssyncpa.u1 $0x0  }
.LBB3_47:
0x286: {  	p1 =	slt.u32 s4, $0x270F1  }
0x287: {  	s0 =	sand.u32 @p1 $0x3FFF8, s4  }
0x288: {  	s4 =	sand.u32 @p1 $0x7, s4;
	s5 =	simm.s32 @p1 $0xF188;
	s0 =	sadd.s32 @p1 s1, s0  }
0x289: {  	[tilespmem:s5], [sflag:$0x8] =	stream.linear.gather @p1 [hbm4b:s0+s4], $0x80, $0x38;
	[tilespmem:$0x1F6F8] =	vst v63  }
0x28a: {  	s0 =	simm.s32 @p1 $0x8  }
0x28b: {  	_ =	swait.ge @p1 [sflag:s0], $0x80  }
0x28c: {  	[sflag:s0] =	ssyncset.done @p1 $0x0  }
0x28d: {  	[sflag:s0] =	ssyncadd.s32 @p1 $0xFFFFFF80  }
0x28e: {  	v1 =	vld @p1 [tilespmem:$0xF188];
	_ =	sdelay $0x2  }
0x28f: {  	s0 =	sshll.u32 @p1 s3, $0x9  }
0x290: {  	s4 =	sshrl.u32 @p1 s0, $0x2  }
0x291: {  	[tilespmem:s4+$0xF238] =	vst.add.f32.msk @p1 $0xffff, v1  }
0x292: {  	v1 =	vld @p1 [tilespmem:$0xF198];
	_ =	sdelay $0x4  }
0x293: {  	[tilespmem:s4+$0xF248] =	vst.add.f32.msk @p1 $0xffff, v1  }
0x294: {  	v1 =	vld @p1 [tilespmem:$0xF1A8];
	_ =	sdelay $0x4  }
0x295: {  	[tilespmem:s4+$0xF258] =	vst.add.f32.msk @p1 $0xffff, v1  }
0x296: {  	v1 =	vld @p1 [tilespmem:$0xF1B8];
	_ =	sdelay $0x4  }
0x297: {  	[tilespmem:s4+$0xF268] =	vst.add.f32.msk @p1 $0xffff, v1  }
0x298: {  	v1 =	vld @p1 [tilespmem:$0xF1C8];
	_ =	sdelay $0x4  }
0x299: {  	[tilespmem:s4+$0xF278] =	vst.add.f32.msk @p1 $0xffff, v1  }
0x29a: {  	v1 =	vld @p1 [tilespmem:$0xF1D8];
	_ =	sdelay $0x4  }
0x29b: {  	[tilespmem:s4+$0xF288] =	vst.add.f32.msk @p1 $0xffff, v1  }
0x29c: {  	v1 =	vld @p1 [tilespmem:$0xF1E8];
	_ =	sdelay $0x4  }
0x29d: {  	[tilespmem:s4+$0xF298] =	vst.add.f32.msk @p1 $0xffff, v1  }
0x29e: {  	v1 =	vld @p1 [tilespmem:$0xF1F8];
	_ =	sdelay $0x3  }
0x29f: {  	s5 =	sshll.u32 @!p1 s3, $0x9  }
0x2a0: {  	s5 =	smov.u32 @p1 s0;
	[tilespmem:s4+$0xF2A8] =	vst.add.f32.msk @p1 $0xffff, v1  }
0x2a1: {  	s0 =	sshrl.u32 s5, $0x2;
	[tilespmem:s2+$0xF218] =	vst.msk $0x1, v0  }
0x2a2: {  	v0 =	vld [tilespmem:s0+$0xF238];
	_ =	sdelay $0x2  }
0x2a3: {  	s31 =	sshll.u32 s2, $0x9  }
0x2a4: {  	s4 =	sshra.s32 s31, $0x2  }
0x2a5: {  	[tilespmem:s4+$0xF238] =	vst v0  }
0x2a6: {  	v0 =	vld [tilespmem:s0+$0xF248];
	_ =	sdelay $0x4  }
0x2a7: {  	[tilespmem:s4+$0xF248] =	vst v0  }
0x2a8: {  	v0 =	vld [tilespmem:s0+$0xF258];
	_ =	sdelay $0x4  }
0x2a9: {  	[tilespmem:s4+$0xF258] =	vst v0  }
0x2aa: {  	v0 =	vld [tilespmem:s0+$0xF268];
	_ =	sdelay $0x4  }
0x2ab: {  	[tilespmem:s4+$0xF268] =	vst v0  }
0x2ac: {  	v0 =	vld [tilespmem:s0+$0xF278];
	_ =	sdelay $0x4  }
0x2ad: {  	[tilespmem:s4+$0xF278] =	vst v0  }
0x2ae: {  	v0 =	vld [tilespmem:s0+$0xF288];
	_ =	sdelay $0x4  }
0x2af: {  	[tilespmem:s4+$0xF288] =	vst v0  }
0x2b0: {  	v0 =	vld [tilespmem:s0+$0xF298];
	_ =	sdelay $0x4  }
0x2b1: {  	[tilespmem:s4+$0xF298] =	vst v0  }
0x2b2: {  	v0 =	vld [tilespmem:s0+$0xF2A8];
	_ =	sdelay $0x4  }
0x2b3: {  	s2 =	sadd.s32 $0x1, s2;
	[tilespmem:s4+$0xF2A8] =	vst v0  }
.LBB3_48:
0x2b4: {  	s3 =	sadd.s32 $0x1, s3  }
0x2b5: {  	p1 =	sne.s32 s3, $0x20  }
.Ltmp40:
0x2b6: {  	_ = 	snop;
	(pc) =	sbr.rel @!p1 .LBB3_49-.Ltmp40, $1  }
0x2b7: {  	_ =	sdelay $0x3  }
.LBB3_41:
0x2b8: {  	v0 =	vld.msk [tilespmem:s3+$0xF218], $0x1;
	_ =	sdelay $0x4  }
0x2b9: {  	(v2sf) =	vpush v0, $0x0;
	_ =	sdelay $0xe  }
0x2ba: {  	s4 =	spop (v2sf)  }
0x2bb: {  	p1 =	seq.s32 s4, $0xFFFFFFFF  }
.Ltmp41:
0x2bc: {  	_ = 	snop;
	(pc) =	sbr.rel @p1 .LBB3_48-.Ltmp41, $1  }
0x2bd: {  	_ =	sdelay $0x3  }
0x2be: {  	p1 =	slt.s32 s2, $0x1  }
.Ltmp42:
0x2bf: {  	_ = 	snop;
	(pc) =	sbr.rel @p1 .LBB3_47-.Ltmp42, $1  }
0x2c0: {  	_ =	sdelay $0x3  }
0x2c1: {  	s5 =	simm.s32 $0xF218;
	p1 =	por $0x0, $0x0  }
0x2c2: {  	v1 =	vld.msk @!p1 [tilespmem:s5+$0x0], $0x1;
	_ =	sdelay $0x4  }
0x2c3: {  	(v2sf) =	vpush @!p1 v1, $0x0;
	_ =	sdelay $0xd  }
0x2c4: {  	p3 =	sne.s32 s2, $0x1  }
.Ltmp43:
0x2c5: {  	s0 =	spop @!p1 (v2sf);
	(pc) =	sbr.rel @!p3 .LBB3_45-.Ltmp43, $4  }
0x2c6: {  	p2 =	seq.s32 @!p1 s4, s0  }
0x2c7: {  	s6 =	simm.s32 $0x0;
	p2 =	por !p2, p1  }
0x2c8: {  	s7 =	simm.s32 $0xFFFFFFFF;
	s6 =	simm.s32 @p2 $0xFFFFFFFF  }
0x2c9: {  	s0 =	simm.s32 $0x1;
	s6 =	smov.u32 @p1 s7  }
.LBB3_44:
0x2ca: {  	s7 =	smov.u32 s6;
	p1 =	sne.s32 s6, $0xFFFFFFFF  }
0x2cb: {  	s5 =	sadd.s32 $0x1, s5;
	s6 =	smov.u32 s0;
	s0 =	sadd.s32 $0x1, s0  }
0x2cc: {  	p2 =	sne.s32 s2, s0;
	v1 =	vld.msk @!p1 [tilespmem:s5+$0x0], $0x1;
	_ =	sdelay $0x4  }
0x2cd: {  	(v2sf) =	vpush @!p1 v1, $0x0;
	_ =	sdelay $0xe  }
.Ltmp44:
0x2ce: {  	s8 =	spop @!p1 (v2sf);
	(pc) =	sbr.rel @p2 .LBB3_44-.Ltmp44, $4  }
0x2cf: {  	p3 =	seq.s32 @!p1 s4, s8  }
0x2d0: {  	p3 =	por !p3, p1  }
0x2d1: {  	s6 =	simm.s32 @p3 $0xFFFFFFFF  }
0x2d2: {  	s6 =	smov.u32 @p1 s7  }
.LBB3_45:
0x2d3: {  	p1 =	seq.s32 s6, $0xFFFFFFFF  }
.Ltmp45:
0x2d4: {  	_ = 	snop;
	(pc) =	sbr.rel @p1 .LBB3_47-.Ltmp45, $1  }
0x2d5: {  	_ =	sdelay $0x3  }
0x2d6: {  	s0 =	sshll.u32 s3, $0x7  }
0x2d7: {  	s0 =	sand.u32 $0x3FFFFF80, s0  }
0x2d8: {  	v0 =	vld [tilespmem:s0+$0xF238];
	_ =	sdelay $0x2  }
0x2d9: {  	s4 =	sshll.u32 s6, $0x9  }
0x2da: {  	s4 =	sshra.s32 s4, $0x2  }
0x2db: {  	[tilespmem:s4+$0xF238] =	vst.add.f32.msk $0xffff, v0  }
0x2dc: {  	v0 =	vld [tilespmem:s0+$0xF248];
	_ =	sdelay $0x4  }
0x2dd: {  	[tilespmem:s4+$0xF248] =	vst.add.f32.msk $0xffff, v0  }
0x2de: {  	v0 =	vld [tilespmem:s0+$0xF258];
	_ =	sdelay $0x4  }
0x2df: {  	[tilespmem:s4+$0xF258] =	vst.add.f32.msk $0xffff, v0  }
0x2e0: {  	v0 =	vld [tilespmem:s0+$0xF268];
	_ =	sdelay $0x4  }
0x2e1: {  	[tilespmem:s4+$0xF268] =	vst.add.f32.msk $0xffff, v0  }
0x2e2: {  	v0 =	vld [tilespmem:s0+$0xF278];
	_ =	sdelay $0x4  }
0x2e3: {  	[tilespmem:s4+$0xF278] =	vst.add.f32.msk $0xffff, v0  }
0x2e4: {  	v0 =	vld [tilespmem:s0+$0xF288];
	_ =	sdelay $0x4  }
0x2e5: {  	[tilespmem:s4+$0xF288] =	vst.add.f32.msk $0xffff, v0  }
0x2e6: {  	v0 =	vld [tilespmem:s0+$0xF298];
	_ =	sdelay $0x4  }
0x2e7: {  	[tilespmem:s4+$0xF298] =	vst.add.f32.msk $0xffff, v0  }
0x2e8: {  	v0 =	vld [tilespmem:s0+$0xF2A8]  }
.Ltmp46:
0x2e9: {  	_ = 	snop;
	(pc) =	sbr.rel .LBB3_48-.Ltmp46, $2  }
0x2ea: {  	_ =	sdelay $0x2  }
0x2eb: {  	[tilespmem:s4+$0xF2A8] =	vst.add.f32.msk $0xffff, v0  }
.LBB3_49:
0x2ec: {  	p1 =	slt.s32 s2, $0x1  }
.Ltmp47:
0x2ed: {  	_ = 	snop;
	(pc) =	sbr.rel @p1 .LBB3_53-.Ltmp47, $3  }
0x2ee: {  	_ =	sdelay $0x1  }
0x2ef: {  	s0 =	simm.s32 $0x8  }
0x2f0: {  	s3 =	simm.s32 $0x0;
	[sflag:s0] =	ssyncpa.u1 $0x1  }
0x2f1: {  	s0 =	simm.s32 $0xF218  }
0x2f2: {  	v0 =	vld.msk [tilespmem:s0+$0x0], $0x1;
	_ =	sdelay $0x4  }
0x2f3: {  	(v2sf) =	vpush v0, $0x0;
	_ =	sdelay $0xe  }
0x2f4: {  	s0 =	sadd.s32 $0xFFFFFFFF, s2;
	s5 =	spop (v2sf)  }
0x2f5: {  	p2 =	sne.s32 s0, $0x0;
	p1 =	sgt.u32 s5, $0x270F0  }
.Ltmp48:
0x2f6: {  	s6 =	sand.u32 @!p1 $0x3FFF8, s5;
	(pc) =	sbr.rel @!p2 .LBB3_52-.Ltmp48, $4  }
0x2f7: {  	s4 =	simm.s32 $0xF238;
	s5 =	sand.u32 @!p1 $0x7, s5;
	s2 =	sadd.s32 @!p1 s1, s6  }
0x2f8: {  	[hbm4b:s2+s5] =	stream.linear.scatter @!p1 [tilespmem:s4], [sflag:$0x7], $0x80, $0x38;
	[tilespmem:$0x1F6F8] =	vst v63  }
0x2f9: {  	s5 =	simm.s32 $0x0  }
0x2fa: {  	s2 =	simm.s32 $0xF219;
	s5 =	simm.s32 @!p1 $0x200  }
.LBB3_51:
0x2fb: {  	v0 =	vld.msk [tilespmem:s2+$0x0], $0x1;
	s0 =	sadd.s32 $0xFFFFFFFF, s0;
	s3 =	sadd.s32 s3, s5  }
0x2fc: {  	p1 =	sne.s32 s0, $0x0;
	_ =	sdelay $0x3  }
0x2fd: {  	(v2sf) =	vpush v0, $0x0;
	_ =	sdelay $0xe  }
.Ltmp49:
0x2fe: {  	s6 =	spop (v2sf);
	(pc) =	sbr.rel @p1 .LBB3_51-.Ltmp49, $4  }
0x2ff: {  	s5 =	simm.s32 $0x0;
	p2 =	sgt.u32 s6, $0x270F0  }
0x300: {  	s4 =	sadd.s32 $0x80, s4;
	s5 =	simm.s32 @!p2 $0x200;
	s7 =	sand.u32 @!p2 $0x3FFF8, s6  }
0x301: {  	s2 =	sadd.s32 $0x1, s2;
	s6 =	sand.u32 @!p2 $0x7, s6;
	s7 =	sadd.s32 @!p2 s1, s7  }
0x302: {  	[hbm4b:s7+s6] =	stream.linear.scatter @!p2 [tilespmem:s4], [sflag:$0x7], $0x80, $0x38;
	[tilespmem:$0x1F6F8] =	vst v63  }
.LBB3_52:
0x303: {  	s0 =	sadd.s32 s3, s5  }
0x304: {  	s3 =	sshrl.u32 s0, $0x2  }
.LBB3_53:
0x305: {  	s0 =	simm.s32 $0x7  }
0x306: {  	_ =	swait.ge [sflag:s0], s3  }
0x307: {  	s1 =	ssub.s32 $0x0, s3;
	[sflag:s0] =	ssyncset.done $0x0  }
0x308: {  	[sflag:s0] =	ssyncadd.s32 s1  }
0x309: {  	[sflag:s0] =	ssyncpa.u1 $0x1  }
.LBB3_54:
0x30a: {  	_ =	sfence;
	s0 =	simm.s32 $0x1  }
0x30b: {  	[sflag:s0] =	ssyncpa.u1 $0x1  }
0x30c: {  	_ =	strace $0x90000059  }
0x30d: {  	[bflag:$0x2] =	sbarrier.arrive $0xFFFF  }
0x30e: {  	s0 =	rddreg [dreg:$0x3]  }
0x30f: {  	s0 =	sadd.s32 @!p0 $0x100000, s0  }
0x310: {  	[sflag:s0] =	ssyncadd.tile.s32 @!p0 $0x1;
	_ =	shalt  }
.Lfunc_end3:
_tile_overlayer_lowered:
.L_overlay_start_3:
0x311: {  	(tag) =	ssettag $0x3  }
0x312: {  	s0 =	rddreg [dreg:$0x0];
	s2 =	stileid.u32  }
0x313: {  	s1 =	rddreg [dreg:$0x1];
	p0 =	sne.s32 s2, $0x0  }
0x314: {  	s3 =	rddreg [dreg:$0x2];
	[bflag:$0x3] =	sbarrier.arrive $0xFFFF;
	s2 =	simm.s32 @!p0 $0x1C01  }
0x315: {  	[timem:s3], [sflag:s2] =	dma.local @!p0 [hbm:s0], s1  }
0x316: {  	s0 =	simm.s32 @!p0 $0x1  }
0x317: {  	_ =	swait.ge @!p0 [sflag:s0], s1  }
0x318: {  	s1 =	ssub.s32 @!p0 $0x0, s1;
	[sflag:s0] =	ssyncset.done @!p0 $0x0  }
0x319: {  	[sflag:s0] =	ssyncadd.s32 @!p0 s1  }
0x31a: {  	[bflag:$0x3] =	sbarrier.arrive $0xFFFF  }
0x31b: {  	_ =	shalt  }

</sc_bundles>
